<compile_context>
chip_gen: v7x
topology: tpu7x:2x2x1
jax: 0.10.2.dev20260603
libtpu: 0.0.44.dev20260713+nightly
codegen_flags: <defaults>
</compile_context>

<pallas_src>
import functools

import jax
import jax.numpy as jnp
from jax import lax
from jax.experimental import pallas as pl
from jax.experimental.pallas import tpu as pltpu
from jax.experimental.pallas import tpu_sc as plsc

NUM_KNOTS = 20
X_MIN = -5.0
X_MAX = 5.0
SCALE = (NUM_KNOTS - 1) / (X_MAX - X_MIN)
OFFSET = -X_MIN * SCALE

ROWS, COLS = 200, 16384
NC, NS, L = 2, 16, 16
NW = NC * NS
COLS_W = COLS // NW
CHUNK_C = 128
NCHUNKS = COLS_W // CHUNK_C
VREGS_C = CHUNK_C // L


@functools.partial(
    pl.kernel,
    mesh=plsc.VectorSubcoreMesh(core_axis_name="c", subcore_axis_name="s"),
    out_type=jax.ShapeDtypeStruct((ROWS, COLS), jnp.float32),
    scratch_types=[
        pltpu.VMEM((ROWS, CHUNK_C), jnp.float32),
        pltpu.VMEM((ROWS, CHUNK_C), jnp.float32),
        pltpu.VMEM((ROWS, CHUNK_C), jnp.float32),
        pltpu.VMEM((ROWS, CHUNK_C), jnp.float32),
        pltpu.VMEM((NUM_KNOTS,), jnp.float32),
        pltpu.VMEM((2 * L,), jnp.float32),
        pltpu.VMEM((2 * L,), jnp.float32),
        pltpu.SemaphoreType.DMA,
        pltpu.SemaphoreType.DMA,
        pltpu.SemaphoreType.DMA,
        pltpu.SemaphoreType.DMA,
    ],
    compiler_params=pltpu.CompilerParams(
        needs_layout_passes=False,
        skip_device_barrier=True,
        disable_semaphore_checks=True,
    ),
)
def _interp_sc(x_hbm, values_hbm, out_hbm, in0, in1, out0, out1, vals_v,
               a_v, b_v, si0, si1, so0, so1):
    wid = lax.axis_index("s") * NC + lax.axis_index("c")
    col0 = wid * COLS_W
    ins, outs = [in0, in1], [out0, out1]
    sis, sos = [si0, si1], [so0, so1]

    in_dma = [None] * NCHUNKS
    out_dma = [None] * NCHUNKS
    in_dma[0] = pltpu.async_copy(x_hbm.at[:, pl.ds(col0, CHUNK_C)], in0, si0)

    pltpu.sync_copy(values_hbm, vals_v)

    lane = lax.iota(jnp.int32, L)
    for g in range(2):
        k = lane + g * L
        cur = plsc.load_gather(vals_v, [jnp.minimum(k, NUM_KNOTS - 1)])
        nxt = plsc.load_gather(vals_v, [jnp.minimum(k + 1, NUM_KNOTS - 1)])
        bg = nxt - cur
        b_v[pl.ds(g * L, L)] = bg
        a_v[pl.ds(g * L, L)] = cur - k.astype(jnp.float32) * bg

    for k in range(NCHUNKS):
        b = k & 1
        if k + 1 < NCHUNKS:
            in_dma[k + 1] = pltpu.async_copy(
                x_hbm.at[:, pl.ds(col0 + (k + 1) * CHUNK_C, CHUNK_C)],
                ins[1 - b], sis[1 - b])
        in_dma[k].wait()
        if k >= 2:
            out_dma[k - 2].wait()

        ibuf, obuf = ins[b], outs[b]

        @plsc.parallel_loop(0, ROWS, 1, unroll=4)
        def body(r):
            for ci in range(VREGS_C):
                c = ci * L
                xv = ibuf[r, pl.ds(c, L)]
                t = jnp.minimum(jnp.maximum(xv * SCALE + OFFSET, 0.0),
                                float(NUM_KNOTS - 1))
                x0 = t.astype(jnp.int32)
                av = plsc.load_gather(a_v, [x0])
                bv = plsc.load_gather(b_v, [x0])
                obuf[r, pl.ds(c, L)] = av + t * bv

        out_dma[k] = pltpu.async_copy(
            obuf, out_hbm.at[:, pl.ds(col0 + k * CHUNK_C, CHUNK_C)], sos[b])

    out_dma[NCHUNKS - 2].wait()
    out_dma[NCHUNKS - 1].wait()


def kernel(x, values):
    out_t = _interp_sc(x.T, values)
    return out_t.T

# --- scband reference (transcript-rebuilt; emitter-appended) ---
"""Pipeline reference for scband-interpolate-function-83399674954385 (READ-ONLY COPY).

The authoritative reference and input builder live on the scoring server;
editing this copy changes nothing except your own understanding.
"""

import jax, jax.numpy as jnp
import numpy as np

NUM_KNOTS = 20
X_MIN = -5.0
X_MAX = 5.0


def setup_inputs(seed: int = 0) -> dict:
    key = jax.random.key(seed)
    k1, k2 = jax.random.split(key)
    # continuous inputs; randn*2 so values span most of [-5, 5] with some clamping
    x = jax.random.normal(k1, (16384, 200), dtype=jnp.float32) * 2.0
    # learned knot values (nn.Parameter torch.randn(num_knots))
    values = jax.random.normal(k2, (NUM_KNOTS,), dtype=jnp.float32)
    return {"x": x, "values": values}


def reference(x, values):
    x_clamped = jnp.clip(x, X_MIN, X_MAX)
    x_norm = (x_clamped - X_MIN) / (X_MAX - X_MIN) * (NUM_KNOTS - 1)
    x0 = jnp.floor(x_norm).astype(jnp.int32)
    x1 = x0 + 1
    x1 = jnp.minimum(x1, NUM_KNOTS - 1)
    x0 = jnp.minimum(x0, NUM_KNOTS - 1)
    weight = x_norm - x0.astype(jnp.float32)
    v0 = jnp.take(values, x0, axis=0)
    v1 = jnp.take(values, x1, axis=0)
    return (1.0 - weight) * v0 + weight * v1

if __name__ == "__main__":
    import jax
    _d = setup_inputs()
    print(jax.jit(kernel)(*tuple(_d.values())))

</pallas_src>

<mosaic_0001>
#map = affine_map<(d0, d1) -> (0, 0)>
#map1 = affine_map<(d0, d1) -> (0)>
module attributes {stable_mosaic.version = 14 : i64} {
  func.func @_interp_sc(%arg0: i32, %arg1: i32, %arg2: memref<200x16384xf32, #tpu.memory_space<hbm>>, %arg3: memref<20xf32, #tpu.memory_space<hbm>>, %arg4: memref<200x16384xf32, #tpu.memory_space<hbm>>, %arg5: memref<200x128xf32, #tpu.memory_space<vmem>>, %arg6: memref<200x128xf32, #tpu.memory_space<vmem>>, %arg7: memref<200x128xf32, #tpu.memory_space<vmem>>, %arg8: memref<200x128xf32, #tpu.memory_space<vmem>>, %arg9: memref<20xf32, #tpu.memory_space<vmem>>, %arg10: memref<32xf32, #tpu.memory_space<vmem>>, %arg11: memref<32xf32, #tpu.memory_space<vmem>>, %arg12: memref<!tpu.dma_semaphore, #tpu.memory_space<semaphore_mem>>, %arg13: memref<!tpu.dma_semaphore, #tpu.memory_space<semaphore_mem>>, %arg14: memref<!tpu.dma_semaphore, #tpu.memory_space<semaphore_mem>>, %arg15: memref<!tpu.dma_semaphore, #tpu.memory_space<semaphore_mem>>) attributes {dimension_semantics = [#tpu.dimension_semantics<core_parallel>, #tpu.dimension_semantics<subcore_parallel>], iteration_bounds = array<i64: 2, 16>, scalar_prefetch = 0 : i64, scratch_operands = 11 : i64, tpu.core_type = #tpu.core_type<sc_vector_subcore>, window_params = [{transform_indices = #map}, {transform_indices = #map1}, {transform_indices = #map}]} {
    %mul3A = arith.constant 2 : i32
    %mul3A_0 = arith.muli %arg1, %mul3A : i32
    %add3A = arith.addi %mul3A_0, %arg0 : i32
    %mul3A_1 = arith.constant 512 : i32
    %mul3A_2 = arith.muli %add3A, %mul3A_1 : i32
    %dma_start3A = arith.constant 0 : i32
    %dma_start3A_3 = tpu.memref_slice %arg2[%dma_start3A, %mul3A_2] : memref<200x16384xf32, #tpu.memory_space<hbm>> -> memref<200x128xf32, #tpu.memory_space<hbm>>
    %dma_start3A_4 = arith.constant 0 : i32
    %dma_start3A_5 = tpu.memref_slice %arg2[%dma_start3A_4, %mul3A_2] : memref<200x16384xf32, #tpu.memory_space<hbm>> -> memref<200x128xf32, #tpu.memory_space<hbm>>
    tpu.enqueue_dma source(%dma_start3A_5 : memref<200x128xf32, #tpu.memory_space<hbm>>) target(%arg5 : memref<200x128xf32, #tpu.memory_space<vmem>>) target_semaphore(%arg12 : memref<!tpu.dma_semaphore, #tpu.memory_space<semaphore_mem>>)
    "tpu.region"() ({
      %run_scoped3A = tpu.sem_alloc : memref<!tpu.dma_semaphore, #tpu.memory_space<semaphore_mem>>
      tpu.enqueue_dma source(%arg3 : memref<20xf32, #tpu.memory_space<hbm>>) target(%arg9 : memref<20xf32, #tpu.memory_space<vmem>>) target_semaphore(%run_scoped3A : memref<!tpu.dma_semaphore, #tpu.memory_space<semaphore_mem>>)
      tpu.wait_dma2 semaphore(%run_scoped3A : memref<!tpu.dma_semaphore, #tpu.memory_space<semaphore_mem>>) src(%arg3 : memref<20xf32, #tpu.memory_space<hbm>>) dst(%arg9 : memref<20xf32, #tpu.memory_space<vmem>>)
      tpu.yield
    }) : () -> ()
    %iota3A = tpu.iota {dimensions = array<i32: 0>} : vector<16xi32>
    %add3A_6 = arith.constant 0 : i32
    %add3A_7 = vector.broadcast %add3A_6 : i32 to vector<16xi32>
    %add3A_8 = arith.addi %iota3A, %add3A_7 : vector<16xi32>
    %min3A = arith.constant 19 : i32
    %min3A_9 = vector.broadcast %min3A : i32 to vector<16xi32>
    %min3A_10 = arith.minsi %add3A_8, %min3A_9 : vector<16xi32>
    %gather3A = tpu.vector_load_idx %arg9[%min3A_10] : memref<20xf32, #tpu.memory_space<vmem>>[vector<16xi32>], vector<16xf32>,
    %add3A_11 = arith.constant 1 : i32
    %add3A_12 = vector.broadcast %add3A_11 : i32 to vector<16xi32>
    %add3A_13 = arith.addi %add3A_8, %add3A_12 : vector<16xi32>
    %min3A_14 = arith.constant 19 : i32
    %min3A_15 = vector.broadcast %min3A_14 : i32 to vector<16xi32>
    %min3A_16 = arith.minsi %add3A_13, %min3A_15 : vector<16xi32>
    %gather3A_17 = tpu.vector_load_idx %arg9[%min3A_16] : memref<20xf32, #tpu.memory_space<vmem>>[vector<16xi32>], vector<16xf32>,
    %sub3A = arith.subf %gather3A_17, %gather3A : vector<16xf32>
    %swap3A = arith.constant 0 : index
    %swap3A_18 = tpu.vector_load %arg11[%swap3A] {strides = array<i32>} : memref<32xf32, #tpu.memory_space<vmem>>, vector<16xf32>,
    tpu.vector_store %arg11[%swap3A], %sub3A {strides = array<i32>} : memref<32xf32, #tpu.memory_space<vmem>>, vector<16xf32>,
    %convert_element_type3A = arith.sitofp %add3A_8 : vector<16xi32> to vector<16xf32>
    %mul3A_19 = arith.mulf %convert_element_type3A, %sub3A : vector<16xf32>
    %sub3A_20 = arith.subf %gather3A, %mul3A_19 : vector<16xf32>
    %swap3A_21 = arith.constant 0 : index
    %swap3A_22 = tpu.vector_load %arg10[%swap3A_21] {strides = array<i32>} : memref<32xf32, #tpu.memory_space<vmem>>, vector<16xf32>,
    tpu.vector_store %arg10[%swap3A_21], %sub3A_20 {strides = array<i32>} : memref<32xf32, #tpu.memory_space<vmem>>, vector<16xf32>,
    %add3A_23 = arith.constant 16 : i32
    %add3A_24 = vector.broadcast %add3A_23 : i32 to vector<16xi32>
    %add3A_25 = arith.addi %iota3A, %add3A_24 : vector<16xi32>
    %min3A_26 = arith.constant 19 : i32
    %min3A_27 = vector.broadcast %min3A_26 : i32 to vector<16xi32>
    %min3A_28 = arith.minsi %add3A_25, %min3A_27 : vector<16xi32>
    %gather3A_29 = tpu.vector_load_idx %arg9[%min3A_28] : memref<20xf32, #tpu.memory_space<vmem>>[vector<16xi32>], vector<16xf32>,
    %add3A_30 = arith.constant 1 : i32
    %add3A_31 = vector.broadcast %add3A_30 : i32 to vector<16xi32>
    %add3A_32 = arith.addi %add3A_25, %add3A_31 : vector<16xi32>
    %min3A_33 = arith.constant 19 : i32
    %min3A_34 = vector.broadcast %min3A_33 : i32 to vector<16xi32>
    %min3A_35 = arith.minsi %add3A_32, %min3A_34 : vector<16xi32>
    %gather3A_36 = tpu.vector_load_idx %arg9[%min3A_35] : memref<20xf32, #tpu.memory_space<vmem>>[vector<16xi32>], vector<16xf32>,
    %sub3A_37 = arith.subf %gather3A_36, %gather3A_29 : vector<16xf32>
    %swap3A_38 = arith.constant 16 : index
    %swap3A_39 = tpu.vector_load %arg11[%swap3A_38] {strides = array<i32>} : memref<32xf32, #tpu.memory_space<vmem>>, vector<16xf32>,
    tpu.vector_store %arg11[%swap3A_38], %sub3A_37 {strides = array<i32>} : memref<32xf32, #tpu.memory_space<vmem>>, vector<16xf32>,
    %convert_element_type3A_40 = arith.sitofp %add3A_25 : vector<16xi32> to vector<16xf32>
    %mul3A_41 = arith.mulf %convert_element_type3A_40, %sub3A_37 : vector<16xf32>
    %sub3A_42 = arith.subf %gather3A_29, %mul3A_41 : vector<16xf32>
    %swap3A_43 = arith.constant 16 : index
    %swap3A_44 = tpu.vector_load %arg10[%swap3A_43] {strides = array<i32>} : memref<32xf32, #tpu.memory_space<vmem>>, vector<16xf32>,
    tpu.vector_store %arg10[%swap3A_43], %sub3A_42 {strides = array<i32>} : memref<32xf32, #tpu.memory_space<vmem>>, vector<16xf32>,
    %add3A_45 = arith.constant 128 : i32
    %add3A_46 = arith.addi %mul3A_2, %add3A_45 : i32
    %dma_start3A_47 = arith.constant 0 : i32
    %dma_start3A_48 = tpu.memref_slice %arg2[%dma_start3A_47, %add3A_46] : memref<200x16384xf32, #tpu.memory_space<hbm>> -> memref<200x128xf32, #tpu.memory_space<hbm>>
    %dma_start3A_49 = arith.constant 0 : i32
    %dma_start3A_50 = tpu.memref_slice %arg2[%dma_start3A_49, %add3A_46] : memref<200x16384xf32, #tpu.memory_space<hbm>> -> memref<200x128xf32, #tpu.memory_space<hbm>>
    tpu.enqueue_dma source(%dma_start3A_50 : memref<200x128xf32, #tpu.memory_space<hbm>>) target(%arg6 : memref<200x128xf32, #tpu.memory_space<vmem>>) target_semaphore(%arg13 : memref<!tpu.dma_semaphore, #tpu.memory_space<semaphore_mem>>)
    %dma_wait3A = arith.constant 0 : i32
    %dma_wait3A_51 = tpu.memref_slice %arg2[%dma_wait3A, %mul3A_2] : memref<200x16384xf32, #tpu.memory_space<hbm>> -> memref<200x128xf32, #tpu.memory_space<hbm>>
    %dma_wait3A_52 = arith.constant 0 : i32
    %dma_wait3A_53 = tpu.memref_slice %arg2[%dma_wait3A_52, %mul3A_2] : memref<200x16384xf32, #tpu.memory_space<hbm>> -> memref<200x128xf32, #tpu.memory_space<hbm>>
    tpu.wait_dma2 semaphore(%arg12 : memref<!tpu.dma_semaphore, #tpu.memory_space<semaphore_mem>>) src(%dma_wait3A_53 : memref<200x128xf32, #tpu.memory_space<hbm>>) dst(%arg5 : memref<200x128xf32, #tpu.memory_space<vmem>>)
    %parallel_loop3A = arith.constant 0 : i32
    %parallel_loop3A_54 = arith.constant 200 : i32
    %parallel_loop3A_55 = arith.constant 1 : i32
    scf.for %parallel_loop3A_129 = %parallel_loop3A to %parallel_loop3A_54 step %parallel_loop3A_55  : i32 {
      %parallel_loop3A_130 = arith.index_cast %parallel_loop3A_129 : i32 to index
      %parallel_loop3A_131 = arith.constant 0 : index
      %parallel_loop3A_132 = tpu.vector_load %arg5[%parallel_loop3A_130, %parallel_loop3A_131] {strides = array<i32>} : memref<200x128xf32, #tpu.memory_space<vmem>>, vector<16xf32>,
      %parallel_loop3A_133 = arith.constant 1.900000e+00 : f32
      %parallel_loop3A_134 = vector.broadcast %parallel_loop3A_133 : f32 to vector<16xf32>
      %parallel_loop3A_135 = arith.mulf %parallel_loop3A_132, %parallel_loop3A_134 : vector<16xf32>
      %parallel_loop3A_136 = arith.constant 9.500000e+00 : f32
      %parallel_loop3A_137 = vector.broadcast %parallel_loop3A_136 : f32 to vector<16xf32>
      %parallel_loop3A_138 = arith.addf %parallel_loop3A_135, %parallel_loop3A_137 : vector<16xf32>
      %parallel_loop3A_139 = arith.constant 0.000000e+00 : f32
      %parallel_loop3A_140 = vector.broadcast %parallel_loop3A_139 : f32 to vector<16xf32>
      %parallel_loop3A_141 = arith.maximumf %parallel_loop3A_138, %parallel_loop3A_140 : vector<16xf32>
      %parallel_loop3A_142 = arith.constant 1.900000e+01 : f32
      %parallel_loop3A_143 = vector.broadcast %parallel_loop3A_142 : f32 to vector<16xf32>
      %parallel_loop3A_144 = arith.minimumf %parallel_loop3A_141, %parallel_loop3A_143 : vector<16xf32>
      %parallel_loop3A_145 = arith.fptosi %parallel_loop3A_144 : vector<16xf32> to vector<16xi32>
      %parallel_loop3A_146 = tpu.vector_load_idx %arg10[%parallel_loop3A_145] : memref<32xf32, #tpu.memory_space<vmem>>[vector<16xi32>], vector<16xf32>,
      %parallel_loop3A_147 = tpu.vector_load_idx %arg11[%parallel_loop3A_145] : memref<32xf32, #tpu.memory_space<vmem>>[vector<16xi32>], vector<16xf32>,
      %parallel_loop3A_148 = arith.mulf %parallel_loop3A_144, %parallel_loop3A_147 : vector<16xf32>
      %parallel_loop3A_149 = arith.addf %parallel_loop3A_146, %parallel_loop3A_148 : vector<16xf32>
      %parallel_loop3A_150 = arith.index_cast %parallel_loop3A_129 : i32 to index
      %parallel_loop3A_151 = arith.constant 0 : index
      %parallel_loop3A_152 = tpu.vector_load %arg7[%parallel_loop3A_150, %parallel_loop3A_151] {strides = array<i32>} : memref<200x128xf32, #tpu.memory_space<vmem>>, vector<16xf32>,
      tpu.vector_store %arg7[%parallel_loop3A_150, %parallel_loop3A_151], %parallel_loop3A_149 {strides = array<i32>} : memref<200x128xf32, #tpu.memory_space<vmem>>, vector<16xf32>,
      %parallel_loop3A_153 = arith.index_cast %parallel_loop3A_129 : i32 to index
      %parallel_loop3A_154 = arith.constant 16 : index
      %parallel_loop3A_155 = tpu.vector_load %arg5[%parallel_loop3A_153, %parallel_loop3A_154] {strides = array<i32>} : memref<200x128xf32, #tpu.memory_space<vmem>>, vector<16xf32>,
      %parallel_loop3A_156 = arith.constant 1.900000e+00 : f32
      %parallel_loop3A_157 = vector.broadcast %parallel_loop3A_156 : f32 to vector<16xf32>
      %parallel_loop3A_158 = arith.mulf %parallel_loop3A_155, %parallel_loop3A_157 : vector<16xf32>
      %parallel_loop3A_159 = arith.constant 9.500000e+00 : f32
      %parallel_loop3A_160 = vector.broadcast %parallel_loop3A_159 : f32 to vector<16xf32>
      %parallel_loop3A_161 = arith.addf %parallel_loop3A_158, %parallel_loop3A_160 : vector<16xf32>
      %parallel_loop3A_162 = arith.constant 0.000000e+00 : f32
      %parallel_loop3A_163 = vector.broadcast %parallel_loop3A_162 : f32 to vector<16xf32>
      %parallel_loop3A_164 = arith.maximumf %parallel_loop3A_161, %parallel_loop3A_163 : vector<16xf32>
      %parallel_loop3A_165 = arith.constant 1.900000e+01 : f32
      %parallel_loop3A_166 = vector.broadcast %parallel_loop3A_165 : f32 to vector<16xf32>
      %parallel_loop3A_167 = arith.minimumf %parallel_loop3A_164, %parallel_loop3A_166 : vector<16xf32>
      %parallel_loop3A_168 = arith.fptosi %parallel_loop3A_167 : vector<16xf32> to vector<16xi32>
      %parallel_loop3A_169 = tpu.vector_load_idx %arg10[%parallel_loop3A_168] : memref<32xf32, #tpu.memory_space<vmem>>[vector<16xi32>], vector<16xf32>,
      %parallel_loop3A_170 = tpu.vector_load_idx %arg11[%parallel_loop3A_168] : memref<32xf32, #tpu.memory_space<vmem>>[vector<16xi32>], vector<16xf32>,
      %parallel_loop3A_171 = arith.mulf %parallel_loop3A_167, %parallel_loop3A_170 : vector<16xf32>
      %parallel_loop3A_172 = arith.addf %parallel_loop3A_169, %parallel_loop3A_171 : vector<16xf32>
      %parallel_loop3A_173 = arith.index_cast %parallel_loop3A_129 : i32 to index
      %parallel_loop3A_174 = arith.constant 16 : index
      %parallel_loop3A_175 = tpu.vector_load %arg7[%parallel_loop3A_173, %parallel_loop3A_174] {strides = array<i32>} : memref<200x128xf32, #tpu.memory_space<vmem>>, vector<16xf32>,
      tpu.vector_store %arg7[%parallel_loop3A_173, %parallel_loop3A_174], %parallel_loop3A_172 {strides = array<i32>} : memref<200x128xf32, #tpu.memory_space<vmem>>, vector<16xf32>,
      %parallel_loop3A_176 = arith.index_cast %parallel_loop3A_129 : i32 to index
      %parallel_loop3A_177 = arith.constant 32 : index
      %parallel_loop3A_178 = tpu.vector_load %arg5[%parallel_loop3A_176, %parallel_loop3A_177] {strides = array<i32>} : memref<200x128xf32, #tpu.memory_space<vmem>>, vector<16xf32>,
      %parallel_loop3A_179 = arith.constant 1.900000e+00 : f32
      %parallel_loop3A_180 = vector.broadcast %parallel_loop3A_179 : f32 to vector<16xf32>
      %parallel_loop3A_181 = arith.mulf %parallel_loop3A_178, %parallel_loop3A_180 : vector<16xf32>
      %parallel_loop3A_182 = arith.constant 9.500000e+00 : f32
      %parallel_loop3A_183 = vector.broadcast %parallel_loop3A_182 : f32 to vector<16xf32>
      %parallel_loop3A_184 = arith.addf %parallel_loop3A_181, %parallel_loop3A_183 : vector<16xf32>
      %parallel_loop3A_185 = arith.constant 0.000000e+00 : f32
      %parallel_loop3A_186 = vector.broadcast %parallel_loop3A_185 : f32 to vector<16xf32>
      %parallel_loop3A_187 = arith.maximumf %parallel_loop3A_184, %parallel_loop3A_186 : vector<16xf32>
      %parallel_loop3A_188 = arith.constant 1.900000e+01 : f32
      %parallel_loop3A_189 = vector.broadcast %parallel_loop3A_188 : f32 to vector<16xf32>
      %parallel_loop3A_190 = arith.minimumf %parallel_loop3A_187, %parallel_loop3A_189 : vector<16xf32>
      %parallel_loop3A_191 = arith.fptosi %parallel_loop3A_190 : vector<16xf32> to vector<16xi32>
      %parallel_loop3A_192 = tpu.vector_load_idx %arg10[%parallel_loop3A_191] : memref<32xf32, #tpu.memory_space<vmem>>[vector<16xi32>], vector<16xf32>,
      %parallel_loop3A_193 = tpu.vector_load_idx %arg11[%parallel_loop3A_191] : memref<32xf32, #tpu.memory_space<vmem>>[vector<16xi32>], vector<16xf32>,
      %parallel_loop3A_194 = arith.mulf %parallel_loop3A_190, %parallel_loop3A_193 : vector<16xf32>
      %parallel_loop3A_195 = arith.addf %parallel_loop3A_192, %parallel_loop3A_194 : vector<16xf32>
      %parallel_loop3A_196 = arith.index_cast %parallel_loop3A_129 : i32 to index
      %parallel_loop3A_197 = arith.constant 32 : index
      %parallel_loop3A_198 = tpu.vector_load %arg7[%parallel_loop3A_196, %parallel_loop3A_197] {strides = array<i32>} : memref<200x128xf32, #tpu.memory_space<vmem>>, vector<16xf32>,
      tpu.vector_store %arg7[%parallel_loop3A_196, %parallel_loop3A_197], %parallel_loop3A_195 {strides = array<i32>} : memref<200x128xf32, #tpu.memory_space<vmem>>, vector<16xf32>,
      %parallel_loop3A_199 = arith.index_cast %parallel_loop3A_129 : i32 to index
      %parallel_loop3A_200 = arith.constant 48 : index
      %parallel_loop3A_201 = tpu.vector_load %arg5[%parallel_loop3A_199, %parallel_loop3A_200] {strides = array<i32>} : memref<200x128xf32, #tpu.memory_space<vmem>>, vector<16xf32>,
      %parallel_loop3A_202 = arith.constant 1.900000e+00 : f32
      %parallel_loop3A_203 = vector.broadcast %parallel_loop3A_202 : f32 to vector<16xf32>
      %parallel_loop3A_204 = arith.mulf %parallel_loop3A_201, %parallel_loop3A_203 : vector<16xf32>
      %parallel_loop3A_205 = arith.constant 9.500000e+00 : f32
      %parallel_loop3A_206 = vector.broadcast %parallel_loop3A_205 : f32 to vector<16xf32>
      %parallel_loop3A_207 = arith.addf %parallel_loop3A_204, %parallel_loop3A_206 : vector<16xf32>
      %parallel_loop3A_208 = arith.constant 0.000000e+00 : f32
      %parallel_loop3A_209 = vector.broadcast %parallel_loop3A_208 : f32 to vector<16xf32>
      %parallel_loop3A_210 = arith.maximumf %parallel_loop3A_207, %parallel_loop3A_209 : vector<16xf32>
      %parallel_loop3A_211 = arith.constant 1.900000e+01 : f32
      %parallel_loop3A_212 = vector.broadcast %parallel_loop3A_211 : f32 to vector<16xf32>
      %parallel_loop3A_213 = arith.minimumf %parallel_loop3A_210, %parallel_loop3A_212 : vector<16xf32>
      %parallel_loop3A_214 = arith.fptosi %parallel_loop3A_213 : vector<16xf32> to vector<16xi32>
      %parallel_loop3A_215 = tpu.vector_load_idx %arg10[%parallel_loop3A_214] : memref<32xf32, #tpu.memory_space<vmem>>[vector<16xi32>], vector<16xf32>,
      %parallel_loop3A_216 = tpu.vector_load_idx %arg11[%parallel_loop3A_214] : memref<32xf32, #tpu.memory_space<vmem>>[vector<16xi32>], vector<16xf32>,
      %parallel_loop3A_217 = arith.mulf %parallel_loop3A_213, %parallel_loop3A_216 : vector<16xf32>
      %parallel_loop3A_218 = arith.addf %parallel_loop3A_215, %parallel_loop3A_217 : vector<16xf32>
      %parallel_loop3A_219 = arith.index_cast %parallel_loop3A_129 : i32 to index
      %parallel_loop3A_220 = arith.constant 48 : index
      %parallel_loop3A_221 = tpu.vector_load %arg7[%parallel_loop3A_219, %parallel_loop3A_220] {strides = array<i32>} : memref<200x128xf32, #tpu.memory_space<vmem>>, vector<16xf32>,
      tpu.vector_store %arg7[%parallel_loop3A_219, %parallel_loop3A_220], %parallel_loop3A_218 {strides = array<i32>} : memref<200x128xf32, #tpu.memory_space<vmem>>, vector<16xf32>,
      %parallel_loop3A_222 = arith.index_cast %parallel_loop3A_129 : i32 to index
      %parallel_loop3A_223 = arith.constant 64 : index
      %parallel_loop3A_224 = tpu.vector_load %arg5[%parallel_loop3A_222, %parallel_loop3A_223] {strides = array<i32>} : memref<200x128xf32, #tpu.memory_space<vmem>>, vector<16xf32>,
      %parallel_loop3A_225 = arith.constant 1.900000e+00 : f32
      %parallel_loop3A_226 = vector.broadcast %parallel_loop3A_225 : f32 to vector<16xf32>
      %parallel_loop3A_227 = arith.mulf %parallel_loop3A_224, %parallel_loop3A_226 : vector<16xf32>
      %parallel_loop3A_228 = arith.constant 9.500000e+00 : f32
      %parallel_loop3A_229 = vector.broadcast %parallel_loop3A_228 : f32 to vector<16xf32>
      %parallel_loop3A_230 = arith.addf %parallel_loop3A_227, %parallel_loop3A_229 : vector<16xf32>
      %parallel_loop3A_231 = arith.constant 0.000000e+00 : f32
      %parallel_loop3A_232 = vector.broadcast %parallel_loop3A_231 : f32 to vector<16xf32>
      %parallel_loop3A_233 = arith.maximumf %parallel_loop3A_230, %parallel_loop3A_232 : vector<16xf32>
      %parallel_loop3A_234 = arith.constant 1.900000e+01 : f32
      %parallel_loop3A_235 = vector.broadcast %parallel_loop3A_234 : f32 to vector<16xf32>
      %parallel_loop3A_236 = arith.minimumf %parallel_loop3A_233, %parallel_loop3A_235 : vector<16xf32>
      %parallel_loop3A_237 = arith.fptosi %parallel_loop3A_236 : vector<16xf32> to vector<16xi32>
      %parallel_loop3A_238 = tpu.vector_load_idx %arg10[%parallel_loop3A_237] : memref<32xf32, #tpu.memory_space<vmem>>[vector<16xi32>], vector<16xf32>,
      %parallel_loop3A_239 = tpu.vector_load_idx %arg11[%parallel_loop3A_237] : memref<32xf32, #tpu.memory_space<vmem>>[vector<16xi32>], vector<16xf32>,
      %parallel_loop3A_240 = arith.mulf %parallel_loop3A_236, %parallel_loop3A_239 : vector<16xf32>
      %parallel_loop3A_241 = arith.addf %parallel_loop3A_238, %parallel_loop3A_240 : vector<16xf32>
      %parallel_loop3A_242 = arith.index_cast %parallel_loop3A_129 : i32 to index
      %parallel_loop3A_243 = arith.constant 64 : index
      %parallel_loop3A_244 = tpu.vector_load %arg7[%parallel_loop3A_242, %parallel_loop3A_243] {strides = array<i32>} : memref<200x128xf32, #tpu.memory_space<vmem>>, vector<16xf32>,
      tpu.vector_store %arg7[%parallel_loop3A_242, %parallel_loop3A_243], %parallel_loop3A_241 {strides = array<i32>} : memref<200x128xf32, #tpu.memory_space<vmem>>, vector<16xf32>,
      %parallel_loop3A_245 = arith.index_cast %parallel_loop3A_129 : i32 to index
      %parallel_loop3A_246 = arith.constant 80 : index
      %parallel_loop3A_247 = tpu.vector_load %arg5[%parallel_loop3A_245, %parallel_loop3A_246] {strides = array<i32>} : memref<200x128xf32, #tpu.memory_space<vmem>>, vector<16xf32>,
      %parallel_loop3A_248 = arith.constant 1.900000e+00 : f32
      %parallel_loop3A_249 = vector.broadcast %parallel_loop3A_248 : f32 to vector<16xf32>
      %parallel_loop3A_250 = arith.mulf %parallel_loop3A_247, %parallel_loop3A_249 : vector<16xf32>
      %parallel_loop3A_251 = arith.constant 9.500000e+00 : f32
      %parallel_loop3A_252 = vector.broadcast %parallel_loop3A_251 : f32 to vector<16xf32>
      %parallel_loop3A_253 = arith.addf %parallel_loop3A_250, %parallel_loop3A_252 : vector<16xf32>
      %parallel_loop3A_254 = arith.constant 0.000000e+00 : f32
      %parallel_loop3A_255 = vector.broadcast %parallel_loop3A_254 : f32 to vector<16xf32>
      %parallel_loop3A_256 = arith.maximumf %parallel_loop3A_253, %parallel_loop3A_255 : vector<16xf32>
      %parallel_loop3A_257 = arith.constant 1.900000e+01 : f32
      %parallel_loop3A_258 = vector.broadcast %parallel_loop3A_257 : f32 to vector<16xf32>
      %parallel_loop3A_259 = arith.minimumf %parallel_loop3A_256, %parallel_loop3A_258 : vector<16xf32>
      %parallel_loop3A_260 = arith.fptosi %parallel_loop3A_259 : vector<16xf32> to vector<16xi32>
      %parallel_loop3A_261 = tpu.vector_load_idx %arg10[%parallel_loop3A_260] : memref<32xf32, #tpu.memory_space<vmem>>[vector<16xi32>], vector<16xf32>,
      %parallel_loop3A_262 = tpu.vector_load_idx %arg11[%parallel_loop3A_260] : memref<32xf32, #tpu.memory_space<vmem>>[vector<16xi32>], vector<16xf32>,
      %parallel_loop3A_263 = arith.mulf %parallel_loop3A_259, %parallel_loop3A_262 : vector<16xf32>
      %parallel_loop3A_264 = arith.addf %parallel_loop3A_261, %parallel_loop3A_263 : vector<16xf32>
      %parallel_loop3A_265 = arith.index_cast %parallel_loop3A_129 : i32 to index
      %parallel_loop3A_266 = arith.constant 80 : index
      %parallel_loop3A_267 = tpu.vector_load %arg7[%parallel_loop3A_265, %parallel_loop3A_266] {strides = array<i32>} : memref<200x128xf32, #tpu.memory_space<vmem>>, vector<16xf32>,
      tpu.vector_store %arg7[%parallel_loop3A_265, %parallel_loop3A_266], %parallel_loop3A_264 {strides = array<i32>} : memref<200x128xf32, #tpu.memory_space<vmem>>, vector<16xf32>,
      %parallel_loop3A_268 = arith.index_cast %parallel_loop3A_129 : i32 to index
      %parallel_loop3A_269 = arith.constant 96 : index
      %parallel_loop3A_270 = tpu.vector_load %arg5[%parallel_loop3A_268, %parallel_loop3A_269] {strides = array<i32>} : memref<200x128xf32, #tpu.memory_space<vmem>>, vector<16xf32>,
      %parallel_loop3A_271 = arith.constant 1.900000e+00 : f32
      %parallel_loop3A_272 = vector.broadcast %parallel_loop3A_271 : f32 to vector<16xf32>
      %parallel_loop3A_273 = arith.mulf %parallel_loop3A_270, %parallel_loop3A_272 : vector<16xf32>
      %parallel_loop3A_274 = arith.constant 9.500000e+00 : f32
      %parallel_loop3A_275 = vector.broadcast %parallel_loop3A_274 : f32 to vector<16xf32>
      %parallel_loop3A_276 = arith.addf %parallel_loop3A_273, %parallel_loop3A_275 : vector<16xf32>
      %parallel_loop3A_277 = arith.constant 0.000000e+00 : f32
      %parallel_loop3A_278 = vector.broadcast %parallel_loop3A_277 : f32 to vector<16xf32>
      %parallel_loop3A_279 = arith.maximumf %parallel_loop3A_276, %parallel_loop3A_278 : vector<16xf32>
      %parallel_loop3A_280 = arith.constant 1.900000e+01 : f32
      %parallel_loop3A_281 = vector.broadcast %parallel_loop3A_280 : f32 to vector<16xf32>
      %parallel_loop3A_282 = arith.minimumf %parallel_loop3A_279, %parallel_loop3A_281 : vector<16xf32>
      %parallel_loop3A_283 = arith.fptosi %parallel_loop3A_282 : vector<16xf32> to vector<16xi32>
      %parallel_loop3A_284 = tpu.vector_load_idx %arg10[%parallel_loop3A_283] : memref<32xf32, #tpu.memory_space<vmem>>[vector<16xi32>], vector<16xf32>,
      %parallel_loop3A_285 = tpu.vector_load_idx %arg11[%parallel_loop3A_283] : memref<32xf32, #tpu.memory_space<vmem>>[vector<16xi32>], vector<16xf32>,
      %parallel_loop3A_286 = arith.mulf %parallel_loop3A_282, %parallel_loop3A_285 : vector<16xf32>
      %parallel_loop3A_287 = arith.addf %parallel_loop3A_284, %parallel_loop3A_286 : vector<16xf32>
      %parallel_loop3A_288 = arith.index_cast %parallel_loop3A_129 : i32 to index
      %parallel_loop3A_289 = arith.constant 96 : index
      %parallel_loop3A_290 = tpu.vector_load %arg7[%parallel_loop3A_288, %parallel_loop3A_289] {strides = array<i32>} : memref<200x128xf32, #tpu.memory_space<vmem>>, vector<16xf32>,
      tpu.vector_store %arg7[%parallel_loop3A_288, %parallel_loop3A_289], %parallel_loop3A_287 {strides = array<i32>} : memref<200x128xf32, #tpu.memory_space<vmem>>, vector<16xf32>,
      %parallel_loop3A_291 = arith.index_cast %parallel_loop3A_129 : i32 to index
      %parallel_loop3A_292 = arith.constant 112 : index
      %parallel_loop3A_293 = tpu.vector_load %arg5[%parallel_loop3A_291, %parallel_loop3A_292] {strides = array<i32>} : memref<200x128xf32, #tpu.memory_space<vmem>>, vector<16xf32>,
      %parallel_loop3A_294 = arith.constant 1.900000e+00 : f32
      %parallel_loop3A_295 = vector.broadcast %parallel_loop3A_294 : f32 to vector<16xf32>
      %parallel_loop3A_296 = arith.mulf %parallel_loop3A_293, %parallel_loop3A_295 : vector<16xf32>
      %parallel_loop3A_297 = arith.constant 9.500000e+00 : f32
      %parallel_loop3A_298 = vector.broadcast %parallel_loop3A_297 : f32 to vector<16xf32>
      %parallel_loop3A_299 = arith.addf %parallel_loop3A_296, %parallel_loop3A_298 : vector<16xf32>
      %parallel_loop3A_300 = arith.constant 0.000000e+00 : f32
      %parallel_loop3A_301 = vector.broadcast %parallel_loop3A_300 : f32 to vector<16xf32>
      %parallel_loop3A_302 = arith.maximumf %parallel_loop3A_299, %parallel_loop3A_301 : vector<16xf32>
      %parallel_loop3A_303 = arith.constant 1.900000e+01 : f32
      %parallel_loop3A_304 = vector.broadcast %parallel_loop3A_303 : f32 to vector<16xf32>
      %parallel_loop3A_305 = arith.minimumf %parallel_loop3A_302, %parallel_loop3A_304 : vector<16xf32>
      %parallel_loop3A_306 = arith.fptosi %parallel_loop3A_305 : vector<16xf32> to vector<16xi32>
      %parallel_loop3A_307 = tpu.vector_load_idx %arg10[%parallel_loop3A_306] : memref<32xf32, #tpu.memory_space<vmem>>[vector<16xi32>], vector<16xf32>,
      %parallel_loop3A_308 = tpu.vector_load_idx %arg11[%parallel_loop3A_306] : memref<32xf32, #tpu.memory_space<vmem>>[vector<16xi32>], vector<16xf32>,
      %parallel_loop3A_309 = arith.mulf %parallel_loop3A_305, %parallel_loop3A_308 : vector<16xf32>
      %parallel_loop3A_310 = arith.addf %parallel_loop3A_307, %parallel_loop3A_309 : vector<16xf32>
      %parallel_loop3A_311 = arith.index_cast %parallel_loop3A_129 : i32 to index
      %parallel_loop3A_312 = arith.constant 112 : index
      %parallel_loop3A_313 = tpu.vector_load %arg7[%parallel_loop3A_311, %parallel_loop3A_312] {strides = array<i32>} : memref<200x128xf32, #tpu.memory_space<vmem>>, vector<16xf32>,
      tpu.vector_store %arg7[%parallel_loop3A_311, %parallel_loop3A_312], %parallel_loop3A_310 {strides = array<i32>} : memref<200x128xf32, #tpu.memory_space<vmem>>, vector<16xf32>,
    } {sc.loop_unroll_factor = 4 : i64, sc.parallel_access}
    %add3A_56 = arith.constant 0 : i32
    %add3A_57 = arith.addi %mul3A_2, %add3A_56 : i32
    %dma_start3A_58 = arith.constant 0 : i32
    %dma_start3A_59 = tpu.memref_slice %arg4[%dma_start3A_58, %add3A_57] : memref<200x16384xf32, #tpu.memory_space<hbm>> -> memref<200x128xf32, #tpu.memory_space<hbm>>
    %dma_start3A_60 = arith.constant 0 : i32
    %dma_start3A_61 = tpu.memref_slice %arg4[%dma_start3A_60, %add3A_57] : memref<200x16384xf32, #tpu.memory_space<hbm>> -> memref<200x128xf32, #tpu.memory_space<hbm>>
    tpu.enqueue_dma source(%arg7 : memref<200x128xf32, #tpu.memory_space<vmem>>) target(%dma_start3A_61 : memref<200x128xf32, #tpu.memory_space<hbm>>) target_semaphore(%arg14 : memref<!tpu.dma_semaphore, #tpu.memory_space<semaphore_mem>>)
    %add3A_62 = arith.constant 256 : i32
    %add3A_63 = arith.addi %mul3A_2, %add3A_62 : i32
    %dma_start3A_64 = arith.constant 0 : i32
    %dma_start3A_65 = tpu.memref_slice %arg2[%dma_start3A_64, %add3A_63] : memref<200x16384xf32, #tpu.memory_space<hbm>> -> memref<200x128xf32, #tpu.memory_space<hbm>>
    %dma_start3A_66 = arith.constant 0 : i32
    %dma_start3A_67 = tpu.memref_slice %arg2[%dma_start3A_66, %add3A_63] : memref<200x16384xf32, #tpu.memory_space<hbm>> -> memref<200x128xf32, #tpu.memory_space<hbm>>
    tpu.enqueue_dma source(%dma_start3A_67 : memref<200x128xf32, #tpu.memory_space<hbm>>) target(%arg5 : memref<200x128xf32, #tpu.memory_space<vmem>>) target_semaphore(%arg12 : memref<!tpu.dma_semaphore, #tpu.memory_space<semaphore_mem>>)
    %dma_wait3A_68 = arith.constant 0 : i32
    %dma_wait3A_69 = tpu.memref_slice %arg2[%dma_wait3A_68, %add3A_46] : memref<200x16384xf32, #tpu.memory_space<hbm>> -> memref<200x128xf32, #tpu.memory_space<hbm>>
    %dma_wait3A_70 = arith.constant 0 : i32
    %dma_wait3A_71 = tpu.memref_slice %arg2[%dma_wait3A_70, %add3A_46] : memref<200x16384xf32, #tpu.memory_space<hbm>> -> memref<200x128xf32, #tpu.memory_space<hbm>>
    tpu.wait_dma2 semaphore(%arg13 : memref<!tpu.dma_semaphore, #tpu.memory_space<semaphore_mem>>) src(%dma_wait3A_71 : memref<200x128xf32, #tpu.memory_space<hbm>>) dst(%arg6 : memref<200x128xf32, #tpu.memory_space<vmem>>)
    %parallel_loop3A_72 = arith.constant 0 : i32
    %parallel_loop3A_73 = arith.constant 200 : i32
    %parallel_loop3A_74 = arith.constant 1 : i32
    scf.for %parallel_loop3A_129 = %parallel_loop3A_72 to %parallel_loop3A_73 step %parallel_loop3A_74  : i32 {
      %parallel_loop3A_130 = arith.index_cast %parallel_loop3A_129 : i32 to index
      %parallel_loop3A_131 = arith.constant 0 : index
      %parallel_loop3A_132 = tpu.vector_load %arg6[%parallel_loop3A_130, %parallel_loop3A_131] {strides = array<i32>} : memref<200x128xf32, #tpu.memory_space<vmem>>, vector<16xf32>,
      %parallel_loop3A_133 = arith.constant 1.900000e+00 : f32
      %parallel_loop3A_134 = vector.broadcast %parallel_loop3A_133 : f32 to vector<16xf32>
      %parallel_loop3A_135 = arith.mulf %parallel_loop3A_132, %parallel_loop3A_134 : vector<16xf32>
      %parallel_loop3A_136 = arith.constant 9.500000e+00 : f32
      %parallel_loop3A_137 = vector.broadcast %parallel_loop3A_136 : f32 to vector<16xf32>
      %parallel_loop3A_138 = arith.addf %parallel_loop3A_135, %parallel_loop3A_137 : vector<16xf32>
      %parallel_loop3A_139 = arith.constant 0.000000e+00 : f32
      %parallel_loop3A_140 = vector.broadcast %parallel_loop3A_139 : f32 to vector<16xf32>
      %parallel_loop3A_141 = arith.maximumf %parallel_loop3A_138, %parallel_loop3A_140 : vector<16xf32>
      %parallel_loop3A_142 = arith.constant 1.900000e+01 : f32
      %parallel_loop3A_143 = vector.broadcast %parallel_loop3A_142 : f32 to vector<16xf32>
      %parallel_loop3A_144 = arith.minimumf %parallel_loop3A_141, %parallel_loop3A_143 : vector<16xf32>
      %parallel_loop3A_145 = arith.fptosi %parallel_loop3A_144 : vector<16xf32> to vector<16xi32>
      %parallel_loop3A_146 = tpu.vector_load_idx %arg10[%parallel_loop3A_145] : memref<32xf32, #tpu.memory_space<vmem>>[vector<16xi32>], vector<16xf32>,
      %parallel_loop3A_147 = tpu.vector_load_idx %arg11[%parallel_loop3A_145] : memref<32xf32, #tpu.memory_space<vmem>>[vector<16xi32>], vector<16xf32>,
      %parallel_loop3A_148 = arith.mulf %parallel_loop3A_144, %parallel_loop3A_147 : vector<16xf32>
      %parallel_loop3A_149 = arith.addf %parallel_loop3A_146, %parallel_loop3A_148 : vector<16xf32>
      %parallel_loop3A_150 = arith.index_cast %parallel_loop3A_129 : i32 to index
      %parallel_loop3A_151 = arith.constant 0 : index
      %parallel_loop3A_152 = tpu.vector_load %arg8[%parallel_loop3A_150, %parallel_loop3A_151] {strides = array<i32>} : memref<200x128xf32, #tpu.memory_space<vmem>>, vector<16xf32>,
      tpu.vector_store %arg8[%parallel_loop3A_150, %parallel_loop3A_151], %parallel_loop3A_149 {strides = array<i32>} : memref<200x128xf32, #tpu.memory_space<vmem>>, vector<16xf32>,
      %parallel_loop3A_153 = arith.index_cast %parallel_loop3A_129 : i32 to index
      %parallel_loop3A_154 = arith.constant 16 : index
      %parallel_loop3A_155 = tpu.vector_load %arg6[%parallel_loop3A_153, %parallel_loop3A_154] {strides = array<i32>} : memref<200x128xf32, #tpu.memory_space<vmem>>, vector<16xf32>,
      %parallel_loop3A_156 = arith.constant 1.900000e+00 : f32
      %parallel_loop3A_157 = vector.broadcast %parallel_loop3A_156 : f32 to vector<16xf32>
      %parallel_loop3A_158 = arith.mulf %parallel_loop3A_155, %parallel_loop3A_157 : vector<16xf32>
      %parallel_loop3A_159 = arith.constant 9.500000e+00 : f32
      %parallel_loop3A_160 = vector.broadcast %parallel_loop3A_159 : f32 to vector<16xf32>
      %parallel_loop3A_161 = arith.addf %parallel_loop3A_158, %parallel_loop3A_160 : vector<16xf32>
      %parallel_loop3A_162 = arith.constant 0.000000e+00 : f32
      %parallel_loop3A_163 = vector.broadcast %parallel_loop3A_162 : f32 to vector<16xf32>
      %parallel_loop3A_164 = arith.maximumf %parallel_loop3A_161, %parallel_loop3A_163 : vector<16xf32>
      %parallel_loop3A_165 = arith.constant 1.900000e+01 : f32
      %parallel_loop3A_166 = vector.broadcast %parallel_loop3A_165 : f32 to vector<16xf32>
      %parallel_loop3A_167 = arith.minimumf %parallel_loop3A_164, %parallel_loop3A_166 : vector<16xf32>
      %parallel_loop3A_168 = arith.fptosi %parallel_loop3A_167 : vector<16xf32> to vector<16xi32>
      %parallel_loop3A_169 = tpu.vector_load_idx %arg10[%parallel_loop3A_168] : memref<32xf32, #tpu.memory_space<vmem>>[vector<16xi32>], vector<16xf32>,
      %parallel_loop3A_170 = tpu.vector_load_idx %arg11[%parallel_loop3A_168] : memref<32xf32, #tpu.memory_space<vmem>>[vector<16xi32>], vector<16xf32>,
      %parallel_loop3A_171 = arith.mulf %parallel_loop3A_167, %parallel_loop3A_170 : vector<16xf32>
      %parallel_loop3A_172 = arith.addf %parallel_loop3A_169, %parallel_loop3A_171 : vector<16xf32>
      %parallel_loop3A_173 = arith.index_cast %parallel_loop3A_129 : i32 to index
      %parallel_loop3A_174 = arith.constant 16 : index
      %parallel_loop3A_175 = tpu.vector_load %arg8[%parallel_loop3A_173, %parallel_loop3A_174] {strides = array<i32>} : memref<200x128xf32, #tpu.memory_space<vmem>>, vector<16xf32>,
      tpu.vector_store %arg8[%parallel_loop3A_173, %parallel_loop3A_174], %parallel_loop3A_172 {strides = array<i32>} : memref<200x128xf32, #tpu.memory_space<vmem>>, vector<16xf32>,
      %parallel_loop3A_176 = arith.index_cast %parallel_loop3A_129 : i32 to index
      %parallel_loop3A_177 = arith.constant 32 : index
      %parallel_loop3A_178 = tpu.vector_load %arg6[%parallel_loop3A_176, %parallel_loop3A_177] {strides = array<i32>} : memref<200x128xf32, #tpu.memory_space<vmem>>, vector<16xf32>,
      %parallel_loop3A_179 = arith.constant 1.900000e+00 : f32
      %parallel_loop3A_180 = vector.broadcast %parallel_loop3A_179 : f32 to vector<16xf32>
      %parallel_loop3A_181 = arith.mulf %parallel_loop3A_178, %parallel_loop3A_180 : vector<16xf32>
      %parallel_loop3A_182 = arith.constant 9.500000e+00 : f32
      %parallel_loop3A_183 = vector.broadcast %parallel_loop3A_182 : f32 to vector<16xf32>
      %parallel_loop3A_184 = arith.addf %parallel_loop3A_181, %parallel_loop3A_183 : vector<16xf32>
      %parallel_loop3A_185 = arith.constant 0.000000e+00 : f32
      %parallel_loop3A_186 = vector.broadcast %parallel_loop3A_185 : f32 to vector<16xf32>
      %parallel_loop3A_187 = arith.maximumf %parallel_loop3A_184, %parallel_loop3A_186 : vector<16xf32>
      %parallel_loop3A_188 = arith.constant 1.900000e+01 : f32
      %parallel_loop3A_189 = vector.broadcast %parallel_loop3A_188 : f32 to vector<16xf32>
      %parallel_loop3A_190 = arith.minimumf %parallel_loop3A_187, %parallel_loop3A_189 : vector<16xf32>
      %parallel_loop3A_191 = arith.fptosi %parallel_loop3A_190 : vector<16xf32> to vector<16xi32>
      %parallel_loop3A_192 = tpu.vector_load_idx %arg10[%parallel_loop3A_191] : memref<32xf32, #tpu.memory_space<vmem>>[vector<16xi32>], vector<16xf32>,
      %parallel_loop3A_193 = tpu.vector_load_idx %arg11[%parallel_loop3A_191] : memref<32xf32, #tpu.memory_space<vmem>>[vector<16xi32>], vector<16xf32>,
      %parallel_loop3A_194 = arith.mulf %parallel_loop3A_190, %parallel_loop3A_193 : vector<16xf32>
      %parallel_loop3A_195 = arith.addf %parallel_loop3A_192, %parallel_loop3A_194 : vector<16xf32>
      %parallel_loop3A_196 = arith.index_cast %parallel_loop3A_129 : i32 to index
      %parallel_loop3A_197 = arith.constant 32 : index
      %parallel_loop3A_198 = tpu.vector_load %arg8[%parallel_loop3A_196, %parallel_loop3A_197] {strides = array<i32>} : memref<200x128xf32, #tpu.memory_space<vmem>>, vector<16xf32>,
      tpu.vector_store %arg8[%parallel_loop3A_196, %parallel_loop3A_197], %parallel_loop3A_195 {strides = array<i32>} : memref<200x128xf32, #tpu.memory_space<vmem>>, vector<16xf32>,
      %parallel_loop3A_199 = arith.index_cast %parallel_loop3A_129 : i32 to index
      %parallel_loop3A_200 = arith.constant 48 : index
      %parallel_loop3A_201 = tpu.vector_load %arg6[%parallel_loop3A_199, %parallel_loop3A_200] {strides = array<i32>} : memref<200x128xf32, #tpu.memory_space<vmem>>, vector<16xf32>,
      %parallel_loop3A_202 = arith.constant 1.900000e+00 : f32
      %parallel_loop3A_203 = vector.broadcast %parallel_loop3A_202 : f32 to vector<16xf32>
      %parallel_loop3A_204 = arith.mulf %parallel_loop3A_201, %parallel_loop3A_203 : vector<16xf32>
      %parallel_loop3A_205 = arith.constant 9.500000e+00 : f32
      %parallel_loop3A_206 = vector.broadcast %parallel_loop3A_205 : f32 to vector<16xf32>
      %parallel_loop3A_207 = arith.addf %parallel_loop3A_204, %parallel_loop3A_206 : vector<16xf32>
      %parallel_loop3A_208 = arith.constant 0.000000e+00 : f32
      %parallel_loop3A_209 = vector.broadcast %parallel_loop3A_208 : f32 to vector<16xf32>
      %parallel_loop3A_210 = arith.maximumf %parallel_loop3A_207, %parallel_loop3A_209 : vector<16xf32>
      %parallel_loop3A_211 = arith.constant 1.900000e+01 : f32
      %parallel_loop3A_212 = vector.broadcast %parallel_loop3A_211 : f32 to vector<16xf32>
      %parallel_loop3A_213 = arith.minimumf %parallel_loop3A_210, %parallel_loop3A_212 : vector<16xf32>
      %parallel_loop3A_214 = arith.fptosi %parallel_loop3A_213 : vector<16xf32> to vector<16xi32>
      %parallel_loop3A_215 = tpu.vector_load_idx %arg10[%parallel_loop3A_214] : memref<32xf32, #tpu.memory_space<vmem>>[vector<16xi32>], vector<16xf32>,
      %parallel_loop3A_216 = tpu.vector_load_idx %arg11[%parallel_loop3A_214] : memref<32xf32, #tpu.memory_space<vmem>>[vector<16xi32>], vector<16xf32>,
      %parallel_loop3A_217 = arith.mulf %parallel_loop3A_213, %parallel_loop3A_216 : vector<16xf32>
      %parallel_loop3A_218 = arith.addf %parallel_loop3A_215, %parallel_loop3A_217 : vector<16xf32>
      %parallel_loop3A_219 = arith.index_cast %parallel_loop3A_129 : i32 to index
      %parallel_loop3A_220 = arith.constant 48 : index
      %parallel_loop3A_221 = tpu.vector_load %arg8[%parallel_loop3A_219, %parallel_loop3A_220] {strides = array<i32>} : memref<200x128xf32, #tpu.memory_space<vmem>>, vector<16xf32>,
      tpu.vector_store %arg8[%parallel_loop3A_219, %parallel_loop3A_220], %parallel_loop3A_218 {strides = array<i32>} : memref<200x128xf32, #tpu.memory_space<vmem>>, vector<16xf32>,
      %parallel_loop3A_222 = arith.index_cast %parallel_loop3A_129 : i32 to index
      %parallel_loop3A_223 = arith.constant 64 : index
      %parallel_loop3A_224 = tpu.vector_load %arg6[%parallel_loop3A_222, %parallel_loop3A_223] {strides = array<i32>} : memref<200x128xf32, #tpu.memory_space<vmem>>, vector<16xf32>,
      %parallel_loop3A_225 = arith.constant 1.900000e+00 : f32
      %parallel_loop3A_226 = vector.broadcast %parallel_loop3A_225 : f32 to vector<16xf32>
      %parallel_loop3A_227 = arith.mulf %parallel_loop3A_224, %parallel_loop3A_226 : vector<16xf32>
      %parallel_loop3A_228 = arith.constant 9.500000e+00 : f32
      %parallel_loop3A_229 = vector.broadcast %parallel_loop3A_228 : f32 to vector<16xf32>
      %parallel_loop3A_230 = arith.addf %parallel_loop3A_227, %parallel_loop3A_229 : vector<16xf32>
      %parallel_loop3A_231 = arith.constant 0.000000e+00 : f32
      %parallel_loop3A_232 = vector.broadcast %parallel_loop3A_231 : f32 to vector<16xf32>
      %parallel_loop3A_233 = arith.maximumf %parallel_loop3A_230, %parallel_loop3A_232 : vector<16xf32>
      %parallel_loop3A_234 = arith.constant 1.900000e+01 : f32
      %parallel_loop3A_235 = vector.broadcast %parallel_loop3A_234 : f32 to vector<16xf32>
      %parallel_loop3A_236 = arith.minimumf %parallel_loop3A_233, %parallel_loop3A_235 : vector<16xf32>
      %parallel_loop3A_237 = arith.fptosi %parallel_loop3A_236 : vector<16xf32> to vector<16xi32>
      %parallel_loop3A_238 = tpu.vector_load_idx %arg10[%parallel_loop3A_237] : memref<32xf32, #tpu.memory_space<vmem>>[vector<16xi32>], vector<16xf32>,
      %parallel_loop3A_239 = tpu.vector_load_idx %arg11[%parallel_loop3A_237] : memref<32xf32, #tpu.memory_space<vmem>>[vector<16xi32>], vector<16xf32>,
      %parallel_loop3A_240 = arith.mulf %parallel_loop3A_236, %parallel_loop3A_239 : vector<16xf32>
      %parallel_loop3A_241 = arith.addf %parallel_loop3A_238, %parallel_loop3A_240 : vector<16xf32>
      %parallel_loop3A_242 = arith.index_cast %parallel_loop3A_129 : i32 to index
      %parallel_loop3A_243 = arith.constant 64 : index
      %parallel_loop3A_244 = tpu.vector_load %arg8[%parallel_loop3A_242, %parallel_loop3A_243] {strides = array<i32>} : memref<200x128xf32, #tpu.memory_space<vmem>>, vector<16xf32>,
      tpu.vector_store %arg8[%parallel_loop3A_242, %parallel_loop3A_243], %parallel_loop3A_241 {strides = array<i32>} : memref<200x128xf32, #tpu.memory_space<vmem>>, vector<16xf32>,
      %parallel_loop3A_245 = arith.index_cast %parallel_loop3A_129 : i32 to index
      %parallel_loop3A_246 = arith.constant 80 : index
      %parallel_loop3A_247 = tpu.vector_load %arg6[%parallel_loop3A_245, %parallel_loop3A_246] {strides = array<i32>} : memref<200x128xf32, #tpu.memory_space<vmem>>, vector<16xf32>,
      %parallel_loop3A_248 = arith.constant 1.900000e+00 : f32
      %parallel_loop3A_249 = vector.broadcast %parallel_loop3A_248 : f32 to vector<16xf32>
      %parallel_loop3A_250 = arith.mulf %parallel_loop3A_247, %parallel_loop3A_249 : vector<16xf32>
      %parallel_loop3A_251 = arith.constant 9.500000e+00 : f32
      %parallel_loop3A_252 = vector.broadcast %parallel_loop3A_251 : f32 to vector<16xf32>
      %parallel_loop3A_253 = arith.addf %parallel_loop3A_250, %parallel_loop3A_252 : vector<16xf32>
      %parallel_loop3A_254 = arith.constant 0.000000e+00 : f32
      %parallel_loop3A_255 = vector.broadcast %parallel_loop3A_254 : f32 to vector<16xf32>
      %parallel_loop3A_256 = arith.maximumf %parallel_loop3A_253, %parallel_loop3A_255 : vector<16xf32>
      %parallel_loop3A_257 = arith.constant 1.900000e+01 : f32
      %parallel_loop3A_258 = vector.broadcast %parallel_loop3A_257 : f32 to vector<16xf32>
      %parallel_loop3A_259 = arith.minimumf %parallel_loop3A_256, %parallel_loop3A_258 : vector<16xf32>
      %parallel_loop3A_260 = arith.fptosi %parallel_loop3A_259 : vector<16xf32> to vector<16xi32>
      %parallel_loop3A_261 = tpu.vector_load_idx %arg10[%parallel_loop3A_260] : memref<32xf32, #tpu.memory_space<vmem>>[vector<16xi32>], vector<16xf32>,
      %parallel_loop3A_262 = tpu.vector_load_idx %arg11[%parallel_loop3A_260] : memref<32xf32, #tpu.memory_space<vmem>>[vector<16xi32>], vector<16xf32>,
      %parallel_loop3A_263 = arith.mulf %parallel_loop3A_259, %parallel_loop3A_262 : vector<16xf32>
      %parallel_loop3A_264 = arith.addf %parallel_loop3A_261, %parallel_loop3A_263 : vector<16xf32>
      %parallel_loop3A_265 = arith.index_cast %parallel_loop3A_129 : i32 to index
      %parallel_loop3A_266 = arith.constant 80 : index
      %parallel_loop3A_267 = tpu.vector_load %arg8[%parallel_loop3A_265, %parallel_loop3A_266] {strides = array<i32>} : memref<200x128xf32, #tpu.memory_space<vmem>>, vector<16xf32>,
      tpu.vector_store %arg8[%parallel_loop3A_265, %parallel_loop3A_266], %parallel_loop3A_264 {strides = array<i32>} : memref<200x128xf32, #tpu.memory_space<vmem>>, vector<16xf32>,
      %parallel_loop3A_268 = arith.index_cast %parallel_loop3A_129 : i32 to index
      %parallel_loop3A_269 = arith.constant 96 : index
      %parallel_loop3A_270 = tpu.vector_load %arg6[%parallel_loop3A_268, %parallel_loop3A_269] {strides = array<i32>} : memref<200x128xf32, #tpu.memory_space<vmem>>, vector<16xf32>,
      %parallel_loop3A_271 = arith.constant 1.900000e+00 : f32
      %parallel_loop3A_272 = vector.broadcast %parallel_loop3A_271 : f32 to vector<16xf32>
      %parallel_loop3A_273 = arith.mulf %parallel_loop3A_270, %parallel_loop3A_272 : vector<16xf32>
      %parallel_loop3A_274 = arith.constant 9.500000e+00 : f32
      %parallel_loop3A_275 = vector.broadcast %parallel_loop3A_274 : f32 to vector<16xf32>
      %parallel_loop3A_276 = arith.addf %parallel_loop3A_273, %parallel_loop3A_275 : vector<16xf32>
      %parallel_loop3A_277 = arith.constant 0.000000e+00 : f32
      %parallel_loop3A_278 = vector.broadcast %parallel_loop3A_277 : f32 to vector<16xf32>
      %parallel_loop3A_279 = arith.maximumf %parallel_loop3A_276, %parallel_loop3A_278 : vector<16xf32>
      %parallel_loop3A_280 = arith.constant 1.900000e+01 : f32
      %parallel_loop3A_281 = vector.broadcast %parallel_loop3A_280 : f32 to vector<16xf32>
      %parallel_loop3A_282 = arith.minimumf %parallel_loop3A_279, %parallel_loop3A_281 : vector<16xf32>
      %parallel_loop3A_283 = arith.fptosi %parallel_loop3A_282 : vector<16xf32> to vector<16xi32>
      %parallel_loop3A_284 = tpu.vector_load_idx %arg10[%parallel_loop3A_283] : memref<32xf32, #tpu.memory_space<vmem>>[vector<16xi32>], vector<16xf32>,
      %parallel_loop3A_285 = tpu.vector_load_idx %arg11[%parallel_loop3A_283] : memref<32xf32, #tpu.memory_space<vmem>>[vector<16xi32>], vector<16xf32>,
      %parallel_loop3A_286 = arith.mulf %parallel_loop3A_282, %parallel_loop3A_285 : vector<16xf32>
      %parallel_loop3A_287 = arith.addf %parallel_loop3A_284, %parallel_loop3A_286 : vector<16xf32>
      %parallel_loop3A_288 = arith.index_cast %parallel_loop3A_129 : i32 to index
      %parallel_loop3A_289 = arith.constant 96 : index
      %parallel_loop3A_290 = tpu.vector_load %arg8[%parallel_loop3A_288, %parallel_loop3A_289] {strides = array<i32>} : memref<200x128xf32, #tpu.memory_space<vmem>>, vector<16xf32>,
      tpu.vector_store %arg8[%parallel_loop3A_288, %parallel_loop3A_289], %parallel_loop3A_287 {strides = array<i32>} : memref<200x128xf32, #tpu.memory_space<vmem>>, vector<16xf32>,
      %parallel_loop3A_291 = arith.index_cast %parallel_loop3A_129 : i32 to index
      %parallel_loop3A_292 = arith.constant 112 : index
      %parallel_loop3A_293 = tpu.vector_load %arg6[%parallel_loop3A_291, %parallel_loop3A_292] {strides = array<i32>} : memref<200x128xf32, #tpu.memory_space<vmem>>, vector<16xf32>,
      %parallel_loop3A_294 = arith.constant 1.900000e+00 : f32
      %parallel_loop3A_295 = vector.broadcast %parallel_loop3A_294 : f32 to vector<16xf32>
      %parallel_loop3A_296 = arith.mulf %parallel_loop3A_293, %parallel_loop3A_295 : vector<16xf32>
      %parallel_loop3A_297 = arith.constant 9.500000e+00 : f32
      %parallel_loop3A_298 = vector.broadcast %parallel_loop3A_297 : f32 to vector<16xf32>
      %parallel_loop3A_299 = arith.addf %parallel_loop3A_296, %parallel_loop3A_298 : vector<16xf32>
      %parallel_loop3A_300 = arith.constant 0.000000e+00 : f32
      %parallel_loop3A_301 = vector.broadcast %parallel_loop3A_300 : f32 to vector<16xf32>
      %parallel_loop3A_302 = arith.maximumf %parallel_loop3A_299, %parallel_loop3A_301 : vector<16xf32>
      %parallel_loop3A_303 = arith.constant 1.900000e+01 : f32
      %parallel_loop3A_304 = vector.broadcast %parallel_loop3A_303 : f32 to vector<16xf32>
      %parallel_loop3A_305 = arith.minimumf %parallel_loop3A_302, %parallel_loop3A_304 : vector<16xf32>
      %parallel_loop3A_306 = arith.fptosi %parallel_loop3A_305 : vector<16xf32> to vector<16xi32>
      %parallel_loop3A_307 = tpu.vector_load_idx %arg10[%parallel_loop3A_306] : memref<32xf32, #tpu.memory_space<vmem>>[vector<16xi32>], vector<16xf32>,
      %parallel_loop3A_308 = tpu.vector_load_idx %arg11[%parallel_loop3A_306] : memref<32xf32, #tpu.memory_space<vmem>>[vector<16xi32>], vector<16xf32>,
      %parallel_loop3A_309 = arith.mulf %parallel_loop3A_305, %parallel_loop3A_308 : vector<16xf32>
      %parallel_loop3A_310 = arith.addf %parallel_loop3A_307, %parallel_loop3A_309 : vector<16xf32>
      %parallel_loop3A_311 = arith.index_cast %parallel_loop3A_129 : i32 to index
      %parallel_loop3A_312 = arith.constant 112 : index
      %parallel_loop3A_313 = tpu.vector_load %arg8[%parallel_loop3A_311, %parallel_loop3A_312] {strides = array<i32>} : memref<200x128xf32, #tpu.memory_space<vmem>>, vector<16xf32>,
      tpu.vector_store %arg8[%parallel_loop3A_311, %parallel_loop3A_312], %parallel_loop3A_310 {strides = array<i32>} : memref<200x128xf32, #tpu.memory_space<vmem>>, vector<16xf32>,
    } {sc.loop_unroll_factor = 4 : i64, sc.parallel_access}
    %add3A_75 = arith.constant 128 : i32
    %add3A_76 = arith.addi %mul3A_2, %add3A_75 : i32
    %dma_start3A_77 = arith.constant 0 : i32
    %dma_start3A_78 = tpu.memref_slice %arg4[%dma_start3A_77, %add3A_76] : memref<200x16384xf32, #tpu.memory_space<hbm>> -> memref<200x128xf32, #tpu.memory_space<hbm>>
    %dma_start3A_79 = arith.constant 0 : i32
    %dma_start3A_80 = tpu.memref_slice %arg4[%dma_start3A_79, %add3A_76] : memref<200x16384xf32, #tpu.memory_space<hbm>> -> memref<200x128xf32, #tpu.memory_space<hbm>>
    tpu.enqueue_dma source(%arg8 : memref<200x128xf32, #tpu.memory_space<vmem>>) target(%dma_start3A_80 : memref<200x128xf32, #tpu.memory_space<hbm>>) target_semaphore(%arg15 : memref<!tpu.dma_semaphore, #tpu.memory_space<semaphore_mem>>)
    %add3A_81 = arith.constant 384 : i32
    %add3A_82 = arith.addi %mul3A_2, %add3A_81 : i32
    %dma_start3A_83 = arith.constant 0 : i32
    %dma_start3A_84 = tpu.memref_slice %arg2[%dma_start3A_83, %add3A_82] : memref<200x16384xf32, #tpu.memory_space<hbm>> -> memref<200x128xf32, #tpu.memory_space<hbm>>
    %dma_start3A_85 = arith.constant 0 : i32
    %dma_start3A_86 = tpu.memref_slice %arg2[%dma_start3A_85, %add3A_82] : memref<200x16384xf32, #tpu.memory_space<hbm>> -> memref<200x128xf32, #tpu.memory_space<hbm>>
    tpu.enqueue_dma source(%dma_start3A_86 : memref<200x128xf32, #tpu.memory_space<hbm>>) target(%arg6 : memref<200x128xf32, #tpu.memory_space<vmem>>) target_semaphore(%arg13 : memref<!tpu.dma_semaphore, #tpu.memory_space<semaphore_mem>>)
    %dma_wait3A_87 = arith.constant 0 : i32
    %dma_wait3A_88 = tpu.memref_slice %arg2[%dma_wait3A_87, %add3A_63] : memref<200x16384xf32, #tpu.memory_space<hbm>> -> memref<200x128xf32, #tpu.memory_space<hbm>>
    %dma_wait3A_89 = arith.constant 0 : i32
    %dma_wait3A_90 = tpu.memref_slice %arg2[%dma_wait3A_89, %add3A_63] : memref<200x16384xf32, #tpu.memory_space<hbm>> -> memref<200x128xf32, #tpu.memory_space<hbm>>
    tpu.wait_dma2 semaphore(%arg12 : memref<!tpu.dma_semaphore, #tpu.memory_space<semaphore_mem>>) src(%dma_wait3A_90 : memref<200x128xf32, #tpu.memory_space<hbm>>) dst(%arg5 : memref<200x128xf32, #tpu.memory_space<vmem>>)
    %dma_wait3A_91 = arith.constant 0 : i32
    %dma_wait3A_92 = tpu.memref_slice %arg4[%dma_wait3A_91, %add3A_57] : memref<200x16384xf32, #tpu.memory_space<hbm>> -> memref<200x128xf32, #tpu.memory_space<hbm>>
    %dma_wait3A_93 = arith.constant 0 : i32
    %dma_wait3A_94 = tpu.memref_slice %arg4[%dma_wait3A_93, %add3A_57] : memref<200x16384xf32, #tpu.memory_space<hbm>> -> memref<200x128xf32, #tpu.memory_space<hbm>>
    tpu.wait_dma2 semaphore(%arg14 : memref<!tpu.dma_semaphore, #tpu.memory_space<semaphore_mem>>) src(%arg7 : memref<200x128xf32, #tpu.memory_space<vmem>>) dst(%dma_wait3A_94 : memref<200x128xf32, #tpu.memory_space<hbm>>)
    %parallel_loop3A_95 = arith.constant 0 : i32
    %parallel_loop3A_96 = arith.constant 200 : i32
    %parallel_loop3A_97 = arith.constant 1 : i32
    scf.for %parallel_loop3A_129 = %parallel_loop3A_95 to %parallel_loop3A_96 step %parallel_loop3A_97  : i32 {
      %parallel_loop3A_130 = arith.index_cast %parallel_loop3A_129 : i32 to index
      %parallel_loop3A_131 = arith.constant 0 : index
      %parallel_loop3A_132 = tpu.vector_load %arg5[%parallel_loop3A_130, %parallel_loop3A_131] {strides = array<i32>} : memref<200x128xf32, #tpu.memory_space<vmem>>, vector<16xf32>,
      %parallel_loop3A_133 = arith.constant 1.900000e+00 : f32
      %parallel_loop3A_134 = vector.broadcast %parallel_loop3A_133 : f32 to vector<16xf32>
      %parallel_loop3A_135 = arith.mulf %parallel_loop3A_132, %parallel_loop3A_134 : vector<16xf32>
      %parallel_loop3A_136 = arith.constant 9.500000e+00 : f32
      %parallel_loop3A_137 = vector.broadcast %parallel_loop3A_136 : f32 to vector<16xf32>
      %parallel_loop3A_138 = arith.addf %parallel_loop3A_135, %parallel_loop3A_137 : vector<16xf32>
      %parallel_loop3A_139 = arith.constant 0.000000e+00 : f32
      %parallel_loop3A_140 = vector.broadcast %parallel_loop3A_139 : f32 to vector<16xf32>
      %parallel_loop3A_141 = arith.maximumf %parallel_loop3A_138, %parallel_loop3A_140 : vector<16xf32>
      %parallel_loop3A_142 = arith.constant 1.900000e+01 : f32
      %parallel_loop3A_143 = vector.broadcast %parallel_loop3A_142 : f32 to vector<16xf32>
      %parallel_loop3A_144 = arith.minimumf %parallel_loop3A_141, %parallel_loop3A_143 : vector<16xf32>
      %parallel_loop3A_145 = arith.fptosi %parallel_loop3A_144 : vector<16xf32> to vector<16xi32>
      %parallel_loop3A_146 = tpu.vector_load_idx %arg10[%parallel_loop3A_145] : memref<32xf32, #tpu.memory_space<vmem>>[vector<16xi32>], vector<16xf32>,
      %parallel_loop3A_147 = tpu.vector_load_idx %arg11[%parallel_loop3A_145] : memref<32xf32, #tpu.memory_space<vmem>>[vector<16xi32>], vector<16xf32>,
      %parallel_loop3A_148 = arith.mulf %parallel_loop3A_144, %parallel_loop3A_147 : vector<16xf32>
      %parallel_loop3A_149 = arith.addf %parallel_loop3A_146, %parallel_loop3A_148 : vector<16xf32>
      %parallel_loop3A_150 = arith.index_cast %parallel_loop3A_129 : i32 to index
      %parallel_loop3A_151 = arith.constant 0 : index
      %parallel_loop3A_152 = tpu.vector_load %arg7[%parallel_loop3A_150, %parallel_loop3A_151] {strides = array<i32>} : memref<200x128xf32, #tpu.memory_space<vmem>>, vector<16xf32>,
      tpu.vector_store %arg7[%parallel_loop3A_150, %parallel_loop3A_151], %parallel_loop3A_149 {strides = array<i32>} : memref<200x128xf32, #tpu.memory_space<vmem>>, vector<16xf32>,
      %parallel_loop3A_153 = arith.index_cast %parallel_loop3A_129 : i32 to index
      %parallel_loop3A_154 = arith.constant 16 : index
      %parallel_loop3A_155 = tpu.vector_load %arg5[%parallel_loop3A_153, %parallel_loop3A_154] {strides = array<i32>} : memref<200x128xf32, #tpu.memory_space<vmem>>, vector<16xf32>,
      %parallel_loop3A_156 = arith.constant 1.900000e+00 : f32
      %parallel_loop3A_157 = vector.broadcast %parallel_loop3A_156 : f32 to vector<16xf32>
      %parallel_loop3A_158 = arith.mulf %parallel_loop3A_155, %parallel_loop3A_157 : vector<16xf32>
      %parallel_loop3A_159 = arith.constant 9.500000e+00 : f32
      %parallel_loop3A_160 = vector.broadcast %parallel_loop3A_159 : f32 to vector<16xf32>
      %parallel_loop3A_161 = arith.addf %parallel_loop3A_158, %parallel_loop3A_160 : vector<16xf32>
      %parallel_loop3A_162 = arith.constant 0.000000e+00 : f32
      %parallel_loop3A_163 = vector.broadcast %parallel_loop3A_162 : f32 to vector<16xf32>
      %parallel_loop3A_164 = arith.maximumf %parallel_loop3A_161, %parallel_loop3A_163 : vector<16xf32>
      %parallel_loop3A_165 = arith.constant 1.900000e+01 : f32
      %parallel_loop3A_166 = vector.broadcast %parallel_loop3A_165 : f32 to vector<16xf32>
      %parallel_loop3A_167 = arith.minimumf %parallel_loop3A_164, %parallel_loop3A_166 : vector<16xf32>
      %parallel_loop3A_168 = arith.fptosi %parallel_loop3A_167 : vector<16xf32> to vector<16xi32>
      %parallel_loop3A_169 = tpu.vector_load_idx %arg10[%parallel_loop3A_168] : memref<32xf32, #tpu.memory_space<vmem>>[vector<16xi32>], vector<16xf32>,
      %parallel_loop3A_170 = tpu.vector_load_idx %arg11[%parallel_loop3A_168] : memref<32xf32, #tpu.memory_space<vmem>>[vector<16xi32>], vector<16xf32>,
      %parallel_loop3A_171 = arith.mulf %parallel_loop3A_167, %parallel_loop3A_170 : vector<16xf32>
      %parallel_loop3A_172 = arith.addf %parallel_loop3A_169, %parallel_loop3A_171 : vector<16xf32>
      %parallel_loop3A_173 = arith.index_cast %parallel_loop3A_129 : i32 to index
      %parallel_loop3A_174 = arith.constant 16 : index
      %parallel_loop3A_175 = tpu.vector_load %arg7[%parallel_loop3A_173, %parallel_loop3A_174] {strides = array<i32>} : memref<200x128xf32, #tpu.memory_space<vmem>>, vector<16xf32>,
      tpu.vector_store %arg7[%parallel_loop3A_173, %parallel_loop3A_174], %parallel_loop3A_172 {strides = array<i32>} : memref<200x128xf32, #tpu.memory_space<vmem>>, vector<16xf32>,
      %parallel_loop3A_176 = arith.index_cast %parallel_loop3A_129 : i32 to index
      %parallel_loop3A_177 = arith.constant 32 : index
      %parallel_loop3A_178 = tpu.vector_load %arg5[%parallel_loop3A_176, %parallel_loop3A_177] {strides = array<i32>} : memref<200x128xf32, #tpu.memory_space<vmem>>, vector<16xf32>,
      %parallel_loop3A_179 = arith.constant 1.900000e+00 : f32
      %parallel_loop3A_180 = vector.broadcast %parallel_loop3A_179 : f32 to vector<16xf32>
      %parallel_loop3A_181 = arith.mulf %parallel_loop3A_178, %parallel_loop3A_180 : vector<16xf32>
      %parallel_loop3A_182 = arith.constant 9.500000e+00 : f32
      %parallel_loop3A_183 = vector.broadcast %parallel_loop3A_182 : f32 to vector<16xf32>
      %parallel_loop3A_184 = arith.addf %parallel_loop3A_181, %parallel_loop3A_183 : vector<16xf32>
      %parallel_loop3A_185 = arith.constant 0.000000e+00 : f32
      %parallel_loop3A_186 = vector.broadcast %parallel_loop3A_185 : f32 to vector<16xf32>
      %parallel_loop3A_187 = arith.maximumf %parallel_loop3A_184, %parallel_loop3A_186 : vector<16xf32>
      %parallel_loop3A_188 = arith.constant 1.900000e+01 : f32
      %parallel_loop3A_189 = vector.broadcast %parallel_loop3A_188 : f32 to vector<16xf32>
      %parallel_loop3A_190 = arith.minimumf %parallel_loop3A_187, %parallel_loop3A_189 : vector<16xf32>
      %parallel_loop3A_191 = arith.fptosi %parallel_loop3A_190 : vector<16xf32> to vector<16xi32>
      %parallel_loop3A_192 = tpu.vector_load_idx %arg10[%parallel_loop3A_191] : memref<32xf32, #tpu.memory_space<vmem>>[vector<16xi32>], vector<16xf32>,
      %parallel_loop3A_193 = tpu.vector_load_idx %arg11[%parallel_loop3A_191] : memref<32xf32, #tpu.memory_space<vmem>>[vector<16xi32>], vector<16xf32>,
      %parallel_loop3A_194 = arith.mulf %parallel_loop3A_190, %parallel_loop3A_193 : vector<16xf32>
      %parallel_loop3A_195 = arith.addf %parallel_loop3A_192, %parallel_loop3A_194 : vector<16xf32>
      %parallel_loop3A_196 = arith.index_cast %parallel_loop3A_129 : i32 to index
      %parallel_loop3A_197 = arith.constant 32 : index
      %parallel_loop3A_198 = tpu.vector_load %arg7[%parallel_loop3A_196, %parallel_loop3A_197] {strides = array<i32>} : memref<200x128xf32, #tpu.memory_space<vmem>>, vector<16xf32>,
      tpu.vector_store %arg7[%parallel_loop3A_196, %parallel_loop3A_197], %parallel_loop3A_195 {strides = array<i32>} : memref<200x128xf32, #tpu.memory_space<vmem>>, vector<16xf32>,
      %parallel_loop3A_199 = arith.index_cast %parallel_loop3A_129 : i32 to index
      %parallel_loop3A_200 = arith.constant 48 : index
      %parallel_loop3A_201 = tpu.vector_load %arg5[%parallel_loop3A_199, %parallel_loop3A_200] {strides = array<i32>} : memref<200x128xf32, #tpu.memory_space<vmem>>, vector<16xf32>,
      %parallel_loop3A_202 = arith.constant 1.900000e+00 : f32
      %parallel_loop3A_203 = vector.broadcast %parallel_loop3A_202 : f32 to vector<16xf32>
      %parallel_loop3A_204 = arith.mulf %parallel_loop3A_201, %parallel_loop3A_203 : vector<16xf32>
      %parallel_loop3A_205 = arith.constant 9.500000e+00 : f32
      %parallel_loop3A_206 = vector.broadcast %parallel_loop3A_205 : f32 to vector<16xf32>
      %parallel_loop3A_207 = arith.addf %parallel_loop3A_204, %parallel_loop3A_206 : vector<16xf32>
      %parallel_loop3A_208 = arith.constant 0.000000e+00 : f32
      %parallel_loop3A_209 = vector.broadcast %parallel_loop3A_208 : f32 to vector<16xf32>
      %parallel_loop3A_210 = arith.maximumf %parallel_loop3A_207, %parallel_loop3A_209 : vector<16xf32>
      %parallel_loop3A_211 = arith.constant 1.900000e+01 : f32
      %parallel_loop3A_212 = vector.broadcast %parallel_loop3A_211 : f32 to vector<16xf32>
      %parallel_loop3A_213 = arith.minimumf %parallel_loop3A_210, %parallel_loop3A_212 : vector<16xf32>
      %parallel_loop3A_214 = arith.fptosi %parallel_loop3A_213 : vector<16xf32> to vector<16xi32>
      %parallel_loop3A_215 = tpu.vector_load_idx %arg10[%parallel_loop3A_214] : memref<32xf32, #tpu.memory_space<vmem>>[vector<16xi32>], vector<16xf32>,
      %parallel_loop3A_216 = tpu.vector_load_idx %arg11[%parallel_loop3A_214] : memref<32xf32, #tpu.memory_space<vmem>>[vector<16xi32>], vector<16xf32>,
      %parallel_loop3A_217 = arith.mulf %parallel_loop3A_213, %parallel_loop3A_216 : vector<16xf32>
      %parallel_loop3A_218 = arith.addf %parallel_loop3A_215, %parallel_loop3A_217 : vector<16xf32>
      %parallel_loop3A_219 = arith.index_cast %parallel_loop3A_129 : i32 to index
      %parallel_loop3A_220 = arith.constant 48 : index
      %parallel_loop3A_221 = tpu.vector_load %arg7[%parallel_loop3A_219, %parallel_loop3A_220] {strides = array<i32>} : memref<200x128xf32, #tpu.memory_space<vmem>>, vector<16xf32>,
      tpu.vector_store %arg7[%parallel_loop3A_219, %parallel_loop3A_220], %parallel_loop3A_218 {strides = array<i32>} : memref<200x128xf32, #tpu.memory_space<vmem>>, vector<16xf32>,
      %parallel_loop3A_222 = arith.index_cast %parallel_loop3A_129 : i32 to index
      %parallel_loop3A_223 = arith.constant 64 : index
      %parallel_loop3A_224 = tpu.vector_load %arg5[%parallel_loop3A_222, %parallel_loop3A_223] {strides = array<i32>} : memref<200x128xf32, #tpu.memory_space<vmem>>, vector<16xf32>,
      %parallel_loop3A_225 = arith.constant 1.900000e+00 : f32
      %parallel_loop3A_226 = vector.broadcast %parallel_loop3A_225 : f32 to vector<16xf32>
      %parallel_loop3A_227 = arith.mulf %parallel_loop3A_224, %parallel_loop3A_226 : vector<16xf32>
      %parallel_loop3A_228 = arith.constant 9.500000e+00 : f32
      %parallel_loop3A_229 = vector.broadcast %parallel_loop3A_228 : f32 to vector<16xf32>
      %parallel_loop3A_230 = arith.addf %parallel_loop3A_227, %parallel_loop3A_229 : vector<16xf32>
      %parallel_loop3A_231 = arith.constant 0.000000e+00 : f32
      %parallel_loop3A_232 = vector.broadcast %parallel_loop3A_231 : f32 to vector<16xf32>
      %parallel_loop3A_233 = arith.maximumf %parallel_loop3A_230, %parallel_loop3A_232 : vector<16xf32>
      %parallel_loop3A_234 = arith.constant 1.900000e+01 : f32
      %parallel_loop3A_235 = vector.broadcast %parallel_loop3A_234 : f32 to vector<16xf32>
      %parallel_loop3A_236 = arith.minimumf %parallel_loop3A_233, %parallel_loop3A_235 : vector<16xf32>
      %parallel_loop3A_237 = arith.fptosi %parallel_loop3A_236 : vector<16xf32> to vector<16xi32>
      %parallel_loop3A_238 = tpu.vector_load_idx %arg10[%parallel_loop3A_237] : memref<32xf32, #tpu.memory_space<vmem>>[vector<16xi32>], vector<16xf32>,
      %parallel_loop3A_239 = tpu.vector_load_idx %arg11[%parallel_loop3A_237] : memref<32xf32, #tpu.memory_space<vmem>>[vector<16xi32>], vector<16xf32>,
      %parallel_loop3A_240 = arith.mulf %parallel_loop3A_236, %parallel_loop3A_239 : vector<16xf32>
      %parallel_loop3A_241 = arith.addf %parallel_loop3A_238, %parallel_loop3A_240 : vector<16xf32>
      %parallel_loop3A_242 = arith.index_cast %parallel_loop3A_129 : i32 to index
      %parallel_loop3A_243 = arith.constant 64 : index
      %parallel_loop3A_244 = tpu.vector_load %arg7[%parallel_loop3A_242, %parallel_loop3A_243] {strides = array<i32>} : memref<200x128xf32, #tpu.memory_space<vmem>>, vector<16xf32>,
      tpu.vector_store %arg7[%parallel_loop3A_242, %parallel_loop3A_243], %parallel_loop3A_241 {strides = array<i32>} : memref<200x128xf32, #tpu.memory_space<vmem>>, vector<16xf32>,
      %parallel_loop3A_245 = arith.index_cast %parallel_loop3A_129 : i32 to index
      %parallel_loop3A_246 = arith.constant 80 : index
      %parallel_loop3A_247 = tpu.vector_load %arg5[%parallel_loop3A_245, %parallel_loop3A_246] {strides = array<i32>} : memref<200x128xf32, #tpu.memory_space<vmem>>, vector<16xf32>,
      %parallel_loop3A_248 = arith.constant 1.900000e+00 : f32
      %parallel_loop3A_249 = vector.broadcast %parallel_loop3A_248 : f32 to vector<16xf32>
      %parallel_loop3A_250 = arith.mulf %parallel_loop3A_247, %parallel_loop3A_249 : vector<16xf32>
      %parallel_loop3A_251 = arith.constant 9.500000e+00 : f32
      %parallel_loop3A_252 = vector.broadcast %parallel_loop3A_251 : f32 to vector<16xf32>
      %parallel_loop3A_253 = arith.addf %parallel_loop3A_250, %parallel_loop3A_252 : vector<16xf32>
      %parallel_loop3A_254 = arith.constant 0.000000e+00 : f32
      %parallel_loop3A_255 = vector.broadcast %parallel_loop3A_254 : f32 to vector<16xf32>
      %parallel_loop3A_256 = arith.maximumf %parallel_loop3A_253, %parallel_loop3A_255 : vector<16xf32>
      %parallel_loop3A_257 = arith.constant 1.900000e+01 : f32
      %parallel_loop3A_258 = vector.broadcast %parallel_loop3A_257 : f32 to vector<16xf32>
      %parallel_loop3A_259 = arith.minimumf %parallel_loop3A_256, %parallel_loop3A_258 : vector<16xf32>
      %parallel_loop3A_260 = arith.fptosi %parallel_loop3A_259 : vector<16xf32> to vector<16xi32>
      %parallel_loop3A_261 = tpu.vector_load_idx %arg10[%parallel_loop3A_260] : memref<32xf32, #tpu.memory_space<vmem>>[vector<16xi32>], vector<16xf32>,
      %parallel_loop3A_262 = tpu.vector_load_idx %arg11[%parallel_loop3A_260] : memref<32xf32, #tpu.memory_space<vmem>>[vector<16xi32>], vector<16xf32>,
      %parallel_loop3A_263 = arith.mulf %parallel_loop3A_259, %parallel_loop3A_262 : vector<16xf32>
      %parallel_loop3A_264 = arith.addf %parallel_loop3A_261, %parallel_loop3A_263 : vector<16xf32>
      %parallel_loop3A_265 = arith.index_cast %parallel_loop3A_129 : i32 to index
      %parallel_loop3A_266 = arith.constant 80 : index
      %parallel_loop3A_267 = tpu.vector_load %arg7[%parallel_loop3A_265, %parallel_loop3A_266] {strides = array<i32>} : memref<200x128xf32, #tpu.memory_space<vmem>>, vector<16xf32>,
      tpu.vector_store %arg7[%parallel_loop3A_265, %parallel_loop3A_266], %parallel_loop3A_264 {strides = array<i32>} : memref<200x128xf32, #tpu.memory_space<vmem>>, vector<16xf32>,
      %parallel_loop3A_268 = arith.index_cast %parallel_loop3A_129 : i32 to index
      %parallel_loop3A_269 = arith.constant 96 : index
      %parallel_loop3A_270 = tpu.vector_load %arg5[%parallel_loop3A_268, %parallel_loop3A_269] {strides = array<i32>} : memref<200x128xf32, #tpu.memory_space<vmem>>, vector<16xf32>,
      %parallel_loop3A_271 = arith.constant 1.900000e+00 : f32
      %parallel_loop3A_272 = vector.broadcast %parallel_loop3A_271 : f32 to vector<16xf32>
      %parallel_loop3A_273 = arith.mulf %parallel_loop3A_270, %parallel_loop3A_272 : vector<16xf32>
      %parallel_loop3A_274 = arith.constant 9.500000e+00 : f32
      %parallel_loop3A_275 = vector.broadcast %parallel_loop3A_274 : f32 to vector<16xf32>
      %parallel_loop3A_276 = arith.addf %parallel_loop3A_273, %parallel_loop3A_275 : vector<16xf32>
      %parallel_loop3A_277 = arith.constant 0.000000e+00 : f32
      %parallel_loop3A_278 = vector.broadcast %parallel_loop3A_277 : f32 to vector<16xf32>
      %parallel_loop3A_279 = arith.maximumf %parallel_loop3A_276, %parallel_loop3A_278 : vector<16xf32>
      %parallel_loop3A_280 = arith.constant 1.900000e+01 : f32
      %parallel_loop3A_281 = vector.broadcast %parallel_loop3A_280 : f32 to vector<16xf32>
      %parallel_loop3A_282 = arith.minimumf %parallel_loop3A_279, %parallel_loop3A_281 : vector<16xf32>
      %parallel_loop3A_283 = arith.fptosi %parallel_loop3A_282 : vector<16xf32> to vector<16xi32>
      %parallel_loop3A_284 = tpu.vector_load_idx %arg10[%parallel_loop3A_283] : memref<32xf32, #tpu.memory_space<vmem>>[vector<16xi32>], vector<16xf32>,
      %parallel_loop3A_285 = tpu.vector_load_idx %arg11[%parallel_loop3A_283] : memref<32xf32, #tpu.memory_space<vmem>>[vector<16xi32>], vector<16xf32>,
      %parallel_loop3A_286 = arith.mulf %parallel_loop3A_282, %parallel_loop3A_285 : vector<16xf32>
      %parallel_loop3A_287 = arith.addf %parallel_loop3A_284, %parallel_loop3A_286 : vector<16xf32>
      %parallel_loop3A_288 = arith.index_cast %parallel_loop3A_129 : i32 to index
      %parallel_loop3A_289 = arith.constant 96 : index
      %parallel_loop3A_290 = tpu.vector_load %arg7[%parallel_loop3A_288, %parallel_loop3A_289] {strides = array<i32>} : memref<200x128xf32, #tpu.memory_space<vmem>>, vector<16xf32>,
      tpu.vector_store %arg7[%parallel_loop3A_288, %parallel_loop3A_289], %parallel_loop3A_287 {strides = array<i32>} : memref<200x128xf32, #tpu.memory_space<vmem>>, vector<16xf32>,
      %parallel_loop3A_291 = arith.index_cast %parallel_loop3A_129 : i32 to index
      %parallel_loop3A_292 = arith.constant 112 : index
      %parallel_loop3A_293 = tpu.vector_load %arg5[%parallel_loop3A_291, %parallel_loop3A_292] {strides = array<i32>} : memref<200x128xf32, #tpu.memory_space<vmem>>, vector<16xf32>,
      %parallel_loop3A_294 = arith.constant 1.900000e+00 : f32
      %parallel_loop3A_295 = vector.broadcast %parallel_loop3A_294 : f32 to vector<16xf32>
      %parallel_loop3A_296 = arith.mulf %parallel_loop3A_293, %parallel_loop3A_295 : vector<16xf32>
      %parallel_loop3A_297 = arith.constant 9.500000e+00 : f32
      %parallel_loop3A_298 = vector.broadcast %parallel_loop3A_297 : f32 to vector<16xf32>
      %parallel_loop3A_299 = arith.addf %parallel_loop3A_296, %parallel_loop3A_298 : vector<16xf32>
      %parallel_loop3A_300 = arith.constant 0.000000e+00 : f32
      %parallel_loop3A_301 = vector.broadcast %parallel_loop3A_300 : f32 to vector<16xf32>
      %parallel_loop3A_302 = arith.maximumf %parallel_loop3A_299, %parallel_loop3A_301 : vector<16xf32>
      %parallel_loop3A_303 = arith.constant 1.900000e+01 : f32
      %parallel_loop3A_304 = vector.broadcast %parallel_loop3A_303 : f32 to vector<16xf32>
      %parallel_loop3A_305 = arith.minimumf %parallel_loop3A_302, %parallel_loop3A_304 : vector<16xf32>
      %parallel_loop3A_306 = arith.fptosi %parallel_loop3A_305 : vector<16xf32> to vector<16xi32>
      %parallel_loop3A_307 = tpu.vector_load_idx %arg10[%parallel_loop3A_306] : memref<32xf32, #tpu.memory_space<vmem>>[vector<16xi32>], vector<16xf32>,
      %parallel_loop3A_308 = tpu.vector_load_idx %arg11[%parallel_loop3A_306] : memref<32xf32, #tpu.memory_space<vmem>>[vector<16xi32>], vector<16xf32>,
      %parallel_loop3A_309 = arith.mulf %parallel_loop3A_305, %parallel_loop3A_308 : vector<16xf32>
      %parallel_loop3A_310 = arith.addf %parallel_loop3A_307, %parallel_loop3A_309 : vector<16xf32>
      %parallel_loop3A_311 = arith.index_cast %parallel_loop3A_129 : i32 to index
      %parallel_loop3A_312 = arith.constant 112 : index
      %parallel_loop3A_313 = tpu.vector_load %arg7[%parallel_loop3A_311, %parallel_loop3A_312] {strides = array<i32>} : memref<200x128xf32, #tpu.memory_space<vmem>>, vector<16xf32>,
      tpu.vector_store %arg7[%parallel_loop3A_311, %parallel_loop3A_312], %parallel_loop3A_310 {strides = array<i32>} : memref<200x128xf32, #tpu.memory_space<vmem>>, vector<16xf32>,
    } {sc.loop_unroll_factor = 4 : i64, sc.parallel_access}
    %add3A_98 = arith.constant 256 : i32
    %add3A_99 = arith.addi %mul3A_2, %add3A_98 : i32
    %dma_start3A_100 = arith.constant 0 : i32
    %dma_start3A_101 = tpu.memref_slice %arg4[%dma_start3A_100, %add3A_99] : memref<200x16384xf32, #tpu.memory_space<hbm>> -> memref<200x128xf32, #tpu.memory_space<hbm>>
    %dma_start3A_102 = arith.constant 0 : i32
    %dma_start3A_103 = tpu.memref_slice %arg4[%dma_start3A_102, %add3A_99] : memref<200x16384xf32, #tpu.memory_space<hbm>> -> memref<200x128xf32, #tpu.memory_space<hbm>>
    tpu.enqueue_dma source(%arg7 : memref<200x128xf32, #tpu.memory_space<vmem>>) target(%dma_start3A_103 : memref<200x128xf32, #tpu.memory_space<hbm>>) target_semaphore(%arg14 : memref<!tpu.dma_semaphore, #tpu.memory_space<semaphore_mem>>)
    %dma_wait3A_104 = arith.constant 0 : i32
    %dma_wait3A_105 = tpu.memref_slice %arg2[%dma_wait3A_104, %add3A_82] : memref<200x16384xf32, #tpu.memory_space<hbm>> -> memref<200x128xf32, #tpu.memory_space<hbm>>
    %dma_wait3A_106 = arith.constant 0 : i32
    %dma_wait3A_107 = tpu.memref_slice %arg2[%dma_wait3A_106, %add3A_82] : memref<200x16384xf32, #tpu.memory_space<hbm>> -> memref<200x128xf32, #tpu.memory_space<hbm>>
    tpu.wait_dma2 semaphore(%arg13 : memref<!tpu.dma_semaphore, #tpu.memory_space<semaphore_mem>>) src(%dma_wait3A_107 : memref<200x128xf32, #tpu.memory_space<hbm>>) dst(%arg6 : memref<200x128xf32, #tpu.memory_space<vmem>>)
    %dma_wait3A_108 = arith.constant 0 : i32
    %dma_wait3A_109 = tpu.memref_slice %arg4[%dma_wait3A_108, %add3A_76] : memref<200x16384xf32, #tpu.memory_space<hbm>> -> memref<200x128xf32, #tpu.memory_space<hbm>>
    %dma_wait3A_110 = arith.constant 0 : i32
    %dma_wait3A_111 = tpu.memref_slice %arg4[%dma_wait3A_110, %add3A_76] : memref<200x16384xf32, #tpu.memory_space<hbm>> -> memref<200x128xf32, #tpu.memory_space<hbm>>
    tpu.wait_dma2 semaphore(%arg15 : memref<!tpu.dma_semaphore, #tpu.memory_space<semaphore_mem>>) src(%arg8 : memref<200x128xf32, #tpu.memory_space<vmem>>) dst(%dma_wait3A_111 : memref<200x128xf32, #tpu.memory_space<hbm>>)
    %parallel_loop3A_112 = arith.constant 0 : i32
    %parallel_loop3A_113 = arith.constant 200 : i32
    %parallel_loop3A_114 = arith.constant 1 : i32
    scf.for %parallel_loop3A_129 = %parallel_loop3A_112 to %parallel_loop3A_113 step %parallel_loop3A_114  : i32 {
      %parallel_loop3A_130 = arith.index_cast %parallel_loop3A_129 : i32 to index
      %parallel_loop3A_131 = arith.constant 0 : index
      %parallel_loop3A_132 = tpu.vector_load %arg6[%parallel_loop3A_130, %parallel_loop3A_131] {strides = array<i32>} : memref<200x128xf32, #tpu.memory_space<vmem>>, vector<16xf32>,
      %parallel_loop3A_133 = arith.constant 1.900000e+00 : f32
      %parallel_loop3A_134 = vector.broadcast %parallel_loop3A_133 : f32 to vector<16xf32>
      %parallel_loop3A_135 = arith.mulf %parallel_loop3A_132, %parallel_loop3A_134 : vector<16xf32>
      %parallel_loop3A_136 = arith.constant 9.500000e+00 : f32
      %parallel_loop3A_137 = vector.broadcast %parallel_loop3A_136 : f32 to vector<16xf32>
      %parallel_loop3A_138 = arith.addf %parallel_loop3A_135, %parallel_loop3A_137 : vector<16xf32>
      %parallel_loop3A_139 = arith.constant 0.000000e+00 : f32
      %parallel_loop3A_140 = vector.broadcast %parallel_loop3A_139 : f32 to vector<16xf32>
      %parallel_loop3A_141 = arith.maximumf %parallel_loop3A_138, %parallel_loop3A_140 : vector<16xf32>
      %parallel_loop3A_142 = arith.constant 1.900000e+01 : f32
      %parallel_loop3A_143 = vector.broadcast %parallel_loop3A_142 : f32 to vector<16xf32>
      %parallel_loop3A_144 = arith.minimumf %parallel_loop3A_141, %parallel_loop3A_143 : vector<16xf32>
      %parallel_loop3A_145 = arith.fptosi %parallel_loop3A_144 : vector<16xf32> to vector<16xi32>
      %parallel_loop3A_146 = tpu.vector_load_idx %arg10[%parallel_loop3A_145] : memref<32xf32, #tpu.memory_space<vmem>>[vector<16xi32>], vector<16xf32>,
      %parallel_loop3A_147 = tpu.vector_load_idx %arg11[%parallel_loop3A_145] : memref<32xf32, #tpu.memory_space<vmem>>[vector<16xi32>], vector<16xf32>,
      %parallel_loop3A_148 = arith.mulf %parallel_loop3A_144, %parallel_loop3A_147 : vector<16xf32>
      %parallel_loop3A_149 = arith.addf %parallel_loop3A_146, %parallel_loop3A_148 : vector<16xf32>
      %parallel_loop3A_150 = arith.index_cast %parallel_loop3A_129 : i32 to index
      %parallel_loop3A_151 = arith.constant 0 : index
      %parallel_loop3A_152 = tpu.vector_load %arg8[%parallel_loop3A_150, %parallel_loop3A_151] {strides = array<i32>} : memref<200x128xf32, #tpu.memory_space<vmem>>, vector<16xf32>,
      tpu.vector_store %arg8[%parallel_loop3A_150, %parallel_loop3A_151], %parallel_loop3A_149 {strides = array<i32>} : memref<200x128xf32, #tpu.memory_space<vmem>>, vector<16xf32>,
      %parallel_loop3A_153 = arith.index_cast %parallel_loop3A_129 : i32 to index
      %parallel_loop3A_154 = arith.constant 16 : index
      %parallel_loop3A_155 = tpu.vector_load %arg6[%parallel_loop3A_153, %parallel_loop3A_154] {strides = array<i32>} : memref<200x128xf32, #tpu.memory_space<vmem>>, vector<16xf32>,
      %parallel_loop3A_156 = arith.constant 1.900000e+00 : f32
      %parallel_loop3A_157 = vector.broadcast %parallel_loop3A_156 : f32 to vector<16xf32>
      %parallel_loop3A_158 = arith.mulf %parallel_loop3A_155, %parallel_loop3A_157 : vector<16xf32>
      %parallel_loop3A_159 = arith.constant 9.500000e+00 : f32
      %parallel_loop3A_160 = vector.broadcast %parallel_loop3A_159 : f32 to vector<16xf32>
      %parallel_loop3A_161 = arith.addf %parallel_loop3A_158, %parallel_loop3A_160 : vector<16xf32>
      %parallel_loop3A_162 = arith.constant 0.000000e+00 : f32
      %parallel_loop3A_163 = vector.broadcast %parallel_loop3A_162 : f32 to vector<16xf32>
      %parallel_loop3A_164 = arith.maximumf %parallel_loop3A_161, %parallel_loop3A_163 : vector<16xf32>
      %parallel_loop3A_165 = arith.constant 1.900000e+01 : f32
      %parallel_loop3A_166 = vector.broadcast %parallel_loop3A_165 : f32 to vector<16xf32>
      %parallel_loop3A_167 = arith.minimumf %parallel_loop3A_164, %parallel_loop3A_166 : vector<16xf32>
      %parallel_loop3A_168 = arith.fptosi %parallel_loop3A_167 : vector<16xf32> to vector<16xi32>
      %parallel_loop3A_169 = tpu.vector_load_idx %arg10[%parallel_loop3A_168] : memref<32xf32, #tpu.memory_space<vmem>>[vector<16xi32>], vector<16xf32>,
      %parallel_loop3A_170 = tpu.vector_load_idx %arg11[%parallel_loop3A_168] : memref<32xf32, #tpu.memory_space<vmem>>[vector<16xi32>], vector<16xf32>,
      %parallel_loop3A_171 = arith.mulf %parallel_loop3A_167, %parallel_loop3A_170 : vector<16xf32>
      %parallel_loop3A_172 = arith.addf %parallel_loop3A_169, %parallel_loop3A_171 : vector<16xf32>
      %parallel_loop3A_173 = arith.index_cast %parallel_loop3A_129 : i32 to index
      %parallel_loop3A_174 = arith.constant 16 : index
      %parallel_loop3A_175 = tpu.vector_load %arg8[%parallel_loop3A_173, %parallel_loop3A_174] {strides = array<i32>} : memref<200x128xf32, #tpu.memory_space<vmem>>, vector<16xf32>,
      tpu.vector_store %arg8[%parallel_loop3A_173, %parallel_loop3A_174], %parallel_loop3A_172 {strides = array<i32>} : memref<200x128xf32, #tpu.memory_space<vmem>>, vector<16xf32>,
      %parallel_loop3A_176 = arith.index_cast %parallel_loop3A_129 : i32 to index
      %parallel_loop3A_177 = arith.constant 32 : index
      %parallel_loop3A_178 = tpu.vector_load %arg6[%parallel_loop3A_176, %parallel_loop3A_177] {strides = array<i32>} : memref<200x128xf32, #tpu.memory_space<vmem>>, vector<16xf32>,
      %parallel_loop3A_179 = arith.constant 1.900000e+00 : f32
      %parallel_loop3A_180 = vector.broadcast %parallel_loop3A_179 : f32 to vector<16xf32>
      %parallel_loop3A_181 = arith.mulf %parallel_loop3A_178, %parallel_loop3A_180 : vector<16xf32>
      %parallel_loop3A_182 = arith.constant 9.500000e+00 : f32
      %parallel_loop3A_183 = vector.broadcast %parallel_loop3A_182 : f32 to vector<16xf32>
      %parallel_loop3A_184 = arith.addf %parallel_loop3A_181, %parallel_loop3A_183 : vector<16xf32>
      %parallel_loop3A_185 = arith.constant 0.000000e+00 : f32
      %parallel_loop3A_186 = vector.broadcast %parallel_loop3A_185 : f32 to vector<16xf32>
      %parallel_loop3A_187 = arith.maximumf %parallel_loop3A_184, %parallel_loop3A_186 : vector<16xf32>
      %parallel_loop3A_188 = arith.constant 1.900000e+01 : f32
      %parallel_loop3A_189 = vector.broadcast %parallel_loop3A_188 : f32 to vector<16xf32>
      %parallel_loop3A_190 = arith.minimumf %parallel_loop3A_187, %parallel_loop3A_189 : vector<16xf32>
      %parallel_loop3A_191 = arith.fptosi %parallel_loop3A_190 : vector<16xf32> to vector<16xi32>
      %parallel_loop3A_192 = tpu.vector_load_idx %arg10[%parallel_loop3A_191] : memref<32xf32, #tpu.memory_space<vmem>>[vector<16xi32>], vector<16xf32>,
      %parallel_loop3A_193 = tpu.vector_load_idx %arg11[%parallel_loop3A_191] : memref<32xf32, #tpu.memory_space<vmem>>[vector<16xi32>], vector<16xf32>,
      %parallel_loop3A_194 = arith.mulf %parallel_loop3A_190, %parallel_loop3A_193 : vector<16xf32>
      %parallel_loop3A_195 = arith.addf %parallel_loop3A_192, %parallel_loop3A_194 : vector<16xf32>
      %parallel_loop3A_196 = arith.index_cast %parallel_loop3A_129 : i32 to index
      %parallel_loop3A_197 = arith.constant 32 : index
      %parallel_loop3A_198 = tpu.vector_load %arg8[%parallel_loop3A_196, %parallel_loop3A_197] {strides = array<i32>} : memref<200x128xf32, #tpu.memory_space<vmem>>, vector<16xf32>,
      tpu.vector_store %arg8[%parallel_loop3A_196, %parallel_loop3A_197], %parallel_loop3A_195 {strides = array<i32>} : memref<200x128xf32, #tpu.memory_space<vmem>>, vector<16xf32>,
      %parallel_loop3A_199 = arith.index_cast %parallel_loop3A_129 : i32 to index
      %parallel_loop3A_200 = arith.constant 48 : index
      %parallel_loop3A_201 = tpu.vector_load %arg6[%parallel_loop3A_199, %parallel_loop3A_200] {strides = array<i32>} : memref<200x128xf32, #tpu.memory_space<vmem>>, vector<16xf32>,
      %parallel_loop3A_202 = arith.constant 1.900000e+00 : f32
      %parallel_loop3A_203 = vector.broadcast %parallel_loop3A_202 : f32 to vector<16xf32>
      %parallel_loop3A_204 = arith.mulf %parallel_loop3A_201, %parallel_loop3A_203 : vector<16xf32>
      %parallel_loop3A_205 = arith.constant 9.500000e+00 : f32
      %parallel_loop3A_206 = vector.broadcast %parallel_loop3A_205 : f32 to vector<16xf32>
      %parallel_loop3A_207 = arith.addf %parallel_loop3A_204, %parallel_loop3A_206 : vector<16xf32>
      %parallel_loop3A_208 = arith.constant 0.000000e+00 : f32
      %parallel_loop3A_209 = vector.broadcast %parallel_loop3A_208 : f32 to vector<16xf32>
      %parallel_loop3A_210 = arith.maximumf %parallel_loop3A_207, %parallel_loop3A_209 : vector<16xf32>
      %parallel_loop3A_211 = arith.constant 1.900000e+01 : f32
      %parallel_loop3A_212 = vector.broadcast %parallel_loop3A_211 : f32 to vector<16xf32>
      %parallel_loop3A_213 = arith.minimumf %parallel_loop3A_210, %parallel_loop3A_212 : vector<16xf32>
      %parallel_loop3A_214 = arith.fptosi %parallel_loop3A_213 : vector<16xf32> to vector<16xi32>
      %parallel_loop3A_215 = tpu.vector_load_idx %arg10[%parallel_loop3A_214] : memref<32xf32, #tpu.memory_space<vmem>>[vector<16xi32>], vector<16xf32>,
      %parallel_loop3A_216 = tpu.vector_load_idx %arg11[%parallel_loop3A_214] : memref<32xf32, #tpu.memory_space<vmem>>[vector<16xi32>], vector<16xf32>,
      %parallel_loop3A_217 = arith.mulf %parallel_loop3A_213, %parallel_loop3A_216 : vector<16xf32>
      %parallel_loop3A_218 = arith.addf %parallel_loop3A_215, %parallel_loop3A_217 : vector<16xf32>
      %parallel_loop3A_219 = arith.index_cast %parallel_loop3A_129 : i32 to index
      %parallel_loop3A_220 = arith.constant 48 : index
      %parallel_loop3A_221 = tpu.vector_load %arg8[%parallel_loop3A_219, %parallel_loop3A_220] {strides = array<i32>} : memref<200x128xf32, #tpu.memory_space<vmem>>, vector<16xf32>,
      tpu.vector_store %arg8[%parallel_loop3A_219, %parallel_loop3A_220], %parallel_loop3A_218 {strides = array<i32>} : memref<200x128xf32, #tpu.memory_space<vmem>>, vector<16xf32>,
      %parallel_loop3A_222 = arith.index_cast %parallel_loop3A_129 : i32 to index
      %parallel_loop3A_223 = arith.constant 64 : index
      %parallel_loop3A_224 = tpu.vector_load %arg6[%parallel_loop3A_222, %parallel_loop3A_223] {strides = array<i32>} : memref<200x128xf32, #tpu.memory_space<vmem>>, vector<16xf32>,
      %parallel_loop3A_225 = arith.constant 1.900000e+00 : f32
      %parallel_loop3A_226 = vector.broadcast %parallel_loop3A_225 : f32 to vector<16xf32>
      %parallel_loop3A_227 = arith.mulf %parallel_loop3A_224, %parallel_loop3A_226 : vector<16xf32>
      %parallel_loop3A_228 = arith.constant 9.500000e+00 : f32
      %parallel_loop3A_229 = vector.broadcast %parallel_loop3A_228 : f32 to vector<16xf32>
      %parallel_loop3A_230 = arith.addf %parallel_loop3A_227, %parallel_loop3A_229 : vector<16xf32>
      %parallel_loop3A_231 = arith.constant 0.000000e+00 : f32
      %parallel_loop3A_232 = vector.broadcast %parallel_loop3A_231 : f32 to vector<16xf32>
      %parallel_loop3A_233 = arith.maximumf %parallel_loop3A_230, %parallel_loop3A_232 : vector<16xf32>
      %parallel_loop3A_234 = arith.constant 1.900000e+01 : f32
      %parallel_loop3A_235 = vector.broadcast %parallel_loop3A_234 : f32 to vector<16xf32>
      %parallel_loop3A_236 = arith.minimumf %parallel_loop3A_233, %parallel_loop3A_235 : vector<16xf32>
      %parallel_loop3A_237 = arith.fptosi %parallel_loop3A_236 : vector<16xf32> to vector<16xi32>
      %parallel_loop3A_238 = tpu.vector_load_idx %arg10[%parallel_loop3A_237] : memref<32xf32, #tpu.memory_space<vmem>>[vector<16xi32>], vector<16xf32>,
      %parallel_loop3A_239 = tpu.vector_load_idx %arg11[%parallel_loop3A_237] : memref<32xf32, #tpu.memory_space<vmem>>[vector<16xi32>], vector<16xf32>,
      %parallel_loop3A_240 = arith.mulf %parallel_loop3A_236, %parallel_loop3A_239 : vector<16xf32>
      %parallel_loop3A_241 = arith.addf %parallel_loop3A_238, %parallel_loop3A_240 : vector<16xf32>
      %parallel_loop3A_242 = arith.index_cast %parallel_loop3A_129 : i32 to index
      %parallel_loop3A_243 = arith.constant 64 : index
      %parallel_loop3A_244 = tpu.vector_load %arg8[%parallel_loop3A_242, %parallel_loop3A_243] {strides = array<i32>} : memref<200x128xf32, #tpu.memory_space<vmem>>, vector<16xf32>,
      tpu.vector_store %arg8[%parallel_loop3A_242, %parallel_loop3A_243], %parallel_loop3A_241 {strides = array<i32>} : memref<200x128xf32, #tpu.memory_space<vmem>>, vector<16xf32>,
      %parallel_loop3A_245 = arith.index_cast %parallel_loop3A_129 : i32 to index
      %parallel_loop3A_246 = arith.constant 80 : index
      %parallel_loop3A_247 = tpu.vector_load %arg6[%parallel_loop3A_245, %parallel_loop3A_246] {strides = array<i32>} : memref<200x128xf32, #tpu.memory_space<vmem>>, vector<16xf32>,
      %parallel_loop3A_248 = arith.constant 1.900000e+00 : f32
      %parallel_loop3A_249 = vector.broadcast %parallel_loop3A_248 : f32 to vector<16xf32>
      %parallel_loop3A_250 = arith.mulf %parallel_loop3A_247, %parallel_loop3A_249 : vector<16xf32>
      %parallel_loop3A_251 = arith.constant 9.500000e+00 : f32
      %parallel_loop3A_252 = vector.broadcast %parallel_loop3A_251 : f32 to vector<16xf32>
      %parallel_loop3A_253 = arith.addf %parallel_loop3A_250, %parallel_loop3A_252 : vector<16xf32>
      %parallel_loop3A_254 = arith.constant 0.000000e+00 : f32
      %parallel_loop3A_255 = vector.broadcast %parallel_loop3A_254 : f32 to vector<16xf32>
      %parallel_loop3A_256 = arith.maximumf %parallel_loop3A_253, %parallel_loop3A_255 : vector<16xf32>
      %parallel_loop3A_257 = arith.constant 1.900000e+01 : f32
      %parallel_loop3A_258 = vector.broadcast %parallel_loop3A_257 : f32 to vector<16xf32>
      %parallel_loop3A_259 = arith.minimumf %parallel_loop3A_256, %parallel_loop3A_258 : vector<16xf32>
      %parallel_loop3A_260 = arith.fptosi %parallel_loop3A_259 : vector<16xf32> to vector<16xi32>
      %parallel_loop3A_261 = tpu.vector_load_idx %arg10[%parallel_loop3A_260] : memref<32xf32, #tpu.memory_space<vmem>>[vector<16xi32>], vector<16xf32>,
      %parallel_loop3A_262 = tpu.vector_load_idx %arg11[%parallel_loop3A_260] : memref<32xf32, #tpu.memory_space<vmem>>[vector<16xi32>], vector<16xf32>,
      %parallel_loop3A_263 = arith.mulf %parallel_loop3A_259, %parallel_loop3A_262 : vector<16xf32>
      %parallel_loop3A_264 = arith.addf %parallel_loop3A_261, %parallel_loop3A_263 : vector<16xf32>
      %parallel_loop3A_265 = arith.index_cast %parallel_loop3A_129 : i32 to index
      %parallel_loop3A_266 = arith.constant 80 : index
      %parallel_loop3A_267 = tpu.vector_load %arg8[%parallel_loop3A_265, %parallel_loop3A_266] {strides = array<i32>} : memref<200x128xf32, #tpu.memory_space<vmem>>, vector<16xf32>,
      tpu.vector_store %arg8[%parallel_loop3A_265, %parallel_loop3A_266], %parallel_loop3A_264 {strides = array<i32>} : memref<200x128xf32, #tpu.memory_space<vmem>>, vector<16xf32>,
      %parallel_loop3A_268 = arith.index_cast %parallel_loop3A_129 : i32 to index
      %parallel_loop3A_269 = arith.constant 96 : index
      %parallel_loop3A_270 = tpu.vector_load %arg6[%parallel_loop3A_268, %parallel_loop3A_269] {strides = array<i32>} : memref<200x128xf32, #tpu.memory_space<vmem>>, vector<16xf32>,
      %parallel_loop3A_271 = arith.constant 1.900000e+00 : f32
      %parallel_loop3A_272 = vector.broadcast %parallel_loop3A_271 : f32 to vector<16xf32>
      %parallel_loop3A_273 = arith.mulf %parallel_loop3A_270, %parallel_loop3A_272 : vector<16xf32>
      %parallel_loop3A_274 = arith.constant 9.500000e+00 : f32
      %parallel_loop3A_275 = vector.broadcast %parallel_loop3A_274 : f32 to vector<16xf32>
      %parallel_loop3A_276 = arith.addf %parallel_loop3A_273, %parallel_loop3A_275 : vector<16xf32>
      %parallel_loop3A_277 = arith.constant 0.000000e+00 : f32
      %parallel_loop3A_278 = vector.broadcast %parallel_loop3A_277 : f32 to vector<16xf32>
      %parallel_loop3A_279 = arith.maximumf %parallel_loop3A_276, %parallel_loop3A_278 : vector<16xf32>
      %parallel_loop3A_280 = arith.constant 1.900000e+01 : f32
      %parallel_loop3A_281 = vector.broadcast %parallel_loop3A_280 : f32 to vector<16xf32>
      %parallel_loop3A_282 = arith.minimumf %parallel_loop3A_279, %parallel_loop3A_281 : vector<16xf32>
      %parallel_loop3A_283 = arith.fptosi %parallel_loop3A_282 : vector<16xf32> to vector<16xi32>
      %parallel_loop3A_284 = tpu.vector_load_idx %arg10[%parallel_loop3A_283] : memref<32xf32, #tpu.memory_space<vmem>>[vector<16xi32>], vector<16xf32>,
      %parallel_loop3A_285 = tpu.vector_load_idx %arg11[%parallel_loop3A_283] : memref<32xf32, #tpu.memory_space<vmem>>[vector<16xi32>], vector<16xf32>,
      %parallel_loop3A_286 = arith.mulf %parallel_loop3A_282, %parallel_loop3A_285 : vector<16xf32>
      %parallel_loop3A_287 = arith.addf %parallel_loop3A_284, %parallel_loop3A_286 : vector<16xf32>
      %parallel_loop3A_288 = arith.index_cast %parallel_loop3A_129 : i32 to index
      %parallel_loop3A_289 = arith.constant 96 : index
      %parallel_loop3A_290 = tpu.vector_load %arg8[%parallel_loop3A_288, %parallel_loop3A_289] {strides = array<i32>} : memref<200x128xf32, #tpu.memory_space<vmem>>, vector<16xf32>,
      tpu.vector_store %arg8[%parallel_loop3A_288, %parallel_loop3A_289], %parallel_loop3A_287 {strides = array<i32>} : memref<200x128xf32, #tpu.memory_space<vmem>>, vector<16xf32>,
      %parallel_loop3A_291 = arith.index_cast %parallel_loop3A_129 : i32 to index
      %parallel_loop3A_292 = arith.constant 112 : index
      %parallel_loop3A_293 = tpu.vector_load %arg6[%parallel_loop3A_291, %parallel_loop3A_292] {strides = array<i32>} : memref<200x128xf32, #tpu.memory_space<vmem>>, vector<16xf32>,
      %parallel_loop3A_294 = arith.constant 1.900000e+00 : f32
      %parallel_loop3A_295 = vector.broadcast %parallel_loop3A_294 : f32 to vector<16xf32>
      %parallel_loop3A_296 = arith.mulf %parallel_loop3A_293, %parallel_loop3A_295 : vector<16xf32>
      %parallel_loop3A_297 = arith.constant 9.500000e+00 : f32
      %parallel_loop3A_298 = vector.broadcast %parallel_loop3A_297 : f32 to vector<16xf32>
      %parallel_loop3A_299 = arith.addf %parallel_loop3A_296, %parallel_loop3A_298 : vector<16xf32>
      %parallel_loop3A_300 = arith.constant 0.000000e+00 : f32
      %parallel_loop3A_301 = vector.broadcast %parallel_loop3A_300 : f32 to vector<16xf32>
      %parallel_loop3A_302 = arith.maximumf %parallel_loop3A_299, %parallel_loop3A_301 : vector<16xf32>
      %parallel_loop3A_303 = arith.constant 1.900000e+01 : f32
      %parallel_loop3A_304 = vector.broadcast %parallel_loop3A_303 : f32 to vector<16xf32>
      %parallel_loop3A_305 = arith.minimumf %parallel_loop3A_302, %parallel_loop3A_304 : vector<16xf32>
      %parallel_loop3A_306 = arith.fptosi %parallel_loop3A_305 : vector<16xf32> to vector<16xi32>
      %parallel_loop3A_307 = tpu.vector_load_idx %arg10[%parallel_loop3A_306] : memref<32xf32, #tpu.memory_space<vmem>>[vector<16xi32>], vector<16xf32>,
      %parallel_loop3A_308 = tpu.vector_load_idx %arg11[%parallel_loop3A_306] : memref<32xf32, #tpu.memory_space<vmem>>[vector<16xi32>], vector<16xf32>,
      %parallel_loop3A_309 = arith.mulf %parallel_loop3A_305, %parallel_loop3A_308 : vector<16xf32>
      %parallel_loop3A_310 = arith.addf %parallel_loop3A_307, %parallel_loop3A_309 : vector<16xf32>
      %parallel_loop3A_311 = arith.index_cast %parallel_loop3A_129 : i32 to index
      %parallel_loop3A_312 = arith.constant 112 : index
      %parallel_loop3A_313 = tpu.vector_load %arg8[%parallel_loop3A_311, %parallel_loop3A_312] {strides = array<i32>} : memref<200x128xf32, #tpu.memory_space<vmem>>, vector<16xf32>,
      tpu.vector_store %arg8[%parallel_loop3A_311, %parallel_loop3A_312], %parallel_loop3A_310 {strides = array<i32>} : memref<200x128xf32, #tpu.memory_space<vmem>>, vector<16xf32>,
    } {sc.loop_unroll_factor = 4 : i64, sc.parallel_access}
    %add3A_115 = arith.constant 384 : i32
    %add3A_116 = arith.addi %mul3A_2, %add3A_115 : i32
    %dma_start3A_117 = arith.constant 0 : i32
    %dma_start3A_118 = tpu.memref_slice %arg4[%dma_start3A_117, %add3A_116] : memref<200x16384xf32, #tpu.memory_space<hbm>> -> memref<200x128xf32, #tpu.memory_space<hbm>>
    %dma_start3A_119 = arith.constant 0 : i32
    %dma_start3A_120 = tpu.memref_slice %arg4[%dma_start3A_119, %add3A_116] : memref<200x16384xf32, #tpu.memory_space<hbm>> -> memref<200x128xf32, #tpu.memory_space<hbm>>
    tpu.enqueue_dma source(%arg8 : memref<200x128xf32, #tpu.memory_space<vmem>>) target(%dma_start3A_120 : memref<200x128xf32, #tpu.memory_space<hbm>>) target_semaphore(%arg15 : memref<!tpu.dma_semaphore, #tpu.memory_space<semaphore_mem>>)
    %dma_wait3A_121 = arith.constant 0 : i32
    %dma_wait3A_122 = tpu.memref_slice %arg4[%dma_wait3A_121, %add3A_99] : memref<200x16384xf32, #tpu.memory_space<hbm>> -> memref<200x128xf32, #tpu.memory_space<hbm>>
    %dma_wait3A_123 = arith.constant 0 : i32
    %dma_wait3A_124 = tpu.memref_slice %arg4[%dma_wait3A_123, %add3A_99] : memref<200x16384xf32, #tpu.memory_space<hbm>> -> memref<200x128xf32, #tpu.memory_space<hbm>>
    tpu.wait_dma2 semaphore(%arg14 : memref<!tpu.dma_semaphore, #tpu.memory_space<semaphore_mem>>) src(%arg7 : memref<200x128xf32, #tpu.memory_space<vmem>>) dst(%dma_wait3A_124 : memref<200x128xf32, #tpu.memory_space<hbm>>)
    %dma_wait3A_125 = arith.constant 0 : i32
    %dma_wait3A_126 = tpu.memref_slice %arg4[%dma_wait3A_125, %add3A_116] : memref<200x16384xf32, #tpu.memory_space<hbm>> -> memref<200x128xf32, #tpu.memory_space<hbm>>
    %dma_wait3A_127 = arith.constant 0 : i32
    %dma_wait3A_128 = tpu.memref_slice %arg4[%dma_wait3A_127, %add3A_116] : memref<200x16384xf32, #tpu.memory_space<hbm>> -> memref<200x128xf32, #tpu.memory_space<hbm>>
    tpu.wait_dma2 semaphore(%arg15 : memref<!tpu.dma_semaphore, #tpu.memory_space<semaphore_mem>>) src(%arg8 : memref<200x128xf32, #tpu.memory_space<vmem>>) dst(%dma_wait3A_128 : memref<200x128xf32, #tpu.memory_space<hbm>>)
    return
  }
}

</mosaic_0001>

<sc_bundles>
// kernel: kernel.3.cloned.1.call-start
scs
__scs_entry_jumppad:
0x0: {  	(pc) =	sbr.rel $0x88, $3  }
0x1: {  	(tag) =	ssettag $0x0;
	lr =	simm.s32 $0x1  }
0x2: {  	[smem:$0x3F9F] =	sst lr;
	_ =	strace $0xD0000000  }
0x3: {  	_ = 	snop  }
0x4: {  	_ = 	snop  }
0x5: {  	_ = 	snop  }
0x6: {  	_ = 	snop  }
0x7: {  	_ = 	snop  }
__scs_overlays_trampoline_lowered:
0x8: {  	[smem:$0x3FAE] =	sst s0  }
0x9: {  	[smem:$0x3FAF] =	sst s1  }
0xa: {  	[smem:$0x3FB0] =	sst s2  }
0xb: {  	[smem:$0x3FB1] =	sst s3  }
0xc: {  	[smem:$0x3FB2] =	sst s4  }
0xd: {  	[smem:$0x3FB3] =	sst s5  }
0xe: {  	[smem:$0x3FB4] =	sst s6  }
0xf: {  	[smem:$0x3FB5] =	sst s7  }
0x10: {  	[smem:$0x3FB6] =	sst s8  }
0x11: {  	[smem:$0x3FB7] =	sst s9;
	s0 =	simm.s32 @!p0 $0x0  }
0x12: {  	s1 =	sld [smem:$0x3F9D];
	s0 =	simm.s32 @p0 $0x1  }
0x13: {  	[smem:$0x3FB8] =	sst s0;
	s0 =	simm.s32 @!p1 $0x0  }
0x14: {  	s2 =	sld [smem:$0x3F9C];
	s0 =	simm.s32 @p1 $0x1  }
0x15: {  	[smem:$0x3FB9] =	sst s0;
	s0 =	simm.s32 @!p2 $0x0  }
0x16: {  	s3 =	sld [smem:$0x3FDB];
	s0 =	simm.s32 @p2 $0x1  }
0x17: {  	s4 =	simm.s32 $0x1BF5;
	[smem:$0x3FBB] =	sst s0  }
0x18: {  	s0 =	sld [smem:$0x3F9E];
	_ =	swait.ge [sflag:s4], $0x0  }
0x19: {  	s7 =	sld [smem:$0x3F9F]  }
0x1a: {  	s8 =	sadd.s32 $0xFFFFE003, lr  }
0x1b: {  	s9 =	sadd.s32 $0xFFFFFEF7, lr;
	s5 =	simm.s32 $0xFFFFFFFF;
	p2 =	slt.u32 s8, $0xFFFFF086  }
0x1c: {  	p1 =	slt.u32 s9, $0xF7A;
	s5 =	simm.s32 @!p2 $0x0  }
0x1d: {  	s5 =	simm.s32 @p1 $0x1;
	p0 =	seq.s32 s7, s2  }
0x1e: {  	s7 =	smul.u32 @!p0 $0xF7A, s2;
	p2 =	seq.s32 @!p0 s5, $0x0  }
0x1f: {  	s9 =	smul.u32 $0xF7A, s1;
	s8 =	simm.s32 @!p0 $0x1BF5;
	p2 =	por !p2, p0  }
0x20: {  	[sflag:s8] =	ssyncset.s32 @!p0 $0xFFFFF086;
	s6 =	sadd.s32 @!p0 s3, s7;
	s7 =	simm.s32 @!p0 $0x108  }
0x21: {  	s3 =	sadd.s32 s3, s9;
	s6 =	sadd.s32 @!p0 $0x88, s6;
	s7 =	simm.s32 @p2 $0x1082  }
0x22: {  	[simem:s7], [sflag:s8] =	dma.local @!p0 [hbm:s6], $0xF7A  }
0x23: {  	s9 =	sor.u32 $0xD0000000, s2;
	s6 =	simm.s32 $0x108;
	_ =	swait.ge @!p0 [sflag:s8], $0x0  }
0x24: {  	s3 =	sadd.s32 $0x88, s3;
	s6 =	simm.s32 @!p1 $0x1082;
	[sflag:s4] =	ssyncset.s32 $0xFFFFF086  }
0x25: {  	[simem:s6], [sflag:s4] =	dma.local [hbm:s3], $0xF7A  }
0x26: {  	[smem:$0x3F9F] =	sst s1;
	(tag) =	ssettag s2;
	_ =	strace s9  }
0x27: {  	s1 =	sld [smem:$0x3FAF]  }
0x28: {  	s2 =	sld [smem:$0x3FB0]  }
0x29: {  	s4 =	sld [smem:$0x3FB2]  }
0x2a: {  	p0 =	seq.s32 s5, $0x0;
	s5 =	sld [smem:$0x3FB3]  }
0x2b: {  	s6 =	sld [smem:$0x3FB4]  }
0x2c: {  	s7 =	sld [smem:$0x3FB5]  }
0x2d: {  	s3 =	simm.s32 $0x108;
	s8 =	sld [smem:$0x3FB6]  }
0x2e: {  	s3 =	simm.s32 @!p0 $0x1082;
	s9 =	sld [smem:$0x3FB7]  }
0x2f: {  	lr =	sadd.s32 s0, s3;
	s0 =	sld [smem:$0x3FAE]  }
0x30: {  	s3 =	sld [smem:$0x3FB1]  }
0x31: {  	[smem:$0x3FBA] =	sst s10  }
0x32: {  	s10 =	sld [smem:$0x3FB8];
	_ =	sdelay $0x3  }
0x33: {  	p0 =	seq.s32 s10, $0x1;
	s10 =	sld [smem:$0x3FBA];
	_ =	sdelay $0x3  }
0x34: {  	[smem:$0x3FBA] =	sst s10  }
0x35: {  	s10 =	sld [smem:$0x3FB9];
	_ =	sdelay $0x3  }
0x36: {  	p1 =	seq.s32 s10, $0x1;
	s10 =	sld [smem:$0x3FBA];
	_ =	sdelay $0x3  }
0x37: {  	[smem:$0x3FBA] =	sst s10  }
0x38: {  	s10 =	sld [smem:$0x3FBB]  }
0x39: {  	_ = 	snop;
	(pc) =	sbr.ind lr, $3  }
0x3a: {  	_ = 	snop  }
0x3b: {  	_ = 	snop  }
0x3c: {  	p2 =	seq.s32 s10, $0x1;
	s10 =	sld [smem:$0x3FBA]  }
0x3d: {  	_ =	shalt  }
0x3e: {  	_ =	shalt  }
0x3f: {  	_ =	shalt  }
0x40: {  	_ =	shalt  }
0x41: {  	_ =	shalt  }
0x42: {  	_ =	shalt  }
0x43: {  	_ =	shalt  }
0x44: {  	_ =	shalt  }
0x45: {  	_ =	shalt  }
0x46: {  	_ =	shalt  }
0x47: {  	_ =	shalt  }
0x48: {  	_ =	shalt  }
0x49: {  	_ =	shalt  }
0x4a: {  	_ =	shalt  }
0x4b: {  	_ =	shalt  }
0x4c: {  	_ =	shalt  }
0x4d: {  	_ =	shalt  }
0x4e: {  	_ =	shalt  }
0x4f: {  	_ =	shalt  }
0x50: {  	_ =	shalt  }
0x51: {  	_ =	shalt  }
0x52: {  	_ =	shalt  }
0x53: {  	_ =	shalt  }
0x54: {  	_ =	shalt  }
0x55: {  	_ =	shalt  }
0x56: {  	_ =	shalt  }
0x57: {  	_ =	shalt  }
0x58: {  	_ =	shalt  }
0x59: {  	_ =	shalt  }
0x5a: {  	_ =	shalt  }
0x5b: {  	_ =	shalt  }
0x5c: {  	_ =	shalt  }
0x5d: {  	_ =	shalt  }
0x5e: {  	_ =	shalt  }
0x5f: {  	_ =	shalt  }
0x60: {  	_ =	shalt  }
0x61: {  	_ =	shalt  }
0x62: {  	_ =	shalt  }
0x63: {  	_ =	shalt  }
0x64: {  	_ =	shalt  }
0x65: {  	_ =	shalt  }
0x66: {  	_ =	shalt  }
0x67: {  	_ =	shalt  }
0x68: {  	_ =	shalt  }
0x69: {  	_ =	shalt  }
0x6a: {  	_ =	shalt  }
0x6b: {  	_ =	shalt  }
0x6c: {  	_ =	shalt  }
0x6d: {  	_ =	shalt  }
0x6e: {  	_ =	shalt  }
0x6f: {  	_ =	shalt  }
0x70: {  	_ =	shalt  }
0x71: {  	_ =	shalt  }
0x72: {  	_ =	shalt  }
0x73: {  	_ =	shalt  }
0x74: {  	_ =	shalt  }
0x75: {  	_ =	shalt  }
0x76: {  	_ =	shalt  }
0x77: {  	_ =	shalt  }
0x78: {  	_ =	shalt  }
0x79: {  	_ =	shalt  }
0x7a: {  	_ =	shalt  }
0x7b: {  	_ =	shalt  }
0x7c: {  	_ =	shalt  }
0x7d: {  	_ =	shalt  }
0x7e: {  	_ =	shalt  }
0x7f: {  	_ =	shalt  }
0x80: {  	_ =	shalt  }
0x81: {  	_ =	shalt  }
0x82: {  	_ =	shalt  }
0x83: {  	_ =	shalt  }
0x84: {  	_ =	shalt  }
0x85: {  	_ =	shalt  }
0x86: {  	_ =	shalt  }
0x87: {  	_ =	shalt  }
.Lfunc_end0:
.L_simem_size_0:
called_computation_lowered:
.L_overlay_start_0:
0x88: {  	s2 =	sld [smem:$0x3FD9]  }
0x89: {  	s3 =	sld [smem:$0x3FFE];
	_ =	sdelay $0x1  }
0x8a: {  	s1 =	srdreg.scid  }
0x8b: {  	s0 =	sand.u32 $0x1, s1  }
0x8c: {  	s18 =	sshll.u32 s0, $0xA;
	s2 =	sadd.s32 s3, s2  }
0x8d: {  	s2 =	sadd.s32 s2, s18  }
0x8e: {  	[smem:$0x3FC6] =	sst s2  }
0x8f: {  	_ = 	snop  }
0x90: {  	s2 =	sld [smem:$0x3FC9]  }
0x91: {  	s19 =	sld [smem:$0x3FC8]  }
0x92: {  	s4 =	sld [smem:$0x3FD0];
	(tm) =	ssettm $0x1  }
0x93: {  	s5 =	sld [smem:$0x3FFB];
	_ =	sdelay $0x3  }
0x94: {  	_ =	strace s5  }
0x95: {  	s5 =	sld [smem:$0x3FFC];
	_ =	sdelay $0x3  }
0x96: {  	_ =	strace s5  }
0x97: {  	s5 =	sld [smem:$0x3FFD];
	_ =	sdelay $0x3  }
0x98: {  	_ =	strace s5  }
0x99: {  	_ =	strace $0x8FFFFFFF  }
0x9a: {  	s20 =	sld [smem:$0x3FDB];
	_ =	sdelay $0x1  }
0x9b: {  	s6 =	simm.s32 $_scs_section_size  }
0x9c: {  	s7 =	simm.s32 $_size__tile_overlayer_lowered;
	s8 =	simm.s32 $_tile_overlayer_lowered  }
0x9d: {  	s23 =	simm.s32 $0x1BFF;
	s22 =	sshll.u32 s8, $0x1;
	s5 =	sadd.s32 s6, s20  }
0x9e: {  	s9 =	simm.s32 $0x0;
	s21 =	sshll.u32 s7, $0x1;
	s7 =	sadd.s32 s22, s5  }
0x9f: {  	[timem:s9], [sflag:s23] =	dma.local [hbm:s7], s21  }
0xa0: {  	_ =	swait.ge [sflag:s23], s21  }
0xa1: {  	s6 =	ssub.s32 $0x0, s21;
	[sflag:s23] =	ssyncset.done $0x0  }
0xa2: {  	[sflag:s23] =	ssyncadd.s32 s6;
	_ =	sdelay $0x1  }
0xa3: {  	s24 =	simm.s32 $0x1B8B  }
0xa4: {  	_ =	swait.ge [sflag:s24], $0x1  }
0xa5: {  	[sflag:s24] =	ssyncset.done $0x0  }
0xa6: {  	s25 =	simm.s32 $0x1B8E;
	[sflag:s24] =	ssyncadd.s32 $0xFFFFFFFF  }
0xa7: {  	s26 =	simm.s32 $execute0_lowered;
	[smem:$0x3FD2] =	sst s25  }
0xa8: {  	s6 =	sshll.u32 s26, $0x1;
	_ =	strace $0x80000046;
	[dreg:$0x1] =	wrdreg $0xFFFFFFFF  }
0xa9: {  	s28 =	simm.s32 $_size_execute0_lowered;
	s5 =	sadd.s32 s5, s6;
	[dreg:$0x0] =	wrdreg $0x0  }
0xaa: {  	s6 =	sshll.u32 s28, $0x1;
	[dreg:$0x2] =	wrdreg s5  }
0xab: {  	[dreg:$0x3] =	wrdreg s6  }
0xac: {  	[dreg:$0x4] =	wrdreg $0xC0  }
0xad: {  	_ =	task [dreg:s9], $0x5FFFF  }
0xae: {  	[dreg:$0x1] =	wrdreg $0xFFFFFFFF  }
0xaf: {  	[dreg:$0x0] =	wrdreg $0x60  }
0xb0: {  	[dreg:$0x2] =	wrdreg s2  }
0xb1: {  	[dreg:$0x3] =	wrdreg s19  }
0xb2: {  	[dreg:$0x4] =	wrdreg s4  }
0xb3: {  	[dreg:$0x5] =	wrdreg $0x9  }
0xb4: {  	_ =	task.clear_ibuf [dreg:s9], $0x6FFFF;
	_ =	strace $0x90000046  }
0xb5: {  	s29 =	simm.s32 $0x9;
	_ =	strace $0x80000048  }
0xb6: {  	_ =	swait.ge [sflag:s29], $0x1  }
0xb7: {  	[sflag:s29] =	ssyncadd.s32 $0xFFFFFFFF  }
0xb8: {  	_ =	strace $0x90000048  }
0xb9: {  	_ =	sfence  }
0xba: {  	s30 =	sld [smem:$0x0];
	_ =	sdelay $0x2  }
0xbb: {  	s31 =	sshll.u32 s1, $0xD;
	s1 =	sshrl.u32 s1, $0x2  }
0xbc: {  	s3 =	sand.u32 $0x4000, s31;
	s1 =	sadd.s32 s1, s30  }
0xbd: {  	s0 =	sor.u32 s3, s0;
	s1 =	sshll.u32 s1, $0x11  }
0xbe: {  	s0 =	sor.u32 s1, s0  }
0xbf: {  	s0 =	sadd.s32 $0x8F2B, s0  }
0xc0: {  	[sflag:s0] =	ssyncadd.remote.s32 $0x1  }
0xc1: {  	_ =	sfence.sel $0xFFFF  }
0xc2: {  	[dreg:$0x0] =	wrdreg $0xFFFFFFFF;
	(pc) =	sbr.abs _section_cstart, $3  }
0xc3: {  	[dreg:$0x1] =	wrdreg $0xFFFFFFFF  }
0xc4: {  	_ =	task.clear_ibuf [dreg:s9], $0x2FFFF;
	_ =	strace $0x9FFFFFFF  }
0xc5: {  	(tm) =	ssettm $0x7FFFFFFF  }
tec
execute0_lowered:
.L_overlay_start_1:
0x0: {  	(tag) =	ssettag $0x1  }
0x1: {  	v1 =	vimm.f32 $-1.500000000e+01;
	vm0 =	vcmask $0x300  }
0x2: {  	v0 =	vlaneseq.u32;
	vm1 =	vcmask $0x704;
	vm2 =	vcmask $0xB08  }
0x3: {  	vm3 =	vcmask $0xF0C;
	v3 =	vimm.f32 $-3.100000000e+01;
	vm4 =	vcmask $0x1310  }
0x4: {  	vm13 =	vcmask $0x1714;
	vm14 =	vcmask $0x1B18;
	vm15 =	vcmask $0x1F1C  }
0x5: {  	vm8 =	vcmask $0x2320;
	v2 =	vsel vm0, $0x80000000, v1;
	v3 =	vsel vm0, $0xC1800000, v3  }
0x6: {  	vm9 =	vcmask $0x2724;
	v2 =	vsel vm1, $0xBF800000, v2;
	v3 =	vsel vm1, $0xC1880000, v3  }
0x7: {  	s0 =	rddreg [dreg:$0x0];
	vm10 =	vcmask $0x2B28;
	v2 =	vsel vm2, $0xC0000000, v2;
	v3 =	vsel vm2, $0xC1900000, v3  }
0x8: {  	s1 =	rddreg [dreg:$0x2];
	s2 =	simm.s32 $0x0;
	s3 =	srdreg.scid;
	vm11 =	vcmask $0x2F2C;
	v2 =	vsel vm3, $0xC0400000, v2;
	v3 =	vsel vm3, $0xC1980000, v3  }
0x9: {  	s5 =	stileid.u32;
	vm12 =	vcmask $0x3330;
	s13 =	simm.s32 $0x400;
	s14 =	simm.s32 $0x20000;
	v2 =	vsel vm4, $0xC0800000, v2;
	v3 =	vsel vm4, $0xC1A00000, v3  }
0xa: {  	v4 =	vimm.s32 $0x13121110;
	s15 =	simm.s32 $0x19000;
	s16 =	simm.s32 $0x5;
	s18 =	simm.s32 $0x1;
	v2 =	vsel vm13, $0xC0A00000, v2;
	v3 =	vsel vm13, $0xC1A80000, v3  }
0xb: {  	v5 =	vimm.s32 $0x13131211;
	s19 =	simm.s32 $0x19080;
	s20 =	simm.s32 $0x19100;
	s22 =	simm.s32 $0x2;
	v2 =	vsel vm14, $0xC0C00000, v2;
	v3 =	vsel vm14, $0xC1B00000, v3  }
0xc: {  	s24 =	simm.s32 $0x3;
	s25 =	simm.s32 $0x4;
	v1 =	vadd.s32 $0x1, v0;
	s3 =	sand.u32 $0x1, s3;
	v2 =	vsel vm15, $0xC0E00000, v2;
	v3 =	vsel vm15, $0xC1B80000, v3  }
0xd: {  	s26 =	simm.s32 $0x0;
	[smem:$0x7FF] =	sst s2;
	v4 =	vunpack.c.0.s8.s32 v4;
	s4 =	ssub.s32 $0x2, s3;
	v2 =	vsel vm8, $0xC1000000, v2;
	v3 =	vsel vm8, $0xC1C00000, v3  }
0xe: {  	s5 =	sshll.u32 s5, $0xA;
	v5 =	vunpack.c.0.s8.s32 v5;
	s3 =	sshll.u32 s3, $0x9;
	s6 =	sshrl.u32 s4, $0x1;
	v2 =	vsel vm9, $0xC1100000, v2;
	v3 =	vsel vm9, $0xC1C80000, v3  }
0xf: {  	_ =	strace $0x80000047;
	s3 =	sor.u32 s3, s5;
	s12 =	ssub.s32 s4, s6;
	vm13 =	vcmask $0x3734;
	v2 =	vsel vm10, $0xC1200000, v2;
	v3 =	vsel vm10, $0xC1D00000, v3  }
0x10: {  	s4 =	sadd.s32 s0, s3;
	s8 =	sor.u32 $0x80, s3;
	s6 =	sadd.s32 s1, s3;
	vm14 =	vcmask $0x3B38;
	v2 =	vsel vm11, $0xC1300000, v2;
	v3 =	vsel vm11, $0xC1D80000, v3  }
0x11: {  	s10 =	sor.u32 $0x100, s3;
	s3 =	sor.u32 $0x180, s3;
	s5 =	sadd.s32 s0, s8;
	vm15 =	vcmask $0xF00;
	v2 =	vsel vm12, $0xC1400000, v2;
	v3 =	vsel vm12, $0xC1E00000, v3  }
0x12: {  	s7 =	sadd.s32 s0, s10;
	s8 =	sadd.s32 s1, s8;
	s9 =	sadd.s32 s0, s3;
	v2 =	vsel vm13, $0xC1500000, v2;
	v6 =	vsel vm13, $0xC1E80000, v3;
	v3 =	vnsel vm15, $0x13, v4  }
0x13: {  	s10 =	sadd.s32 s1, s10;
	s11 =	sadd.s32 s1, s3;
	s12 =	smax.u32 s12, $0x1;
	v4 =	vnsel vm15, $0x13, v5;
	v2 =	vsel vm14, $0xC1600000, v2;
	v5 =	vsel vm14, $0xC1F00000, v6  }
.LBB2_1:
0x14: {  	[tilespmem:s2], [sflag:$0x1] =	stream.strided.gather [hbm4b:s4+s13], $0x6400, s14, s13, $0x38;
	[tilespmem:$0x19180] =	vst v63  }
0x15: {  	s0 =	rddreg [dreg:$0x1]  }
0x16: {  	[tilespmem:s15], [sflag:$0x5] =	stream.linear.gather [hbm4b:s0+s2], $0x80, $0x38;
	[tilespmem:$0x19180] =	vst v63  }
0x17: {  	_ =	swait.ge [sflag:s16], $0x80  }
0x18: {  	[sflag:s16] =	ssyncset.done $0x0  }
0x19: {  	[sflag:s16] =	ssyncadd.s32 $0xFFFFFF80  }
0x1a: {  	v6 =	vld.idx.msk [tilespmem:v0+s15+$0x0], $0xffff  }
0x1b: {  	v7 =	vld.idx.msk [tilespmem:v1+s15+$0x0], $0xffff;
	_ =	sdelay $0x4  }
0x1c: {  	v7 =	vsub.f32 v7, v6;
	_ =	sdelay $0x1  }
0x1d: {  	v8 =	vmul.f32 v2, v7;
	_ =	sdelay $0x1  }
0x1e: {  	v6 =	vadd.f32 v8, v6  }
0x1f: {  	[tilespmem:$0x19100] =	vst v7  }
0x20: {  	[tilespmem:$0x19080] =	vst v6  }
0x21: {  	v6 =	vld.idx.msk [tilespmem:v3+s15+$0x0], $0xffff  }
0x22: {  	v7 =	vld.idx.msk [tilespmem:v4+s15+$0x0], $0xffff;
	_ =	sdelay $0x4  }
0x23: {  	v7 =	vsub.f32 v7, v6;
	_ =	sdelay $0x1  }
0x24: {  	v8 =	vmul.f32 v5, v7;
	_ =	sdelay $0x1  }
0x25: {  	v6 =	vadd.f32 v8, v6  }
0x26: {  	[tilespmem:$0x19110] =	vst v7  }
0x27: {  	s21 =	simm.s32 $0x6400;
	[tilespmem:$0x19090] =	vst v6  }
0x28: {  	[tilespmem:s21], [sflag:$0x2] =	stream.strided.gather [hbm4b:s5+s13], $0x6400, s14, s13, $0x38;
	[tilespmem:$0x19180] =	vst v63  }
0x29: {  	_ =	swait.ge [sflag:s18], $0x6400  }
0x2a: {  	[sflag:s18] =	ssyncset.done $0x0  }
0x2b: {  	s23 =	simm.s32 $0x100;
	[sflag:s18] =	ssyncadd.s32 $0xFFFF9C00  }
0x2c: {  	v6 =	vld [tilespmem:s23+$0x80];
	_ =	sdelay $0x4  }
0x2d: {  	v6 =	vmul.f32 $1.899999980e+00, v6;
	_ =	sdelay $0x1  }
0x2e: {  	v6 =	vadd.f32 $9.500000000e+00, v6;
	_ =	sdelay $0x1  }
0x2f: {  	v6 =	vmax.f32 v6, $0.0e+00  }
0x30: {  	v6 =	vmin.f32 v6, $1.900000000e+01  }
0x31: {  	v7 =	vtrunc.f32 v6  }
0x32: {  	v7 =	vcvt.f32.s32 v7;
	_ =	sdelay $0x5  }
0x33: {  	v8 =	vld.idx.msk [tilespmem:v7+s20+$0x0], $0xffff;
	_ =	sdelay $0x1  }
0x34: {  	v7 =	vld.idx.msk [tilespmem:v7+s19+$0x0], $0xffff;
	_ =	sdelay $0x2  }
0x35: {  	v9 =	vld [tilespmem:s23+$0xFFFFFF00];
	v6 =	vmul.f32 v6, v8  }
0x36: {  	v8 =	vld [tilespmem:s23+$0xFFFFFF80]  }
0x37: {  	v6 =	vadd.f32 v6, v7  }
0x38: {  	s28 =	simm.s32 $0xC900  }
0x39: {  	[tilespmem:s28+$0x80] =	vst v6  }
0x3a: {  	v6 =	vld [tilespmem:s23+$0x90]  }
0x3b: {  	v9 =	vmul.f32 $1.899999980e+00, v9;
	v8 =	vmul.f32 $1.899999980e+00, v8;
	_ =	sdelay $0x1  }
0x3c: {  	v9 =	vadd.f32 $9.500000000e+00, v9;
	v7 =	vld [tilespmem:s23+$0x0];
	v8 =	vadd.f32 $9.500000000e+00, v8;
	_ =	sdelay $0x1  }
0x3d: {  	v9 =	vmax.f32 v9, $0.0e+00;
	v8 =	vmax.f32 v8, $0.0e+00;
	v6 =	vmul.f32 $1.899999980e+00, v6  }
0x3e: {  	v9 =	vmin.f32 v9, $1.900000000e+01;
	v8 =	vmin.f32 v8, $1.900000000e+01  }
0x3f: {  	v11 =	vtrunc.f32 v9;
	v10 =	vtrunc.f32 v8;
	v6 =	vadd.f32 $9.500000000e+00, v6  }
0x40: {  	v7 =	vmul.f32 $1.899999980e+00, v7;
	v10 =	vcvt.f32.s32 v10  }
0x41: {  	v11 =	vcvt.f32.s32 v11;
	v6 =	vmax.f32 v6, $0.0e+00  }
0x42: {  	v7 =	vadd.f32 $9.500000000e+00, v7;
	v6 =	vmin.f32 v6, $1.900000000e+01  }
0x43: {  	v12 =	vtrunc.f32 v6  }
0x44: {  	v7 =	vmax.f32 v7, $0.0e+00;
	v12 =	vcvt.f32.s32 v12  }
0x45: {  	v7 =	vmin.f32 v7, $1.900000000e+01  }
0x46: {  	v13 =	vtrunc.f32 v7;
	v14 =	vld.idx.msk [tilespmem:v10+s20+$0x0], $0xffff  }
0x47: {  	v15 =	vld.idx.msk [tilespmem:v11+s20+$0x0], $0xffff;
	v13 =	vcvt.f32.s32 v13  }
0x48: {  	v10 =	vld.idx.msk [tilespmem:v10+s19+$0x0], $0xffff  }
0x49: {  	v11 =	vld.idx.msk [tilespmem:v11+s19+$0x0], $0xffff  }
0x4a: {  	v16 =	vld.idx.msk [tilespmem:v12+s20+$0x0], $0xffff  }
0x4b: {  	v8 =	vmul.f32 v8, v14  }
0x4c: {  	v12 =	vld.idx.msk [tilespmem:v12+s19+$0x0], $0xffff  }
0x4d: {  	v9 =	vmul.f32 v9, v15;
	v15 =	vld.idx.msk [tilespmem:v13+s20+$0x0], $0xffff;
	v8 =	vadd.f32 v8, v10;
	_ =	sdelay $0x1  }
0x4e: {  	v9 =	vadd.f32 v9, v11;
	v11 =	vld.idx.msk [tilespmem:v13+s19+$0x0], $0xffff;
	[tilespmem:s28+$0xFFFFFF80] =	vst v8;
	v6 =	vmul.f32 v6, v16  }
0x4f: {  	v8 =	vld [tilespmem:s23+$0xFFFFFF90]  }
0x50: {  	[tilespmem:s28+$0xFFFFFF00] =	vst v9;
	v6 =	vadd.f32 v6, v12  }
0x51: {  	v9 =	vld [tilespmem:s23+$0xFFFFFF10];
	v7 =	vmul.f32 v7, v15  }
0x52: {  	[tilespmem:s28+$0x90] =	vst v6  }
0x53: {  	v6 =	vadd.f32 v7, v11;
	v7 =	vld [tilespmem:s23+$0xA0]  }
0x54: {  	v8 =	vmul.f32 $1.899999980e+00, v8  }
0x55: {  	[tilespmem:s28+$0x0] =	vst v6  }
0x56: {  	v6 =	vmul.f32 $1.899999980e+00, v9;
	v9 =	vld [tilespmem:s23+$0x10];
	v8 =	vadd.f32 $9.500000000e+00, v8;
	_ =	sdelay $0x1  }
0x57: {  	v6 =	vadd.f32 $9.500000000e+00, v6;
	v8 =	vmax.f32 v8, $0.0e+00;
	v7 =	vmul.f32 $1.899999980e+00, v7  }
0x58: {  	v8 =	vmin.f32 v8, $1.900000000e+01  }
0x59: {  	v6 =	vmax.f32 v6, $0.0e+00;
	v11 =	vtrunc.f32 v8;
	v7 =	vadd.f32 $9.500000000e+00, v7  }
0x5a: {  	v6 =	vmin.f32 v6, $1.900000000e+01;
	v9 =	vmul.f32 $1.899999980e+00, v9;
	v11 =	vcvt.f32.s32 v11  }
0x5b: {  	v10 =	vtrunc.f32 v6;
	v7 =	vmax.f32 v7, $0.0e+00  }
0x5c: {  	v10 =	vcvt.f32.s32 v10;
	v9 =	vadd.f32 $9.500000000e+00, v9;
	v7 =	vmin.f32 v7, $1.900000000e+01  }
0x5d: {  	v12 =	vtrunc.f32 v7  }
0x5e: {  	v9 =	vmax.f32 v9, $0.0e+00;
	v12 =	vcvt.f32.s32 v12  }
0x5f: {  	v9 =	vmin.f32 v9, $1.900000000e+01  }
0x60: {  	v13 =	vtrunc.f32 v9;
	v15 =	vld.idx.msk [tilespmem:v11+s20+$0x0], $0xffff  }
0x61: {  	v11 =	vld.idx.msk [tilespmem:v11+s19+$0x0], $0xffff;
	v13 =	vcvt.f32.s32 v13  }
0x62: {  	v14 =	vld.idx.msk [tilespmem:v10+s20+$0x0], $0xffff  }
0x63: {  	v10 =	vld.idx.msk [tilespmem:v10+s19+$0x0], $0xffff  }
0x64: {  	v16 =	vld.idx.msk [tilespmem:v12+s20+$0x0], $0xffff;
	_ =	sdelay $0x1  }
0x65: {  	v12 =	vld.idx.msk [tilespmem:v12+s19+$0x0], $0xffff;
	v8 =	vmul.f32 v8, v15  }
0x66: {  	v6 =	vmul.f32 v6, v14;
	v17 =	vld.idx.msk [tilespmem:v13+s20+$0x0], $0xffff  }
0x67: {  	v8 =	vadd.f32 v8, v11  }
0x68: {  	v13 =	vld.idx.msk [tilespmem:v13+s19+$0x0], $0xffff;
	v6 =	vadd.f32 v6, v10;
	v7 =	vmul.f32 v7, v16  }
0x69: {  	[tilespmem:s28+$0xFFFFFF90] =	vst v8  }
0x6a: {  	[tilespmem:s28+$0xFFFFFF10] =	vst v6;
	v8 =	vld [tilespmem:s23+$0xFFFFFFA0];
	v6 =	vadd.f32 v7, v12  }
0x6b: {  	v7 =	vmul.f32 v9, v17  }
0x6c: {  	v9 =	vld [tilespmem:s23+$0xFFFFFF20];
	[tilespmem:s28+$0xA0] =	vst v6  }
0x6d: {  	v6 =	vadd.f32 v7, v13;
	v7 =	vld [tilespmem:s23+$0xB0];
	_ =	sdelay $0x1  }
0x6e: {  	v8 =	vmul.f32 $1.899999980e+00, v8  }
0x6f: {  	[tilespmem:s28+$0x10] =	vst v6  }
0x70: {  	v6 =	vld [tilespmem:s23+$0x20];
	v9 =	vmul.f32 $1.899999980e+00, v9;
	v8 =	vadd.f32 $9.500000000e+00, v8  }
0x71: {  	v7 =	vmul.f32 $1.899999980e+00, v7  }
0x72: {  	s30 =	simm.s32 $0x300;
	v9 =	vadd.f32 $9.500000000e+00, v9;
	v8 =	vmax.f32 v8, $0.0e+00  }
0x73: {  	v11 =	vld [tilespmem:s30+$0x80];
	v8 =	vmin.f32 v8, $1.900000000e+01;
	v7 =	vadd.f32 $9.500000000e+00, v7  }
0x74: {  	v9 =	vmax.f32 v9, $0.0e+00;
	v12 =	vtrunc.f32 v8  }
0x75: {  	v6 =	vmul.f32 $1.899999980e+00, v6;
	v9 =	vmin.f32 v9, $1.900000000e+01;
	v7 =	vmax.f32 v7, $0.0e+00  }
0x76: {  	v12 =	vcvt.f32.s32 v12;
	v10 =	vtrunc.f32 v9;
	v7 =	vmin.f32 v7, $1.900000000e+01  }
0x77: {  	v10 =	vcvt.f32.s32 v10;
	v13 =	vtrunc.f32 v7  }
0x78: {  	v15 =	vld [tilespmem:s30+$0x0];
	v11 =	vmul.f32 $1.899999980e+00, v11;
	v13 =	vcvt.f32.s32 v13  }
0x79: {  	v6 =	vadd.f32 $9.500000000e+00, v6  }
0x7a: {  	v14 =	vld [tilespmem:s30+$0xFFFFFF80];
	v11 =	vadd.f32 $9.500000000e+00, v11  }
0x7b: {  	v16 =	vld [tilespmem:s30+$0xFFFFFF00];
	v6 =	vmax.f32 v6, $0.0e+00  }
0x7c: {  	v11 =	vmax.f32 v11, $0.0e+00;
	v6 =	vmin.f32 v6, $1.900000000e+01;
	v19 =	vld.idx.msk [tilespmem:v12+s20+$0x0], $0xffff  }
0x7d: {  	v15 =	vmul.f32 $1.899999980e+00, v15;
	v11 =	vmin.f32 v11, $1.900000000e+01;
	v18 =	vtrunc.f32 v6;
	v17 =	vld.idx.msk [tilespmem:v10+s20+$0x0], $0xffff  }
0x7e: {  	v21 =	vtrunc.f32 v11;
	v18 =	vcvt.f32.s32 v18;
	v20 =	vld.idx.msk [tilespmem:v13+s20+$0x0], $0xffff  }
0x7f: {  	v14 =	vmul.f32 $1.899999980e+00, v14;
	v21 =	vcvt.f32.s32 v21;
	v10 =	vld.idx.msk [tilespmem:v10+s19+$0x0], $0xffff  }
0x80: {  	v16 =	vmul.f32 $1.899999980e+00, v16;
	v13 =	vld.idx.msk [tilespmem:v13+s19+$0x0], $0xffff  }
0x81: {  	v15 =	vadd.f32 $9.500000000e+00, v15;
	v14 =	vadd.f32 $9.500000000e+00, v14  }
0x82: {  	v16 =	vadd.f32 $9.500000000e+00, v16;
	v9 =	vmul.f32 v9, v17  }
0x83: {  	v15 =	vmax.f32 v15, $0.0e+00;
	v14 =	vmax.f32 v14, $0.0e+00;
	v12 =	vld.idx.msk [tilespmem:v12+s19+$0x0], $0xffff;
	v7 =	vmul.f32 v7, v20  }
0x84: {  	v14 =	vmin.f32 v14, $1.900000000e+01;
	v16 =	vmax.f32 v16, $0.0e+00;
	v17 =	vld.idx.msk [tilespmem:v18+s20+$0x0], $0xffff;
	v9 =	vadd.f32 v9, v10  }
0x85: {  	v8 =	vmul.f32 v8, v19;
	v19 =	vtrunc.f32 v14;
	v20 =	vld.idx.msk [tilespmem:v21+s20+$0x0], $0xffff;
	v7 =	vadd.f32 v7, v13  }
0x86: {  	v15 =	vmin.f32 v15, $1.900000000e+01;
	v16 =	vmin.f32 v16, $1.900000000e+01;
	[tilespmem:s28+$0xFFFFFF20] =	vst v9;
	v13 =	vld.idx.msk [tilespmem:v18+s19+$0x0], $0xffff;
	v18 =	vcvt.f32.s32 v19  }
0x87: {  	v10 =	vtrunc.f32 v15;
	v9 =	vld.idx.msk [tilespmem:v21+s19+$0x0], $0xffff;
	v19 =	vtrunc.f32 v16;
	[tilespmem:s28+$0xB0] =	vst v7  }
0x88: {  	v19 =	vcvt.f32.s32 v19;
	v7 =	vadd.f32 v8, v12;
	v8 =	vcvt.f32.s32 v10;
	v10 =	vld [tilespmem:s23+$0xC0];
	_ =	sdelay $0x1  }
0x89: {  	[tilespmem:s28+$0xFFFFFFA0] =	vst v7;
	v7 =	vld [tilespmem:s23+$0xFFFFFF30]  }
0x8a: {  	v11 =	vmul.f32 v11, v20;
	v12 =	vld [tilespmem:s23+$0xFFFFFFB0]  }
0x8b: {  	v21 =	vld.idx.msk [tilespmem:v18+s20+$0x0], $0xffff  }
0x8c: {  	v6 =	vmul.f32 v6, v17;
	v9 =	vadd.f32 v11, v9;
	v17 =	vld.idx.msk [tilespmem:v18+s19+$0x0], $0xffff;
	v10 =	vmul.f32 $1.899999980e+00, v10  }
0x8d: {  	s29 =	simm.s32 $0xCB00;
	v20 =	vld.idx.msk [tilespmem:v19+s20+$0x0], $0xffff  }
0x8e: {  	v11 =	vld.idx.msk [tilespmem:v19+s19+$0x0], $0xffff;
	[tilespmem:s29+$0x80] =	vst v9;
	v7 =	vmul.f32 $1.899999980e+00, v7;
	v10 =	vadd.f32 $9.500000000e+00, v10  }
0x8f: {  	v9 =	vld [tilespmem:s30+$0x90]  }
0x90: {  	v6 =	vadd.f32 v6, v13;
	v22 =	vld.idx.msk [tilespmem:v8+s20+$0x0], $0xffff;
	v7 =	vadd.f32 $9.500000000e+00, v7;
	v10 =	vmax.f32 v10, $0.0e+00  }
0x91: {  	v12 =	vmul.f32 $1.899999980e+00, v12;
	v14 =	vmul.f32 v14, v21;
	v10 =	vmin.f32 v10, $1.900000000e+01  }
0x92: {  	[tilespmem:s28+$0x20] =	vst v6;
	v6 =	vmax.f32 v7, $0.0e+00;
	v7 =	vld.idx.msk [tilespmem:v8+s19+$0x0], $0xffff;
	v8 =	vmul.f32 v16, v20;
	v13 =	vtrunc.f32 v10  }
0x93: {  	v16 =	vld [tilespmem:s23+$0x30];
	v14 =	vadd.f32 v14, v17;
	v6 =	vmin.f32 v6, $1.900000000e+01;
	v13 =	vcvt.f32.s32 v13  }
0x94: {  	v9 =	vmul.f32 $1.899999980e+00, v9;
	v18 =	vtrunc.f32 v6;
	v8 =	vadd.f32 v8, v11  }
0x95: {  	v12 =	vadd.f32 $9.500000000e+00, v12;
	v11 =	vmul.f32 v15, v22;
	[tilespmem:s29+$0xFFFFFF80] =	vst v14;
	v15 =	vcvt.f32.s32 v18  }
0x96: {  	v14 =	vld [tilespmem:s30+$0xFFFFFF90];
	[tilespmem:s29+$0xFFFFFF00] =	vst v8  }
0x97: {  	v12 =	vmax.f32 v12, $0.0e+00;
	v9 =	vadd.f32 $9.500000000e+00, v9;
	v7 =	vadd.f32 v11, v7;
	v8 =	vld [tilespmem:s30+$0xFFFFFF10]  }
0x98: {  	v12 =	vmin.f32 v12, $1.900000000e+01;
	v11 =	vmul.f32 $1.899999980e+00, v16  }
0x99: {  	v16 =	vtrunc.f32 v12;
	[tilespmem:s29+$0x0] =	vst v7;
	v7 =	vmax.f32 v9, $0.0e+00;
	v9 =	vld.idx.msk [tilespmem:v13+s20+$0x0], $0xffff  }
0x9a: {  	v16 =	vcvt.f32.s32 v16;
	v11 =	vadd.f32 $9.500000000e+00, v11;
	v17 =	vld [tilespmem:s30+$0x10];
	v7 =	vmin.f32 v7, $1.900000000e+01  }
0x9b: {  	v14 =	vmul.f32 $1.899999980e+00, v14;
	v18 =	vtrunc.f32 v7;
	v19 =	vld.idx.msk [tilespmem:v15+s20+$0x0], $0xffff  }
0x9c: {  	v13 =	vld.idx.msk [tilespmem:v13+s19+$0x0], $0xffff;
	v11 =	vmax.f32 v11, $0.0e+00;
	v8 =	vmul.f32 $1.899999980e+00, v8;
	v18 =	vcvt.f32.s32 v18  }
0x9d: {  	v15 =	vld.idx.msk [tilespmem:v15+s19+$0x0], $0xffff;
	v11 =	vmin.f32 v11, $1.900000000e+01;
	v14 =	vadd.f32 $9.500000000e+00, v14  }
0x9e: {  	v20 =	vtrunc.f32 v11;
	v8 =	vadd.f32 $9.500000000e+00, v8  }
0x9f: {  	v14 =	vmax.f32 v14, $0.0e+00;
	v9 =	vmul.f32 v10, v9;
	v17 =	vmul.f32 $1.899999980e+00, v17  }
0xa0: {  	v10 =	vcvt.f32.s32 v20;
	v8 =	vmax.f32 v8, $0.0e+00;
	v6 =	vmul.f32 v6, v19  }
0xa1: {  	v9 =	vadd.f32 v9, v13;
	v13 =	vld.idx.msk [tilespmem:v16+s20+$0x0], $0xffff;
	v8 =	vmin.f32 v8, $1.900000000e+01;
	v17 =	vadd.f32 $9.500000000e+00, v17  }
0xa2: {  	v14 =	vmin.f32 v14, $1.900000000e+01;
	v19 =	vtrunc.f32 v8;
	v20 =	vld.idx.msk [tilespmem:v18+s20+$0x0], $0xffff;
	v6 =	vadd.f32 v6, v15  }
0xa3: {  	[tilespmem:s28+$0xC0] =	vst v9;
	v9 =	vtrunc.f32 v14;
	v19 =	vcvt.f32.s32 v19;
	v15 =	vmax.f32 v17, $0.0e+00;
	v17 =	vld.idx.msk [tilespmem:v18+s19+$0x0], $0xffff  }
0xa4: {  	v21 =	vld [tilespmem:s23+$0xD0];
	v9 =	vcvt.f32.s32 v9  }
0xa5: {  	v16 =	vld.idx.msk [tilespmem:v16+s19+$0x0], $0xffff  }
0xa6: {  	v15 =	vmin.f32 v15, $1.900000000e+01;
	[tilespmem:s28+$0xFFFFFF30] =	vst v6;
	v18 =	vld.idx.msk [tilespmem:v10+s20+$0x0], $0xffff  }
0xa7: {  	v6 =	vtrunc.f32 v15;
	v22 =	vld [tilespmem:s23+$0xFFFFFF40];
	v7 =	vmul.f32 v7, v20  }
0xa8: {  	v10 =	vld.idx.msk [tilespmem:v10+s19+$0x0], $0xffff;
	v6 =	vcvt.f32.s32 v6  }
0xa9: {  	v20 =	vmul.f32 $1.899999980e+00, v21;
	v21 =	vld.idx.msk [tilespmem:v19+s20+$0x0], $0xffff;
	v7 =	vadd.f32 v7, v17  }
0xaa: {  	v12 =	vmul.f32 v12, v13;
	v13 =	vld.idx.msk [tilespmem:v9+s20+$0x0], $0xffff  }
0xab: {  	v11 =	vmul.f32 v11, v18;
	v18 =	vld.idx.msk [tilespmem:v19+s19+$0x0], $0xffff;
	v17 =	vadd.f32 $9.500000000e+00, v20;
	[tilespmem:s29+$0x90] =	vst v7  }
0xac: {  	v7 =	vadd.f32 v12, v16;
	v16 =	vld [tilespmem:s30+$0xA0]  }
0xad: {  	v9 =	vld.idx.msk [tilespmem:v9+s19+$0x0], $0xffff;
	v17 =	vmax.f32 v17, $0.0e+00  }
0xae: {  	v12 =	vmul.f32 $1.899999980e+00, v22;
	v19 =	vld.idx.msk [tilespmem:v6+s20+$0x0], $0xffff;
	v17 =	vmin.f32 v17, $1.900000000e+01  }
0xaf: {  	v6 =	vld.idx.msk [tilespmem:v6+s19+$0x0], $0xffff;
	[tilespmem:s28+$0xFFFFFFB0] =	vst v7;
	v7 =	vadd.f32 v11, v10;
	v8 =	vmul.f32 v8, v21;
	v11 =	vtrunc.f32 v17  }
0xb0: {  	v10 =	vadd.f32 $9.500000000e+00, v12;
	v12 =	vld [tilespmem:s23+$0xFFFFFFC0];
	v13 =	vmul.f32 v14, v13;
	v11 =	vcvt.f32.s32 v11  }
0xb1: {  	[tilespmem:s28+$0x30] =	vst v7;
	v8 =	vadd.f32 v8, v18;
	v14 =	vmul.f32 $1.899999980e+00, v16  }
0xb2: {  	v7 =	vmax.f32 v10, $0.0e+00;
	v10 =	vld [tilespmem:s23+$0x40];
	v9 =	vadd.f32 v13, v9  }
0xb3: {  	v7 =	vmin.f32 v7, $1.900000000e+01;
	v15 =	vmul.f32 v15, v19;
	[tilespmem:s29+$0xFFFFFF10] =	vst v8;
	v8 =	vadd.f32 $9.500000000e+00, v14  }
0xb4: {  	v13 =	vtrunc.f32 v7;
	v14 =	vld [tilespmem:s30+$0xFFFFFF20];
	[tilespmem:s29+$0xFFFFFF90] =	vst v9  }
0xb5: {  	v12 =	vmul.f32 $1.899999980e+00, v12;
	v6 =	vadd.f32 v15, v6;
	v15 =	vld [tilespmem:s30+$0xFFFFFFA0];
	v8 =	vmax.f32 v8, $0.0e+00  }
0xb6: {  	v13 =	vcvt.f32.s32 v13;
	v9 =	vld.idx.msk [tilespmem:v11+s20+$0x0], $0xffff;
	v8 =	vmin.f32 v8, $1.900000000e+01  }
0xb7: {  	v10 =	vmul.f32 $1.899999980e+00, v10;
	v12 =	vadd.f32 $9.500000000e+00, v12;
	[tilespmem:s29+$0x10] =	vst v6;
	v6 =	vtrunc.f32 v8  }
0xb8: {  	v11 =	vld.idx.msk [tilespmem:v11+s19+$0x0], $0xffff;
	v6 =	vcvt.f32.s32 v6  }
0xb9: {  	v16 =	vld [tilespmem:s30+$0x20];
	v10 =	vadd.f32 $9.500000000e+00, v10;
	v12 =	vmax.f32 v12, $0.0e+00  }
0xba: {  	v12 =	vmin.f32 v12, $1.900000000e+01;
	v14 =	vmul.f32 $1.899999980e+00, v14  }
0xbb: {  	v10 =	vmax.f32 v10, $0.0e+00;
	v15 =	vmul.f32 $1.899999980e+00, v15;
	v9 =	vmul.f32 v17, v9  }
0xbc: {  	v18 =	vld.idx.msk [tilespmem:v13+s20+$0x0], $0xffff;
	v10 =	vmin.f32 v10, $1.900000000e+01;
	v14 =	vadd.f32 $9.500000000e+00, v14;
	v17 =	vtrunc.f32 v12  }
0xbd: {  	v13 =	vld.idx.msk [tilespmem:v13+s19+$0x0], $0xffff;
	v19 =	vtrunc.f32 v10;
	v9 =	vadd.f32 v9, v11;
	v11 =	vcvt.f32.s32 v17  }
0xbe: {  	v16 =	vmul.f32 $1.899999980e+00, v16;
	v15 =	vadd.f32 $9.500000000e+00, v15;
	v17 =	vcvt.f32.s32 v19;
	v19 =	vld.idx.msk [tilespmem:v6+s20+$0x0], $0xffff  }
0xbf: {  	v6 =	vld.idx.msk [tilespmem:v6+s19+$0x0], $0xffff;
	[tilespmem:s28+$0xD0] =	vst v9  }
0xc0: {  	v15 =	vmax.f32 v15, $0.0e+00;
	v9 =	vmax.f32 v14, $0.0e+00;
	v14 =	vadd.f32 $9.500000000e+00, v16;
	v16 =	vld [tilespmem:s23+$0xE0]  }
0xc1: {  	v7 =	vmul.f32 v7, v18;
	v15 =	vmin.f32 v15, $1.900000000e+01;
	v9 =	vmin.f32 v9, $1.900000000e+01  }
0xc2: {  	v20 =	vtrunc.f32 v15;
	v18 =	vtrunc.f32 v9  }
0xc3: {  	v18 =	vcvt.f32.s32 v18;
	v21 =	vld.idx.msk [tilespmem:v11+s20+$0x0], $0xffff;
	v8 =	vmul.f32 v8, v19  }
0xc4: {  	v7 =	vadd.f32 v7, v13;
	v20 =	vcvt.f32.s32 v20;
	v14 =	vmax.f32 v14, $0.0e+00;
	v19 =	vld.idx.msk [tilespmem:v17+s20+$0x0], $0xffff  }
0xc5: {  	v14 =	vmin.f32 v14, $1.900000000e+01;
	v11 =	vld.idx.msk [tilespmem:v11+s19+$0x0], $0xffff;
	v13 =	vmul.f32 $1.899999980e+00, v16;
	v6 =	vadd.f32 v8, v6  }
0xc6: {  	[tilespmem:s28+$0xFFFFFF40] =	vst v7;
	v22 =	vtrunc.f32 v14;
	v8 =	vld.idx.msk [tilespmem:v17+s19+$0x0], $0xffff  }
0xc7: {  	v16 =	vcvt.f32.s32 v22;
	v7 =	vadd.f32 $9.500000000e+00, v13;
	v13 =	vld [tilespmem:s23+$0xFFFFFF50];
	[tilespmem:s29+$0xA0] =	vst v6  }
0xc8: {  	v6 =	vld [tilespmem:s30+$0xB0]  }
0xc9: {  	v17 =	vld.idx.msk [tilespmem:v18+s20+$0x0], $0xffff;
	v12 =	vmul.f32 v12, v21  }
0xca: {  	v21 =	vld.idx.msk [tilespmem:v20+s20+$0x0], $0xffff;
	v7 =	vmax.f32 v7, $0.0e+00  }
0xcb: {  	v7 =	vmin.f32 v7, $1.900000000e+01;
	v11 =	vadd.f32 v12, v11;
	v12 =	vld.idx.msk [tilespmem:v18+s19+$0x0], $0xffff  }
0xcc: {  	v18 =	vld.idx.msk [tilespmem:v20+s19+$0x0], $0xffff;
	v22 =	vtrunc.f32 v7  }
0xcd: {  	s1 =	simm.s32 $0x500;
	v23 =	vld.idx.msk [tilespmem:v16+s20+$0x0], $0xffff;
	v22 =	vcvt.f32.s32 v22  }
0xce: {  	v20 =	vld [tilespmem:s1+$0x80]  }
0xcf: {  	[tilespmem:s28+$0xFFFFFFC0] =	vst v11;
	v11 =	vld.idx.msk [tilespmem:v16+s19+$0x0], $0xffff;
	v6 =	vmul.f32 $1.899999980e+00, v6  }
0xd0: {  	v10 =	vmul.f32 v10, v19;
	v16 =	vld [tilespmem:s23+$0xFFFFFFD0]  }
0xd1: {  	v13 =	vmul.f32 $1.899999980e+00, v13;
	v9 =	vmul.f32 v9, v17;
	v17 =	vld [tilespmem:s1+$0xFFFFFF80];
	v6 =	vadd.f32 $9.500000000e+00, v6  }
0xd2: {  	v14 =	vmul.f32 v14, v23;
	v23 =	vld [tilespmem:s1+$0x0]  }
0xd3: {  	v8 =	vadd.f32 v10, v8;
	v13 =	vadd.f32 $9.500000000e+00, v13;
	v6 =	vmax.f32 v6, $0.0e+00;
	v24 =	vld.idx.msk [tilespmem:v22+s20+$0x0], $0xffff  }
0xd4: {  	v15 =	vmul.f32 v15, v21;
	v9 =	vadd.f32 v9, v12;
	v6 =	vmin.f32 v6, $1.900000000e+01;
	v21 =	vld.idx.msk [tilespmem:v22+s19+$0x0], $0xffff  }
0xd5: {  	v20 =	vmul.f32 $1.899999980e+00, v20;
	v13 =	vmax.f32 v13, $0.0e+00;
	v22 =	vld [tilespmem:s1+$0xFFFFFF00];
	v19 =	vtrunc.f32 v6  }
0xd6: {  	v13 =	vmin.f32 v13, $1.900000000e+01;
	[tilespmem:s29+$0xFFFFFF20] =	vst v9;
	v9 =	vadd.f32 v15, v18;
	v19 =	vcvt.f32.s32 v19  }
0xd7: {  	v12 =	vtrunc.f32 v13;
	v15 =	vmul.f32 $1.899999980e+00, v17;
	v11 =	vadd.f32 v14, v11  }
0xd8: {  	v14 =	vld [tilespmem:s30+$0xFFFFFF30];
	v10 =	vcvt.f32.s32 v12;
	v12 =	vmul.f32 $1.899999980e+00, v16;
	v16 =	vadd.f32 $9.500000000e+00, v20  }
0xd9: {  	[tilespmem:s29+$0xFFFFFFA0] =	vst v9;
	v15 =	vadd.f32 $9.500000000e+00, v15;
	v9 =	vmul.f32 $1.899999980e+00, v23  }
0xda: {  	v16 =	vmax.f32 v16, $0.0e+00;
	v7 =	vmul.f32 v7, v24;
	v17 =	vmul.f32 $1.899999980e+00, v22  }
0xdb: {  	[tilespmem:s28+$0x40] =	vst v8;
	v16 =	vmin.f32 v16, $1.900000000e+01;
	v15 =	vmax.f32 v15, $0.0e+00;
	v8 =	vadd.f32 $9.500000000e+00, v9  }
0xdc: {  	v7 =	vadd.f32 v7, v21;
	v21 =	vtrunc.f32 v16;
	v17 =	vadd.f32 $9.500000000e+00, v17;
	v18 =	vld.idx.msk [tilespmem:v19+s20+$0x0], $0xffff  }
0xdd: {  	[tilespmem:s29+$0x20] =	vst v11;
	v15 =	vmin.f32 v15, $1.900000000e+01;
	v11 =	vmul.f32 $1.899999980e+00, v14;
	v9 =	vld.idx.msk [tilespmem:v19+s19+$0x0], $0xffff;
	v19 =	vcvt.f32.s32 v21  }
0xde: {  	v20 =	vld [tilespmem:s30+$0xFFFFFFB0];
	v8 =	vmax.f32 v8, $0.0e+00;
	v14 =	vmax.f32 v17, $0.0e+00;
	v17 =	vtrunc.f32 v15  }
0xdf: {  	v22 =	vld [tilespmem:s30+$0x30];
	[tilespmem:s28+$0xE0] =	vst v7;
	v7 =	vmin.f32 v8, $1.900000000e+01;
	v14 =	vmin.f32 v14, $1.900000000e+01;
	v17 =	vcvt.f32.s32 v17  }
0xe0: {  	v12 =	vadd.f32 $9.500000000e+00, v12;
	v23 =	vld.idx.msk [tilespmem:v10+s20+$0x0], $0xffff;
	v51 =	vtrunc.f32 v7;
	v8 =	vtrunc.f32 v14  }
0xe1: {  	v10 =	vld.idx.msk [tilespmem:v10+s19+$0x0], $0xffff;
	v8 =	vcvt.f32.s32 v8;
	v6 =	vmul.f32 v6, v18  }
0xe2: {  	v12 =	vmax.f32 v12, $0.0e+00;
	v21 =	vld [tilespmem:s23+$0x50];
	v24 =	vcvt.f32.s32 v51  }
0xe3: {  	v20 =	vmul.f32 $1.899999980e+00, v20;
	v6 =	vadd.f32 v6, v9;
	v9 =	vmin.f32 v12, $1.900000000e+01;
	v12 =	vld.idx.msk [tilespmem:v19+s20+$0x0], $0xffff  }
0xe4: {  	v11 =	vadd.f32 $9.500000000e+00, v11;
	v19 =	vld.idx.msk [tilespmem:v19+s19+$0x0], $0xffff  }
0xe5: {  	v20 =	vadd.f32 $9.500000000e+00, v20;
	v26 =	vld.idx.msk [tilespmem:v17+s20+$0x0], $0xffff;
	[tilespmem:s29+$0xB0] =	vst v6  }
0xe6: {  	v11 =	vmax.f32 v11, $0.0e+00;
	v22 =	vmul.f32 $1.899999980e+00, v22;
	v25 =	vtrunc.f32 v9;
	v52 =	vld [tilespmem:s30+$0xC0]  }
0xe7: {  	v11 =	vmin.f32 v11, $1.900000000e+01;
	v6 =	vcvt.f32.s32 v25;
	v27 =	vld.idx.msk [tilespmem:v8+s20+$0x0], $0xffff  }
0xe8: {  	v20 =	vmax.f32 v20, $0.0e+00;
	v28 =	vtrunc.f32 v11;
	v22 =	vadd.f32 $9.500000000e+00, v22;
	v30 =	vld.idx.msk [tilespmem:v24+s20+$0x0], $0xffff  }
0xe9: {  	v20 =	vmin.f32 v20, $1.900000000e+01;
	v28 =	vcvt.f32.s32 v28;
	v8 =	vld.idx.msk [tilespmem:v8+s19+$0x0], $0xffff;
	v12 =	vmul.f32 v16, v12  }
0xea: {  	v29 =	vtrunc.f32 v20;
	v21 =	vmul.f32 $1.899999980e+00, v21;
	v17 =	vld.idx.msk [tilespmem:v17+s19+$0x0], $0xffff;
	v16 =	vmax.f32 v22, $0.0e+00  }
0xeb: {  	v22 =	vcvt.f32.s32 v29;
	v15 =	vmul.f32 v15, v26;
	v12 =	vadd.f32 v12, v19;
	v19 =	vld.idx.msk [tilespmem:v24+s19+$0x0], $0xffff  }
0xec: {  	s31 =	simm.s32 $0xCD00;
	v18 =	vld [tilespmem:s23+$0xF0];
	v16 =	vmin.f32 v16, $1.900000000e+01;
	v25 =	vmul.f32 $1.899999980e+00, v52;
	v14 =	vmul.f32 v14, v27  }
0xed: {  	v21 =	vadd.f32 $9.500000000e+00, v21;
	v54 =	vtrunc.f32 v16;
	v7 =	vmul.f32 v7, v30;
	v53 =	vld.idx.msk [tilespmem:v6+s20+$0x0], $0xffff;
	[tilespmem:s31+$0x80] =	vst v12  }
0xee: {  	v55 =	vcvt.f32.s32 v54;
	v25 =	vadd.f32 $9.500000000e+00, v25;
	v12 =	vld [tilespmem:s1+$0x90];
	v8 =	vadd.f32 v14, v8  }
0xef: {  	v6 =	vld.idx.msk [tilespmem:v6+s19+$0x0], $0xffff;
	v15 =	vadd.f32 v15, v17;
	v17 =	vmax.f32 v21, $0.0e+00  }
0xf0: {  	v14 =	vld.idx.msk [tilespmem:v28+s20+$0x0], $0xffff;
	v25 =	vmax.f32 v25, $0.0e+00;
	[tilespmem:s31+$0xFFFFFF00] =	vst v8;
	v7 =	vadd.f32 v7, v19;
	v8 =	vmin.f32 v17, $1.900000000e+01  }
0xf1: {  	[tilespmem:s31+$0xFFFFFF80] =	vst v15;
	v21 =	vld.idx.msk [tilespmem:v22+s20+$0x0], $0xffff;
	v25 =	vmin.f32 v25, $1.900000000e+01;
	v15 =	vtrunc.f32 v8  }
0xf2: {  	v19 =	vld [tilespmem:s1+$0xFFFFFF10];
	v56 =	vtrunc.f32 v25;
	[tilespmem:s31+$0x0] =	vst v7;
	v7 =	vmul.f32 v13, v23  }
0xf3: {  	v57 =	vld [tilespmem:s1+$0xFFFFFF90];
	v17 =	vcvt.f32.s32 v56;
	v12 =	vmul.f32 $1.899999980e+00, v12  }
0xf4: {  	v9 =	vmul.f32 v9, v53;
	v15 =	vcvt.f32.s32 v15;
	v23 =	vld.idx.msk [tilespmem:v55+s20+$0x0], $0xffff  }
0xf5: {  	v13 =	vld [tilespmem:s1+$0x10];
	v7 =	vadd.f32 v7, v10;
	v10 =	vadd.f32 $9.500000000e+00, v12  }
0xf6: {  	v6 =	vadd.f32 v9, v6;
	v12 =	vld.idx.msk [tilespmem:v28+s19+$0x0], $0xffff  }
0xf7: {  	v9 =	vmul.f32 v11, v14;
	v11 =	vld.idx.msk [tilespmem:v22+s19+$0x0], $0xffff;
	v14 =	vmul.f32 $1.899999980e+00, v19;
	v10 =	vmax.f32 v10, $0.0e+00  }
0xf8: {  	v22 =	vld.idx.msk [tilespmem:v55+s19+$0x0], $0xffff;
	v19 =	vmul.f32 v20, v21;
	v10 =	vmin.f32 v10, $1.900000000e+01  }
0xf9: {  	v16 =	vmul.f32 v16, v23;
	v14 =	vadd.f32 $9.500000000e+00, v14;
	v20 =	vld.idx.msk [tilespmem:v17+s20+$0x0], $0xffff;
	v23 =	vtrunc.f32 v10  }
0xfa: {  	v21 =	vmul.f32 $1.899999980e+00, v57;
	v58 =	vld.idx.msk [tilespmem:v15+s20+$0x0], $0xffff;
	v23 =	vcvt.f32.s32 v23  }
0xfb: {  	[tilespmem:s28+$0xFFFFFF50] =	vst v7;
	v13 =	vmul.f32 $1.899999980e+00, v13;
	v17 =	vld.idx.msk [tilespmem:v17+s19+$0x0], $0xffff;
	v14 =	vmax.f32 v14, $0.0e+00;
	v7 =	vadd.f32 v9, v12  }
0xfc: {  	[tilespmem:s28+$0xFFFFFFD0] =	vst v6;
	v21 =	vadd.f32 $9.500000000e+00, v21;
	v6 =	vadd.f32 v19, v11;
	v11 =	vld [tilespmem:s23+$0xFFFFFF60];
	v12 =	vmin.f32 v14, $1.900000000e+01  }
0xfd: {  	v18 =	vmul.f32 $1.899999980e+00, v18;
	v19 =	vld [tilespmem:s23+$0xFFFFFFE0];
	v13 =	vadd.f32 $9.500000000e+00, v13;
	[tilespmem:s29+$0xFFFFFF30] =	vst v7;
	v7 =	vtrunc.f32 v12  }
0xfe: {  	v9 =	vld.idx.msk [tilespmem:v15+s19+$0x0], $0xffff;
	[tilespmem:s29+$0xFFFFFFB0] =	vst v6;
	v14 =	vmax.f32 v21, $0.0e+00;
	v6 =	vcvt.f32.s32 v7;
	v15 =	vmul.f32 v25, v20  }
0xff: {  	v18 =	vadd.f32 $9.500000000e+00, v18;
	v14 =	vmin.f32 v14, $1.900000000e+01;
	v13 =	vmax.f32 v13, $0.0e+00;
	v21 =	vld [tilespmem:s30+$0xFFFFFF40]  }
0x100: {  	v13 =	vmin.f32 v13, $1.900000000e+01;
	v20 =	vtrunc.f32 v14;
	v7 =	vadd.f32 v15, v17;
	v59 =	vld.idx.msk [tilespmem:v23+s20+$0x0], $0xffff  }
0x101: {  	v20 =	vcvt.f32.s32 v20;
	v15 =	vtrunc.f32 v13;
	v17 =	vld [tilespmem:s30+$0xFFFFFFC0]  }
0x102: {  	v18 =	vmax.f32 v18, $0.0e+00;
	v23 =	vld.idx.msk [tilespmem:v23+s19+$0x0], $0xffff;
	v15 =	vcvt.f32.s32 v15;
	[tilespmem:s29+$0xC0] =	vst v7  }
0x103: {  	v16 =	vadd.f32 v16, v22;
	v7 =	vmin.f32 v18, $1.900000000e+01;
	v18 =	vld [tilespmem:s30+$0xD0]  }
0x104: {  	v11 =	vmul.f32 $1.899999980e+00, v11;
	v8 =	vmul.f32 v8, v58;
	v60 =	vld.idx.msk [tilespmem:v6+s20+$0x0], $0xffff  }
0x105: {  	[tilespmem:s29+$0x30] =	vst v16;
	v22 =	vtrunc.f32 v7;
	v6 =	vld.idx.msk [tilespmem:v6+s19+$0x0], $0xffff;
	v10 =	vmul.f32 v10, v59  }
0x106: {  	v11 =	vadd.f32 $9.500000000e+00, v11;
	v21 =	vmul.f32 $1.899999980e+00, v21;
	v16 =	vcvt.f32.s32 v22;
	v22 =	vld [tilespmem:s30+$0x40]  }
0x107: {  	v19 =	vmul.f32 $1.899999980e+00, v19;
	v17 =	vmul.f32 $1.899999980e+00, v17;
	v61 =	vld.idx.msk [tilespmem:v20+s20+$0x0], $0xffff;
	v10 =	vadd.f32 v10, v23  }
0x108: {  	v11 =	vmax.f32 v11, $0.0e+00;
	v21 =	vadd.f32 $9.500000000e+00, v21;
	v62 =	vld.idx.msk [tilespmem:v15+s20+$0x0], $0xffff;
	v18 =	vmul.f32 $1.899999980e+00, v18  }
0x109: {  	v8 =	vadd.f32 v8, v9;
	v11 =	vmin.f32 v11, $1.900000000e+01;
	v17 =	vadd.f32 $9.500000000e+00, v17;
	v15 =	vld.idx.msk [tilespmem:v15+s19+$0x0], $0xffff;
	[tilespmem:s31+$0x90] =	vst v10  }
0x10a: {  	v9 =	vmax.f32 v21, $0.0e+00;
	v12 =	vmul.f32 v12, v60;
	v18 =	vadd.f32 $9.500000000e+00, v18;
	v23 =	vld [tilespmem:s1+$0xA0]  }
0x10b: {  	v20 =	vld.idx.msk [tilespmem:v20+s19+$0x0], $0xffff;
	v17 =	vmax.f32 v17, $0.0e+00;
	v21 =	vmul.f32 $1.899999980e+00, v22;
	v22 =	vmin.f32 v9, $1.900000000e+01  }
0x10c: {  	s3 =	simm.s32 $0x700;
	v10 =	vmin.f32 v17, $1.900000000e+01;
	v17 =	vtrunc.f32 v22;
	v9 =	vmax.f32 v18, $0.0e+00  }
0x10d: {  	v54 =	vld [tilespmem:s3+$0xFFFFFF00];
	v6 =	vadd.f32 v12, v6;
	v13 =	vmul.f32 v13, v62;
	v63 =	vmin.f32 v9, $1.900000000e+01  }
0x10e: {  	v53 =	vld [tilespmem:s3+$0x0];
	[tilespmem:s28+$0x50] =	vst v8;
	v14 =	vmul.f32 v14, v61;
	v8 =	vadd.f32 $9.500000000e+00, v21;
	v9 =	vtrunc.f32 v63  }
0x10f: {  	v21 =	vld [tilespmem:s23+$0x60];
	[tilespmem:s31+$0xFFFFFF10] =	vst v6;
	v6 =	vadd.f32 v13, v15;
	v12 =	vcvt.f32.s32 v9;
	v13 =	vmul.f32 $1.899999980e+00, v23  }
0x110: {  	v17 =	vcvt.f32.s32 v17;
	v14 =	vadd.f32 v14, v20;
	v32 =	vmax.f32 v8, $0.0e+00;
	v8 =	vld.idx.msk [tilespmem:v16+s19+$0x0], $0xffff  }
0x111: {  	v18 =	vtrunc.f32 v10;
	v9 =	vld.idx.msk [tilespmem:v16+s20+$0x0], $0xffff;
	v16 =	vmin.f32 v32, $1.900000000e+01;
	[tilespmem:s31+$0x10] =	vst v6;
	v6 =	vadd.f32 $9.500000000e+00, v13  }
0x112: {  	v18 =	vcvt.f32.s32 v18;
	v20 =	vld [tilespmem:s1+$0xFFFFFF20];
	v15 =	vadd.f32 $9.500000000e+00, v19;
	[tilespmem:s31+$0xFFFFFF90] =	vst v14;
	v19 =	vtrunc.f32 v16  }
0x113: {  	v23 =	vtrunc.f32 v11;
	v14 =	vcvt.f32.s32 v19;
	v19 =	vld [tilespmem:s1+$0xFFFFFFA0];
	v6 =	vmax.f32 v6, $0.0e+00  }
0x114: {  	v13 =	vmax.f32 v15, $0.0e+00;
	v15 =	vmul.f32 $1.899999980e+00, v21;
	v21 =	vld [tilespmem:s1+$0x20];
	v6 =	vmin.f32 v6, $1.900000000e+01  }
0x115: {  	v23 =	vcvt.f32.s32 v23;
	v33 =	vld.idx.msk [tilespmem:v12+s20+$0x0], $0xffff;
	v36 =	vtrunc.f32 v6  }
0x116: {  	v34 =	vld.idx.msk [tilespmem:v17+s20+$0x0], $0xffff;
	v28 =	vcvt.f32.s32 v36  }
0x117: {  	v56 =	vmul.f32 $1.899999980e+00, v53;
	v12 =	vld.idx.msk [tilespmem:v12+s19+$0x0], $0xffff  }
0x118: {  	v17 =	vld.idx.msk [tilespmem:v17+s19+$0x0], $0xffff;
	v15 =	vadd.f32 $9.500000000e+00, v15  }
0x119: {  	v27 =	vadd.f32 $9.500000000e+00, v56;
	v13 =	vmin.f32 v13, $1.900000000e+01;
	v20 =	vmul.f32 $1.899999980e+00, v20;
	v37 =	vld.idx.msk [tilespmem:v18+s20+$0x0], $0xffff  }
0x11a: {  	v35 =	vtrunc.f32 v13;
	v18 =	vld.idx.msk [tilespmem:v18+s19+$0x0], $0xffff;
	v15 =	vmax.f32 v15, $0.0e+00;
	v24 =	vmul.f32 v63, v33  }
0x11b: {  	v20 =	vadd.f32 $9.500000000e+00, v20;
	v39 =	vcvt.f32.s32 v35;
	v15 =	vmin.f32 v15, $1.900000000e+01;
	v41 =	vld.idx.msk [tilespmem:v23+s20+$0x0], $0xffff  }
0x11c: {  	v19 =	vmul.f32 $1.899999980e+00, v19;
	v21 =	vmul.f32 $1.899999980e+00, v21;
	v12 =	vadd.f32 v24, v12;
	v43 =	vld.idx.msk [tilespmem:v28+s20+$0x0], $0xffff  }
0x11d: {  	v20 =	vmax.f32 v20, $0.0e+00;
	v22 =	vmul.f32 v22, v34;
	v23 =	vld.idx.msk [tilespmem:v23+s19+$0x0], $0xffff;
	v31 =	vtrunc.f32 v15  }
0x11e: {  	v20 =	vmin.f32 v20, $1.900000000e+01;
	v19 =	vadd.f32 $9.500000000e+00, v19;
	v21 =	vadd.f32 $9.500000000e+00, v21;
	v28 =	vld.idx.msk [tilespmem:v28+s19+$0x0], $0xffff;
	[tilespmem:s29+$0xD0] =	vst v12  }
0x11f: {  	v40 =	vcvt.f32.s32 v31;
	v42 =	vtrunc.f32 v20;
	v17 =	vadd.f32 v22, v17;
	v32 =	vld [tilespmem:s30+$0xE0]  }
0x120: {  	v38 =	vld.idx.msk [tilespmem:v14+s20+$0x0], $0xffff;
	v10 =	vmul.f32 v10, v37;
	v26 =	vcvt.f32.s32 v42;
	v21 =	vmax.f32 v21, $0.0e+00  }
0x121: {  	v14 =	vld.idx.msk [tilespmem:v14+s19+$0x0], $0xffff;
	v19 =	vmax.f32 v19, $0.0e+00;
	v21 =	vmin.f32 v21, $1.900000000e+01;
	v6 =	vmul.f32 v6, v43  }
0x122: {  	v44 =	vld.idx.msk [tilespmem:v39+s20+$0x0], $0xffff;
	[tilespmem:s29+$0xFFFFFF40] =	vst v17;
	v19 =	vmin.f32 v19, $1.900000000e+01;
	v11 =	vmul.f32 v11, v41;
	v33 =	vtrunc.f32 v21  }
0x123: {  	v34 =	vld [tilespmem:s30+$0xFFFFFF50];
	v22 =	vcvt.f32.s32 v33;
	v12 =	vtrunc.f32 v19;
	v6 =	vadd.f32 v6, v28  }
0x124: {  	v11 =	vadd.f32 v11, v23;
	v23 =	vld [tilespmem:s3+$0x80];
	v12 =	vcvt.f32.s32 v12;
	v45 =	vmul.f32 $1.899999980e+00, v32  }
0x125: {  	v17 =	vld.idx.msk [tilespmem:v40+s20+$0x0], $0xffff;
	[tilespmem:s31+$0xA0] =	vst v6  }
0x126: {  	v27 =	vmax.f32 v27, $0.0e+00;
	v10 =	vadd.f32 v10, v18;
	v47 =	vadd.f32 $9.500000000e+00, v45;
	v18 =	vld [tilespmem:s1+$0xB0]  }
0x127: {  	v27 =	vmin.f32 v27, $1.900000000e+01;
	v16 =	vmul.f32 v16, v38;
	v46 =	vld.idx.msk [tilespmem:v26+s20+$0x0], $0xffff  }
0x128: {  	v41 =	vtrunc.f32 v27;
	v26 =	vld.idx.msk [tilespmem:v26+s19+$0x0], $0xffff;
	v6 =	vmax.f32 v47, $0.0e+00  }
0x129: {  	v13 =	vmul.f32 v13, v44;
	v48 =	vld.idx.msk [tilespmem:v22+s20+$0x0], $0xffff;
	v28 =	vmin.f32 v6, $1.900000000e+01;
	v6 =	vadd.f32 v16, v14  }
0x12a: {  	[tilespmem:s29+$0xFFFFFFC0] =	vst v10;
	v35 =	vld.idx.msk [tilespmem:v12+s20+$0x0], $0xffff;
	v16 =	vmul.f32 $1.899999980e+00, v34;
	v14 =	vtrunc.f32 v28  }
0x12b: {  	v14 =	vcvt.f32.s32 v14;
	[tilespmem:s29+$0x40] =	vst v6;
	v6 =	vld [tilespmem:s30+$0xFFFFFFD0];
	v18 =	vmul.f32 $1.899999980e+00, v18  }
0x12c: {  	v44 =	vcvt.f32.s32 v41;
	v23 =	vmul.f32 $1.899999980e+00, v23;
	v10 =	vld.idx.msk [tilespmem:v22+s19+$0x0], $0xffff  }
0x12d: {  	v15 =	vmul.f32 v15, v17;
	v12 =	vld.idx.msk [tilespmem:v12+s19+$0x0], $0xffff;
	v16 =	vadd.f32 $9.500000000e+00, v16;
	v18 =	vadd.f32 $9.500000000e+00, v18  }
0x12e: {  	v49 =	vld.idx.msk [tilespmem:v39+s19+$0x0], $0xffff;
	v20 =	vmul.f32 v20, v46;
	v21 =	vmul.f32 v21, v48  }
0x12f: {  	v17 =	vld.idx.msk [tilespmem:v40+s19+$0x0], $0xffff;
	v19 =	vmul.f32 v19, v35;
	v16 =	vmax.f32 v16, $0.0e+00;
	v18 =	vmax.f32 v18, $0.0e+00  }
0x130: {  	v50 =	vmul.f32 $1.899999980e+00, v6;
	v6 =	vmin.f32 v16, $1.900000000e+01;
	v16 =	vadd.f32 v20, v26;
	v20 =	vld [tilespmem:s3+$0xFFFFFF80]  }
0x131: {  	v23 =	vadd.f32 $9.500000000e+00, v23;
	v10 =	vadd.f32 v21, v10;
	v18 =	vmin.f32 v18, $1.900000000e+01;
	v51 =	vld.idx.msk [tilespmem:v14+s20+$0x0], $0xffff  }
0x132: {  	[tilespmem:s28+$0xFFFFFF60] =	vst v11;
	v38 =	vld.idx.msk [tilespmem:v44+s20+$0x0], $0xffff;
	v12 =	vadd.f32 v19, v12;
	v19 =	vtrunc.f32 v18;
	v25 =	vadd.f32 $9.500000000e+00, v50  }
0x133: {  	v14 =	vld.idx.msk [tilespmem:v14+s19+$0x0], $0xffff;
	[tilespmem:s31+$0xFFFFFF20] =	vst v16;
	v16 =	vcvt.f32.s32 v19  }
0x134: {  	v11 =	vadd.f32 v13, v49;
	v29 =	vld.idx.msk [tilespmem:v44+s19+$0x0], $0xffff;
	v23 =	vmax.f32 v23, $0.0e+00;
	[tilespmem:s31+$0x20] =	vst v10;
	v19 =	vmax.f32 v25, $0.0e+00  }
0x135: {  	v22 =	vld [tilespmem:s30+$0x50];
	v10 =	vadd.f32 v15, v17;
	[tilespmem:s31+$0xFFFFFFA0] =	vst v12;
	v13 =	vmin.f32 v19, $1.900000000e+01;
	v15 =	vmul.f32 $1.899999980e+00, v20  }
0x136: {  	v23 =	vmin.f32 v23, $1.900000000e+01;
	v17 =	vld [tilespmem:s1+$0xFFFFFFB0];
	v12 =	vtrunc.f32 v13;
	v55 =	vmul.f32 v28, v51  }
0x137: {  	v59 =	vtrunc.f32 v23;
	v19 =	vld [tilespmem:s1+$0xFFFFFF30];
	v12 =	vcvt.f32.s32 v12  }
0x138: {  	v25 =	vmul.f32 $1.899999980e+00, v54;
	v20 =	vld [tilespmem:s1+$0x30];
	v15 =	vadd.f32 $9.500000000e+00, v15;
	v14 =	vadd.f32 v55, v14  }
0x139: {  	v60 =	vcvt.f32.s32 v59;
	v58 =	vld.idx.msk [tilespmem:v16+s20+$0x0], $0xffff  }
0x13a: {  	v52 =	vtrunc.f32 v6;
	v16 =	vld.idx.msk [tilespmem:v16+s19+$0x0], $0xffff;
	v15 =	vmax.f32 v15, $0.0e+00;
	[tilespmem:s29+$0xE0] =	vst v14;
	v14 =	vadd.f32 $9.500000000e+00, v25  }
0x13b: {  	v26 =	vcvt.f32.s32 v52;
	v15 =	vmin.f32 v15, $1.900000000e+01;
	v61 =	vld [tilespmem:s30+$0xF0]  }
0x13c: {  	v21 =	vld [tilespmem:s23+$0xFFFFFF70];
	v17 =	vmul.f32 $1.899999980e+00, v17;
	v62 =	vtrunc.f32 v15;
	v14 =	vmax.f32 v14, $0.0e+00  }
0x13d: {  	[tilespmem:s28+$0xFFFFFFE0] =	vst v11;
	v19 =	vmul.f32 $1.899999980e+00, v19;
	v30 =	vcvt.f32.s32 v62;
	v63 =	vld.idx.msk [tilespmem:v12+s20+$0x0], $0xffff;
	v14 =	vmin.f32 v14, $1.900000000e+01  }
0x13e: {  	[tilespmem:s28+$0x60] =	vst v10;
	v17 =	vadd.f32 $9.500000000e+00, v17;
	v42 =	vld.idx.msk [tilespmem:v12+s19+$0x0], $0xffff;
	v12 =	vmul.f32 v18, v58;
	v11 =	vtrunc.f32 v14  }
0x13f: {  	v43 =	vld [tilespmem:s23+$0x70];
	v20 =	vmul.f32 $1.899999980e+00, v20;
	v10 =	vadd.f32 $9.500000000e+00, v19;
	v11 =	vcvt.f32.s32 v11  }
0x140: {  	v12 =	vadd.f32 v12, v16;
	v16 =	vmul.f32 $1.899999980e+00, v22;
	v22 =	vld.idx.msk [tilespmem:v60+s20+$0x0], $0xffff;
	v19 =	vmul.f32 $1.899999980e+00, v61  }
0x141: {  	v57 =	vld.idx.msk [tilespmem:v26+s20+$0x0], $0xffff;
	v20 =	vadd.f32 $9.500000000e+00, v20;
	v10 =	vmax.f32 v10, $0.0e+00  }
0x142: {  	v17 =	vmax.f32 v17, $0.0e+00;
	v25 =	vld.idx.msk [tilespmem:v60+s19+$0x0], $0xffff;
	v45 =	vmin.f32 v10, $1.900000000e+01;
	[tilespmem:s31+$0xB0] =	vst v12;
	v19 =	vadd.f32 $9.500000000e+00, v19  }
0x143: {  	v17 =	vmin.f32 v17, $1.900000000e+01;
	v20 =	vmax.f32 v20, $0.0e+00;
	v10 =	vtrunc.f32 v45;
	v12 =	vld [tilespmem:s1+$0xC0]  }
0x144: {  	v20 =	vmin.f32 v20, $1.900000000e+01;
	v47 =	vcvt.f32.s32 v10;
	v46 =	vld.idx.msk [tilespmem:v30+s20+$0x0], $0xffff;
	v19 =	vmax.f32 v19, $0.0e+00  }
0x145: {  	v22 =	vmul.f32 v23, v22;
	v10 =	vmin.f32 v19, $1.900000000e+01;
	v19 =	vtrunc.f32 v17;
	v36 =	vld.idx.msk [tilespmem:v11+s20+$0x0], $0xffff  }
0x146: {  	v48 =	vld.idx.msk [tilespmem:v11+s19+$0x0], $0xffff;
	v11 =	vtrunc.f32 v20;
	v19 =	vcvt.f32.s32 v19  }
0x147: {  	v30 =	vld.idx.msk [tilespmem:v30+s19+$0x0], $0xffff;
	v37 =	vtrunc.f32 v10;
	v49 =	vcvt.f32.s32 v11  }
0x148: {  	v26 =	vld.idx.msk [tilespmem:v26+s19+$0x0], $0xffff;
	v16 =	vadd.f32 $9.500000000e+00, v16;
	v22 =	vadd.f32 v22, v25;
	v23 =	vcvt.f32.s32 v37  }
0x149: {  	s17 =	simm.s32 $0xCF00;
	v21 =	vmul.f32 $1.899999980e+00, v21;
	v18 =	vld [tilespmem:s23+$0xFFFFFFF0]  }
0x14a: {  	v11 =	vmax.f32 v16, $0.0e+00;
	v12 =	vmul.f32 $1.899999980e+00, v12;
	v16 =	vld.idx.msk [tilespmem:v47+s20+$0x0], $0xffff;
	v15 =	vmul.f32 v15, v46;
	[tilespmem:s17+$0x80] =	vst v22  }
0x14b: {  	v21 =	vadd.f32 $9.500000000e+00, v21;
	v22 =	vmin.f32 v11, $1.900000000e+01;
	v50 =	vld [tilespmem:s3+$0x90]  }
0x14c: {  	v12 =	vadd.f32 $9.500000000e+00, v12;
	v15 =	vadd.f32 v15, v30;
	v14 =	vmul.f32 v14, v36;
	v51 =	vld.idx.msk [tilespmem:v19+s20+$0x0], $0xffff  }
0x14d: {  	v27 =	vmul.f32 v27, v38;
	v39 =	vtrunc.f32 v22;
	v54 =	vld.idx.msk [tilespmem:v49+s20+$0x0], $0xffff  }
0x14e: {  	v12 =	vmax.f32 v12, $0.0e+00;
	[tilespmem:s17+$0xFFFFFF80] =	vst v15;
	v15 =	vmax.f32 v21, $0.0e+00;
	v14 =	vadd.f32 v14, v48;
	v11 =	vld.idx.msk [tilespmem:v23+s20+$0x0], $0xffff  }
0x14f: {  	v21 =	vmul.f32 v13, v63;
	v52 =	vmin.f32 v12, $1.900000000e+01;
	v12 =	vld.idx.msk [tilespmem:v23+s19+$0x0], $0xffff;
	v23 =	vcvt.f32.s32 v39  }
0x150: {  	v6 =	vmul.f32 v6, v57;
	v57 =	vld [tilespmem:s3+$0xFFFFFF90];
	v53 =	vtrunc.f32 v52;
	[tilespmem:s17+$0xFFFFFF00] =	vst v14;
	v14 =	vadd.f32 v27, v29  }
0x151: {  	v13 =	vmin.f32 v15, $1.900000000e+01;
	v15 =	vadd.f32 v21, v42;
	v21 =	vld.idx.msk [tilespmem:v47+s19+$0x0], $0xffff;
	v55 =	vcvt.f32.s32 v53  }
0x152: {  	v19 =	vld.idx.msk [tilespmem:v19+s19+$0x0], $0xffff;
	[tilespmem:s17+$0x0] =	vst v14;
	v14 =	vmul.f32 $1.899999980e+00, v50  }
0x153: {  	v58 =	vmul.f32 $1.899999980e+00, v43;
	v18 =	vmul.f32 $1.899999980e+00, v18;
	v56 =	vld [tilespmem:s3+$0xFFFFFF10]  }
0x154: {  	v6 =	vadd.f32 v6, v26;
	v16 =	vmul.f32 v45, v16;
	v59 =	vld [tilespmem:s3+$0x10];
	v14 =	vadd.f32 $9.500000000e+00, v14  }
0x155: {  	v18 =	vadd.f32 $9.500000000e+00, v18;
	v60 =	vtrunc.f32 v13;
	v30 =	vmul.f32 $1.899999980e+00, v57;
	v39 =	vld.idx.msk [tilespmem:v23+s20+$0x0], $0xffff  }
0x156: {  	v17 =	vmul.f32 v17, v51;
	v16 =	vadd.f32 v16, v21;
	v21 =	vld.idx.msk [tilespmem:v23+s19+$0x0], $0xffff;
	v14 =	vmax.f32 v14, $0.0e+00  }
0x157: {  	[tilespmem:s29+$0xFFFFFF50] =	vst v6;
	v63 =	vcvt.f32.s32 v60;
	v30 =	vadd.f32 $9.500000000e+00, v30;
	v61 =	vld.idx.msk [tilespmem:v55+s20+$0x0], $0xffff;
	v62 =	vmin.f32 v14, $1.900000000e+01  }
0x158: {  	v17 =	vadd.f32 v17, v19;
	v19 =	vld [tilespmem:s30+$0xFFFFFF60];
	v24 =	vmul.f32 $1.899999980e+00, v56;
	v38 =	vtrunc.f32 v62  }
0x159: {  	v7 =	vmul.f32 v7, v9;
	v26 =	vadd.f32 $9.500000000e+00, v58;
	v29 =	vld.idx.msk [tilespmem:v55+s19+$0x0], $0xffff;
	v31 =	vcvt.f32.s32 v38  }
0x15a: {  	v18 =	vmax.f32 v18, $0.0e+00;
	[tilespmem:s29+$0xFFFFFFD0] =	vst v15;
	v14 =	vld.idx.msk [tilespmem:v49+s19+$0x0], $0xffff;
	v23 =	vmax.f32 v30, $0.0e+00;
	v24 =	vadd.f32 $9.500000000e+00, v24  }
0x15b: {  	v40 =	vld [tilespmem:s30+$0xFFFFFFE0];
	v6 =	vmul.f32 v20, v54;
	[tilespmem:s31+$0xFFFFFF30] =	vst v16;
	v28 =	vmul.f32 $1.899999980e+00, v59;
	v23 =	vmin.f32 v23, $1.900000000e+01  }
0x15c: {  	v43 =	vld [tilespmem:s1+$0xFFFFFF40];
	[tilespmem:s31+$0xFFFFFFB0] =	vst v17;
	v42 =	vtrunc.f32 v23;
	v20 =	vmax.f32 v24, $0.0e+00;
	v16 =	vmul.f32 v52, v61  }
0x15d: {  	v44 =	vld [tilespmem:s1+$0xFFFFFFC0];
	v15 =	vadd.f32 $9.500000000e+00, v28;
	v28 =	vcvt.f32.s32 v42;
	v19 =	vmul.f32 $1.899999980e+00, v19  }
0x15e: {  	v34 =	vld.idx.msk [tilespmem:v63+s20+$0x0], $0xffff;
	v22 =	vmul.f32 v22, v39;
	v20 =	vmin.f32 v20, $1.900000000e+01;
	v16 =	vadd.f32 v16, v29  }
0x15f: {  	v15 =	vmax.f32 v15, $0.0e+00;
	v41 =	vtrunc.f32 v20;
	v6 =	vadd.f32 v6, v14;
	v46 =	vld.idx.msk [tilespmem:v31+s20+$0x0], $0xffff  }
0x160: {  	v14 =	vmax.f32 v26, $0.0e+00;
	v17 =	vmin.f32 v15, $1.900000000e+01;
	v27 =	vcvt.f32.s32 v41;
	v47 =	vld.idx.msk [tilespmem:v31+s19+$0x0], $0xffff;
	[tilespmem:s31+$0xC0] =	vst v16  }
0x161: {  	v30 =	vmul.f32 $1.899999980e+00, v43;
	v21 =	vadd.f32 v22, v21;
	v45 =	vtrunc.f32 v17;
	[tilespmem:s31+$0x30] =	vst v6;
	v6 =	vld [tilespmem:s1+$0xD0]  }
0x162: {  	v15 =	vmin.f32 v18, $1.900000000e+01;
	v32 =	vmul.f32 $1.899999980e+00, v44;
	v18 =	vcvt.f32.s32 v45;
	v49 =	vld [tilespmem:s1+$0x40]  }
0x163: {  	v24 =	vmul.f32 $1.899999980e+00, v40;
	v19 =	vadd.f32 $9.500000000e+00, v19;
	v14 =	vmin.f32 v14, $1.900000000e+01;
	[tilespmem:s29+$0x50] =	vst v21;
	v51 =	vld.idx.msk [tilespmem:v28+s20+$0x0], $0xffff  }
0x164: {  	v22 =	vadd.f32 $9.500000000e+00, v30;
	v16 =	vtrunc.f32 v15;
	v54 =	vadd.f32 $9.500000000e+00, v32;
	v59 =	vld [tilespmem:s30+$0x60]  }
0x165: {  	v19 =	vmax.f32 v19, $0.0e+00;
	v16 =	vcvt.f32.s32 v16;
	v28 =	vld.idx.msk [tilespmem:v28+s19+$0x0], $0xffff;
	v33 =	vmul.f32 v62, v46  }
0x166: {  	v22 =	vmax.f32 v22, $0.0e+00;
	v29 =	vmax.f32 v54, $0.0e+00;
	v50 =	vld.idx.msk [tilespmem:v27+s20+$0x0], $0xffff;
	v53 =	vmul.f32 $1.899999980e+00, v6  }
0x167: {  	v22 =	vmin.f32 v22, $1.900000000e+01;
	v21 =	vmin.f32 v29, $1.900000000e+01;
	v27 =	vld.idx.msk [tilespmem:v27+s19+$0x0], $0xffff;
	v26 =	vadd.f32 v33, v47  }
0x168: {  	v58 =	vtrunc.f32 v21;
	v52 =	vld.idx.msk [tilespmem:v18+s20+$0x0], $0xffff;
	v23 =	vmul.f32 v23, v51;
	v55 =	vadd.f32 $9.500000000e+00, v53  }
0x169: {  	v19 =	vmin.f32 v19, $1.900000000e+01;
	v56 =	vtrunc.f32 v22;
	v18 =	vld.idx.msk [tilespmem:v18+s19+$0x0], $0xffff;
	v47 =	vcvt.f32.s32 v58;
	[tilespmem:s17+$0x90] =	vst v26  }
0x16a: {  	v31 =	vmul.f32 $1.899999980e+00, v49;
	v23 =	vadd.f32 v23, v28;
	v57 =	vld [tilespmem:s3+$0xA0];
	v32 =	vmax.f32 v55, $0.0e+00  }
0x16b: {  	v25 =	vld.idx.msk [tilespmem:v63+s19+$0x0], $0xffff;
	v20 =	vmul.f32 v20, v50;
	v26 =	vcvt.f32.s32 v56;
	v32 =	vmin.f32 v32, $1.900000000e+01  }
0x16c: {  	v31 =	vadd.f32 $9.500000000e+00, v31;
	v61 =	vld.idx.msk [tilespmem:v16+s20+$0x0], $0xffff;
	v50 =	vmul.f32 $1.899999980e+00, v59;
	v60 =	vtrunc.f32 v32  }
0x16d: {  	v16 =	vld.idx.msk [tilespmem:v16+s19+$0x0], $0xffff;
	[tilespmem:s17+$0xFFFFFF90] =	vst v23;
	v17 =	vmul.f32 v17, v52;
	v20 =	vadd.f32 v20, v27;
	v62 =	vcvt.f32.s32 v60  }
0x16e: {  	v48 =	vtrunc.f32 v14;
	v49 =	vtrunc.f32 v19;
	v23 =	vld [tilespmem:s3+$0xFFFFFFA0];
	v33 =	vadd.f32 $9.500000000e+00, v50  }
0x16f: {  	v31 =	vmax.f32 v31, $0.0e+00;
	[tilespmem:s17+$0xFFFFFF10] =	vst v20;
	v17 =	vadd.f32 v17, v18;
	v41 =	vld.idx.msk [tilespmem:v47+s20+$0x0], $0xffff;
	v18 =	vmul.f32 $1.899999980e+00, v57  }
0x170: {  	v6 =	vcvt.f32.s32 v48;
	v63 =	vmin.f32 v31, $1.900000000e+01;
	v33 =	vmax.f32 v33, $0.0e+00;
	v48 =	vld [tilespmem:s3+$0xFFFFFF20]  }
0x171: {  	v20 =	vtrunc.f32 v63;
	v33 =	vmin.f32 v33, $1.900000000e+01;
	[tilespmem:s17+$0x10] =	vst v17;
	v53 =	vld.idx.msk [tilespmem:v26+s20+$0x0], $0xffff;
	v17 =	vadd.f32 $9.500000000e+00, v18  }
0x172: {  	v24 =	vadd.f32 $9.500000000e+00, v24;
	v20 =	vcvt.f32.s32 v20;
	v43 =	vtrunc.f32 v33;
	v26 =	vld.idx.msk [tilespmem:v26+s19+$0x0], $0xffff  }
0x173: {  	v23 =	vmul.f32 $1.899999980e+00, v23;
	v54 =	vcvt.f32.s32 v43;
	v17 =	vmax.f32 v17, $0.0e+00;
	v36 =	vld.idx.msk [tilespmem:v62+s20+$0x0], $0xffff  }
0x174: {  	v51 =	vld [tilespmem:s3+$0x20];
	v18 =	vmax.f32 v24, $0.0e+00;
	v24 =	vcvt.f32.s32 v49;
	v17 =	vmin.f32 v17, $1.900000000e+01  }
0x175: {  	v21 =	vmul.f32 v21, v41;
	v27 =	vld.idx.msk [tilespmem:v62+s19+$0x0], $0xffff;
	v40 =	vtrunc.f32 v17  }
0x176: {  	v30 =	vld.idx.msk [tilespmem:v6+s20+$0x0], $0xffff;
	v18 =	vmin.f32 v18, $1.900000000e+01;
	v31 =	vmul.f32 $1.899999980e+00, v48;
	v40 =	vcvt.f32.s32 v40  }
0x177: {  	v29 =	vld.idx.msk [tilespmem:v47+s19+$0x0], $0xffff;
	v23 =	vadd.f32 $9.500000000e+00, v23;
	v52 =	vtrunc.f32 v18;
	v22 =	vmul.f32 v22, v53  }
0x178: {  	v38 =	vcvt.f32.s32 v52;
	v42 =	vld.idx.msk [tilespmem:v20+s20+$0x0], $0xffff;
	v31 =	vadd.f32 $9.500000000e+00, v31;
	v32 =	vmul.f32 v32, v36  }
0x179: {  	v20 =	vld.idx.msk [tilespmem:v20+s19+$0x0], $0xffff;
	v23 =	vmax.f32 v23, $0.0e+00;
	v35 =	vmul.f32 $1.899999980e+00, v51;
	v22 =	vadd.f32 v22, v26  }
0x17a: {  	v23 =	vmin.f32 v23, $1.900000000e+01;
	v31 =	vmax.f32 v31, $0.0e+00;
	v55 =	vld.idx.msk [tilespmem:v24+s20+$0x0], $0xffff;
	v27 =	vadd.f32 v32, v27  }
0x17b: {  	v44 =	vtrunc.f32 v23;
	v35 =	vadd.f32 $9.500000000e+00, v35;
	v31 =	vmin.f32 v31, $1.900000000e+01;
	[tilespmem:s31+$0xFFFFFF40] =	vst v22;
	v22 =	vld.idx.msk [tilespmem:v54+s20+$0x0], $0xffff  }
0x17c: {  	v8 =	vadd.f32 v7, v8;
	v44 =	vcvt.f32.s32 v44;
	v56 =	vtrunc.f32 v31;
	v57 =	vld.idx.msk [tilespmem:v40+s20+$0x0], $0xffff;
	[tilespmem:s31+$0xD0] =	vst v27  }
0x17d: {  	v9 =	vmul.f32 v10, v11;
	v35 =	vmax.f32 v35, $0.0e+00;
	v39 =	vcvt.f32.s32 v56;
	v59 =	vld [tilespmem:s1+$0xE0]  }
0x17e: {  	[tilespmem:s28+$0xF0] =	vst v8;
	v8 =	vadd.f32 v21, v29;
	v35 =	vmin.f32 v35, $1.900000000e+01;
	v40 =	vld.idx.msk [tilespmem:v40+s19+$0x0], $0xffff  }
0x17f: {  	v9 =	vadd.f32 v9, v12;
	v7 =	vmul.f32 v13, v34;
	v10 =	vld [tilespmem:s1+$0xFFFFFF50];
	v58 =	vtrunc.f32 v35  }
0x180: {  	v13 =	vmul.f32 v15, v61;
	[tilespmem:s31+$0xFFFFFFC0] =	vst v8;
	v45 =	vld.idx.msk [tilespmem:v38+s20+$0x0], $0xffff;
	v27 =	vcvt.f32.s32 v58  }
0x181: {  	[tilespmem:s29+$0xF0] =	vst v9;
	v9 =	vmul.f32 v19, v55;
	v19 =	vld [tilespmem:s1+$0xFFFFFFD0];
	v11 =	vmul.f32 v17, v57  }
0x182: {  	v25 =	vadd.f32 v7, v25;
	v60 =	vld.idx.msk [tilespmem:v44+s20+$0x0], $0xffff;
	v15 =	vmul.f32 $1.899999980e+00, v59  }
0x183: {  	v16 =	vadd.f32 v13, v16;
	v7 =	vmul.f32 v14, v30;
	v12 =	vld.idx.msk [tilespmem:v39+s20+$0x0], $0xffff;
	v11 =	vadd.f32 v11, v40  }
0x184: {  	v61 =	vmul.f32 v63, v42;
	v14 =	vmul.f32 $1.899999980e+00, v10;
	v17 =	vld.idx.msk [tilespmem:v24+s19+$0x0], $0xffff;
	v13 =	vadd.f32 $9.500000000e+00, v15  }
0x185: {  	v10 =	vmul.f32 v18, v45;
	v15 =	vld.idx.msk [tilespmem:v39+s19+$0x0], $0xffff;
	[tilespmem:s17+$0xA0] =	vst v11  }
0x186: {  	v8 =	vadd.f32 $9.500000000e+00, v14;
	v11 =	vadd.f32 v61, v20;
	v20 =	vld [tilespmem:s3+$0xB0];
	v18 =	vmax.f32 v13, $0.0e+00  }
0x187: {  	v62 =	vld.idx.msk [tilespmem:v27+s20+$0x0], $0xffff;
	v14 =	vmin.f32 v18, $1.900000000e+01  }
0x188: {  	v21 =	vld.idx.msk [tilespmem:v44+s19+$0x0], $0xffff;
	v8 =	vmax.f32 v8, $0.0e+00;
	[tilespmem:s31+$0x40] =	vst v11;
	v11 =	vtrunc.f32 v14  }
0x189: {  	v12 =	vmul.f32 v31, v12;
	v9 =	vadd.f32 v9, v17;
	v18 =	vld.idx.msk [tilespmem:v27+s19+$0x0], $0xffff;
	v17 =	vcvt.f32.s32 v11  }
0x18a: {  	[tilespmem:s28+$0xFFFFFF70] =	vst v25;
	v8 =	vmin.f32 v8, $1.900000000e+01;
	v13 =	vmul.f32 v33, v22;
	v11 =	vld [tilespmem:s1+$0x50]  }
0x18b: {  	[tilespmem:s28+$0xFFFFFFF0] =	vst v16;
	v16 =	vld.idx.msk [tilespmem:v38+s19+$0x0], $0xffff;
	v22 =	vmul.f32 v23, v60;
	v23 =	vadd.f32 v12, v15;
	v63 =	vmul.f32 $1.899999980e+00, v20  }
0x18c: {  	[tilespmem:s29+$0xFFFFFF60] =	vst v9;
	v9 =	vtrunc.f32 v8;
	v15 =	vld.idx.msk [tilespmem:v54+s19+$0x0], $0xffff;
	v20 =	vmul.f32 v35, v62  }
0x18d: {  	s0 =	simm.s32 $0xCF00;
	s21 =	simm.s32 $0xC;
	s23 =	simm.s32 $0x900;
	v21 =	vadd.f32 v22, v21;
	v12 =	vcvt.f32.s32 v9;
	v9 =	vld [tilespmem:s30+$0xFFFFFF70];
	[tilespmem:s17+$0xFFFFFF20] =	vst v23;
	v22 =	vadd.f32 $9.500000000e+00, v63  }
.LBB2_2:
0x18e: {  	v23 =	vld [tilespmem:s23+$0x80];
	v18 =	vadd.f32 v20, v18;
	v19 =	vmul.f32 $1.899999980e+00, v19  }
0x18f: {  	s21 =	sadd.s32 $0x4, s21;
	[tilespmem:s17+$0xFFFFFFA0] =	vst v21;
	v20 =	vmax.f32 v22, $0.0e+00;
	v11 =	vmul.f32 $1.899999980e+00, v11;
	v21 =	vld.idx.msk [tilespmem:v17+s20+$0x0], $0xffff  }
0x190: {  	p0 =	slt.u32 s21, $0xC4;
	v22 =	vld [tilespmem:s23+$0xFFFFFF80];
	[tilespmem:s17+$0x20] =	vst v18;
	v18 =	vmin.f32 v20, $1.900000000e+01;
	v19 =	vadd.f32 $9.500000000e+00, v19  }
0x191: {  	v10 =	vadd.f32 v10, v16;
	v20 =	vtrunc.f32 v18;
	v11 =	vadd.f32 $9.500000000e+00, v11;
	v17 =	vld.idx.msk [tilespmem:v17+s19+$0x0], $0xffff  }
0x192: {  	v13 =	vadd.f32 v13, v15;
	v16 =	vld [tilespmem:s23+$0x0];
	v20 =	vcvt.f32.s32 v20;
	v19 =	vmax.f32 v19, $0.0e+00  }
0x193: {  	v15 =	vld [tilespmem:s23+$0xFFFFFF00];
	v23 =	vmul.f32 $1.899999980e+00, v23;
	v19 =	vmin.f32 v19, $1.900000000e+01;
	v11 =	vmax.f32 v11, $0.0e+00;
	[tilespmem:s29+$0xFFFFFFE0] =	vst v10  }
0x194: {  	v9 =	vmul.f32 $1.899999980e+00, v9;
	v24 =	vld [tilespmem:s3+$0xFFFFFF30];
	v25 =	vtrunc.f32 v19;
	v10 =	vmin.f32 v11, $1.900000000e+01;
	[tilespmem:s29+$0x60] =	vst v13  }
0x195: {  	v14 =	vmul.f32 v14, v21;
	v11 =	vmul.f32 $1.899999980e+00, v22;
	v13 =	vadd.f32 $9.500000000e+00, v23;
	v22 =	vld [tilespmem:s3+$0xFFFFFFB0]  }
0x196: {  	v9 =	vadd.f32 $9.500000000e+00, v9;
	v23 =	vcvt.f32.s32 v25;
	v25 =	vtrunc.f32 v10;
	v21 =	vld [tilespmem:s3+$0x30]  }
0x197: {  	v14 =	vadd.f32 v14, v17;
	v16 =	vmul.f32 $1.899999980e+00, v16;
	v13 =	vmax.f32 v13, $0.0e+00;
	v26 =	vld.idx.msk [tilespmem:v12+s20+$0x0], $0xffff  }
0x198: {  	v11 =	vadd.f32 $9.500000000e+00, v11;
	v15 =	vmul.f32 $1.899999980e+00, v15;
	v13 =	vmin.f32 v13, $1.900000000e+01;
	v17 =	vld.idx.msk [tilespmem:v20+s20+$0x0], $0xffff  }
0x199: {  	v16 =	vadd.f32 $9.500000000e+00, v16;
	v27 =	vtrunc.f32 v13;
	v24 =	vmul.f32 $1.899999980e+00, v24;
	v20 =	vld.idx.msk [tilespmem:v20+s19+$0x0], $0xffff;
	[tilespmem:s31+$0xE0] =	vst v14  }
0x19a: {  	v11 =	vmax.f32 v11, $0.0e+00;
	v14 =	vadd.f32 $9.500000000e+00, v15;
	v15 =	vcvt.f32.s32 v27;
	v27 =	vld [tilespmem:s1+$0xF0]  }
0x19b: {  	v11 =	vmin.f32 v11, $1.900000000e+01;
	v22 =	vmul.f32 $1.899999980e+00, v22;
	v16 =	vmax.f32 v16, $0.0e+00;
	v12 =	vld.idx.msk [tilespmem:v12+s19+$0x0], $0xffff  }
0x19c: {  	v28 =	vtrunc.f32 v11;
	v14 =	vmax.f32 v14, $0.0e+00;
	v16 =	vmin.f32 v16, $1.900000000e+01;
	v29 =	vld.idx.msk [tilespmem:v23+s20+$0x0], $0xffff  }
0x19d: {  	v28 =	vcvt.f32.s32 v28;
	v14 =	vmin.f32 v14, $1.900000000e+01;
	v30 =	vtrunc.f32 v16;
	v23 =	vld.idx.msk [tilespmem:v23+s19+$0x0], $0xffff  }
0x19e: {  	v24 =	vadd.f32 $9.500000000e+00, v24;
	v17 =	vmul.f32 v18, v17;
	v31 =	vtrunc.f32 v14;
	v18 =	vld [tilespmem:s30+$0xFFFFFFF0]  }
0x19f: {  	v22 =	vadd.f32 $9.500000000e+00, v22;
	v31 =	vcvt.f32.s32 v31;
	v27 =	vmul.f32 $1.899999980e+00, v27;
	v32 =	vld [tilespmem:s30+$0x70];
	s30 =	smov.u32 s1;
	s1 =	smov.u32 s3;
	s3 =	smov.u32 s23  }
0x1a0: {  	v21 =	vmul.f32 $1.899999980e+00, v21;
	v30 =	vcvt.f32.s32 v30;
	v17 =	vadd.f32 v17, v20;
	v33 =	vld.idx.msk [tilespmem:v15+s20+$0x0], $0xffff  }
0x1a1: {  	v22 =	vmax.f32 v22, $0.0e+00;
	v20 =	vmax.f32 v24, $0.0e+00;
	v24 =	vadd.f32 $9.500000000e+00, v27;
	v6 =	vld.idx.msk [tilespmem:v6+s19+$0x0], $0xffff  }
0x1a2: {  	v21 =	vadd.f32 $9.500000000e+00, v21;
	v22 =	vmin.f32 v22, $1.900000000e+01;
	v20 =	vmin.f32 v20, $1.900000000e+01;
	v15 =	vld.idx.msk [tilespmem:v15+s19+$0x0], $0xffff;
	[tilespmem:s17+$0xB0] =	vst v17  }
0x1a3: {  	v27 =	vtrunc.f32 v22;
	v17 =	vtrunc.f32 v20;
	v34 =	vld [tilespmem:s1+$0xC0];
	v24 =	vmax.f32 v24, $0.0e+00  }
0x1a4: {  	v21 =	vmax.f32 v21, $0.0e+00;
	v17 =	vcvt.f32.s32 v17;
	v35 =	vld.idx.msk [tilespmem:v28+s20+$0x0], $0xffff;
	v24 =	vmin.f32 v24, $1.900000000e+01  }
0x1a5: {  	v21 =	vmin.f32 v21, $1.900000000e+01;
	v27 =	vcvt.f32.s32 v27;
	v36 =	vld.idx.msk [tilespmem:v31+s20+$0x0], $0xffff;
	v37 =	vtrunc.f32 v24  }
0x1a6: {  	v9 =	vmax.f32 v9, $0.0e+00;
	v13 =	vmul.f32 v13, v33;
	v38 =	vld.idx.msk [tilespmem:v30+s20+$0x0], $0xffff;
	v33 =	vcvt.f32.s32 v37  }
0x1a7: {  	v25 =	vcvt.f32.s32 v25;
	v9 =	vmin.f32 v9, $1.900000000e+01;
	v37 =	vtrunc.f32 v21;
	v31 =	vld.idx.msk [tilespmem:v31+s19+$0x0], $0xffff  }
0x1a8: {  	v13 =	vadd.f32 v13, v15;
	v15 =	vcvt.f32.s32 v37;
	v28 =	vld.idx.msk [tilespmem:v28+s19+$0x0], $0xffff;
	v34 =	vmul.f32 $1.899999980e+00, v34  }
0x1a9: {  	v8 =	vmul.f32 v8, v26;
	v19 =	vmul.f32 v19, v29;
	s17 =	sadd.s32 $0x200, s17;
	v6 =	vadd.f32 v7, v6;
	v30 =	vld.idx.msk [tilespmem:v30+s19+$0x0], $0xffff  }
0x1aa: {  	v18 =	vmul.f32 $1.899999980e+00, v18;
	v7 =	vmul.f32 v11, v35;
	[tilespmem:s17+$0x80] =	vst v13;
	v11 =	vld.idx.msk [tilespmem:v17+s20+$0x0], $0xffff;
	v13 =	vadd.f32 $9.500000000e+00, v34  }
0x1ab: {  	v8 =	vadd.f32 v8, v12;
	v12 =	vadd.f32 v19, v23;
	v14 =	vmul.f32 v14, v36;
	v26 =	vld [tilespmem:s23+$0x90];
	[tilespmem:s28+$0x70] =	vst v6;
	s28 =	smov.u32 s29;
	s29 =	smov.u32 s31;
	s31 =	smov.u32 s0  }
0x1ac: {  	v19 =	vmul.f32 $1.899999980e+00, v32;
	v6 =	vmul.f32 v16, v38;
	s0 =	smov.u32 s17;
	v13 =	vmax.f32 v13, $0.0e+00;
	v16 =	vld.idx.msk [tilespmem:v33+s20+$0x0], $0xffff  }
0x1ad: {  	v14 =	vadd.f32 v14, v31;
	v23 =	vld.idx.msk [tilespmem:v27+s20+$0x0], $0xffff;
	v13 =	vmin.f32 v13, $1.900000000e+01;
	[tilespmem:s29+$0xFFFFFF50] =	vst v8;
	v8 =	vadd.f32 $9.500000000e+00, v18  }
0x1ae: {  	v19 =	vadd.f32 $9.500000000e+00, v19;
	v7 =	vadd.f32 v7, v28;
	v18 =	vtrunc.f32 v13;
	[tilespmem:s29+$0xFFFFFFD0] =	vst v12;
	v12 =	vld.idx.msk [tilespmem:v33+s19+$0x0], $0xffff  }
0x1af: {  	v6 =	vadd.f32 v6, v30;
	[tilespmem:s17+$0xFFFFFF00] =	vst v14;
	v14 =	vld.idx.msk [tilespmem:v15+s20+$0x0], $0xffff;
	v18 =	vcvt.f32.s32 v18;
	v8 =	vmax.f32 v8, $0.0e+00  }
0x1b0: {  	v20 =	vmul.f32 v20, v11;
	v28 =	vld [tilespmem:s23+$0xFFFFFF10];
	[tilespmem:s17+$0xFFFFFF80] =	vst v7;
	v7 =	vmin.f32 v8, $1.900000000e+01;
	v8 =	vmax.f32 v19, $0.0e+00  }
0x1b1: {  	v11 =	vtrunc.f32 v9;
	v19 =	vld [tilespmem:s23+$0xFFFFFF90];
	[tilespmem:s17+$0x0] =	vst v6;
	v6 =	vmul.f32 $1.899999980e+00, v26;
	v8 =	vmin.f32 v8, $1.900000000e+01  }
0x1b2: {  	v16 =	vmul.f32 v24, v16;
	v24 =	vtrunc.f32 v7;
	v26 =	vld [tilespmem:s23+$0x10]  }
0x1b3: {  	v22 =	vmul.f32 v22, v23;
	v23 =	vtrunc.f32 v8;
	v6 =	vadd.f32 $9.500000000e+00, v6;
	v17 =	vld.idx.msk [tilespmem:v17+s19+$0x0], $0xffff  }
0x1b4: {  	v12 =	vadd.f32 v16, v12;
	v16 =	vcvt.f32.s32 v11;
	v11 =	vcvt.f32.s32 v24;
	v27 =	vld.idx.msk [tilespmem:v27+s19+$0x0], $0xffff  }
0x1b5: {  	v14 =	vmul.f32 v21, v14;
	v24 =	vmul.f32 $1.899999980e+00, v28;
	v6 =	vmax.f32 v6, $0.0e+00;
	v21 =	vld.idx.msk [tilespmem:v18+s20+$0x0], $0xffff  }
0x1b6: {  	v19 =	vmul.f32 $1.899999980e+00, v19;
	v28 =	vmin.f32 v6, $1.900000000e+01;
	v15 =	vld.idx.msk [tilespmem:v15+s19+$0x0], $0xffff;
	[tilespmem:s29+$0xF0] =	vst v12;
	v6 =	vcvt.f32.s32 v23  }
0x1b7: {  	v12 =	vadd.f32 $9.500000000e+00, v24;
	v23 =	vmul.f32 $1.899999980e+00, v26;
	v24 =	vtrunc.f32 v28;
	v18 =	vld.idx.msk [tilespmem:v18+s19+$0x0], $0xffff  }
0x1b8: {  	v19 =	vadd.f32 $9.500000000e+00, v19;
	v24 =	vcvt.f32.s32 v24;
	v26 =	vld.idx.msk [tilespmem:v25+s20+$0x0], $0xffff  }
0x1b9: {  	v17 =	vadd.f32 v20, v17;
	v12 =	vmax.f32 v12, $0.0e+00;
	v23 =	vadd.f32 $9.500000000e+00, v23;
	v20 =	vld.idx.msk [tilespmem:v25+s19+$0x0], $0xffff  }
0x1ba: {  	v22 =	vadd.f32 v22, v27;
	v12 =	vmin.f32 v12, $1.900000000e+01;
	v19 =	vmax.f32 v19, $0.0e+00;
	v25 =	vld [tilespmem:s30+$0xFFFFFF60]  }
0x1bb: {  	v13 =	vmul.f32 v13, v21;
	v19 =	vmin.f32 v19, $1.900000000e+01;
	v23 =	vmax.f32 v23, $0.0e+00;
	[tilespmem:s31+$0xFFFFFF30] =	vst v17;
	v17 =	vld [tilespmem:s30+$0xFFFFFFE0]  }
0x1bc: {  	v21 =	vtrunc.f32 v12;
	v27 =	vtrunc.f32 v19;
	v23 =	vmin.f32 v23, $1.900000000e+01;
	v29 =	vld [tilespmem:s1+$0xFFFFFF40];
	[tilespmem:s31+$0xFFFFFFB0] =	vst v22  }
0x1bd: {  	v21 =	vcvt.f32.s32 v21;
	v13 =	vadd.f32 v13, v18;
	v22 =	vtrunc.f32 v23;
	v30 =	vld [tilespmem:s1+$0xFFFFFFC0]  }
0x1be: {  	v14 =	vadd.f32 v14, v15;
	v18 =	vcvt.f32.s32 v27;
	v22 =	vcvt.f32.s32 v22;
	v27 =	vld.idx.msk [tilespmem:v24+s20+$0x0], $0xffff  }
0x1bf: {  	v10 =	vmul.f32 v10, v26;
	v15 =	vld.idx.msk [tilespmem:v24+s19+$0x0], $0xffff;
	[tilespmem:s31+$0xC0] =	vst v13;
	v13 =	vmul.f32 $1.899999980e+00, v25  }
0x1c0: {  	[tilespmem:s31+$0x30] =	vst v14;
	v14 =	vld [tilespmem:s1+$0xD0];
	v17 =	vmul.f32 $1.899999980e+00, v17  }
0x1c1: {  	v10 =	vadd.f32 v10, v20;
	v24 =	vmul.f32 $1.899999980e+00, v29;
	v25 =	vld [tilespmem:s1+$0x40];
	v13 =	vadd.f32 $9.500000000e+00, v13  }
0x1c2: {  	v20 =	vmul.f32 $1.899999980e+00, v30;
	v17 =	vadd.f32 $9.500000000e+00, v17;
	v26 =	vld.idx.msk [tilespmem:v16+s20+$0x0], $0xffff  }
0x1c3: {  	v29 =	vld.idx.msk [tilespmem:v21+s20+$0x0], $0xffff;
	v24 =	vadd.f32 $9.500000000e+00, v24;
	v13 =	vmax.f32 v13, $0.0e+00;
	[tilespmem:s29+$0x50] =	vst v10  }
0x1c4: {  	v27 =	vmul.f32 v28, v27;
	v30 =	vld.idx.msk [tilespmem:v18+s20+$0x0], $0xffff;
	v20 =	vadd.f32 $9.500000000e+00, v20;
	v17 =	vmax.f32 v17, $0.0e+00  }
0x1c5: {  	v10 =	vmin.f32 v13, $1.900000000e+01;
	v28 =	vld.idx.msk [tilespmem:v22+s20+$0x0], $0xffff;
	v24 =	vmax.f32 v24, $0.0e+00;
	v14 =	vmul.f32 $1.899999980e+00, v14  }
0x1c6: {  	v15 =	vadd.f32 v27, v15;
	v13 =	vld.idx.msk [tilespmem:v21+s19+$0x0], $0xffff;
	v20 =	vmax.f32 v20, $0.0e+00;
	v21 =	vmul.f32 $1.899999980e+00, v25  }
0x1c7: {  	v24 =	vmin.f32 v24, $1.900000000e+01;
	v18 =	vld.idx.msk [tilespmem:v18+s19+$0x0], $0xffff;
	v20 =	vmin.f32 v20, $1.900000000e+01;
	v14 =	vadd.f32 $9.500000000e+00, v14  }
0x1c8: {  	v22 =	vld.idx.msk [tilespmem:v22+s19+$0x0], $0xffff;
	[tilespmem:s17+$0x90] =	vst v15;
	v15 =	vtrunc.f32 v24;
	v25 =	vtrunc.f32 v20;
	v21 =	vadd.f32 $9.500000000e+00, v21  }
0x1c9: {  	v12 =	vmul.f32 v12, v29;
	v27 =	vld [tilespmem:s23+$0xA0];
	v15 =	vcvt.f32.s32 v15;
	v14 =	vmax.f32 v14, $0.0e+00  }
0x1ca: {  	v19 =	vmul.f32 v19, v30;
	v21 =	vmax.f32 v21, $0.0e+00;
	v14 =	vmin.f32 v14, $1.900000000e+01;
	v29 =	vld [tilespmem:s30+$0x60]  }
0x1cb: {  	v23 =	vmul.f32 v23, v28;
	v21 =	vmin.f32 v21, $1.900000000e+01;
	v28 =	vtrunc.f32 v14;
	v30 =	vld.idx.msk [tilespmem:v11+s20+$0x0], $0xffff  }
0x1cc: {  	v12 =	vadd.f32 v12, v13;
	v13 =	vtrunc.f32 v21;
	v28 =	vcvt.f32.s32 v28;
	v31 =	vld.idx.msk [tilespmem:v6+s20+$0x0], $0xffff  }
0x1cd: {  	v18 =	vadd.f32 v19, v18;
	v19 =	vcvt.f32.s32 v25;
	v13 =	vcvt.f32.s32 v13;
	v16 =	vld.idx.msk [tilespmem:v16+s19+$0x0], $0xffff  }
0x1ce: {  	v17 =	vmin.f32 v17, $1.900000000e+01;
	[tilespmem:s17+$0xFFFFFF10] =	vst v12;
	v12 =	vadd.f32 v23, v22;
	v22 =	vmul.f32 $1.899999980e+00, v27;
	v11 =	vld.idx.msk [tilespmem:v11+s19+$0x0], $0xffff  }
0x1cf: {  	v23 =	vld [tilespmem:s23+$0xFFFFFF20];
	[tilespmem:s17+$0xFFFFFF90] =	vst v18;
	v18 =	vtrunc.f32 v10;
	v25 =	vmul.f32 $1.899999980e+00, v29  }
0x1d0: {  	v27 =	vld [tilespmem:s23+$0xFFFFFFA0];
	[tilespmem:s17+$0x10] =	vst v12;
	v12 =	vadd.f32 $9.500000000e+00, v22;
	v18 =	vcvt.f32.s32 v18;
	v22 =	vtrunc.f32 v17  }
0x1d1: {  	v9 =	vmul.f32 v9, v26;
	v29 =	vld [tilespmem:s23+$0x20];
	v22 =	vcvt.f32.s32 v22;
	v25 =	vadd.f32 $9.500000000e+00, v25  }
0x1d2: {  	v30 =	vmul.f32 v7, v30;
	v7 =	vmul.f32 v8, v31;
	v12 =	vmax.f32 v12, $0.0e+00;
	v26 =	vld.idx.msk [tilespmem:v28+s20+$0x0], $0xffff  }
0x1d3: {  	v9 =	vadd.f32 v9, v16;
	v8 =	vmin.f32 v12, $1.900000000e+01;
	v12 =	vld.idx.msk [tilespmem:v15+s20+$0x0], $0xffff;
	v25 =	vmax.f32 v25, $0.0e+00  }
0x1d4: {  	v16 =	vmul.f32 $1.899999980e+00, v23;
	v23 =	vtrunc.f32 v8;
	v28 =	vld.idx.msk [tilespmem:v28+s19+$0x0], $0xffff;
	v25 =	vmin.f32 v25, $1.900000000e+01  }
0x1d5: {  	v27 =	vmul.f32 $1.899999980e+00, v27;
	v23 =	vcvt.f32.s32 v23;
	v31 =	vld.idx.msk [tilespmem:v19+s20+$0x0], $0xffff;
	[tilespmem:s28+$0xFFFFFF70] =	vst v9;
	v9 =	vadd.f32 v30, v11  }
0x1d6: {  	v30 =	vtrunc.f32 v25;
	v11 =	vadd.f32 $9.500000000e+00, v16;
	v16 =	vmul.f32 $1.899999980e+00, v29;
	v29 =	vld.idx.msk [tilespmem:v13+s20+$0x0], $0xffff  }
0x1d7: {  	v30 =	vcvt.f32.s32 v30;
	v27 =	vadd.f32 $9.500000000e+00, v27;
	v15 =	vld.idx.msk [tilespmem:v15+s19+$0x0], $0xffff;
	[tilespmem:s28+$0xFFFFFFF0] =	vst v9  }
0x1d8: {  	v14 =	vmul.f32 v14, v26;
	v9 =	vmax.f32 v11, $0.0e+00;
	v11 =	vadd.f32 $9.500000000e+00, v16;
	v16 =	vld.idx.msk [tilespmem:v19+s19+$0x0], $0xffff  }
0x1d9: {  	v12 =	vmul.f32 v24, v12;
	v9 =	vmin.f32 v9, $1.900000000e+01;
	v19 =	vmax.f32 v27, $0.0e+00;
	v13 =	vld.idx.msk [tilespmem:v13+s19+$0x0], $0xffff  }
0x1da: {  	v14 =	vadd.f32 v14, v28;
	v19 =	vmin.f32 v19, $1.900000000e+01;
	v11 =	vmax.f32 v11, $0.0e+00;
	v24 =	vld.idx.msk [tilespmem:v18+s20+$0x0], $0xffff  }
0x1db: {  	v26 =	vtrunc.f32 v9;
	v27 =	vtrunc.f32 v19;
	v11 =	vmin.f32 v11, $1.900000000e+01;
	v28 =	vld.idx.msk [tilespmem:v23+s20+$0x0], $0xffff  }
0x1dc: {  	v26 =	vcvt.f32.s32 v26;
	v32 =	vtrunc.f32 v11;
	v23 =	vld.idx.msk [tilespmem:v23+s19+$0x0], $0xffff;
	[tilespmem:s31+$0xD0] =	vst v14  }
0x1dd: {  	v14 =	vcvt.f32.s32 v27;
	v12 =	vadd.f32 v12, v15;
	v27 =	vcvt.f32.s32 v32;
	v15 =	vld [tilespmem:s1+$0xE0]  }
0x1de: {  	v20 =	vmul.f32 v20, v31;
	v21 =	vmul.f32 v21, v29;
	v29 =	vld.idx.msk [tilespmem:v22+s20+$0x0], $0xffff  }
0x1df: {  	[tilespmem:s31+$0xFFFFFF40] =	vst v12;
	v12 =	vld.idx.msk [tilespmem:v30+s20+$0x0], $0xffff  }
0x1e0: {  	v16 =	vadd.f32 v20, v16;
	v13 =	vadd.f32 v21, v13;
	v20 =	vmul.f32 v10, v24;
	v31 =	vld [tilespmem:s1+$0xFFFFFF50]  }
0x1e1: {  	v8 =	vmul.f32 v8, v28;
	v18 =	vld.idx.msk [tilespmem:v18+s19+$0x0], $0xffff  }
0x1e2: {  	v21 =	vld.idx.msk [tilespmem:v26+s20+$0x0], $0xffff;
	[tilespmem:s31+$0xFFFFFFC0] =	vst v16;
	v10 =	vmul.f32 $1.899999980e+00, v15  }
0x1e3: {  	v8 =	vadd.f32 v8, v23;
	v15 =	vld.idx.msk [tilespmem:v14+s20+$0x0], $0xffff;
	[tilespmem:s31+$0x40] =	vst v13  }
0x1e4: {  	v16 =	vld.idx.msk [tilespmem:v27+s20+$0x0], $0xffff;
	v23 =	vadd.f32 $9.500000000e+00, v10;
	v10 =	vmul.f32 v17, v29  }
0x1e5: {  	v13 =	vmul.f32 v25, v12;
	v24 =	vld.idx.msk [tilespmem:v26+s19+$0x0], $0xffff;
	[tilespmem:s17+$0xA0] =	vst v8;
	v8 =	vmul.f32 $1.899999980e+00, v31  }
0x1e6: {  	v12 =	vld [tilespmem:s23+$0xB0];
	v17 =	vmax.f32 v23, $0.0e+00  }
0x1e7: {  	v20 =	vadd.f32 v20, v18;
	v23 =	vld.idx.msk [tilespmem:v14+s19+$0x0], $0xffff;
	v8 =	vadd.f32 $9.500000000e+00, v8;
	v14 =	vmin.f32 v17, $1.900000000e+01  }
0x1e8: {  	v9 =	vmul.f32 v9, v21;
	v18 =	vld.idx.msk [tilespmem:v27+s19+$0x0], $0xffff;
	v17 =	vtrunc.f32 v14  }
.Ltmp0:
0x1e9: {  	v21 =	vmul.f32 v19, v15;
	v8 =	vmax.f32 v8, $0.0e+00;
	v19 =	vld [tilespmem:s1+$0xFFFFFFD0];
	v17 =	vcvt.f32.s32 v17;
	[tilespmem:s29+$0xFFFFFF60] =	vst v20;
	(pc) =	sbr.rel @p0 .LBB2_2-.Ltmp0, $4  }
0x1ea: {  	v20 =	vmul.f32 v11, v16;
	v8 =	vmin.f32 v8, $1.900000000e+01;
	v11 =	vld [tilespmem:s1+$0x50]  }
0x1eb: {  	v9 =	vadd.f32 v9, v24;
	v24 =	vmul.f32 $1.899999980e+00, v12;
	v12 =	vtrunc.f32 v8;
	v16 =	vld.idx.msk [tilespmem:v22+s19+$0x0], $0xffff  }
0x1ec: {  	v12 =	vcvt.f32.s32 v12;
	v15 =	vld.idx.msk [tilespmem:v30+s19+$0x0], $0xffff  }
0x1ed: {  	s23 =	sadd.s32 $0x200, s23;
	v21 =	vadd.f32 v21, v23;
	[tilespmem:s17+$0xFFFFFF20] =	vst v9;
	v22 =	vadd.f32 $9.500000000e+00, v24;
	v9 =	vld [tilespmem:s30+$0xFFFFFF70]  }
0x1ee: {  	_ =	sdelay $0x1  }
0x1ef: {  	v22 =	vmax.f32 v22, $0.0e+00  }
0x1f0: {  	v22 =	vmin.f32 v22, $1.900000000e+01  }
0x1f1: {  	v24 =	vld.idx.msk [tilespmem:v17+s20+$0x0], $0xffff;
	v23 =	vtrunc.f32 v22  }
0x1f2: {  	v19 =	vmul.f32 $1.899999980e+00, v19;
	v18 =	vadd.f32 v20, v18;
	v17 =	vld.idx.msk [tilespmem:v17+s19+$0x0], $0xffff;
	v23 =	vcvt.f32.s32 v23  }
0x1f3: {  	v20 =	vld [tilespmem:s3+$0xFFFFFF30];
	[tilespmem:s17+$0xFFFFFFA0] =	vst v21  }
0x1f4: {  	v19 =	vadd.f32 $9.500000000e+00, v19;
	[tilespmem:s17+$0x20] =	vst v18;
	v18 =	vld [tilespmem:s3+$0xFFFFFFB0]  }
0x1f5: {  	v21 =	vld [tilespmem:s3+$0x30]  }
0x1f6: {  	v19 =	vmax.f32 v19, $0.0e+00  }
0x1f7: {  	v19 =	vmin.f32 v19, $1.900000000e+01;
	v14 =	vmul.f32 v14, v24  }
0x1f8: {  	v20 =	vmul.f32 $1.899999980e+00, v20;
	v26 =	vtrunc.f32 v19;
	v25 =	vld.idx.msk [tilespmem:v23+s20+$0x0], $0xffff  }
0x1f9: {  	v46 =	vcvt.f32.s32 v26;
	v18 =	vmul.f32 $1.899999980e+00, v18  }
0x1fa: {  	v14 =	vadd.f32 v14, v17;
	v17 =	vadd.f32 $9.500000000e+00, v20;
	v20 =	vmul.f32 $1.899999980e+00, v21;
	v23 =	vld.idx.msk [tilespmem:v23+s19+$0x0], $0xffff  }
0x1fb: {  	v16 =	vadd.f32 v10, v16;
	v18 =	vadd.f32 $9.500000000e+00, v18  }
0x1fc: {  	v13 =	vadd.f32 v13, v15;
	[tilespmem:s31+$0xE0] =	vst v14;
	v14 =	vmax.f32 v17, $0.0e+00;
	v17 =	vadd.f32 $9.500000000e+00, v20  }
0x1fd: {  	v15 =	vld.idx.msk [tilespmem:v12+s20+$0x0], $0xffff;
	v14 =	vmin.f32 v14, $1.900000000e+01;
	v18 =	vmax.f32 v18, $0.0e+00;
	v21 =	vmul.f32 v22, v25  }
0x1fe: {  	v12 =	vld.idx.msk [tilespmem:v12+s19+$0x0], $0xffff;
	[tilespmem:s29+$0xFFFFFFE0] =	vst v16;
	v16 =	vmin.f32 v18, $1.900000000e+01;
	v18 =	vtrunc.f32 v14  }
0x1ff: {  	v10 =	vld [tilespmem:s1+$0xF0];
	v17 =	vmax.f32 v17, $0.0e+00;
	v18 =	vcvt.f32.s32 v18;
	v20 =	vadd.f32 v21, v23  }
0x200: {  	[tilespmem:s29+$0x60] =	vst v13;
	v13 =	vld.idx.msk [tilespmem:v46+s20+$0x0], $0xffff;
	v17 =	vmin.f32 v17, $1.900000000e+01;
	v21 =	vtrunc.f32 v16  }
0x201: {  	v22 =	vld.idx.msk [tilespmem:v46+s19+$0x0], $0xffff;
	v23 =	vtrunc.f32 v17;
	v21 =	vcvt.f32.s32 v21;
	[tilespmem:s17+$0xB0] =	vst v20  }
0x202: {  	v20 =	vcvt.f32.s32 v23;
	v23 =	vld [tilespmem:s3+$0xC0];
	_ =	sdelay $0x2  }
0x203: {  	v24 =	vld.idx.msk [tilespmem:v18+s20+$0x0], $0xffff  }
0x204: {  	v18 =	vld.idx.msk [tilespmem:v18+s19+$0x0], $0xffff  }
0x205: {  	v47 =	vld.idx.msk [tilespmem:v21+s20+$0x0], $0xffff;
	v23 =	vmul.f32 $1.899999980e+00, v23  }
0x206: {  	v21 =	vld.idx.msk [tilespmem:v21+s19+$0x0], $0xffff  }
0x207: {  	v48 =	vld.idx.msk [tilespmem:v20+s20+$0x0], $0xffff;
	v23 =	vadd.f32 $9.500000000e+00, v23;
	_ =	sdelay $0x1  }
0x208: {  	v14 =	vmul.f32 v14, v24;
	v20 =	vld.idx.msk [tilespmem:v20+s19+$0x0], $0xffff;
	v23 =	vmax.f32 v23, $0.0e+00  }
0x209: {  	v16 =	vmul.f32 v16, v47;
	v23 =	vmin.f32 v23, $1.900000000e+01  }
0x20a: {  	v14 =	vadd.f32 v14, v18;
	v49 =	vtrunc.f32 v23  }
0x20b: {  	v17 =	vmul.f32 v17, v48;
	v16 =	vadd.f32 v16, v21;
	v18 =	vcvt.f32.s32 v49  }
0x20c: {  	[tilespmem:s0+$0xFFFFFF30] =	vst v14  }
0x20d: {  	v14 =	vld [tilespmem:s3+$0xFFFFFF40];
	[tilespmem:s0+$0xFFFFFFB0] =	vst v16;
	v16 =	vadd.f32 v17, v20;
	_ =	sdelay $0x1  }
0x20e: {  	v17 =	vld [tilespmem:s3+$0xFFFFFFC0];
	[tilespmem:s0+$0x30] =	vst v16  }
0x20f: {  	v16 =	vld [tilespmem:s3+$0x40]  }
0x210: {  	v20 =	vld.idx.msk [tilespmem:v18+s20+$0x0], $0xffff  }
0x211: {  	v14 =	vmul.f32 $1.899999980e+00, v14  }
0x212: {  	v18 =	vld.idx.msk [tilespmem:v18+s19+$0x0], $0xffff  }
0x213: {  	v14 =	vadd.f32 $9.500000000e+00, v14;
	v17 =	vmul.f32 $1.899999980e+00, v17  }
0x214: {  	v16 =	vmul.f32 $1.899999980e+00, v16  }
0x215: {  	v14 =	vmax.f32 v14, $0.0e+00;
	v17 =	vadd.f32 $9.500000000e+00, v17;
	v20 =	vmul.f32 v23, v20  }
0x216: {  	v14 =	vmin.f32 v14, $1.900000000e+01;
	v16 =	vadd.f32 $9.500000000e+00, v16  }
0x217: {  	v17 =	vmax.f32 v17, $0.0e+00;
	v18 =	vadd.f32 v20, v18;
	v20 =	vtrunc.f32 v14  }
0x218: {  	v17 =	vmin.f32 v17, $1.900000000e+01;
	v16 =	vmax.f32 v16, $0.0e+00;
	v20 =	vcvt.f32.s32 v20  }
0x219: {  	v11 =	vmul.f32 $1.899999980e+00, v11;
	v21 =	vtrunc.f32 v17;
	v16 =	vmin.f32 v16, $1.900000000e+01;
	[tilespmem:s0+$0xC0] =	vst v18  }
0x21a: {  	v18 =	vcvt.f32.s32 v21;
	v23 =	vtrunc.f32 v16;
	v21 =	vld [tilespmem:s3+$0xD0]  }
0x21b: {  	v23 =	vcvt.f32.s32 v23  }
0x21c: {  	v11 =	vadd.f32 $9.500000000e+00, v11;
	_ =	sdelay $0x1  }
0x21d: {  	v11 =	vmax.f32 v11, $0.0e+00;
	v50 =	vld.idx.msk [tilespmem:v20+s20+$0x0], $0xffff  }
0x21e: {  	v11 =	vmin.f32 v11, $1.900000000e+01;
	v20 =	vld.idx.msk [tilespmem:v20+s19+$0x0], $0xffff;
	v21 =	vmul.f32 $1.899999980e+00, v21  }
0x21f: {  	v52 =	vtrunc.f32 v11;
	v51 =	vld.idx.msk [tilespmem:v18+s20+$0x0], $0xffff  }
0x220: {  	v26 =	vcvt.f32.s32 v52;
	v27 =	vld.idx.msk [tilespmem:v23+s20+$0x0], $0xffff;
	v21 =	vadd.f32 $9.500000000e+00, v21  }
0x221: {  	v18 =	vld.idx.msk [tilespmem:v18+s19+$0x0], $0xffff  }
0x222: {  	v23 =	vld.idx.msk [tilespmem:v23+s19+$0x0], $0xffff;
	v21 =	vmax.f32 v21, $0.0e+00;
	v14 =	vmul.f32 v14, v50  }
0x223: {  	v21 =	vmin.f32 v21, $1.900000000e+01  }
0x224: {  	v17 =	vmul.f32 v17, v51;
	v53 =	vtrunc.f32 v21;
	v14 =	vadd.f32 v14, v20  }
0x225: {  	v16 =	vmul.f32 v16, v27;
	v20 =	vcvt.f32.s32 v53  }
0x226: {  	v54 =	vld.idx.msk [tilespmem:v26+s20+$0x0], $0xffff;
	[tilespmem:s0+$0xFFFFFF40] =	vst v14;
	v14 =	vadd.f32 v17, v18  }
0x227: {  	v8 =	vmul.f32 v8, v15;
	v16 =	vadd.f32 v16, v23;
	v15 =	vld [tilespmem:s3+$0xFFFFFF50]  }
0x228: {  	v17 =	vld.idx.msk [tilespmem:v26+s19+$0x0], $0xffff;
	[tilespmem:s0+$0xFFFFFFC0] =	vst v14  }
0x229: {  	v8 =	vadd.f32 v8, v12;
	[tilespmem:s0+$0x40] =	vst v16;
	v12 =	vld [tilespmem:s3+$0xFFFFFFD0]  }
0x22a: {  	v13 =	vmul.f32 v19, v13;
	v14 =	vld [tilespmem:s3+$0x50]  }
0x22b: {  	[tilespmem:s31+$0xFFFFFF50] =	vst v8;
	v8 =	vld.idx.msk [tilespmem:v20+s20+$0x0], $0xffff  }
0x22c: {  	v13 =	vadd.f32 v13, v22;
	v11 =	vmul.f32 v11, v54;
	v16 =	vld [tilespmem:s1+$0xFFFFFF60];
	v15 =	vmul.f32 $1.899999980e+00, v15  }
0x22d: {  	v18 =	vld.idx.msk [tilespmem:v20+s19+$0x0], $0xffff  }
0x22e: {  	[tilespmem:s31+$0xFFFFFFD0] =	vst v13;
	v11 =	vadd.f32 v11, v17;
	v13 =	vadd.f32 $9.500000000e+00, v15;
	v12 =	vmul.f32 $1.899999980e+00, v12  }
0x22f: {  	v14 =	vmul.f32 $1.899999980e+00, v14  }
0x230: {  	[tilespmem:s31+$0x50] =	vst v11;
	v8 =	vmul.f32 v21, v8;
	v11 =	vmax.f32 v13, $0.0e+00;
	v12 =	vadd.f32 $9.500000000e+00, v12  }
0x231: {  	v15 =	vld [tilespmem:s1+$0xFFFFFFE0];
	v13 =	vmul.f32 $1.899999980e+00, v16;
	v14 =	vadd.f32 $9.500000000e+00, v14;
	v11 =	vmin.f32 v11, $1.900000000e+01  }
0x232: {  	v8 =	vadd.f32 v8, v18;
	v17 =	vtrunc.f32 v11;
	v12 =	vmax.f32 v12, $0.0e+00  }
0x233: {  	v16 =	vld [tilespmem:s1+$0x60];
	v14 =	vmax.f32 v14, $0.0e+00;
	v17 =	vcvt.f32.s32 v17;
	v12 =	vmin.f32 v12, $1.900000000e+01  }
0x234: {  	v14 =	vmin.f32 v14, $1.900000000e+01;
	[tilespmem:s0+$0xD0] =	vst v8;
	v8 =	vtrunc.f32 v12  }
0x235: {  	v19 =	vtrunc.f32 v14;
	v8 =	vcvt.f32.s32 v8  }
0x236: {  	v15 =	vmul.f32 $1.899999980e+00, v15;
	v18 =	vld [tilespmem:s3+$0xE0];
	v19 =	vcvt.f32.s32 v19  }
0x237: {  	v13 =	vadd.f32 $9.500000000e+00, v13  }
0x238: {  	v15 =	vadd.f32 $9.500000000e+00, v15;
	v16 =	vmul.f32 $1.899999980e+00, v16  }
0x239: {  	v13 =	vmax.f32 v13, $0.0e+00;
	v20 =	vld.idx.msk [tilespmem:v17+s20+$0x0], $0xffff  }
0x23a: {  	v13 =	vmin.f32 v13, $1.900000000e+01;
	v15 =	vmax.f32 v15, $0.0e+00;
	v16 =	vadd.f32 $9.500000000e+00, v16;
	v17 =	vld.idx.msk [tilespmem:v17+s19+$0x0], $0xffff  }
0x23b: {  	v21 =	vtrunc.f32 v13;
	v15 =	vmin.f32 v15, $1.900000000e+01;
	v18 =	vmul.f32 $1.899999980e+00, v18;
	v23 =	vld.idx.msk [tilespmem:v8+s20+$0x0], $0xffff  }
0x23c: {  	v21 =	vcvt.f32.s32 v21;
	v16 =	vmax.f32 v16, $0.0e+00;
	v22 =	vtrunc.f32 v15;
	v56 =	vld.idx.msk [tilespmem:v19+s20+$0x0], $0xffff  }
0x23d: {  	v16 =	vmin.f32 v16, $1.900000000e+01;
	v22 =	vcvt.f32.s32 v22;
	v8 =	vld.idx.msk [tilespmem:v8+s19+$0x0], $0xffff;
	v18 =	vadd.f32 $9.500000000e+00, v18  }
0x23e: {  	v55 =	vtrunc.f32 v16  }
0x23f: {  	v19 =	vld.idx.msk [tilespmem:v19+s19+$0x0], $0xffff;
	v24 =	vcvt.f32.s32 v55;
	v18 =	vmax.f32 v18, $0.0e+00;
	v11 =	vmul.f32 v11, v20  }
0x240: {  	v18 =	vmin.f32 v18, $1.900000000e+01;
	v12 =	vmul.f32 v12, v23  }
0x241: {  	v20 =	vtrunc.f32 v18;
	v11 =	vadd.f32 v11, v17  }
0x242: {  	v23 =	vld.idx.msk [tilespmem:v21+s20+$0x0], $0xffff;
	v14 =	vmul.f32 v14, v56;
	v20 =	vcvt.f32.s32 v20;
	v8 =	vadd.f32 v12, v8  }
0x243: {  	v17 =	vld.idx.msk [tilespmem:v22+s20+$0x0], $0xffff;
	[tilespmem:s0+$0xFFFFFF50] =	vst v11  }
0x244: {  	v11 =	vadd.f32 v14, v19;
	[tilespmem:s0+$0xFFFFFFD0] =	vst v8;
	v8 =	vld [tilespmem:s3+$0xFFFFFF60]  }
0x245: {  	v12 =	vld.idx.msk [tilespmem:v24+s20+$0x0], $0xffff  }
0x246: {  	[tilespmem:s0+$0x50] =	vst v11;
	v14 =	vld [tilespmem:s3+$0xFFFFFFE0]  }
0x247: {  	v11 =	vld [tilespmem:s3+$0x60]  }
0x248: {  	v19 =	vld.idx.msk [tilespmem:v20+s20+$0x0], $0xffff  }
0x249: {  	v21 =	vld.idx.msk [tilespmem:v21+s19+$0x0], $0xffff;
	v8 =	vmul.f32 $1.899999980e+00, v8  }
0x24a: {  	v9 =	vmul.f32 $1.899999980e+00, v9;
	v13 =	vmul.f32 v13, v23;
	v20 =	vld.idx.msk [tilespmem:v20+s19+$0x0], $0xffff  }
0x24b: {  	v15 =	vmul.f32 v15, v17;
	v14 =	vmul.f32 $1.899999980e+00, v14;
	v8 =	vadd.f32 $9.500000000e+00, v8  }
0x24c: {  	v12 =	vmul.f32 v16, v12;
	v16 =	vld.idx.msk [tilespmem:v22+s19+$0x0], $0xffff;
	v11 =	vmul.f32 $1.899999980e+00, v11  }
0x24d: {  	v17 =	vmul.f32 v18, v19;
	v14 =	vadd.f32 $9.500000000e+00, v14;
	v18 =	vld.idx.msk [tilespmem:v24+s19+$0x0], $0xffff;
	v8 =	vmax.f32 v8, $0.0e+00  }
0x24e: {  	v13 =	vadd.f32 v13, v21;
	v11 =	vadd.f32 $9.500000000e+00, v11;
	v8 =	vmin.f32 v8, $1.900000000e+01  }
0x24f: {  	v17 =	vadd.f32 v17, v20;
	v14 =	vmax.f32 v14, $0.0e+00;
	v21 =	vtrunc.f32 v8  }
0x250: {  	v19 =	vld [tilespmem:s30+$0xFFFFFFF0];
	v11 =	vmax.f32 v11, $0.0e+00;
	v14 =	vmin.f32 v14, $1.900000000e+01;
	v21 =	vcvt.f32.s32 v21  }
0x251: {  	[tilespmem:s31+$0xFFFFFF60] =	vst v13;
	v13 =	vadd.f32 v15, v16;
	v20 =	vld [tilespmem:s30+$0x70];
	v11 =	vmin.f32 v11, $1.900000000e+01;
	v22 =	vtrunc.f32 v14  }
0x252: {  	v16 =	vtrunc.f32 v11;
	[tilespmem:s0+$0xE0] =	vst v17;
	v15 =	vcvt.f32.s32 v22;
	v22 =	vld [tilespmem:s1+$0xFFFFFF70];
	v12 =	vadd.f32 v12, v18  }
0x253: {  	v9 =	vadd.f32 $9.500000000e+00, v9;
	[tilespmem:s31+$0xFFFFFFE0] =	vst v13;
	v16 =	vcvt.f32.s32 v16;
	v13 =	vld [tilespmem:s3+$0xF0]  }
0x254: {  	v10 =	vmul.f32 $1.899999980e+00, v10;
	[tilespmem:s31+$0x60] =	vst v12;
	v12 =	vld [tilespmem:s1+$0xFFFFFFF0]  }
0x255: {  	v9 =	vmax.f32 v9, $0.0e+00;
	v17 =	vmul.f32 $1.899999980e+00, v19;
	v19 =	vld [tilespmem:s1+$0x70]  }
0x256: {  	v9 =	vmin.f32 v9, $1.900000000e+01;
	v10 =	vadd.f32 $9.500000000e+00, v10;
	v23 =	vld.idx.msk [tilespmem:v21+s20+$0x0], $0xffff  }
0x257: {  	v59 =	vtrunc.f32 v9;
	v21 =	vld.idx.msk [tilespmem:v21+s19+$0x0], $0xffff  }
0x258: {  	v10 =	vmax.f32 v10, $0.0e+00;
	v18 =	vmul.f32 $1.899999980e+00, v20;
	v17 =	vadd.f32 $9.500000000e+00, v17;
	v57 =	vld.idx.msk [tilespmem:v15+s20+$0x0], $0xffff  }
0x259: {  	v10 =	vmin.f32 v10, $1.900000000e+01;
	v26 =	vcvt.f32.s32 v59;
	v58 =	vld.idx.msk [tilespmem:v16+s20+$0x0], $0xffff  }
0x25a: {  	v20 =	vtrunc.f32 v10;
	v18 =	vadd.f32 $9.500000000e+00, v18;
	v17 =	vmax.f32 v17, $0.0e+00;
	v15 =	vld.idx.msk [tilespmem:v15+s19+$0x0], $0xffff  }
0x25b: {  	v20 =	vcvt.f32.s32 v20;
	v17 =	vmin.f32 v17, $1.900000000e+01;
	v16 =	vld.idx.msk [tilespmem:v16+s19+$0x0], $0xffff;
	v8 =	vmul.f32 v8, v23  }
0x25c: {  	v13 =	vmul.f32 $1.899999980e+00, v13;
	v18 =	vmax.f32 v18, $0.0e+00;
	v60 =	vtrunc.f32 v17  }
0x25d: {  	v12 =	vmul.f32 $1.899999980e+00, v12;
	v14 =	vmul.f32 v14, v57;
	v8 =	vadd.f32 v8, v21  }
0x25e: {  	v6 =	vld.idx.msk [tilespmem:v6+s19+$0x0], $0xffff;
	v18 =	vmin.f32 v18, $1.900000000e+01;
	v19 =	vmul.f32 $1.899999980e+00, v19;
	v11 =	vmul.f32 v11, v58  }
0x25f: {  	v12 =	vadd.f32 $9.500000000e+00, v12;
	v21 =	vmul.f32 $1.899999980e+00, v22;
	v22 =	vld.idx.msk [tilespmem:v26+s20+$0x0], $0xffff;
	v14 =	vadd.f32 v14, v15;
	[tilespmem:s0+$0xFFFFFF60] =	vst v8  }
0x260: {  	v27 =	vcvt.f32.s32 v60;
	v13 =	vadd.f32 $9.500000000e+00, v13;
	v8 =	vadd.f32 v11, v16;
	v16 =	vld [tilespmem:s3+$0xFFFFFF70]  }
0x261: {  	v28 =	vtrunc.f32 v18;
	v19 =	vadd.f32 $9.500000000e+00, v19;
	v12 =	vmax.f32 v12, $0.0e+00;
	v26 =	vld.idx.msk [tilespmem:v26+s19+$0x0], $0xffff;
	[tilespmem:s0+$0xFFFFFFE0] =	vst v14  }
0x262: {  	v13 =	vmax.f32 v13, $0.0e+00;
	v23 =	vcvt.f32.s32 v28;
	v12 =	vmin.f32 v12, $1.900000000e+01;
	[tilespmem:s0+$0x60] =	vst v8;
	v8 =	vld [tilespmem:s3+$0xFFFFFFF0]  }
0x263: {  	v19 =	vmax.f32 v19, $0.0e+00;
	v62 =	vtrunc.f32 v12;
	v11 =	vadd.f32 $9.500000000e+00, v21;
	v21 =	vld [tilespmem:s3+$0x70]  }
0x264: {  	v13 =	vmin.f32 v13, $1.900000000e+01;
	v15 =	vld.idx.msk [tilespmem:v20+s20+$0x0], $0xffff;
	v19 =	vmin.f32 v19, $1.900000000e+01;
	v25 =	vcvt.f32.s32 v62  }
0x265: {  	v20 =	vld.idx.msk [tilespmem:v20+s19+$0x0], $0xffff;
	v29 =	vtrunc.f32 v19;
	v11 =	vmax.f32 v11, $0.0e+00;
	v16 =	vmul.f32 $1.899999980e+00, v16  }
0x266: {  	v63 =	vld.idx.msk [tilespmem:v27+s20+$0x0], $0xffff;
	v14 =	vtrunc.f32 v13;
	v29 =	vcvt.f32.s32 v29;
	v11 =	vmin.f32 v11, $1.900000000e+01  }
0x267: {  	v27 =	vld.idx.msk [tilespmem:v27+s19+$0x0], $0xffff;
	v61 =	vtrunc.f32 v11;
	v8 =	vmul.f32 $1.899999980e+00, v8;
	v16 =	vadd.f32 $9.500000000e+00, v16  }
0x268: {  	v30 =	vld.idx.msk [tilespmem:v23+s20+$0x0], $0xffff;
	v24 =	vcvt.f32.s32 v61;
	v21 =	vmul.f32 $1.899999980e+00, v21  }
0x269: {  	v14 =	vcvt.f32.s32 v14;
	v23 =	vld.idx.msk [tilespmem:v23+s19+$0x0], $0xffff;
	v8 =	vadd.f32 $9.500000000e+00, v8;
	v16 =	vmax.f32 v16, $0.0e+00  }
0x26a: {  	v6 =	vadd.f32 v7, v6;
	v35 =	vld.idx.msk [tilespmem:v25+s20+$0x0], $0xffff;
	v21 =	vadd.f32 $9.500000000e+00, v21;
	v16 =	vmin.f32 v16, $1.900000000e+01  }
0x26b: {  	v10 =	vmul.f32 v10, v15;
	v15 =	vld.idx.msk [tilespmem:v25+s19+$0x0], $0xffff;
	v8 =	vmax.f32 v8, $0.0e+00;
	v32 =	vtrunc.f32 v16  }
0x26c: {  	v37 =	vld.idx.msk [tilespmem:v29+s20+$0x0], $0xffff;
	v8 =	vmin.f32 v8, $1.900000000e+01;
	v21 =	vmax.f32 v21, $0.0e+00;
	v32 =	vcvt.f32.s32 v32  }
0x26d: {  	v7 =	vmul.f32 v9, v22;
	v9 =	vld.idx.msk [tilespmem:v29+s19+$0x0], $0xffff;
	v21 =	vmin.f32 v21, $1.900000000e+01;
	v34 =	vtrunc.f32 v8  }
0x26e: {  	v33 =	vld.idx.msk [tilespmem:v24+s20+$0x0], $0xffff;
	v36 =	vtrunc.f32 v21;
	v34 =	vcvt.f32.s32 v34  }
0x26f: {  	v31 =	vld.idx.msk [tilespmem:v14+s20+$0x0], $0xffff;
	v36 =	vcvt.f32.s32 v36  }
0x270: {  	v7 =	vadd.f32 v7, v26;
	v14 =	vld.idx.msk [tilespmem:v14+s19+$0x0], $0xffff  }
0x271: {  	[tilespmem:s28+$0x70] =	vst v6;
	v17 =	vmul.f32 v17, v63;
	v10 =	vadd.f32 v10, v20;
	v24 =	vld.idx.msk [tilespmem:v24+s19+$0x0], $0xffff  }
0x272: {  	v6 =	vmul.f32 v18, v30;
	[tilespmem:s29+$0xFFFFFF70] =	vst v7;
	v20 =	vld.idx.msk [tilespmem:v32+s20+$0x0], $0xffff  }
0x273: {  	[tilespmem:s31+$0xF0] =	vst v10;
	v10 =	vadd.f32 v17, v27;
	v7 =	vmul.f32 v11, v33;
	v11 =	vld.idx.msk [tilespmem:v32+s19+$0x0], $0xffff  }
0x274: {  	v6 =	vadd.f32 v6, v23;
	v13 =	vmul.f32 v13, v31;
	v18 =	vld.idx.msk [tilespmem:v34+s20+$0x0], $0xffff  }
0x275: {  	[tilespmem:s29+$0xFFFFFFF0] =	vst v10;
	v12 =	vmul.f32 v12, v35;
	v17 =	vld.idx.msk [tilespmem:v36+s20+$0x0], $0xffff  }
0x276: {  	[tilespmem:s29+$0x70] =	vst v6;
	v6 =	vmul.f32 v19, v37;
	v10 =	vadd.f32 v13, v14;
	v13 =	vld.idx.msk [tilespmem:v34+s19+$0x0], $0xffff  }
0x277: {  	v7 =	vadd.f32 v7, v24;
	v14 =	vld.idx.msk [tilespmem:v36+s19+$0x0], $0xffff  }
0x278: {  	v6 =	vadd.f32 v6, v9;
	[tilespmem:s0+$0xF0] =	vst v10;
	v10 =	vadd.f32 v12, v15;
	v12 =	vmul.f32 v16, v20  }
0x279: {  	[tilespmem:s31+$0xFFFFFF70] =	vst v7;
	v7 =	vmul.f32 v8, v18  }
0x27a: {  	[tilespmem:s31+$0x70] =	vst v6;
	v8 =	vmul.f32 v21, v17;
	v9 =	vadd.f32 v12, v11  }
0x27b: {  	[tilespmem:s31+$0xFFFFFFF0] =	vst v10;
	v6 =	vadd.f32 v7, v13  }
0x27c: {  	[tilespmem:s0+$0xFFFFFF70] =	vst v9;
	v7 =	vadd.f32 v8, v14  }
0x27d: {  	[tilespmem:s0+$0xFFFFFFF0] =	vst v6  }
0x27e: {  	s21 =	simm.s32 $0xC800;
	[tilespmem:s0+$0x70] =	vst v7  }
0x27f: {  	[hbm4b:s6+s13] =	stream.strided.scatter [tilespmem:s21], [sflag:$0x3], $0x6400, s14, s13, $0x38;
	[tilespmem:$0x19180] =	vst v63  }
0x280: {  	_ = 	snop  }
0x281: {  	[tilespmem:s2], [sflag:$0x1] =	stream.strided.gather [hbm4b:s7+s13], $0x6400, s14, s13, $0x38;
	[tilespmem:$0x19180] =	vst v63  }
0x282: {  	_ =	swait.ge [sflag:s22], $0x6400  }
0x283: {  	[sflag:s22] =	ssyncset.done $0x0  }
0x284: {  	s23 =	simm.s32 $0x6500;
	[sflag:s22] =	ssyncadd.s32 $0xFFFF9C00  }
0x285: {  	v6 =	vld [tilespmem:s23+$0x80];
	_ =	sdelay $0x4  }
0x286: {  	v6 =	vmul.f32 $1.899999980e+00, v6;
	_ =	sdelay $0x1  }
0x287: {  	v6 =	vadd.f32 $9.500000000e+00, v6;
	_ =	sdelay $0x1  }
0x288: {  	v6 =	vmax.f32 v6, $0.0e+00  }
0x289: {  	v6 =	vmin.f32 v6, $1.900000000e+01  }
0x28a: {  	v7 =	vtrunc.f32 v6  }
0x28b: {  	v7 =	vcvt.f32.s32 v7;
	_ =	sdelay $0x5  }
0x28c: {  	v8 =	vld.idx.msk [tilespmem:v7+s20+$0x0], $0xffff;
	_ =	sdelay $0x1  }
0x28d: {  	v7 =	vld.idx.msk [tilespmem:v7+s19+$0x0], $0xffff;
	_ =	sdelay $0x2  }
0x28e: {  	v9 =	vld [tilespmem:s23+$0xFFFFFF00];
	v6 =	vmul.f32 v6, v8  }
0x28f: {  	v8 =	vld [tilespmem:s23+$0xFFFFFF80]  }
0x290: {  	v6 =	vadd.f32 v6, v7  }
0x291: {  	s28 =	simm.s32 $0x12D00  }
0x292: {  	[tilespmem:s28+$0x80] =	vst v6  }
0x293: {  	v6 =	vld [tilespmem:s23+$0x90]  }
0x294: {  	v9 =	vmul.f32 $1.899999980e+00, v9;
	v8 =	vmul.f32 $1.899999980e+00, v8;
	_ =	sdelay $0x1  }
0x295: {  	v9 =	vadd.f32 $9.500000000e+00, v9;
	v7 =	vld [tilespmem:s23+$0x0];
	v8 =	vadd.f32 $9.500000000e+00, v8;
	_ =	sdelay $0x1  }
0x296: {  	v9 =	vmax.f32 v9, $0.0e+00;
	v8 =	vmax.f32 v8, $0.0e+00;
	v6 =	vmul.f32 $1.899999980e+00, v6  }
0x297: {  	v9 =	vmin.f32 v9, $1.900000000e+01;
	v8 =	vmin.f32 v8, $1.900000000e+01  }
0x298: {  	v11 =	vtrunc.f32 v9;
	v10 =	vtrunc.f32 v8;
	v6 =	vadd.f32 $9.500000000e+00, v6  }
0x299: {  	v7 =	vmul.f32 $1.899999980e+00, v7;
	v10 =	vcvt.f32.s32 v10  }
0x29a: {  	v11 =	vcvt.f32.s32 v11;
	v6 =	vmax.f32 v6, $0.0e+00  }
0x29b: {  	v7 =	vadd.f32 $9.500000000e+00, v7;
	v6 =	vmin.f32 v6, $1.900000000e+01  }
0x29c: {  	v12 =	vtrunc.f32 v6  }
0x29d: {  	v7 =	vmax.f32 v7, $0.0e+00;
	v12 =	vcvt.f32.s32 v12  }
0x29e: {  	v7 =	vmin.f32 v7, $1.900000000e+01  }
0x29f: {  	v13 =	vtrunc.f32 v7;
	v14 =	vld.idx.msk [tilespmem:v10+s20+$0x0], $0xffff  }
0x2a0: {  	v15 =	vld.idx.msk [tilespmem:v11+s20+$0x0], $0xffff;
	v13 =	vcvt.f32.s32 v13  }
0x2a1: {  	v10 =	vld.idx.msk [tilespmem:v10+s19+$0x0], $0xffff  }
0x2a2: {  	v11 =	vld.idx.msk [tilespmem:v11+s19+$0x0], $0xffff  }
0x2a3: {  	v16 =	vld.idx.msk [tilespmem:v12+s20+$0x0], $0xffff  }
0x2a4: {  	v8 =	vmul.f32 v8, v14  }
0x2a5: {  	v12 =	vld.idx.msk [tilespmem:v12+s19+$0x0], $0xffff  }
0x2a6: {  	v9 =	vmul.f32 v9, v15;
	v15 =	vld.idx.msk [tilespmem:v13+s20+$0x0], $0xffff;
	v8 =	vadd.f32 v8, v10;
	_ =	sdelay $0x1  }
0x2a7: {  	v9 =	vadd.f32 v9, v11;
	v11 =	vld.idx.msk [tilespmem:v13+s19+$0x0], $0xffff;
	[tilespmem:s28+$0xFFFFFF80] =	vst v8;
	v6 =	vmul.f32 v6, v16  }
0x2a8: {  	v8 =	vld [tilespmem:s23+$0xFFFFFF90]  }
0x2a9: {  	[tilespmem:s28+$0xFFFFFF00] =	vst v9;
	v6 =	vadd.f32 v6, v12  }
0x2aa: {  	v9 =	vld [tilespmem:s23+$0xFFFFFF10];
	v7 =	vmul.f32 v7, v15  }
0x2ab: {  	[tilespmem:s28+$0x90] =	vst v6  }
0x2ac: {  	v6 =	vadd.f32 v7, v11;
	v7 =	vld [tilespmem:s23+$0xA0]  }
0x2ad: {  	v8 =	vmul.f32 $1.899999980e+00, v8  }
0x2ae: {  	[tilespmem:s28+$0x0] =	vst v6  }
0x2af: {  	v6 =	vmul.f32 $1.899999980e+00, v9;
	v9 =	vld [tilespmem:s23+$0x10];
	v8 =	vadd.f32 $9.500000000e+00, v8;
	_ =	sdelay $0x1  }
0x2b0: {  	v6 =	vadd.f32 $9.500000000e+00, v6;
	v8 =	vmax.f32 v8, $0.0e+00;
	v7 =	vmul.f32 $1.899999980e+00, v7  }
0x2b1: {  	v8 =	vmin.f32 v8, $1.900000000e+01  }
0x2b2: {  	v6 =	vmax.f32 v6, $0.0e+00;
	v11 =	vtrunc.f32 v8;
	v7 =	vadd.f32 $9.500000000e+00, v7  }
0x2b3: {  	v6 =	vmin.f32 v6, $1.900000000e+01;
	v9 =	vmul.f32 $1.899999980e+00, v9;
	v11 =	vcvt.f32.s32 v11  }
0x2b4: {  	v10 =	vtrunc.f32 v6;
	v7 =	vmax.f32 v7, $0.0e+00  }
0x2b5: {  	v10 =	vcvt.f32.s32 v10;
	v9 =	vadd.f32 $9.500000000e+00, v9;
	v7 =	vmin.f32 v7, $1.900000000e+01  }
0x2b6: {  	v12 =	vtrunc.f32 v7  }
0x2b7: {  	v9 =	vmax.f32 v9, $0.0e+00;
	v12 =	vcvt.f32.s32 v12  }
0x2b8: {  	v9 =	vmin.f32 v9, $1.900000000e+01  }
0x2b9: {  	v13 =	vtrunc.f32 v9;
	v15 =	vld.idx.msk [tilespmem:v11+s20+$0x0], $0xffff  }
0x2ba: {  	v11 =	vld.idx.msk [tilespmem:v11+s19+$0x0], $0xffff;
	v13 =	vcvt.f32.s32 v13  }
0x2bb: {  	v14 =	vld.idx.msk [tilespmem:v10+s20+$0x0], $0xffff  }
0x2bc: {  	v10 =	vld.idx.msk [tilespmem:v10+s19+$0x0], $0xffff  }
0x2bd: {  	v16 =	vld.idx.msk [tilespmem:v12+s20+$0x0], $0xffff;
	_ =	sdelay $0x1  }
0x2be: {  	v12 =	vld.idx.msk [tilespmem:v12+s19+$0x0], $0xffff;
	v8 =	vmul.f32 v8, v15  }
0x2bf: {  	v6 =	vmul.f32 v6, v14;
	v17 =	vld.idx.msk [tilespmem:v13+s20+$0x0], $0xffff  }
0x2c0: {  	v8 =	vadd.f32 v8, v11  }
0x2c1: {  	v13 =	vld.idx.msk [tilespmem:v13+s19+$0x0], $0xffff;
	v6 =	vadd.f32 v6, v10;
	v7 =	vmul.f32 v7, v16  }
0x2c2: {  	[tilespmem:s28+$0xFFFFFF90] =	vst v8  }
0x2c3: {  	[tilespmem:s28+$0xFFFFFF10] =	vst v6;
	v8 =	vld [tilespmem:s23+$0xFFFFFFA0];
	v6 =	vadd.f32 v7, v12  }
0x2c4: {  	v7 =	vmul.f32 v9, v17  }
0x2c5: {  	v9 =	vld [tilespmem:s23+$0xFFFFFF20];
	[tilespmem:s28+$0xA0] =	vst v6  }
0x2c6: {  	v6 =	vadd.f32 v7, v13;
	v7 =	vld [tilespmem:s23+$0xB0];
	_ =	sdelay $0x1  }
0x2c7: {  	v8 =	vmul.f32 $1.899999980e+00, v8  }
0x2c8: {  	[tilespmem:s28+$0x10] =	vst v6  }
0x2c9: {  	v6 =	vld [tilespmem:s23+$0x20];
	v9 =	vmul.f32 $1.899999980e+00, v9;
	v8 =	vadd.f32 $9.500000000e+00, v8  }
0x2ca: {  	v7 =	vmul.f32 $1.899999980e+00, v7  }
0x2cb: {  	s30 =	simm.s32 $0x6700;
	v9 =	vadd.f32 $9.500000000e+00, v9;
	v8 =	vmax.f32 v8, $0.0e+00  }
0x2cc: {  	v11 =	vld [tilespmem:s30+$0x80];
	v8 =	vmin.f32 v8, $1.900000000e+01;
	v7 =	vadd.f32 $9.500000000e+00, v7  }
0x2cd: {  	v9 =	vmax.f32 v9, $0.0e+00;
	v12 =	vtrunc.f32 v8  }
0x2ce: {  	v6 =	vmul.f32 $1.899999980e+00, v6;
	v9 =	vmin.f32 v9, $1.900000000e+01;
	v7 =	vmax.f32 v7, $0.0e+00  }
0x2cf: {  	v12 =	vcvt.f32.s32 v12;
	v10 =	vtrunc.f32 v9;
	v7 =	vmin.f32 v7, $1.900000000e+01  }
0x2d0: {  	v10 =	vcvt.f32.s32 v10;
	v13 =	vtrunc.f32 v7  }
0x2d1: {  	v15 =	vld [tilespmem:s30+$0x0];
	v11 =	vmul.f32 $1.899999980e+00, v11;
	v13 =	vcvt.f32.s32 v13  }
0x2d2: {  	v6 =	vadd.f32 $9.500000000e+00, v6  }
0x2d3: {  	v14 =	vld [tilespmem:s30+$0xFFFFFF80];
	v11 =	vadd.f32 $9.500000000e+00, v11  }
0x2d4: {  	v16 =	vld [tilespmem:s30+$0xFFFFFF00];
	v6 =	vmax.f32 v6, $0.0e+00  }
0x2d5: {  	v11 =	vmax.f32 v11, $0.0e+00;
	v6 =	vmin.f32 v6, $1.900000000e+01;
	v19 =	vld.idx.msk [tilespmem:v12+s20+$0x0], $0xffff  }
0x2d6: {  	v15 =	vmul.f32 $1.899999980e+00, v15;
	v11 =	vmin.f32 v11, $1.900000000e+01;
	v18 =	vtrunc.f32 v6;
	v17 =	vld.idx.msk [tilespmem:v10+s20+$0x0], $0xffff  }
0x2d7: {  	v21 =	vtrunc.f32 v11;
	v18 =	vcvt.f32.s32 v18;
	v20 =	vld.idx.msk [tilespmem:v13+s20+$0x0], $0xffff  }
0x2d8: {  	v14 =	vmul.f32 $1.899999980e+00, v14;
	v21 =	vcvt.f32.s32 v21;
	v10 =	vld.idx.msk [tilespmem:v10+s19+$0x0], $0xffff  }
0x2d9: {  	v16 =	vmul.f32 $1.899999980e+00, v16;
	v13 =	vld.idx.msk [tilespmem:v13+s19+$0x0], $0xffff  }
0x2da: {  	v15 =	vadd.f32 $9.500000000e+00, v15;
	v14 =	vadd.f32 $9.500000000e+00, v14  }
0x2db: {  	v16 =	vadd.f32 $9.500000000e+00, v16;
	v9 =	vmul.f32 v9, v17  }
0x2dc: {  	v15 =	vmax.f32 v15, $0.0e+00;
	v14 =	vmax.f32 v14, $0.0e+00;
	v12 =	vld.idx.msk [tilespmem:v12+s19+$0x0], $0xffff;
	v7 =	vmul.f32 v7, v20  }
0x2dd: {  	v14 =	vmin.f32 v14, $1.900000000e+01;
	v16 =	vmax.f32 v16, $0.0e+00;
	v17 =	vld.idx.msk [tilespmem:v18+s20+$0x0], $0xffff;
	v9 =	vadd.f32 v9, v10  }
0x2de: {  	v8 =	vmul.f32 v8, v19;
	v19 =	vtrunc.f32 v14;
	v20 =	vld.idx.msk [tilespmem:v21+s20+$0x0], $0xffff;
	v7 =	vadd.f32 v7, v13  }
0x2df: {  	v15 =	vmin.f32 v15, $1.900000000e+01;
	v16 =	vmin.f32 v16, $1.900000000e+01;
	[tilespmem:s28+$0xFFFFFF20] =	vst v9;
	v13 =	vld.idx.msk [tilespmem:v18+s19+$0x0], $0xffff;
	v18 =	vcvt.f32.s32 v19  }
0x2e0: {  	v10 =	vtrunc.f32 v15;
	v9 =	vld.idx.msk [tilespmem:v21+s19+$0x0], $0xffff;
	v19 =	vtrunc.f32 v16;
	[tilespmem:s28+$0xB0] =	vst v7  }
0x2e1: {  	v19 =	vcvt.f32.s32 v19;
	v7 =	vadd.f32 v8, v12;
	v8 =	vcvt.f32.s32 v10;
	v10 =	vld [tilespmem:s23+$0xC0];
	_ =	sdelay $0x1  }
0x2e2: {  	[tilespmem:s28+$0xFFFFFFA0] =	vst v7;
	v7 =	vld [tilespmem:s23+$0xFFFFFF30]  }
0x2e3: {  	v11 =	vmul.f32 v11, v20;
	v12 =	vld [tilespmem:s23+$0xFFFFFFB0]  }
0x2e4: {  	v21 =	vld.idx.msk [tilespmem:v18+s20+$0x0], $0xffff  }
0x2e5: {  	v6 =	vmul.f32 v6, v17;
	v9 =	vadd.f32 v11, v9;
	v17 =	vld.idx.msk [tilespmem:v18+s19+$0x0], $0xffff;
	v10 =	vmul.f32 $1.899999980e+00, v10  }
0x2e6: {  	s29 =	simm.s32 $0x12F00;
	v20 =	vld.idx.msk [tilespmem:v19+s20+$0x0], $0xffff  }
0x2e7: {  	v11 =	vld.idx.msk [tilespmem:v19+s19+$0x0], $0xffff;
	[tilespmem:s29+$0x80] =	vst v9;
	v7 =	vmul.f32 $1.899999980e+00, v7;
	v10 =	vadd.f32 $9.500000000e+00, v10  }
0x2e8: {  	v9 =	vld [tilespmem:s30+$0x90]  }
0x2e9: {  	v6 =	vadd.f32 v6, v13;
	v22 =	vld.idx.msk [tilespmem:v8+s20+$0x0], $0xffff;
	v7 =	vadd.f32 $9.500000000e+00, v7;
	v10 =	vmax.f32 v10, $0.0e+00  }
0x2ea: {  	v12 =	vmul.f32 $1.899999980e+00, v12;
	v14 =	vmul.f32 v14, v21;
	v10 =	vmin.f32 v10, $1.900000000e+01  }
0x2eb: {  	[tilespmem:s28+$0x20] =	vst v6;
	v6 =	vmax.f32 v7, $0.0e+00;
	v7 =	vld.idx.msk [tilespmem:v8+s19+$0x0], $0xffff;
	v8 =	vmul.f32 v16, v20;
	v13 =	vtrunc.f32 v10  }
0x2ec: {  	v16 =	vld [tilespmem:s23+$0x30];
	v14 =	vadd.f32 v14, v17;
	v6 =	vmin.f32 v6, $1.900000000e+01;
	v13 =	vcvt.f32.s32 v13  }
0x2ed: {  	v9 =	vmul.f32 $1.899999980e+00, v9;
	v18 =	vtrunc.f32 v6;
	v8 =	vadd.f32 v8, v11  }
0x2ee: {  	v12 =	vadd.f32 $9.500000000e+00, v12;
	v11 =	vmul.f32 v15, v22;
	[tilespmem:s29+$0xFFFFFF80] =	vst v14;
	v15 =	vcvt.f32.s32 v18  }
0x2ef: {  	v14 =	vld [tilespmem:s30+$0xFFFFFF90];
	[tilespmem:s29+$0xFFFFFF00] =	vst v8  }
0x2f0: {  	v12 =	vmax.f32 v12, $0.0e+00;
	v9 =	vadd.f32 $9.500000000e+00, v9;
	v7 =	vadd.f32 v11, v7;
	v8 =	vld [tilespmem:s30+$0xFFFFFF10]  }
0x2f1: {  	v12 =	vmin.f32 v12, $1.900000000e+01;
	v11 =	vmul.f32 $1.899999980e+00, v16  }
0x2f2: {  	v16 =	vtrunc.f32 v12;
	[tilespmem:s29+$0x0] =	vst v7;
	v7 =	vmax.f32 v9, $0.0e+00;
	v9 =	vld.idx.msk [tilespmem:v13+s20+$0x0], $0xffff  }
0x2f3: {  	v16 =	vcvt.f32.s32 v16;
	v11 =	vadd.f32 $9.500000000e+00, v11;
	v17 =	vld [tilespmem:s30+$0x10];
	v7 =	vmin.f32 v7, $1.900000000e+01  }
0x2f4: {  	v14 =	vmul.f32 $1.899999980e+00, v14;
	v18 =	vtrunc.f32 v7;
	v19 =	vld.idx.msk [tilespmem:v15+s20+$0x0], $0xffff  }
0x2f5: {  	v13 =	vld.idx.msk [tilespmem:v13+s19+$0x0], $0xffff;
	v11 =	vmax.f32 v11, $0.0e+00;
	v8 =	vmul.f32 $1.899999980e+00, v8;
	v18 =	vcvt.f32.s32 v18  }
0x2f6: {  	v15 =	vld.idx.msk [tilespmem:v15+s19+$0x0], $0xffff;
	v11 =	vmin.f32 v11, $1.900000000e+01;
	v14 =	vadd.f32 $9.500000000e+00, v14  }
0x2f7: {  	v20 =	vtrunc.f32 v11;
	v8 =	vadd.f32 $9.500000000e+00, v8  }
0x2f8: {  	v14 =	vmax.f32 v14, $0.0e+00;
	v9 =	vmul.f32 v10, v9;
	v17 =	vmul.f32 $1.899999980e+00, v17  }
0x2f9: {  	v10 =	vcvt.f32.s32 v20;
	v8 =	vmax.f32 v8, $0.0e+00;
	v6 =	vmul.f32 v6, v19  }
0x2fa: {  	v9 =	vadd.f32 v9, v13;
	v13 =	vld.idx.msk [tilespmem:v16+s20+$0x0], $0xffff;
	v8 =	vmin.f32 v8, $1.900000000e+01;
	v17 =	vadd.f32 $9.500000000e+00, v17  }
0x2fb: {  	v14 =	vmin.f32 v14, $1.900000000e+01;
	v19 =	vtrunc.f32 v8;
	v20 =	vld.idx.msk [tilespmem:v18+s20+$0x0], $0xffff;
	v6 =	vadd.f32 v6, v15  }
0x2fc: {  	[tilespmem:s28+$0xC0] =	vst v9;
	v9 =	vtrunc.f32 v14;
	v19 =	vcvt.f32.s32 v19;
	v15 =	vmax.f32 v17, $0.0e+00;
	v17 =	vld.idx.msk [tilespmem:v18+s19+$0x0], $0xffff  }
0x2fd: {  	v21 =	vld [tilespmem:s23+$0xD0];
	v9 =	vcvt.f32.s32 v9  }
0x2fe: {  	v16 =	vld.idx.msk [tilespmem:v16+s19+$0x0], $0xffff  }
0x2ff: {  	v15 =	vmin.f32 v15, $1.900000000e+01;
	[tilespmem:s28+$0xFFFFFF30] =	vst v6;
	v18 =	vld.idx.msk [tilespmem:v10+s20+$0x0], $0xffff  }
0x300: {  	v6 =	vtrunc.f32 v15;
	v22 =	vld [tilespmem:s23+$0xFFFFFF40];
	v7 =	vmul.f32 v7, v20  }
0x301: {  	v10 =	vld.idx.msk [tilespmem:v10+s19+$0x0], $0xffff;
	v6 =	vcvt.f32.s32 v6  }
0x302: {  	v20 =	vmul.f32 $1.899999980e+00, v21;
	v21 =	vld.idx.msk [tilespmem:v19+s20+$0x0], $0xffff;
	v7 =	vadd.f32 v7, v17  }
0x303: {  	v12 =	vmul.f32 v12, v13;
	v13 =	vld.idx.msk [tilespmem:v9+s20+$0x0], $0xffff  }
0x304: {  	v11 =	vmul.f32 v11, v18;
	v18 =	vld.idx.msk [tilespmem:v19+s19+$0x0], $0xffff;
	v17 =	vadd.f32 $9.500000000e+00, v20;
	[tilespmem:s29+$0x90] =	vst v7  }
0x305: {  	v7 =	vadd.f32 v12, v16;
	v16 =	vld [tilespmem:s30+$0xA0]  }
0x306: {  	v9 =	vld.idx.msk [tilespmem:v9+s19+$0x0], $0xffff;
	v17 =	vmax.f32 v17, $0.0e+00  }
0x307: {  	v12 =	vmul.f32 $1.899999980e+00, v22;
	v19 =	vld.idx.msk [tilespmem:v6+s20+$0x0], $0xffff;
	v17 =	vmin.f32 v17, $1.900000000e+01  }
0x308: {  	v6 =	vld.idx.msk [tilespmem:v6+s19+$0x0], $0xffff;
	[tilespmem:s28+$0xFFFFFFB0] =	vst v7;
	v7 =	vadd.f32 v11, v10;
	v8 =	vmul.f32 v8, v21;
	v11 =	vtrunc.f32 v17  }
0x309: {  	v10 =	vadd.f32 $9.500000000e+00, v12;
	v12 =	vld [tilespmem:s23+$0xFFFFFFC0];
	v13 =	vmul.f32 v14, v13;
	v11 =	vcvt.f32.s32 v11  }
0x30a: {  	[tilespmem:s28+$0x30] =	vst v7;
	v8 =	vadd.f32 v8, v18;
	v14 =	vmul.f32 $1.899999980e+00, v16  }
0x30b: {  	v7 =	vmax.f32 v10, $0.0e+00;
	v10 =	vld [tilespmem:s23+$0x40];
	v9 =	vadd.f32 v13, v9  }
0x30c: {  	v7 =	vmin.f32 v7, $1.900000000e+01;
	v15 =	vmul.f32 v15, v19;
	[tilespmem:s29+$0xFFFFFF10] =	vst v8;
	v8 =	vadd.f32 $9.500000000e+00, v14  }
0x30d: {  	v13 =	vtrunc.f32 v7;
	v14 =	vld [tilespmem:s30+$0xFFFFFF20];
	[tilespmem:s29+$0xFFFFFF90] =	vst v9  }
0x30e: {  	v12 =	vmul.f32 $1.899999980e+00, v12;
	v6 =	vadd.f32 v15, v6;
	v15 =	vld [tilespmem:s30+$0xFFFFFFA0];
	v8 =	vmax.f32 v8, $0.0e+00  }
0x30f: {  	v13 =	vcvt.f32.s32 v13;
	v9 =	vld.idx.msk [tilespmem:v11+s20+$0x0], $0xffff;
	v8 =	vmin.f32 v8, $1.900000000e+01  }
0x310: {  	v10 =	vmul.f32 $1.899999980e+00, v10;
	v12 =	vadd.f32 $9.500000000e+00, v12;
	[tilespmem:s29+$0x10] =	vst v6;
	v6 =	vtrunc.f32 v8  }
0x311: {  	v11 =	vld.idx.msk [tilespmem:v11+s19+$0x0], $0xffff;
	v6 =	vcvt.f32.s32 v6  }
0x312: {  	v16 =	vld [tilespmem:s30+$0x20];
	v10 =	vadd.f32 $9.500000000e+00, v10;
	v12 =	vmax.f32 v12, $0.0e+00  }
0x313: {  	v12 =	vmin.f32 v12, $1.900000000e+01;
	v14 =	vmul.f32 $1.899999980e+00, v14  }
0x314: {  	v10 =	vmax.f32 v10, $0.0e+00;
	v15 =	vmul.f32 $1.899999980e+00, v15;
	v9 =	vmul.f32 v17, v9  }
0x315: {  	v18 =	vld.idx.msk [tilespmem:v13+s20+$0x0], $0xffff;
	v10 =	vmin.f32 v10, $1.900000000e+01;
	v14 =	vadd.f32 $9.500000000e+00, v14;
	v17 =	vtrunc.f32 v12  }
0x316: {  	v13 =	vld.idx.msk [tilespmem:v13+s19+$0x0], $0xffff;
	v19 =	vtrunc.f32 v10;
	v9 =	vadd.f32 v9, v11;
	v11 =	vcvt.f32.s32 v17  }
0x317: {  	v16 =	vmul.f32 $1.899999980e+00, v16;
	v15 =	vadd.f32 $9.500000000e+00, v15;
	v17 =	vcvt.f32.s32 v19;
	v19 =	vld.idx.msk [tilespmem:v6+s20+$0x0], $0xffff  }
0x318: {  	v6 =	vld.idx.msk [tilespmem:v6+s19+$0x0], $0xffff;
	[tilespmem:s28+$0xD0] =	vst v9  }
0x319: {  	v15 =	vmax.f32 v15, $0.0e+00;
	v9 =	vmax.f32 v14, $0.0e+00;
	v14 =	vadd.f32 $9.500000000e+00, v16;
	v16 =	vld [tilespmem:s23+$0xE0]  }
0x31a: {  	v7 =	vmul.f32 v7, v18;
	v15 =	vmin.f32 v15, $1.900000000e+01;
	v9 =	vmin.f32 v9, $1.900000000e+01  }
0x31b: {  	v20 =	vtrunc.f32 v15;
	v18 =	vtrunc.f32 v9  }
0x31c: {  	v18 =	vcvt.f32.s32 v18;
	v21 =	vld.idx.msk [tilespmem:v11+s20+$0x0], $0xffff;
	v8 =	vmul.f32 v8, v19  }
0x31d: {  	v7 =	vadd.f32 v7, v13;
	v20 =	vcvt.f32.s32 v20;
	v14 =	vmax.f32 v14, $0.0e+00;
	v19 =	vld.idx.msk [tilespmem:v17+s20+$0x0], $0xffff  }
0x31e: {  	v14 =	vmin.f32 v14, $1.900000000e+01;
	v11 =	vld.idx.msk [tilespmem:v11+s19+$0x0], $0xffff;
	v13 =	vmul.f32 $1.899999980e+00, v16;
	v6 =	vadd.f32 v8, v6  }
0x31f: {  	[tilespmem:s28+$0xFFFFFF40] =	vst v7;
	v22 =	vtrunc.f32 v14;
	v8 =	vld.idx.msk [tilespmem:v17+s19+$0x0], $0xffff  }
0x320: {  	v16 =	vcvt.f32.s32 v22;
	v7 =	vadd.f32 $9.500000000e+00, v13;
	v13 =	vld [tilespmem:s23+$0xFFFFFF50];
	[tilespmem:s29+$0xA0] =	vst v6  }
0x321: {  	v6 =	vld [tilespmem:s30+$0xB0]  }
0x322: {  	v17 =	vld.idx.msk [tilespmem:v18+s20+$0x0], $0xffff;
	v12 =	vmul.f32 v12, v21  }
0x323: {  	v21 =	vld.idx.msk [tilespmem:v20+s20+$0x0], $0xffff;
	v7 =	vmax.f32 v7, $0.0e+00  }
0x324: {  	v7 =	vmin.f32 v7, $1.900000000e+01;
	v11 =	vadd.f32 v12, v11;
	v12 =	vld.idx.msk [tilespmem:v18+s19+$0x0], $0xffff  }
0x325: {  	v18 =	vld.idx.msk [tilespmem:v20+s19+$0x0], $0xffff;
	v22 =	vtrunc.f32 v7  }
0x326: {  	s1 =	simm.s32 $0x6900;
	v23 =	vld.idx.msk [tilespmem:v16+s20+$0x0], $0xffff;
	v22 =	vcvt.f32.s32 v22  }
0x327: {  	v20 =	vld [tilespmem:s1+$0x80]  }
0x328: {  	[tilespmem:s28+$0xFFFFFFC0] =	vst v11;
	v11 =	vld.idx.msk [tilespmem:v16+s19+$0x0], $0xffff;
	v6 =	vmul.f32 $1.899999980e+00, v6  }
0x329: {  	v10 =	vmul.f32 v10, v19;
	v16 =	vld [tilespmem:s23+$0xFFFFFFD0]  }
0x32a: {  	v13 =	vmul.f32 $1.899999980e+00, v13;
	v9 =	vmul.f32 v9, v17;
	v17 =	vld [tilespmem:s1+$0xFFFFFF80];
	v6 =	vadd.f32 $9.500000000e+00, v6  }
0x32b: {  	v14 =	vmul.f32 v14, v23;
	v23 =	vld [tilespmem:s1+$0x0]  }
0x32c: {  	v8 =	vadd.f32 v10, v8;
	v13 =	vadd.f32 $9.500000000e+00, v13;
	v6 =	vmax.f32 v6, $0.0e+00;
	v33 =	vld.idx.msk [tilespmem:v22+s20+$0x0], $0xffff  }
0x32d: {  	v15 =	vmul.f32 v15, v21;
	v9 =	vadd.f32 v9, v12;
	v6 =	vmin.f32 v6, $1.900000000e+01;
	v21 =	vld.idx.msk [tilespmem:v22+s19+$0x0], $0xffff  }
0x32e: {  	v20 =	vmul.f32 $1.899999980e+00, v20;
	v13 =	vmax.f32 v13, $0.0e+00;
	v22 =	vld [tilespmem:s1+$0xFFFFFF00];
	v19 =	vtrunc.f32 v6  }
0x32f: {  	v13 =	vmin.f32 v13, $1.900000000e+01;
	[tilespmem:s29+$0xFFFFFF20] =	vst v9;
	v9 =	vadd.f32 v15, v18;
	v19 =	vcvt.f32.s32 v19  }
0x330: {  	v12 =	vtrunc.f32 v13;
	v15 =	vmul.f32 $1.899999980e+00, v17;
	v11 =	vadd.f32 v14, v11  }
0x331: {  	v14 =	vld [tilespmem:s30+$0xFFFFFF30];
	v10 =	vcvt.f32.s32 v12;
	v12 =	vmul.f32 $1.899999980e+00, v16;
	v16 =	vadd.f32 $9.500000000e+00, v20  }
0x332: {  	[tilespmem:s29+$0xFFFFFFA0] =	vst v9;
	v15 =	vadd.f32 $9.500000000e+00, v15;
	v9 =	vmul.f32 $1.899999980e+00, v23  }
0x333: {  	v16 =	vmax.f32 v16, $0.0e+00;
	v7 =	vmul.f32 v7, v33;
	v17 =	vmul.f32 $1.899999980e+00, v22  }
0x334: {  	[tilespmem:s28+$0x40] =	vst v8;
	v20 =	vld [tilespmem:s30+$0xFFFFFFB0];
	v16 =	vmin.f32 v16, $1.900000000e+01;
	v15 =	vmax.f32 v15, $0.0e+00;
	v8 =	vadd.f32 $9.500000000e+00, v9  }
0x335: {  	v7 =	vadd.f32 v7, v21;
	v21 =	vtrunc.f32 v16;
	v17 =	vadd.f32 $9.500000000e+00, v17;
	v18 =	vld.idx.msk [tilespmem:v19+s20+$0x0], $0xffff  }
0x336: {  	[tilespmem:s29+$0x20] =	vst v11;
	v15 =	vmin.f32 v15, $1.900000000e+01;
	v11 =	vmul.f32 $1.899999980e+00, v14;
	v9 =	vld.idx.msk [tilespmem:v19+s19+$0x0], $0xffff;
	v19 =	vcvt.f32.s32 v21  }
0x337: {  	v22 =	vld [tilespmem:s30+$0x30];
	v8 =	vmax.f32 v8, $0.0e+00;
	v14 =	vmax.f32 v17, $0.0e+00;
	v17 =	vtrunc.f32 v15  }
0x338: {  	v23 =	vld.idx.msk [tilespmem:v10+s20+$0x0], $0xffff;
	[tilespmem:s28+$0xE0] =	vst v7;
	v7 =	vmin.f32 v8, $1.900000000e+01;
	v14 =	vmin.f32 v14, $1.900000000e+01;
	v17 =	vcvt.f32.s32 v17  }
0x339: {  	v12 =	vadd.f32 $9.500000000e+00, v12;
	v10 =	vld.idx.msk [tilespmem:v10+s19+$0x0], $0xffff;
	v34 =	vtrunc.f32 v7;
	v8 =	vtrunc.f32 v14  }
0x33a: {  	v21 =	vld [tilespmem:s23+$0x50];
	v8 =	vcvt.f32.s32 v8;
	v6 =	vmul.f32 v6, v18  }
0x33b: {  	v12 =	vmax.f32 v12, $0.0e+00;
	v20 =	vmul.f32 $1.899999980e+00, v20;
	v24 =	vcvt.f32.s32 v34;
	v18 =	vld [tilespmem:s23+$0xF0]  }
0x33c: {  	v11 =	vadd.f32 $9.500000000e+00, v11;
	v6 =	vadd.f32 v6, v9;
	v9 =	vmin.f32 v12, $1.900000000e+01;
	v12 =	vld.idx.msk [tilespmem:v19+s20+$0x0], $0xffff  }
0x33d: {  	v19 =	vld.idx.msk [tilespmem:v19+s19+$0x0], $0xffff  }
0x33e: {  	v20 =	vadd.f32 $9.500000000e+00, v20;
	v11 =	vmax.f32 v11, $0.0e+00;
	v35 =	vtrunc.f32 v9;
	v37 =	vld.idx.msk [tilespmem:v17+s20+$0x0], $0xffff;
	[tilespmem:s29+$0xB0] =	vst v6  }
0x33f: {  	v22 =	vmul.f32 $1.899999980e+00, v22;
	v11 =	vmin.f32 v11, $1.900000000e+01;
	v6 =	vcvt.f32.s32 v35;
	v36 =	vld [tilespmem:s30+$0xC0]  }
0x340: {  	v20 =	vmax.f32 v20, $0.0e+00;
	v39 =	vtrunc.f32 v11;
	v38 =	vld.idx.msk [tilespmem:v8+s20+$0x0], $0xffff  }
0x341: {  	v20 =	vmin.f32 v20, $1.900000000e+01;
	v22 =	vadd.f32 $9.500000000e+00, v22;
	v28 =	vcvt.f32.s32 v39;
	v41 =	vld.idx.msk [tilespmem:v24+s20+$0x0], $0xffff  }
0x342: {  	v40 =	vtrunc.f32 v20;
	v8 =	vld.idx.msk [tilespmem:v8+s19+$0x0], $0xffff;
	v12 =	vmul.f32 v16, v12  }
0x343: {  	v21 =	vmul.f32 $1.899999980e+00, v21;
	v17 =	vld.idx.msk [tilespmem:v17+s19+$0x0], $0xffff;
	v16 =	vmax.f32 v22, $0.0e+00;
	v22 =	vcvt.f32.s32 v40  }
0x344: {  	v16 =	vmin.f32 v16, $1.900000000e+01;
	v12 =	vadd.f32 v12, v19;
	v19 =	vld.idx.msk [tilespmem:v24+s19+$0x0], $0xffff;
	v25 =	vmul.f32 $1.899999980e+00, v36  }
0x345: {  	s31 =	simm.s32 $0x13100;
	v21 =	vadd.f32 $9.500000000e+00, v21;
	v43 =	vtrunc.f32 v16;
	v42 =	vld.idx.msk [tilespmem:v6+s20+$0x0], $0xffff;
	v14 =	vmul.f32 v14, v38  }
0x346: {  	v15 =	vmul.f32 v15, v37;
	v6 =	vld.idx.msk [tilespmem:v6+s19+$0x0], $0xffff;
	v44 =	vcvt.f32.s32 v43;
	[tilespmem:s31+$0x80] =	vst v12;
	v25 =	vadd.f32 $9.500000000e+00, v25  }
0x347: {  	v7 =	vmul.f32 v7, v41;
	v12 =	vld [tilespmem:s1+$0x90];
	v8 =	vadd.f32 v14, v8  }
0x348: {  	v15 =	vadd.f32 v15, v17;
	v17 =	vmax.f32 v21, $0.0e+00;
	v14 =	vld.idx.msk [tilespmem:v28+s20+$0x0], $0xffff;
	v25 =	vmax.f32 v25, $0.0e+00  }
0x349: {  	v21 =	vld.idx.msk [tilespmem:v22+s20+$0x0], $0xffff;
	[tilespmem:s31+$0xFFFFFF00] =	vst v8;
	v7 =	vadd.f32 v7, v19;
	v8 =	vmin.f32 v17, $1.900000000e+01;
	v25 =	vmin.f32 v25, $1.900000000e+01  }
0x34a: {  	[tilespmem:s31+$0xFFFFFF80] =	vst v15;
	v19 =	vld [tilespmem:s1+$0xFFFFFF10];
	v15 =	vtrunc.f32 v8;
	v45 =	vtrunc.f32 v25  }
0x34b: {  	v46 =	vld [tilespmem:s1+$0xFFFFFF90];
	[tilespmem:s31+$0x0] =	vst v7;
	v7 =	vmul.f32 v13, v23;
	v17 =	vcvt.f32.s32 v45  }
0x34c: {  	v15 =	vcvt.f32.s32 v15;
	v23 =	vld.idx.msk [tilespmem:v44+s20+$0x0], $0xffff;
	v12 =	vmul.f32 $1.899999980e+00, v12  }
0x34d: {  	v9 =	vmul.f32 v9, v42;
	v13 =	vld [tilespmem:s1+$0x10]  }
0x34e: {  	v7 =	vadd.f32 v7, v10;
	v10 =	vadd.f32 $9.500000000e+00, v12;
	v12 =	vld.idx.msk [tilespmem:v28+s19+$0x0], $0xffff  }
0x34f: {  	v6 =	vadd.f32 v9, v6;
	v9 =	vmul.f32 v11, v14;
	v11 =	vld.idx.msk [tilespmem:v22+s19+$0x0], $0xffff;
	v14 =	vmul.f32 $1.899999980e+00, v19  }
0x350: {  	v22 =	vld.idx.msk [tilespmem:v44+s19+$0x0], $0xffff;
	v19 =	vmul.f32 v20, v21;
	v21 =	vmul.f32 $1.899999980e+00, v46;
	v10 =	vmax.f32 v10, $0.0e+00  }
0x351: {  	v16 =	vmul.f32 v16, v23;
	v10 =	vmin.f32 v10, $1.900000000e+01;
	v14 =	vadd.f32 $9.500000000e+00, v14;
	v20 =	vld.idx.msk [tilespmem:v17+s20+$0x0], $0xffff  }
0x352: {  	v13 =	vmul.f32 $1.899999980e+00, v13;
	v47 =	vld.idx.msk [tilespmem:v15+s20+$0x0], $0xffff;
	v23 =	vtrunc.f32 v10  }
0x353: {  	[tilespmem:s28+$0xFFFFFF50] =	vst v7;
	v17 =	vld.idx.msk [tilespmem:v17+s19+$0x0], $0xffff;
	v23 =	vcvt.f32.s32 v23;
	v14 =	vmax.f32 v14, $0.0e+00;
	v7 =	vadd.f32 v9, v12  }
0x354: {  	[tilespmem:s28+$0xFFFFFFD0] =	vst v6;
	v21 =	vadd.f32 $9.500000000e+00, v21;
	v6 =	vadd.f32 v19, v11;
	v11 =	vld [tilespmem:s23+$0xFFFFFF60];
	v12 =	vmin.f32 v14, $1.900000000e+01  }
0x355: {  	v18 =	vmul.f32 $1.899999980e+00, v18;
	v19 =	vld [tilespmem:s23+$0xFFFFFFE0];
	v13 =	vadd.f32 $9.500000000e+00, v13;
	[tilespmem:s29+$0xFFFFFF30] =	vst v7;
	v7 =	vtrunc.f32 v12  }
0x356: {  	v9 =	vld.idx.msk [tilespmem:v15+s19+$0x0], $0xffff;
	[tilespmem:s29+$0xFFFFFFB0] =	vst v6;
	v14 =	vmax.f32 v21, $0.0e+00;
	v6 =	vcvt.f32.s32 v7;
	v15 =	vmul.f32 v25, v20  }
0x357: {  	v18 =	vadd.f32 $9.500000000e+00, v18;
	v14 =	vmin.f32 v14, $1.900000000e+01;
	v21 =	vld [tilespmem:s30+$0xFFFFFF40]  }
0x358: {  	v13 =	vmax.f32 v13, $0.0e+00;
	v20 =	vtrunc.f32 v14;
	v7 =	vadd.f32 v15, v17;
	v17 =	vld [tilespmem:s30+$0xFFFFFFC0]  }
0x359: {  	v13 =	vmin.f32 v13, $1.900000000e+01;
	v20 =	vcvt.f32.s32 v20;
	v48 =	vld.idx.msk [tilespmem:v23+s20+$0x0], $0xffff  }
0x35a: {  	v18 =	vmax.f32 v18, $0.0e+00;
	v16 =	vadd.f32 v16, v22;
	v15 =	vtrunc.f32 v13;
	v23 =	vld.idx.msk [tilespmem:v23+s19+$0x0], $0xffff;
	[tilespmem:s29+$0xC0] =	vst v7  }
0x35b: {  	v11 =	vmul.f32 $1.899999980e+00, v11;
	v15 =	vcvt.f32.s32 v15;
	v7 =	vmin.f32 v18, $1.900000000e+01;
	v18 =	vld [tilespmem:s30+$0xD0]  }
0x35c: {  	[tilespmem:s29+$0x30] =	vst v16;
	v8 =	vmul.f32 v8, v47;
	v22 =	vtrunc.f32 v7;
	v49 =	vld.idx.msk [tilespmem:v6+s20+$0x0], $0xffff  }
0x35d: {  	v21 =	vmul.f32 $1.899999980e+00, v21;
	v16 =	vcvt.f32.s32 v22;
	v22 =	vld [tilespmem:s30+$0x40]  }
0x35e: {  	v11 =	vadd.f32 $9.500000000e+00, v11;
	v6 =	vld.idx.msk [tilespmem:v6+s19+$0x0], $0xffff;
	v17 =	vmul.f32 $1.899999980e+00, v17;
	v10 =	vmul.f32 v10, v48  }
0x35f: {  	v8 =	vadd.f32 v8, v9;
	v21 =	vadd.f32 $9.500000000e+00, v21;
	v50 =	vld.idx.msk [tilespmem:v20+s20+$0x0], $0xffff  }
0x360: {  	v19 =	vmul.f32 $1.899999980e+00, v19;
	v20 =	vld.idx.msk [tilespmem:v20+s19+$0x0], $0xffff;
	v17 =	vadd.f32 $9.500000000e+00, v17;
	v10 =	vadd.f32 v10, v23  }
0x361: {  	v11 =	vmax.f32 v11, $0.0e+00;
	v9 =	vmax.f32 v21, $0.0e+00;
	v51 =	vld.idx.msk [tilespmem:v15+s20+$0x0], $0xffff;
	v18 =	vmul.f32 $1.899999980e+00, v18  }
0x362: {  	v15 =	vld.idx.msk [tilespmem:v15+s19+$0x0], $0xffff;
	v12 =	vmul.f32 v12, v49;
	v17 =	vmax.f32 v17, $0.0e+00;
	v21 =	vmul.f32 $1.899999980e+00, v22;
	[tilespmem:s31+$0x90] =	vst v10  }
0x363: {  	v22 =	vmin.f32 v9, $1.900000000e+01;
	v18 =	vadd.f32 $9.500000000e+00, v18;
	v10 =	vmin.f32 v17, $1.900000000e+01;
	v23 =	vld [tilespmem:s1+$0xA0]  }
0x364: {  	v17 =	vtrunc.f32 v22;
	v14 =	vmul.f32 v14, v50;
	v6 =	vadd.f32 v12, v6  }
0x365: {  	[tilespmem:s28+$0x50] =	vst v8;
	v8 =	vadd.f32 $9.500000000e+00, v21;
	v17 =	vcvt.f32.s32 v17;
	v9 =	vmax.f32 v18, $0.0e+00  }
0x366: {  	s3 =	simm.s32 $0x6B00;
	v21 =	vld [tilespmem:s23+$0x60];
	v18 =	vtrunc.f32 v10;
	v13 =	vmul.f32 v13, v51;
	v52 =	vmin.f32 v9, $1.900000000e+01  }
0x367: {  	v14 =	vadd.f32 v14, v20;
	v51 =	vld [tilespmem:s3+$0x0];
	v53 =	vmax.f32 v8, $0.0e+00;
	v9 =	vtrunc.f32 v52  }
0x368: {  	[tilespmem:s31+$0xFFFFFF10] =	vst v6;
	v8 =	vld.idx.msk [tilespmem:v16+s19+$0x0], $0xffff;
	v6 =	vadd.f32 v13, v15;
	v12 =	vcvt.f32.s32 v9;
	v13 =	vmul.f32 $1.899999980e+00, v23  }
0x369: {  	v11 =	vmin.f32 v11, $1.900000000e+01;
	v18 =	vcvt.f32.s32 v18;
	[tilespmem:s31+$0xFFFFFF90] =	vst v14;
	v9 =	vld.idx.msk [tilespmem:v16+s20+$0x0], $0xffff;
	v16 =	vmin.f32 v53, $1.900000000e+01  }
0x36a: {  	v20 =	vld [tilespmem:s1+$0xFFFFFF20];
	v15 =	vadd.f32 $9.500000000e+00, v19;
	v19 =	vtrunc.f32 v16;
	[tilespmem:s31+$0x10] =	vst v6;
	v6 =	vadd.f32 $9.500000000e+00, v13  }
0x36b: {  	v23 =	vtrunc.f32 v11;
	v14 =	vcvt.f32.s32 v19;
	v19 =	vld [tilespmem:s1+$0xFFFFFFA0]  }
0x36c: {  	v13 =	vmax.f32 v15, $0.0e+00;
	v15 =	vmul.f32 $1.899999980e+00, v21;
	v21 =	vld [tilespmem:s1+$0x20];
	v6 =	vmax.f32 v6, $0.0e+00  }
0x36d: {  	v23 =	vcvt.f32.s32 v23;
	v55 =	vld.idx.msk [tilespmem:v17+s20+$0x0], $0xffff;
	v6 =	vmin.f32 v6, $1.900000000e+01  }
0x36e: {  	v54 =	vld.idx.msk [tilespmem:v12+s20+$0x0], $0xffff;
	v57 =	vtrunc.f32 v6  }
0x36f: {  	v17 =	vld.idx.msk [tilespmem:v17+s19+$0x0], $0xffff;
	v28 =	vcvt.f32.s32 v57  }
0x370: {  	v12 =	vld.idx.msk [tilespmem:v12+s19+$0x0], $0xffff  }
0x371: {  	v13 =	vmin.f32 v13, $1.900000000e+01;
	v20 =	vmul.f32 $1.899999980e+00, v20;
	v15 =	vadd.f32 $9.500000000e+00, v15;
	v58 =	vld.idx.msk [tilespmem:v18+s20+$0x0], $0xffff  }
0x372: {  	v56 =	vtrunc.f32 v13;
	v18 =	vld.idx.msk [tilespmem:v18+s19+$0x0], $0xffff  }
0x373: {  	v20 =	vadd.f32 $9.500000000e+00, v20;
	v15 =	vmax.f32 v15, $0.0e+00;
	v63 =	vld.idx.msk [tilespmem:v23+s20+$0x0], $0xffff;
	v24 =	vmul.f32 v52, v54  }
0x374: {  	v61 =	vcvt.f32.s32 v56;
	v15 =	vmin.f32 v15, $1.900000000e+01;
	v19 =	vmul.f32 $1.899999980e+00, v19;
	v23 =	vld.idx.msk [tilespmem:v23+s19+$0x0], $0xffff  }
0x375: {  	v21 =	vmul.f32 $1.899999980e+00, v21;
	v20 =	vmax.f32 v20, $0.0e+00;
	v12 =	vadd.f32 v24, v12;
	v37 =	vld.idx.msk [tilespmem:v28+s20+$0x0], $0xffff  }
0x376: {  	v22 =	vmul.f32 v22, v55;
	v59 =	vld.idx.msk [tilespmem:v14+s20+$0x0], $0xffff;
	v60 =	vtrunc.f32 v15;
	v20 =	vmin.f32 v20, $1.900000000e+01  }
0x377: {  	v19 =	vadd.f32 $9.500000000e+00, v19;
	v62 =	vcvt.f32.s32 v60;
	v21 =	vadd.f32 $9.500000000e+00, v21;
	v28 =	vld.idx.msk [tilespmem:v28+s19+$0x0], $0xffff;
	[tilespmem:s29+$0xD0] =	vst v12  }
0x378: {  	v36 =	vtrunc.f32 v20;
	v17 =	vadd.f32 v22, v17;
	v10 =	vmul.f32 v10, v58;
	v38 =	vld [tilespmem:s30+$0xE0]  }
0x379: {  	v14 =	vld.idx.msk [tilespmem:v14+s19+$0x0], $0xffff;
	v26 =	vcvt.f32.s32 v36;
	v19 =	vmax.f32 v19, $0.0e+00;
	v21 =	vmax.f32 v21, $0.0e+00  }
0x37a: {  	v40 =	vld.idx.msk [tilespmem:v61+s20+$0x0], $0xffff;
	v54 =	vmul.f32 $1.899999980e+00, v51;
	v21 =	vmin.f32 v21, $1.900000000e+01;
	v6 =	vmul.f32 v6, v37  }
0x37b: {  	[tilespmem:s29+$0xFFFFFF40] =	vst v17;
	v47 =	vld.idx.msk [tilespmem:v61+s19+$0x0], $0xffff;
	v19 =	vmin.f32 v19, $1.900000000e+01;
	v11 =	vmul.f32 v11, v63;
	v39 =	vtrunc.f32 v21  }
0x37c: {  	v41 =	vld [tilespmem:s30+$0xFFFFFF50];
	v22 =	vcvt.f32.s32 v39;
	v12 =	vtrunc.f32 v19;
	v6 =	vadd.f32 v6, v28  }
0x37d: {  	v11 =	vadd.f32 v11, v23;
	v23 =	vld [tilespmem:s3+$0x80];
	v12 =	vcvt.f32.s32 v12;
	v42 =	vmul.f32 $1.899999980e+00, v38  }
0x37e: {  	v27 =	vadd.f32 $9.500000000e+00, v54;
	v17 =	vld.idx.msk [tilespmem:v62+s20+$0x0], $0xffff;
	[tilespmem:s31+$0xA0] =	vst v6  }
0x37f: {  	v10 =	vadd.f32 v10, v18;
	v45 =	vadd.f32 $9.500000000e+00, v42;
	v18 =	vld [tilespmem:s1+$0xB0]  }
0x380: {  	v16 =	vmul.f32 v16, v59;
	v27 =	vmax.f32 v27, $0.0e+00;
	v43 =	vld.idx.msk [tilespmem:v26+s20+$0x0], $0xffff  }
0x381: {  	v26 =	vld.idx.msk [tilespmem:v26+s19+$0x0], $0xffff;
	v13 =	vmul.f32 v13, v40;
	v27 =	vmin.f32 v27, $1.900000000e+01;
	v6 =	vmax.f32 v45, $0.0e+00  }
0x382: {  	v61 =	vtrunc.f32 v27;
	v46 =	vld.idx.msk [tilespmem:v22+s20+$0x0], $0xffff;
	v28 =	vmin.f32 v6, $1.900000000e+01;
	v6 =	vadd.f32 v16, v14  }
0x383: {  	[tilespmem:s29+$0xFFFFFFC0] =	vst v10;
	v44 =	vld.idx.msk [tilespmem:v12+s20+$0x0], $0xffff;
	v16 =	vmul.f32 $1.899999980e+00, v41;
	v14 =	vtrunc.f32 v28  }
0x384: {  	v14 =	vcvt.f32.s32 v14;
	[tilespmem:s29+$0x40] =	vst v6;
	v6 =	vld [tilespmem:s30+$0xFFFFFFD0];
	v18 =	vmul.f32 $1.899999980e+00, v18  }
0x385: {  	v23 =	vmul.f32 $1.899999980e+00, v23;
	v10 =	vld.idx.msk [tilespmem:v22+s19+$0x0], $0xffff;
	v15 =	vmul.f32 v15, v17  }
0x386: {  	v20 =	vmul.f32 v20, v43;
	v12 =	vld.idx.msk [tilespmem:v12+s19+$0x0], $0xffff;
	v16 =	vadd.f32 $9.500000000e+00, v16;
	v18 =	vadd.f32 $9.500000000e+00, v18  }
0x387: {  	v52 =	vld [tilespmem:s3+$0xFFFFFF00];
	v42 =	vcvt.f32.s32 v61;
	v21 =	vmul.f32 v21, v46  }
0x388: {  	v17 =	vld.idx.msk [tilespmem:v62+s19+$0x0], $0xffff;
	v19 =	vmul.f32 v19, v44;
	v16 =	vmax.f32 v16, $0.0e+00;
	v18 =	vmax.f32 v18, $0.0e+00  }
0x389: {  	v48 =	vmul.f32 $1.899999980e+00, v6;
	v6 =	vmin.f32 v16, $1.900000000e+01;
	v16 =	vadd.f32 v20, v26;
	v20 =	vld [tilespmem:s3+$0xFFFFFF80]  }
0x38a: {  	[tilespmem:s28+$0xFFFFFF60] =	vst v11;
	v23 =	vadd.f32 $9.500000000e+00, v23;
	v10 =	vadd.f32 v21, v10;
	v18 =	vmin.f32 v18, $1.900000000e+01;
	v49 =	vld.idx.msk [tilespmem:v14+s20+$0x0], $0xffff  }
0x38b: {  	v21 =	vld [tilespmem:s23+$0xFFFFFF70];
	v12 =	vadd.f32 v19, v12;
	v19 =	vtrunc.f32 v18;
	v25 =	vadd.f32 $9.500000000e+00, v48  }
0x38c: {  	v14 =	vld.idx.msk [tilespmem:v14+s19+$0x0], $0xffff;
	[tilespmem:s31+$0xFFFFFF20] =	vst v16;
	v16 =	vcvt.f32.s32 v19  }
0x38d: {  	v11 =	vadd.f32 v13, v47;
	v23 =	vmax.f32 v23, $0.0e+00;
	v22 =	vld [tilespmem:s30+$0x50];
	[tilespmem:s31+$0x20] =	vst v10;
	v19 =	vmax.f32 v25, $0.0e+00  }
0x38e: {  	v10 =	vadd.f32 v15, v17;
	v38 =	vld.idx.msk [tilespmem:v42+s20+$0x0], $0xffff;
	[tilespmem:s31+$0xFFFFFFA0] =	vst v12;
	v13 =	vmin.f32 v19, $1.900000000e+01;
	v15 =	vmul.f32 $1.899999980e+00, v20  }
0x38f: {  	v23 =	vmin.f32 v23, $1.900000000e+01;
	v17 =	vld [tilespmem:s1+$0xFFFFFFB0];
	v12 =	vtrunc.f32 v13;
	v53 =	vmul.f32 v28, v49  }
0x390: {  	v56 =	vtrunc.f32 v23;
	v19 =	vld [tilespmem:s1+$0xFFFFFF30];
	v12 =	vcvt.f32.s32 v12  }
0x391: {  	v25 =	vmul.f32 $1.899999980e+00, v52;
	v20 =	vld [tilespmem:s1+$0x30];
	v15 =	vadd.f32 $9.500000000e+00, v15;
	v14 =	vadd.f32 v53, v14  }
0x392: {  	v57 =	vcvt.f32.s32 v56;
	v55 =	vld.idx.msk [tilespmem:v16+s20+$0x0], $0xffff  }
0x393: {  	v50 =	vtrunc.f32 v6;
	v16 =	vld.idx.msk [tilespmem:v16+s19+$0x0], $0xffff;
	v15 =	vmax.f32 v15, $0.0e+00;
	[tilespmem:s29+$0xE0] =	vst v14;
	v14 =	vadd.f32 $9.500000000e+00, v25  }
0x394: {  	v26 =	vcvt.f32.s32 v50;
	v15 =	vmin.f32 v15, $1.900000000e+01;
	v58 =	vld [tilespmem:s30+$0xF0]  }
0x395: {  	v29 =	vld.idx.msk [tilespmem:v42+s19+$0x0], $0xffff;
	v17 =	vmul.f32 $1.899999980e+00, v17;
	v59 =	vtrunc.f32 v15;
	v14 =	vmax.f32 v14, $0.0e+00  }
0x396: {  	[tilespmem:s28+$0xFFFFFFE0] =	vst v11;
	v19 =	vmul.f32 $1.899999980e+00, v19;
	v30 =	vcvt.f32.s32 v59;
	v60 =	vld.idx.msk [tilespmem:v12+s20+$0x0], $0xffff;
	v14 =	vmin.f32 v14, $1.900000000e+01  }
0x397: {  	[tilespmem:s28+$0x60] =	vst v10;
	v17 =	vadd.f32 $9.500000000e+00, v17;
	v62 =	vld.idx.msk [tilespmem:v12+s19+$0x0], $0xffff;
	v12 =	vmul.f32 v18, v55;
	v11 =	vtrunc.f32 v14  }
0x398: {  	v63 =	vld [tilespmem:s23+$0x70];
	v20 =	vmul.f32 $1.899999980e+00, v20;
	v10 =	vadd.f32 $9.500000000e+00, v19;
	v11 =	vcvt.f32.s32 v11  }
0x399: {  	v12 =	vadd.f32 v12, v16;
	v16 =	vmul.f32 $1.899999980e+00, v22;
	v22 =	vld.idx.msk [tilespmem:v57+s20+$0x0], $0xffff;
	v19 =	vmul.f32 $1.899999980e+00, v58  }
0x39a: {  	v24 =	vld.idx.msk [tilespmem:v26+s20+$0x0], $0xffff;
	v20 =	vadd.f32 $9.500000000e+00, v20;
	v10 =	vmax.f32 v10, $0.0e+00  }
0x39b: {  	v17 =	vmax.f32 v17, $0.0e+00;
	v25 =	vld.idx.msk [tilespmem:v57+s19+$0x0], $0xffff;
	v43 =	vmin.f32 v10, $1.900000000e+01;
	[tilespmem:s31+$0xB0] =	vst v12;
	v19 =	vadd.f32 $9.500000000e+00, v19  }
0x39c: {  	v17 =	vmin.f32 v17, $1.900000000e+01;
	v20 =	vmax.f32 v20, $0.0e+00;
	v10 =	vtrunc.f32 v43;
	v12 =	vld [tilespmem:s1+$0xC0]  }
0x39d: {  	v20 =	vmin.f32 v20, $1.900000000e+01;
	v45 =	vcvt.f32.s32 v10;
	v44 =	vld.idx.msk [tilespmem:v30+s20+$0x0], $0xffff;
	v19 =	vmax.f32 v19, $0.0e+00  }
0x39e: {  	v22 =	vmul.f32 v23, v22;
	v10 =	vmin.f32 v19, $1.900000000e+01;
	v19 =	vtrunc.f32 v17;
	v46 =	vld.idx.msk [tilespmem:v11+s20+$0x0], $0xffff  }
0x39f: {  	v48 =	vld.idx.msk [tilespmem:v11+s19+$0x0], $0xffff;
	v11 =	vtrunc.f32 v20;
	v19 =	vcvt.f32.s32 v19  }
0x3a0: {  	v30 =	vld.idx.msk [tilespmem:v30+s19+$0x0], $0xffff;
	v47 =	vtrunc.f32 v10;
	v49 =	vcvt.f32.s32 v11  }
0x3a1: {  	v26 =	vld.idx.msk [tilespmem:v26+s19+$0x0], $0xffff;
	v16 =	vadd.f32 $9.500000000e+00, v16;
	v22 =	vadd.f32 v22, v25;
	v23 =	vcvt.f32.s32 v47  }
0x3a2: {  	s17 =	simm.s32 $0x13300;
	v21 =	vmul.f32 $1.899999980e+00, v21;
	v18 =	vld [tilespmem:s23+$0xFFFFFFF0]  }
0x3a3: {  	v11 =	vmax.f32 v16, $0.0e+00;
	v12 =	vmul.f32 $1.899999980e+00, v12;
	v16 =	vld.idx.msk [tilespmem:v45+s20+$0x0], $0xffff;
	v15 =	vmul.f32 v15, v44;
	[tilespmem:s17+$0x80] =	vst v22  }
0x3a4: {  	v21 =	vadd.f32 $9.500000000e+00, v21;
	v22 =	vmin.f32 v11, $1.900000000e+01;
	v50 =	vld [tilespmem:s3+$0x90]  }
0x3a5: {  	v12 =	vadd.f32 $9.500000000e+00, v12;
	v15 =	vadd.f32 v15, v30;
	v14 =	vmul.f32 v14, v46;
	v51 =	vld.idx.msk [tilespmem:v19+s20+$0x0], $0xffff  }
0x3a6: {  	v27 =	vmul.f32 v27, v38;
	v39 =	vtrunc.f32 v22;
	v54 =	vld.idx.msk [tilespmem:v49+s20+$0x0], $0xffff  }
0x3a7: {  	v12 =	vmax.f32 v12, $0.0e+00;
	[tilespmem:s17+$0xFFFFFF80] =	vst v15;
	v15 =	vmax.f32 v21, $0.0e+00;
	v14 =	vadd.f32 v14, v48;
	v11 =	vld.idx.msk [tilespmem:v23+s20+$0x0], $0xffff  }
0x3a8: {  	v21 =	vmul.f32 v13, v60;
	v52 =	vmin.f32 v12, $1.900000000e+01;
	v12 =	vld.idx.msk [tilespmem:v23+s19+$0x0], $0xffff;
	v23 =	vcvt.f32.s32 v39  }
0x3a9: {  	v6 =	vmul.f32 v6, v24;
	v57 =	vld [tilespmem:s3+$0xFFFFFF90];
	v53 =	vtrunc.f32 v52;
	[tilespmem:s17+$0xFFFFFF00] =	vst v14;
	v14 =	vadd.f32 v27, v29  }
0x3aa: {  	v13 =	vmin.f32 v15, $1.900000000e+01;
	v15 =	vadd.f32 v21, v62;
	v21 =	vld.idx.msk [tilespmem:v45+s19+$0x0], $0xffff;
	v55 =	vcvt.f32.s32 v53  }
0x3ab: {  	v19 =	vld.idx.msk [tilespmem:v19+s19+$0x0], $0xffff;
	[tilespmem:s17+$0x0] =	vst v14;
	v14 =	vmul.f32 $1.899999980e+00, v50  }
0x3ac: {  	v6 =	vadd.f32 v6, v26;
	v18 =	vmul.f32 $1.899999980e+00, v18;
	v56 =	vld [tilespmem:s3+$0xFFFFFF10]  }
0x3ad: {  	v58 =	vmul.f32 $1.899999980e+00, v63;
	v16 =	vmul.f32 v43, v16;
	v59 =	vld [tilespmem:s3+$0x10];
	v14 =	vadd.f32 $9.500000000e+00, v14  }
0x3ae: {  	v18 =	vadd.f32 $9.500000000e+00, v18;
	v60 =	vtrunc.f32 v13;
	v30 =	vmul.f32 $1.899999980e+00, v57;
	v38 =	vld.idx.msk [tilespmem:v23+s20+$0x0], $0xffff  }
0x3af: {  	v17 =	vmul.f32 v17, v51;
	v16 =	vadd.f32 v16, v21;
	v21 =	vld.idx.msk [tilespmem:v23+s19+$0x0], $0xffff;
	v14 =	vmax.f32 v14, $0.0e+00  }
0x3b0: {  	[tilespmem:s29+$0xFFFFFF50] =	vst v6;
	v63 =	vcvt.f32.s32 v60;
	v30 =	vadd.f32 $9.500000000e+00, v30;
	v61 =	vld.idx.msk [tilespmem:v55+s20+$0x0], $0xffff;
	v62 =	vmin.f32 v14, $1.900000000e+01  }
0x3b1: {  	v17 =	vadd.f32 v17, v19;
	v19 =	vld [tilespmem:s30+$0xFFFFFF60];
	v24 =	vmul.f32 $1.899999980e+00, v56;
	v36 =	vtrunc.f32 v62  }
0x3b2: {  	v7 =	vmul.f32 v7, v9;
	v26 =	vadd.f32 $9.500000000e+00, v58;
	v29 =	vld.idx.msk [tilespmem:v55+s19+$0x0], $0xffff;
	v31 =	vcvt.f32.s32 v36  }
0x3b3: {  	v18 =	vmax.f32 v18, $0.0e+00;
	[tilespmem:s29+$0xFFFFFFD0] =	vst v15;
	v14 =	vld.idx.msk [tilespmem:v49+s19+$0x0], $0xffff;
	v23 =	vmax.f32 v30, $0.0e+00;
	v24 =	vadd.f32 $9.500000000e+00, v24  }
0x3b4: {  	v39 =	vld [tilespmem:s30+$0xFFFFFFE0];
	v6 =	vmul.f32 v20, v54;
	[tilespmem:s31+$0xFFFFFF30] =	vst v16;
	v28 =	vmul.f32 $1.899999980e+00, v59;
	v23 =	vmin.f32 v23, $1.900000000e+01  }
0x3b5: {  	v42 =	vld [tilespmem:s1+$0xFFFFFF40];
	[tilespmem:s31+$0xFFFFFFB0] =	vst v17;
	v41 =	vtrunc.f32 v23;
	v20 =	vmax.f32 v24, $0.0e+00;
	v16 =	vmul.f32 v52, v61  }
0x3b6: {  	v43 =	vld [tilespmem:s1+$0xFFFFFFC0];
	v15 =	vadd.f32 $9.500000000e+00, v28;
	v28 =	vcvt.f32.s32 v41;
	v19 =	vmul.f32 $1.899999980e+00, v19  }
0x3b7: {  	v34 =	vld.idx.msk [tilespmem:v63+s20+$0x0], $0xffff;
	v22 =	vmul.f32 v22, v38;
	v20 =	vmin.f32 v20, $1.900000000e+01;
	v16 =	vadd.f32 v16, v29  }
0x3b8: {  	v15 =	vmax.f32 v15, $0.0e+00;
	v40 =	vtrunc.f32 v20;
	v6 =	vadd.f32 v6, v14;
	v45 =	vld.idx.msk [tilespmem:v31+s20+$0x0], $0xffff  }
0x3b9: {  	v14 =	vmax.f32 v26, $0.0e+00;
	v17 =	vmin.f32 v15, $1.900000000e+01;
	v27 =	vcvt.f32.s32 v40;
	v46 =	vld.idx.msk [tilespmem:v31+s19+$0x0], $0xffff;
	[tilespmem:s31+$0xC0] =	vst v16  }
0x3ba: {  	v30 =	vmul.f32 $1.899999980e+00, v42;
	v21 =	vadd.f32 v22, v21;
	v44 =	vtrunc.f32 v17;
	[tilespmem:s31+$0x30] =	vst v6;
	v6 =	vld [tilespmem:s1+$0xD0]  }
0x3bb: {  	v15 =	vmin.f32 v18, $1.900000000e+01;
	v32 =	vmul.f32 $1.899999980e+00, v43;
	v18 =	vcvt.f32.s32 v44;
	v48 =	vld [tilespmem:s1+$0x40]  }
0x3bc: {  	v24 =	vmul.f32 $1.899999980e+00, v39;
	v19 =	vadd.f32 $9.500000000e+00, v19;
	v14 =	vmin.f32 v14, $1.900000000e+01;
	[tilespmem:s29+$0x50] =	vst v21;
	v50 =	vld.idx.msk [tilespmem:v28+s20+$0x0], $0xffff  }
0x3bd: {  	v22 =	vadd.f32 $9.500000000e+00, v30;
	v16 =	vtrunc.f32 v15;
	v53 =	vadd.f32 $9.500000000e+00, v32;
	v58 =	vld [tilespmem:s30+$0x60]  }
0x3be: {  	v19 =	vmax.f32 v19, $0.0e+00;
	v16 =	vcvt.f32.s32 v16;
	v28 =	vld.idx.msk [tilespmem:v28+s19+$0x0], $0xffff;
	v33 =	vmul.f32 v62, v45  }
0x3bf: {  	v22 =	vmax.f32 v22, $0.0e+00;
	v29 =	vmax.f32 v53, $0.0e+00;
	v49 =	vld.idx.msk [tilespmem:v27+s20+$0x0], $0xffff;
	v52 =	vmul.f32 $1.899999980e+00, v6  }
0x3c0: {  	v22 =	vmin.f32 v22, $1.900000000e+01;
	v21 =	vmin.f32 v29, $1.900000000e+01;
	v27 =	vld.idx.msk [tilespmem:v27+s19+$0x0], $0xffff;
	v26 =	vadd.f32 v33, v46  }
0x3c1: {  	v57 =	vtrunc.f32 v21;
	v51 =	vld.idx.msk [tilespmem:v18+s20+$0x0], $0xffff;
	v23 =	vmul.f32 v23, v50;
	v54 =	vadd.f32 $9.500000000e+00, v52  }
0x3c2: {  	v19 =	vmin.f32 v19, $1.900000000e+01;
	v55 =	vtrunc.f32 v22;
	v18 =	vld.idx.msk [tilespmem:v18+s19+$0x0], $0xffff;
	v46 =	vcvt.f32.s32 v57;
	[tilespmem:s17+$0x90] =	vst v26  }
0x3c3: {  	v31 =	vmul.f32 $1.899999980e+00, v48;
	v23 =	vadd.f32 v23, v28;
	v56 =	vld [tilespmem:s3+$0xA0];
	v32 =	vmax.f32 v54, $0.0e+00  }
0x3c4: {  	v25 =	vld.idx.msk [tilespmem:v63+s19+$0x0], $0xffff;
	v20 =	vmul.f32 v20, v49;
	v26 =	vcvt.f32.s32 v55;
	v32 =	vmin.f32 v32, $1.900000000e+01  }
0x3c5: {  	v31 =	vadd.f32 $9.500000000e+00, v31;
	v60 =	vld.idx.msk [tilespmem:v16+s20+$0x0], $0xffff;
	v49 =	vmul.f32 $1.899999980e+00, v58;
	v59 =	vtrunc.f32 v32  }
0x3c6: {  	v16 =	vld.idx.msk [tilespmem:v16+s19+$0x0], $0xffff;
	[tilespmem:s17+$0xFFFFFF90] =	vst v23;
	v17 =	vmul.f32 v17, v51;
	v20 =	vadd.f32 v20, v27;
	v61 =	vcvt.f32.s32 v59  }
0x3c7: {  	v47 =	vtrunc.f32 v14;
	v48 =	vtrunc.f32 v19;
	v23 =	vld [tilespmem:s3+$0xFFFFFFA0];
	v33 =	vadd.f32 $9.500000000e+00, v49  }
0x3c8: {  	v31 =	vmax.f32 v31, $0.0e+00;
	[tilespmem:s17+$0xFFFFFF10] =	vst v20;
	v17 =	vadd.f32 v17, v18;
	v41 =	vld.idx.msk [tilespmem:v46+s20+$0x0], $0xffff;
	v18 =	vmul.f32 $1.899999980e+00, v56  }
0x3c9: {  	v6 =	vcvt.f32.s32 v47;
	v63 =	vmin.f32 v31, $1.900000000e+01;
	v33 =	vmax.f32 v33, $0.0e+00;
	v47 =	vld [tilespmem:s3+$0xFFFFFF20]  }
0x3ca: {  	v20 =	vtrunc.f32 v63;
	v33 =	vmin.f32 v33, $1.900000000e+01;
	[tilespmem:s17+$0x10] =	vst v17;
	v52 =	vld.idx.msk [tilespmem:v26+s20+$0x0], $0xffff;
	v17 =	vadd.f32 $9.500000000e+00, v18  }
0x3cb: {  	v24 =	vadd.f32 $9.500000000e+00, v24;
	v20 =	vcvt.f32.s32 v20;
	v43 =	vtrunc.f32 v33;
	v26 =	vld.idx.msk [tilespmem:v26+s19+$0x0], $0xffff  }
0x3cc: {  	v23 =	vmul.f32 $1.899999980e+00, v23;
	v53 =	vcvt.f32.s32 v43;
	v17 =	vmax.f32 v17, $0.0e+00;
	v36 =	vld.idx.msk [tilespmem:v61+s20+$0x0], $0xffff  }
0x3cd: {  	v50 =	vld [tilespmem:s3+$0x20];
	v18 =	vmax.f32 v24, $0.0e+00;
	v24 =	vcvt.f32.s32 v48;
	v17 =	vmin.f32 v17, $1.900000000e+01  }
0x3ce: {  	v21 =	vmul.f32 v21, v41;
	v27 =	vld.idx.msk [tilespmem:v61+s19+$0x0], $0xffff;
	v40 =	vtrunc.f32 v17  }
0x3cf: {  	v62 =	vld.idx.msk [tilespmem:v6+s20+$0x0], $0xffff;
	v18 =	vmin.f32 v18, $1.900000000e+01;
	v31 =	vmul.f32 $1.899999980e+00, v47;
	v40 =	vcvt.f32.s32 v40  }
0x3d0: {  	v29 =	vld.idx.msk [tilespmem:v46+s19+$0x0], $0xffff;
	v23 =	vadd.f32 $9.500000000e+00, v23;
	v51 =	vtrunc.f32 v18;
	v22 =	vmul.f32 v22, v52  }
0x3d1: {  	v38 =	vcvt.f32.s32 v51;
	v42 =	vld.idx.msk [tilespmem:v20+s20+$0x0], $0xffff;
	v31 =	vadd.f32 $9.500000000e+00, v31;
	v32 =	vmul.f32 v32, v36  }
0x3d2: {  	v20 =	vld.idx.msk [tilespmem:v20+s19+$0x0], $0xffff;
	v23 =	vmax.f32 v23, $0.0e+00;
	v35 =	vmul.f32 $1.899999980e+00, v50;
	v22 =	vadd.f32 v22, v26  }
0x3d3: {  	v23 =	vmin.f32 v23, $1.900000000e+01;
	v31 =	vmax.f32 v31, $0.0e+00;
	v54 =	vld.idx.msk [tilespmem:v24+s20+$0x0], $0xffff;
	v27 =	vadd.f32 v32, v27  }
0x3d4: {  	v44 =	vtrunc.f32 v23;
	v35 =	vadd.f32 $9.500000000e+00, v35;
	v31 =	vmin.f32 v31, $1.900000000e+01;
	[tilespmem:s31+$0xFFFFFF40] =	vst v22;
	v22 =	vld.idx.msk [tilespmem:v53+s20+$0x0], $0xffff  }
0x3d5: {  	v8 =	vadd.f32 v7, v8;
	v44 =	vcvt.f32.s32 v44;
	v55 =	vtrunc.f32 v31;
	v56 =	vld.idx.msk [tilespmem:v40+s20+$0x0], $0xffff;
	[tilespmem:s31+$0xD0] =	vst v27  }
0x3d6: {  	v9 =	vmul.f32 v10, v11;
	v35 =	vmax.f32 v35, $0.0e+00;
	v39 =	vcvt.f32.s32 v55;
	v58 =	vld [tilespmem:s1+$0xE0]  }
0x3d7: {  	[tilespmem:s28+$0xF0] =	vst v8;
	v8 =	vadd.f32 v21, v29;
	v35 =	vmin.f32 v35, $1.900000000e+01;
	v40 =	vld.idx.msk [tilespmem:v40+s19+$0x0], $0xffff  }
0x3d8: {  	v9 =	vadd.f32 v9, v12;
	v10 =	vld [tilespmem:s1+$0xFFFFFF50];
	v57 =	vtrunc.f32 v35  }
0x3d9: {  	v7 =	vmul.f32 v13, v34;
	[tilespmem:s31+$0xFFFFFFC0] =	vst v8;
	v45 =	vld.idx.msk [tilespmem:v38+s20+$0x0], $0xffff;
	v27 =	vcvt.f32.s32 v57  }
0x3da: {  	[tilespmem:s29+$0xF0] =	vst v9;
	v9 =	vmul.f32 v19, v54;
	v19 =	vld [tilespmem:s1+$0xFFFFFFD0];
	v11 =	vmul.f32 v17, v56  }
0x3db: {  	v12 =	vmul.f32 v15, v60;
	v59 =	vld.idx.msk [tilespmem:v44+s20+$0x0], $0xffff;
	v15 =	vmul.f32 $1.899999980e+00, v58  }
0x3dc: {  	v25 =	vadd.f32 v7, v25;
	v60 =	vmul.f32 v63, v42;
	v13 =	vld.idx.msk [tilespmem:v39+s20+$0x0], $0xffff;
	v11 =	vadd.f32 v11, v40  }
0x3dd: {  	v7 =	vmul.f32 v14, v62;
	v14 =	vadd.f32 v12, v16;
	v17 =	vld.idx.msk [tilespmem:v24+s19+$0x0], $0xffff;
	v12 =	vadd.f32 $9.500000000e+00, v15  }
0x3de: {  	v16 =	vadd.f32 v60, v20;
	v20 =	vmul.f32 $1.899999980e+00, v10;
	v15 =	vld.idx.msk [tilespmem:v39+s19+$0x0], $0xffff;
	[tilespmem:s17+$0xA0] =	vst v11  }
0x3df: {  	v21 =	vld [tilespmem:s3+$0xB0];
	v12 =	vmax.f32 v12, $0.0e+00  }
0x3e0: {  	v10 =	vmul.f32 v18, v45;
	v8 =	vadd.f32 $9.500000000e+00, v20;
	v61 =	vld.idx.msk [tilespmem:v27+s20+$0x0], $0xffff;
	v12 =	vmin.f32 v12, $1.900000000e+01  }
0x3e1: {  	v62 =	vld.idx.msk [tilespmem:v44+s19+$0x0], $0xffff;
	[tilespmem:s31+$0x40] =	vst v16;
	v16 =	vmul.f32 v31, v13;
	v13 =	vtrunc.f32 v12  }
0x3e2: {  	v18 =	vld.idx.msk [tilespmem:v27+s19+$0x0], $0xffff;
	v8 =	vmax.f32 v8, $0.0e+00;
	v9 =	vadd.f32 v9, v17;
	v17 =	vcvt.f32.s32 v13  }
0x3e3: {  	[tilespmem:s28+$0xFFFFFF70] =	vst v25;
	v8 =	vmin.f32 v8, $1.900000000e+01;
	v11 =	vmul.f32 v33, v22;
	v13 =	vld [tilespmem:s1+$0x50]  }
0x3e4: {  	[tilespmem:s28+$0xFFFFFFF0] =	vst v14;
	v22 =	vmul.f32 v23, v59;
	v23 =	vadd.f32 v16, v15;
	v16 =	vld.idx.msk [tilespmem:v38+s19+$0x0], $0xffff;
	v63 =	vmul.f32 $1.899999980e+00, v21  }
0x3e5: {  	v20 =	vmul.f32 v35, v61;
	[tilespmem:s29+$0xFFFFFF60] =	vst v9;
	v9 =	vtrunc.f32 v8;
	v15 =	vld.idx.msk [tilespmem:v53+s19+$0x0], $0xffff  }
0x3e6: {  	s0 =	simm.s32 $0x13300;
	s21 =	simm.s32 $0xC;
	s23 =	simm.s32 $0x6D00;
	v14 =	vcvt.f32.s32 v9;
	v9 =	vld [tilespmem:s30+$0xFFFFFF70];
	[tilespmem:s17+$0xFFFFFF20] =	vst v23;
	v21 =	vadd.f32 v22, v62;
	v22 =	vadd.f32 $9.500000000e+00, v63  }
.LBB2_4:
0x3e7: {  	v23 =	vld [tilespmem:s23+$0x80];
	v18 =	vadd.f32 v20, v18;
	v19 =	vmul.f32 $1.899999980e+00, v19  }
0x3e8: {  	s21 =	sadd.s32 $0x4, s21;
	[tilespmem:s17+$0xFFFFFFA0] =	vst v21;
	v20 =	vmax.f32 v22, $0.0e+00;
	v13 =	vmul.f32 $1.899999980e+00, v13;
	v21 =	vld.idx.msk [tilespmem:v17+s20+$0x0], $0xffff  }
0x3e9: {  	p0 =	slt.u32 s21, $0xC4;
	v22 =	vld [tilespmem:s23+$0xFFFFFF80];
	[tilespmem:s17+$0x20] =	vst v18;
	v18 =	vmin.f32 v20, $1.900000000e+01;
	v19 =	vadd.f32 $9.500000000e+00, v19  }
0x3ea: {  	v10 =	vadd.f32 v10, v16;
	v20 =	vtrunc.f32 v18;
	v13 =	vadd.f32 $9.500000000e+00, v13;
	v17 =	vld.idx.msk [tilespmem:v17+s19+$0x0], $0xffff  }
0x3eb: {  	v11 =	vadd.f32 v11, v15;
	v16 =	vld [tilespmem:s23+$0x0];
	v20 =	vcvt.f32.s32 v20;
	v19 =	vmax.f32 v19, $0.0e+00  }
0x3ec: {  	v15 =	vld [tilespmem:s23+$0xFFFFFF00];
	v23 =	vmul.f32 $1.899999980e+00, v23;
	v19 =	vmin.f32 v19, $1.900000000e+01;
	v13 =	vmax.f32 v13, $0.0e+00;
	[tilespmem:s29+$0xFFFFFFE0] =	vst v10  }
0x3ed: {  	v9 =	vmul.f32 $1.899999980e+00, v9;
	v24 =	vld [tilespmem:s3+$0xFFFFFF30];
	v25 =	vtrunc.f32 v19;
	v10 =	vmin.f32 v13, $1.900000000e+01;
	[tilespmem:s29+$0x60] =	vst v11  }
0x3ee: {  	v12 =	vmul.f32 v12, v21;
	v11 =	vmul.f32 $1.899999980e+00, v22;
	v13 =	vadd.f32 $9.500000000e+00, v23;
	v22 =	vld [tilespmem:s3+$0xFFFFFFB0]  }
0x3ef: {  	v9 =	vadd.f32 $9.500000000e+00, v9;
	v23 =	vcvt.f32.s32 v25;
	v25 =	vtrunc.f32 v10;
	v21 =	vld [tilespmem:s3+$0x30]  }
0x3f0: {  	v12 =	vadd.f32 v12, v17;
	v16 =	vmul.f32 $1.899999980e+00, v16;
	v13 =	vmax.f32 v13, $0.0e+00;
	v26 =	vld.idx.msk [tilespmem:v14+s20+$0x0], $0xffff  }
0x3f1: {  	v11 =	vadd.f32 $9.500000000e+00, v11;
	v15 =	vmul.f32 $1.899999980e+00, v15;
	v13 =	vmin.f32 v13, $1.900000000e+01;
	v17 =	vld.idx.msk [tilespmem:v20+s20+$0x0], $0xffff  }
0x3f2: {  	v16 =	vadd.f32 $9.500000000e+00, v16;
	v27 =	vtrunc.f32 v13;
	v24 =	vmul.f32 $1.899999980e+00, v24;
	v20 =	vld.idx.msk [tilespmem:v20+s19+$0x0], $0xffff;
	[tilespmem:s31+$0xE0] =	vst v12  }
0x3f3: {  	v11 =	vmax.f32 v11, $0.0e+00;
	v12 =	vadd.f32 $9.500000000e+00, v15;
	v15 =	vcvt.f32.s32 v27;
	v27 =	vld [tilespmem:s1+$0xF0]  }
0x3f4: {  	v11 =	vmin.f32 v11, $1.900000000e+01;
	v22 =	vmul.f32 $1.899999980e+00, v22;
	v16 =	vmax.f32 v16, $0.0e+00;
	v14 =	vld.idx.msk [tilespmem:v14+s19+$0x0], $0xffff  }
0x3f5: {  	v28 =	vtrunc.f32 v11;
	v12 =	vmax.f32 v12, $0.0e+00;
	v16 =	vmin.f32 v16, $1.900000000e+01;
	v29 =	vld.idx.msk [tilespmem:v23+s20+$0x0], $0xffff  }
0x3f6: {  	v28 =	vcvt.f32.s32 v28;
	v12 =	vmin.f32 v12, $1.900000000e+01;
	v30 =	vtrunc.f32 v16;
	v23 =	vld.idx.msk [tilespmem:v23+s19+$0x0], $0xffff  }
0x3f7: {  	v24 =	vadd.f32 $9.500000000e+00, v24;
	v17 =	vmul.f32 v18, v17;
	v31 =	vtrunc.f32 v12;
	v18 =	vld [tilespmem:s30+$0xFFFFFFF0]  }
0x3f8: {  	v22 =	vadd.f32 $9.500000000e+00, v22;
	v31 =	vcvt.f32.s32 v31;
	v27 =	vmul.f32 $1.899999980e+00, v27;
	v32 =	vld [tilespmem:s30+$0x70];
	s30 =	smov.u32 s1;
	s1 =	smov.u32 s3;
	s3 =	smov.u32 s23  }
0x3f9: {  	v21 =	vmul.f32 $1.899999980e+00, v21;
	v30 =	vcvt.f32.s32 v30;
	v17 =	vadd.f32 v17, v20;
	v33 =	vld.idx.msk [tilespmem:v15+s20+$0x0], $0xffff  }
0x3fa: {  	v22 =	vmax.f32 v22, $0.0e+00;
	v20 =	vmax.f32 v24, $0.0e+00;
	v24 =	vadd.f32 $9.500000000e+00, v27;
	v6 =	vld.idx.msk [tilespmem:v6+s19+$0x0], $0xffff  }
0x3fb: {  	v21 =	vadd.f32 $9.500000000e+00, v21;
	v22 =	vmin.f32 v22, $1.900000000e+01;
	v20 =	vmin.f32 v20, $1.900000000e+01;
	v15 =	vld.idx.msk [tilespmem:v15+s19+$0x0], $0xffff;
	[tilespmem:s17+$0xB0] =	vst v17  }
0x3fc: {  	v27 =	vtrunc.f32 v22;
	v17 =	vtrunc.f32 v20;
	v34 =	vld [tilespmem:s1+$0xC0];
	v24 =	vmax.f32 v24, $0.0e+00  }
0x3fd: {  	v21 =	vmax.f32 v21, $0.0e+00;
	v17 =	vcvt.f32.s32 v17;
	v35 =	vld.idx.msk [tilespmem:v28+s20+$0x0], $0xffff;
	v24 =	vmin.f32 v24, $1.900000000e+01  }
0x3fe: {  	v21 =	vmin.f32 v21, $1.900000000e+01;
	v27 =	vcvt.f32.s32 v27;
	v36 =	vld.idx.msk [tilespmem:v31+s20+$0x0], $0xffff;
	v37 =	vtrunc.f32 v24  }
0x3ff: {  	v9 =	vmax.f32 v9, $0.0e+00;
	v13 =	vmul.f32 v13, v33;
	v38 =	vld.idx.msk [tilespmem:v30+s20+$0x0], $0xffff;
	v33 =	vcvt.f32.s32 v37  }
0x400: {  	v25 =	vcvt.f32.s32 v25;
	v9 =	vmin.f32 v9, $1.900000000e+01;
	v37 =	vtrunc.f32 v21;
	v31 =	vld.idx.msk [tilespmem:v31+s19+$0x0], $0xffff  }
0x401: {  	v13 =	vadd.f32 v13, v15;
	v15 =	vcvt.f32.s32 v37;
	v28 =	vld.idx.msk [tilespmem:v28+s19+$0x0], $0xffff;
	v34 =	vmul.f32 $1.899999980e+00, v34  }
0x402: {  	v8 =	vmul.f32 v8, v26;
	v19 =	vmul.f32 v19, v29;
	s17 =	sadd.s32 $0x200, s17;
	v6 =	vadd.f32 v7, v6;
	v30 =	vld.idx.msk [tilespmem:v30+s19+$0x0], $0xffff  }
0x403: {  	v18 =	vmul.f32 $1.899999980e+00, v18;
	v7 =	vmul.f32 v11, v35;
	[tilespmem:s17+$0x80] =	vst v13;
	v11 =	vld.idx.msk [tilespmem:v17+s20+$0x0], $0xffff;
	v13 =	vadd.f32 $9.500000000e+00, v34  }
0x404: {  	v8 =	vadd.f32 v8, v14;
	v14 =	vadd.f32 v19, v23;
	v12 =	vmul.f32 v12, v36;
	v26 =	vld [tilespmem:s23+$0x90];
	[tilespmem:s28+$0x70] =	vst v6;
	s28 =	smov.u32 s29;
	s29 =	smov.u32 s31;
	s31 =	smov.u32 s0  }
0x405: {  	v19 =	vmul.f32 $1.899999980e+00, v32;
	v6 =	vmul.f32 v16, v38;
	s0 =	smov.u32 s17;
	v13 =	vmax.f32 v13, $0.0e+00;
	v16 =	vld.idx.msk [tilespmem:v33+s20+$0x0], $0xffff  }
0x406: {  	v12 =	vadd.f32 v12, v31;
	v23 =	vld.idx.msk [tilespmem:v27+s20+$0x0], $0xffff;
	v13 =	vmin.f32 v13, $1.900000000e+01;
	[tilespmem:s29+$0xFFFFFF50] =	vst v8;
	v8 =	vadd.f32 $9.500000000e+00, v18  }
0x407: {  	v19 =	vadd.f32 $9.500000000e+00, v19;
	v7 =	vadd.f32 v7, v28;
	v18 =	vtrunc.f32 v13;
	[tilespmem:s29+$0xFFFFFFD0] =	vst v14;
	v14 =	vld.idx.msk [tilespmem:v33+s19+$0x0], $0xffff  }
0x408: {  	v6 =	vadd.f32 v6, v30;
	[tilespmem:s17+$0xFFFFFF00] =	vst v12;
	v12 =	vld.idx.msk [tilespmem:v15+s20+$0x0], $0xffff;
	v18 =	vcvt.f32.s32 v18;
	v8 =	vmax.f32 v8, $0.0e+00  }
0x409: {  	v20 =	vmul.f32 v20, v11;
	v28 =	vld [tilespmem:s23+$0xFFFFFF10];
	[tilespmem:s17+$0xFFFFFF80] =	vst v7;
	v7 =	vmin.f32 v8, $1.900000000e+01;
	v8 =	vmax.f32 v19, $0.0e+00  }
0x40a: {  	v11 =	vtrunc.f32 v9;
	v19 =	vld [tilespmem:s23+$0xFFFFFF90];
	[tilespmem:s17+$0x0] =	vst v6;
	v6 =	vmul.f32 $1.899999980e+00, v26;
	v8 =	vmin.f32 v8, $1.900000000e+01  }
0x40b: {  	v16 =	vmul.f32 v24, v16;
	v24 =	vtrunc.f32 v7;
	v26 =	vld [tilespmem:s23+$0x10]  }
0x40c: {  	v22 =	vmul.f32 v22, v23;
	v23 =	vtrunc.f32 v8;
	v6 =	vadd.f32 $9.500000000e+00, v6;
	v17 =	vld.idx.msk [tilespmem:v17+s19+$0x0], $0xffff  }
0x40d: {  	v14 =	vadd.f32 v16, v14;
	v16 =	vcvt.f32.s32 v11;
	v11 =	vcvt.f32.s32 v24;
	v27 =	vld.idx.msk [tilespmem:v27+s19+$0x0], $0xffff  }
0x40e: {  	v12 =	vmul.f32 v21, v12;
	v24 =	vmul.f32 $1.899999980e+00, v28;
	v6 =	vmax.f32 v6, $0.0e+00;
	v21 =	vld.idx.msk [tilespmem:v18+s20+$0x0], $0xffff  }
0x40f: {  	v19 =	vmul.f32 $1.899999980e+00, v19;
	v28 =	vmin.f32 v6, $1.900000000e+01;
	v15 =	vld.idx.msk [tilespmem:v15+s19+$0x0], $0xffff;
	[tilespmem:s29+$0xF0] =	vst v14;
	v6 =	vcvt.f32.s32 v23  }
0x410: {  	v14 =	vadd.f32 $9.500000000e+00, v24;
	v23 =	vmul.f32 $1.899999980e+00, v26;
	v24 =	vtrunc.f32 v28;
	v18 =	vld.idx.msk [tilespmem:v18+s19+$0x0], $0xffff  }
0x411: {  	v19 =	vadd.f32 $9.500000000e+00, v19;
	v24 =	vcvt.f32.s32 v24;
	v26 =	vld.idx.msk [tilespmem:v25+s20+$0x0], $0xffff  }
0x412: {  	v17 =	vadd.f32 v20, v17;
	v14 =	vmax.f32 v14, $0.0e+00;
	v23 =	vadd.f32 $9.500000000e+00, v23;
	v20 =	vld.idx.msk [tilespmem:v25+s19+$0x0], $0xffff  }
0x413: {  	v22 =	vadd.f32 v22, v27;
	v14 =	vmin.f32 v14, $1.900000000e+01;
	v19 =	vmax.f32 v19, $0.0e+00;
	v25 =	vld [tilespmem:s30+$0xFFFFFF60]  }
0x414: {  	v13 =	vmul.f32 v13, v21;
	v19 =	vmin.f32 v19, $1.900000000e+01;
	v23 =	vmax.f32 v23, $0.0e+00;
	[tilespmem:s31+$0xFFFFFF30] =	vst v17;
	v17 =	vld [tilespmem:s30+$0xFFFFFFE0]  }
0x415: {  	v21 =	vtrunc.f32 v14;
	v27 =	vtrunc.f32 v19;
	v23 =	vmin.f32 v23, $1.900000000e+01;
	v29 =	vld [tilespmem:s1+$0xFFFFFF40];
	[tilespmem:s31+$0xFFFFFFB0] =	vst v22  }
0x416: {  	v21 =	vcvt.f32.s32 v21;
	v13 =	vadd.f32 v13, v18;
	v22 =	vtrunc.f32 v23;
	v30 =	vld [tilespmem:s1+$0xFFFFFFC0]  }
0x417: {  	v12 =	vadd.f32 v12, v15;
	v18 =	vcvt.f32.s32 v27;
	v22 =	vcvt.f32.s32 v22;
	v27 =	vld.idx.msk [tilespmem:v24+s20+$0x0], $0xffff  }
0x418: {  	v10 =	vmul.f32 v10, v26;
	v15 =	vld.idx.msk [tilespmem:v24+s19+$0x0], $0xffff;
	[tilespmem:s31+$0xC0] =	vst v13;
	v13 =	vmul.f32 $1.899999980e+00, v25  }
0x419: {  	[tilespmem:s31+$0x30] =	vst v12;
	v12 =	vld [tilespmem:s1+$0xD0];
	v17 =	vmul.f32 $1.899999980e+00, v17  }
0x41a: {  	v10 =	vadd.f32 v10, v20;
	v24 =	vmul.f32 $1.899999980e+00, v29;
	v25 =	vld [tilespmem:s1+$0x40];
	v13 =	vadd.f32 $9.500000000e+00, v13  }
0x41b: {  	v20 =	vmul.f32 $1.899999980e+00, v30;
	v17 =	vadd.f32 $9.500000000e+00, v17;
	v26 =	vld.idx.msk [tilespmem:v16+s20+$0x0], $0xffff  }
0x41c: {  	v29 =	vld.idx.msk [tilespmem:v21+s20+$0x0], $0xffff;
	v24 =	vadd.f32 $9.500000000e+00, v24;
	v13 =	vmax.f32 v13, $0.0e+00;
	[tilespmem:s29+$0x50] =	vst v10  }
0x41d: {  	v27 =	vmul.f32 v28, v27;
	v30 =	vld.idx.msk [tilespmem:v18+s20+$0x0], $0xffff;
	v20 =	vadd.f32 $9.500000000e+00, v20;
	v17 =	vmax.f32 v17, $0.0e+00  }
0x41e: {  	v10 =	vmin.f32 v13, $1.900000000e+01;
	v28 =	vld.idx.msk [tilespmem:v22+s20+$0x0], $0xffff;
	v24 =	vmax.f32 v24, $0.0e+00;
	v12 =	vmul.f32 $1.899999980e+00, v12  }
0x41f: {  	v15 =	vadd.f32 v27, v15;
	v13 =	vld.idx.msk [tilespmem:v21+s19+$0x0], $0xffff;
	v20 =	vmax.f32 v20, $0.0e+00;
	v21 =	vmul.f32 $1.899999980e+00, v25  }
0x420: {  	v24 =	vmin.f32 v24, $1.900000000e+01;
	v18 =	vld.idx.msk [tilespmem:v18+s19+$0x0], $0xffff;
	v20 =	vmin.f32 v20, $1.900000000e+01;
	v12 =	vadd.f32 $9.500000000e+00, v12  }
0x421: {  	v22 =	vld.idx.msk [tilespmem:v22+s19+$0x0], $0xffff;
	[tilespmem:s17+$0x90] =	vst v15;
	v15 =	vtrunc.f32 v24;
	v25 =	vtrunc.f32 v20;
	v21 =	vadd.f32 $9.500000000e+00, v21  }
0x422: {  	v14 =	vmul.f32 v14, v29;
	v27 =	vld [tilespmem:s23+$0xA0];
	v15 =	vcvt.f32.s32 v15;
	v12 =	vmax.f32 v12, $0.0e+00  }
0x423: {  	v19 =	vmul.f32 v19, v30;
	v21 =	vmax.f32 v21, $0.0e+00;
	v12 =	vmin.f32 v12, $1.900000000e+01;
	v29 =	vld [tilespmem:s30+$0x60]  }
0x424: {  	v23 =	vmul.f32 v23, v28;
	v21 =	vmin.f32 v21, $1.900000000e+01;
	v28 =	vtrunc.f32 v12;
	v30 =	vld.idx.msk [tilespmem:v11+s20+$0x0], $0xffff  }
0x425: {  	v13 =	vadd.f32 v14, v13;
	v14 =	vtrunc.f32 v21;
	v28 =	vcvt.f32.s32 v28;
	v31 =	vld.idx.msk [tilespmem:v6+s20+$0x0], $0xffff  }
0x426: {  	v18 =	vadd.f32 v19, v18;
	v19 =	vcvt.f32.s32 v25;
	v14 =	vcvt.f32.s32 v14;
	v16 =	vld.idx.msk [tilespmem:v16+s19+$0x0], $0xffff  }
0x427: {  	v17 =	vmin.f32 v17, $1.900000000e+01;
	[tilespmem:s17+$0xFFFFFF10] =	vst v13;
	v13 =	vadd.f32 v23, v22;
	v22 =	vmul.f32 $1.899999980e+00, v27;
	v11 =	vld.idx.msk [tilespmem:v11+s19+$0x0], $0xffff  }
0x428: {  	v23 =	vld [tilespmem:s23+$0xFFFFFF20];
	[tilespmem:s17+$0xFFFFFF90] =	vst v18;
	v18 =	vtrunc.f32 v10;
	v25 =	vmul.f32 $1.899999980e+00, v29  }
0x429: {  	v27 =	vld [tilespmem:s23+$0xFFFFFFA0];
	[tilespmem:s17+$0x10] =	vst v13;
	v13 =	vadd.f32 $9.500000000e+00, v22;
	v18 =	vcvt.f32.s32 v18;
	v22 =	vtrunc.f32 v17  }
0x42a: {  	v9 =	vmul.f32 v9, v26;
	v29 =	vld [tilespmem:s23+$0x20];
	v22 =	vcvt.f32.s32 v22;
	v25 =	vadd.f32 $9.500000000e+00, v25  }
0x42b: {  	v30 =	vmul.f32 v7, v30;
	v7 =	vmul.f32 v8, v31;
	v13 =	vmax.f32 v13, $0.0e+00;
	v26 =	vld.idx.msk [tilespmem:v28+s20+$0x0], $0xffff  }
0x42c: {  	v9 =	vadd.f32 v9, v16;
	v8 =	vmin.f32 v13, $1.900000000e+01;
	v13 =	vld.idx.msk [tilespmem:v15+s20+$0x0], $0xffff;
	v25 =	vmax.f32 v25, $0.0e+00  }
0x42d: {  	v16 =	vmul.f32 $1.899999980e+00, v23;
	v23 =	vtrunc.f32 v8;
	v28 =	vld.idx.msk [tilespmem:v28+s19+$0x0], $0xffff;
	v25 =	vmin.f32 v25, $1.900000000e+01  }
0x42e: {  	v27 =	vmul.f32 $1.899999980e+00, v27;
	v23 =	vcvt.f32.s32 v23;
	v31 =	vld.idx.msk [tilespmem:v19+s20+$0x0], $0xffff;
	[tilespmem:s28+$0xFFFFFF70] =	vst v9;
	v9 =	vadd.f32 v30, v11  }
0x42f: {  	v30 =	vtrunc.f32 v25;
	v11 =	vadd.f32 $9.500000000e+00, v16;
	v16 =	vmul.f32 $1.899999980e+00, v29;
	v29 =	vld.idx.msk [tilespmem:v14+s20+$0x0], $0xffff  }
0x430: {  	v30 =	vcvt.f32.s32 v30;
	v27 =	vadd.f32 $9.500000000e+00, v27;
	v15 =	vld.idx.msk [tilespmem:v15+s19+$0x0], $0xffff;
	[tilespmem:s28+$0xFFFFFFF0] =	vst v9  }
0x431: {  	v12 =	vmul.f32 v12, v26;
	v9 =	vmax.f32 v11, $0.0e+00;
	v11 =	vadd.f32 $9.500000000e+00, v16;
	v16 =	vld.idx.msk [tilespmem:v19+s19+$0x0], $0xffff  }
0x432: {  	v13 =	vmul.f32 v24, v13;
	v9 =	vmin.f32 v9, $1.900000000e+01;
	v19 =	vmax.f32 v27, $0.0e+00;
	v14 =	vld.idx.msk [tilespmem:v14+s19+$0x0], $0xffff  }
0x433: {  	v12 =	vadd.f32 v12, v28;
	v19 =	vmin.f32 v19, $1.900000000e+01;
	v11 =	vmax.f32 v11, $0.0e+00;
	v24 =	vld.idx.msk [tilespmem:v18+s20+$0x0], $0xffff  }
0x434: {  	v26 =	vtrunc.f32 v9;
	v27 =	vtrunc.f32 v19;
	v28 =	vmin.f32 v11, $1.900000000e+01;
	v11 =	vld.idx.msk [tilespmem:v23+s20+$0x0], $0xffff  }
0x435: {  	v26 =	vcvt.f32.s32 v26;
	v32 =	vtrunc.f32 v28;
	v23 =	vld.idx.msk [tilespmem:v23+s19+$0x0], $0xffff;
	[tilespmem:s31+$0xD0] =	vst v12  }
0x436: {  	v12 =	vcvt.f32.s32 v27;
	v13 =	vadd.f32 v13, v15;
	v27 =	vcvt.f32.s32 v32;
	v15 =	vld [tilespmem:s1+$0xE0]  }
0x437: {  	v20 =	vmul.f32 v20, v31;
	v21 =	vmul.f32 v21, v29;
	v29 =	vld.idx.msk [tilespmem:v22+s20+$0x0], $0xffff  }
0x438: {  	[tilespmem:s31+$0xFFFFFF40] =	vst v13;
	v13 =	vld.idx.msk [tilespmem:v30+s20+$0x0], $0xffff  }
0x439: {  	v16 =	vadd.f32 v20, v16;
	v14 =	vadd.f32 v21, v14;
	v20 =	vmul.f32 v10, v24;
	v31 =	vld [tilespmem:s1+$0xFFFFFF50]  }
0x43a: {  	v8 =	vmul.f32 v8, v11;
	v18 =	vld.idx.msk [tilespmem:v18+s19+$0x0], $0xffff  }
0x43b: {  	v21 =	vld.idx.msk [tilespmem:v26+s20+$0x0], $0xffff;
	[tilespmem:s31+$0xFFFFFFC0] =	vst v16;
	v10 =	vmul.f32 $1.899999980e+00, v15  }
0x43c: {  	v8 =	vadd.f32 v8, v23;
	v15 =	vld.idx.msk [tilespmem:v12+s20+$0x0], $0xffff;
	[tilespmem:s31+$0x40] =	vst v14  }
0x43d: {  	v14 =	vld.idx.msk [tilespmem:v27+s20+$0x0], $0xffff;
	v16 =	vadd.f32 $9.500000000e+00, v10;
	v10 =	vmul.f32 v17, v29  }
0x43e: {  	v11 =	vmul.f32 v25, v13;
	v23 =	vld.idx.msk [tilespmem:v26+s19+$0x0], $0xffff;
	[tilespmem:s17+$0xA0] =	vst v8;
	v8 =	vmul.f32 $1.899999980e+00, v31  }
0x43f: {  	v24 =	vld [tilespmem:s23+$0xB0];
	v13 =	vmax.f32 v16, $0.0e+00  }
0x440: {  	v25 =	vld.idx.msk [tilespmem:v12+s19+$0x0], $0xffff;
	v8 =	vadd.f32 $9.500000000e+00, v8;
	v12 =	vmin.f32 v13, $1.900000000e+01;
	v13 =	vadd.f32 v20, v18  }
0x441: {  	v9 =	vmul.f32 v9, v21;
	v18 =	vld.idx.msk [tilespmem:v27+s19+$0x0], $0xffff;
	v16 =	vtrunc.f32 v12  }
.Ltmp1:
0x442: {  	v21 =	vmul.f32 v19, v15;
	v8 =	vmax.f32 v8, $0.0e+00;
	v19 =	vld [tilespmem:s1+$0xFFFFFFD0];
	v17 =	vcvt.f32.s32 v16;
	[tilespmem:s29+$0xFFFFFF60] =	vst v13;
	(pc) =	sbr.rel @p0 .LBB2_4-.Ltmp1, $4  }
0x443: {  	v20 =	vmul.f32 v28, v14;
	v8 =	vmin.f32 v8, $1.900000000e+01;
	v13 =	vld [tilespmem:s1+$0x50]  }
0x444: {  	v9 =	vadd.f32 v9, v23;
	v23 =	vmul.f32 $1.899999980e+00, v24;
	v14 =	vtrunc.f32 v8;
	v16 =	vld.idx.msk [tilespmem:v22+s19+$0x0], $0xffff  }
0x445: {  	v14 =	vcvt.f32.s32 v14;
	v15 =	vld.idx.msk [tilespmem:v30+s19+$0x0], $0xffff  }
0x446: {  	s23 =	sadd.s32 $0x200, s23;
	v21 =	vadd.f32 v21, v25;
	[tilespmem:s17+$0xFFFFFF20] =	vst v9;
	v22 =	vadd.f32 $9.500000000e+00, v23;
	v9 =	vld [tilespmem:s30+$0xFFFFFF70]  }
0x447: {  	_ = 	snop  }
0x448: {  	v22 =	vmax.f32 v22, $0.0e+00  }
0x449: {  	v22 =	vmin.f32 v22, $1.900000000e+01  }
0x44a: {  	v19 =	vmul.f32 $1.899999980e+00, v19;
	v23 =	vtrunc.f32 v22  }
0x44b: {  	v24 =	vld.idx.msk [tilespmem:v17+s20+$0x0], $0xffff;
	v23 =	vcvt.f32.s32 v23  }
0x44c: {  	v18 =	vadd.f32 v20, v18;
	v17 =	vld.idx.msk [tilespmem:v17+s19+$0x0], $0xffff;
	v19 =	vadd.f32 $9.500000000e+00, v19  }
0x44d: {  	v20 =	vld [tilespmem:s3+$0xFFFFFF30];
	[tilespmem:s17+$0xFFFFFFA0] =	vst v21  }
0x44e: {  	[tilespmem:s17+$0x20] =	vst v18;
	v18 =	vmax.f32 v19, $0.0e+00;
	v19 =	vld [tilespmem:s3+$0xFFFFFFB0];
	_ =	sdelay $0x1  }
0x44f: {  	v21 =	vld [tilespmem:s3+$0x30];
	v18 =	vmin.f32 v18, $1.900000000e+01;
	v12 =	vmul.f32 v12, v24  }
0x450: {  	v10 =	vadd.f32 v10, v16;
	v25 =	vtrunc.f32 v18;
	v37 =	vld.idx.msk [tilespmem:v23+s20+$0x0], $0xffff  }
0x451: {  	v25 =	vcvt.f32.s32 v25;
	v12 =	vadd.f32 v12, v17;
	v17 =	vmul.f32 $1.899999980e+00, v20  }
0x452: {  	[tilespmem:s29+$0xFFFFFFE0] =	vst v10;
	v19 =	vmul.f32 $1.899999980e+00, v19;
	v20 =	vld.idx.msk [tilespmem:v23+s19+$0x0], $0xffff  }
0x453: {  	v10 =	vld [tilespmem:s30+$0xFFFFFFF0];
	v17 =	vadd.f32 $9.500000000e+00, v17  }
0x454: {  	v21 =	vmul.f32 $1.899999980e+00, v21;
	[tilespmem:s31+$0xE0] =	vst v12;
	v23 =	vld.idx.msk [tilespmem:v14+s20+$0x0], $0xffff;
	v19 =	vadd.f32 $9.500000000e+00, v19  }
0x455: {  	v11 =	vadd.f32 v11, v15;
	v12 =	vld [tilespmem:s1+$0xF0];
	v15 =	vmax.f32 v17, $0.0e+00;
	v16 =	vmul.f32 v22, v37  }
0x456: {  	v14 =	vld.idx.msk [tilespmem:v14+s19+$0x0], $0xffff;
	v17 =	vadd.f32 $9.500000000e+00, v21;
	v15 =	vmin.f32 v15, $1.900000000e+01;
	v19 =	vmax.f32 v19, $0.0e+00  }
0x457: {  	v21 =	vld.idx.msk [tilespmem:v25+s20+$0x0], $0xffff;
	v19 =	vmin.f32 v19, $1.900000000e+01;
	v22 =	vtrunc.f32 v15;
	v16 =	vadd.f32 v16, v20  }
0x458: {  	[tilespmem:s29+$0x60] =	vst v11;
	v17 =	vmax.f32 v17, $0.0e+00;
	v38 =	vtrunc.f32 v19;
	v22 =	vcvt.f32.s32 v22;
	v20 =	vld.idx.msk [tilespmem:v25+s19+$0x0], $0xffff  }
0x459: {  	v17 =	vmin.f32 v17, $1.900000000e+01;
	v24 =	vcvt.f32.s32 v38;
	v11 =	vld [tilespmem:s30+$0x70];
	[tilespmem:s17+$0xB0] =	vst v16  }
0x45a: {  	v39 =	vtrunc.f32 v17;
	v40 =	vld [tilespmem:s3+$0xC0]  }
0x45b: {  	v16 =	vcvt.f32.s32 v39;
	_ =	sdelay $0x2  }
0x45c: {  	v26 =	vld.idx.msk [tilespmem:v22+s20+$0x0], $0xffff  }
0x45d: {  	v27 =	vld.idx.msk [tilespmem:v24+s20+$0x0], $0xffff;
	v25 =	vmul.f32 $1.899999980e+00, v40  }
0x45e: {  	v22 =	vld.idx.msk [tilespmem:v22+s19+$0x0], $0xffff  }
0x45f: {  	v28 =	vld.idx.msk [tilespmem:v16+s20+$0x0], $0xffff;
	v25 =	vadd.f32 $9.500000000e+00, v25  }
0x460: {  	v24 =	vld.idx.msk [tilespmem:v24+s19+$0x0], $0xffff  }
0x461: {  	v16 =	vld.idx.msk [tilespmem:v16+s19+$0x0], $0xffff;
	v15 =	vmul.f32 v15, v26;
	v25 =	vmax.f32 v25, $0.0e+00  }
0x462: {  	v25 =	vmin.f32 v25, $1.900000000e+01  }
0x463: {  	v19 =	vmul.f32 v19, v27;
	v15 =	vadd.f32 v15, v22;
	v41 =	vtrunc.f32 v25  }
0x464: {  	v17 =	vmul.f32 v17, v28;
	v22 =	vcvt.f32.s32 v41  }
0x465: {  	v19 =	vadd.f32 v19, v24;
	[tilespmem:s0+$0xFFFFFF30] =	vst v15  }
0x466: {  	v15 =	vld [tilespmem:s3+$0xFFFFFF40];
	v16 =	vadd.f32 v17, v16  }
0x467: {  	[tilespmem:s0+$0xFFFFFFB0] =	vst v19  }
0x468: {  	v17 =	vld [tilespmem:s3+$0xFFFFFFC0];
	[tilespmem:s0+$0x30] =	vst v16  }
0x469: {  	v16 =	vld [tilespmem:s3+$0x40]  }
0x46a: {  	v19 =	vld.idx.msk [tilespmem:v22+s20+$0x0], $0xffff  }
0x46b: {  	v15 =	vmul.f32 $1.899999980e+00, v15  }
0x46c: {  	v22 =	vld.idx.msk [tilespmem:v22+s19+$0x0], $0xffff  }
0x46d: {  	v17 =	vmul.f32 $1.899999980e+00, v17;
	v15 =	vadd.f32 $9.500000000e+00, v15  }
0x46e: {  	v16 =	vmul.f32 $1.899999980e+00, v16  }
0x46f: {  	v17 =	vadd.f32 $9.500000000e+00, v17;
	v15 =	vmax.f32 v15, $0.0e+00;
	v19 =	vmul.f32 v25, v19  }
0x470: {  	v15 =	vmin.f32 v15, $1.900000000e+01;
	v16 =	vadd.f32 $9.500000000e+00, v16  }
0x471: {  	v17 =	vmax.f32 v17, $0.0e+00;
	v19 =	vadd.f32 v19, v22;
	v22 =	vtrunc.f32 v15  }
0x472: {  	v17 =	vmin.f32 v17, $1.900000000e+01;
	v16 =	vmax.f32 v16, $0.0e+00;
	v22 =	vcvt.f32.s32 v22  }
0x473: {  	v13 =	vmul.f32 $1.899999980e+00, v13;
	v42 =	vtrunc.f32 v17;
	v16 =	vmin.f32 v16, $1.900000000e+01;
	[tilespmem:s0+$0xC0] =	vst v19  }
0x474: {  	v44 =	vtrunc.f32 v16;
	v19 =	vcvt.f32.s32 v42;
	v43 =	vld [tilespmem:s3+$0xD0]  }
0x475: {  	v25 =	vcvt.f32.s32 v44  }
0x476: {  	v13 =	vadd.f32 $9.500000000e+00, v13;
	_ =	sdelay $0x1  }
0x477: {  	v13 =	vmax.f32 v13, $0.0e+00;
	v45 =	vld.idx.msk [tilespmem:v22+s20+$0x0], $0xffff  }
0x478: {  	v13 =	vmin.f32 v13, $1.900000000e+01;
	v22 =	vld.idx.msk [tilespmem:v22+s19+$0x0], $0xffff;
	v24 =	vmul.f32 $1.899999980e+00, v43  }
0x479: {  	v47 =	vtrunc.f32 v13;
	v46 =	vld.idx.msk [tilespmem:v19+s20+$0x0], $0xffff  }
0x47a: {  	v28 =	vcvt.f32.s32 v47;
	v29 =	vld.idx.msk [tilespmem:v25+s20+$0x0], $0xffff;
	v24 =	vadd.f32 $9.500000000e+00, v24  }
0x47b: {  	v19 =	vld.idx.msk [tilespmem:v19+s19+$0x0], $0xffff  }
0x47c: {  	v25 =	vld.idx.msk [tilespmem:v25+s19+$0x0], $0xffff;
	v24 =	vmax.f32 v24, $0.0e+00;
	v15 =	vmul.f32 v15, v45  }
0x47d: {  	v24 =	vmin.f32 v24, $1.900000000e+01  }
0x47e: {  	v17 =	vmul.f32 v17, v46;
	v48 =	vtrunc.f32 v24;
	v15 =	vadd.f32 v15, v22  }
0x47f: {  	v16 =	vmul.f32 v16, v29;
	v22 =	vcvt.f32.s32 v48  }
0x480: {  	v49 =	vld.idx.msk [tilespmem:v28+s20+$0x0], $0xffff;
	[tilespmem:s0+$0xFFFFFF40] =	vst v15;
	v15 =	vadd.f32 v17, v19  }
0x481: {  	v8 =	vmul.f32 v8, v23;
	v16 =	vadd.f32 v16, v25;
	v17 =	vld [tilespmem:s3+$0xFFFFFF50]  }
0x482: {  	v19 =	vld.idx.msk [tilespmem:v28+s19+$0x0], $0xffff;
	[tilespmem:s0+$0xFFFFFFC0] =	vst v15  }
0x483: {  	v8 =	vadd.f32 v8, v14;
	[tilespmem:s0+$0x40] =	vst v16;
	v14 =	vld [tilespmem:s3+$0xFFFFFFD0]  }
0x484: {  	v15 =	vmul.f32 v18, v21;
	v16 =	vld [tilespmem:s3+$0x50]  }
0x485: {  	[tilespmem:s31+$0xFFFFFF50] =	vst v8;
	v8 =	vld.idx.msk [tilespmem:v22+s20+$0x0], $0xffff  }
0x486: {  	v13 =	vmul.f32 v13, v49;
	v18 =	vld [tilespmem:s1+$0xFFFFFF60];
	v15 =	vadd.f32 v15, v20;
	v17 =	vmul.f32 $1.899999980e+00, v17  }
0x487: {  	v20 =	vld.idx.msk [tilespmem:v22+s19+$0x0], $0xffff  }
0x488: {  	v13 =	vadd.f32 v13, v19;
	[tilespmem:s31+$0xFFFFFFD0] =	vst v15;
	v15 =	vadd.f32 $9.500000000e+00, v17;
	v14 =	vmul.f32 $1.899999980e+00, v14  }
0x489: {  	v16 =	vmul.f32 $1.899999980e+00, v16  }
0x48a: {  	[tilespmem:s31+$0x50] =	vst v13;
	v8 =	vmul.f32 v24, v8;
	v13 =	vmax.f32 v15, $0.0e+00;
	v14 =	vadd.f32 $9.500000000e+00, v14  }
0x48b: {  	v17 =	vld [tilespmem:s1+$0xFFFFFFE0];
	v16 =	vadd.f32 $9.500000000e+00, v16;
	v15 =	vmul.f32 $1.899999980e+00, v18;
	v13 =	vmin.f32 v13, $1.900000000e+01  }
0x48c: {  	v8 =	vadd.f32 v8, v20;
	v19 =	vtrunc.f32 v13;
	v14 =	vmax.f32 v14, $0.0e+00  }
0x48d: {  	v18 =	vld [tilespmem:s1+$0x60];
	v16 =	vmax.f32 v16, $0.0e+00;
	v19 =	vcvt.f32.s32 v19;
	v14 =	vmin.f32 v14, $1.900000000e+01  }
0x48e: {  	v16 =	vmin.f32 v16, $1.900000000e+01;
	[tilespmem:s0+$0xD0] =	vst v8;
	v8 =	vtrunc.f32 v14  }
0x48f: {  	v21 =	vtrunc.f32 v16;
	v8 =	vcvt.f32.s32 v8  }
0x490: {  	v17 =	vmul.f32 $1.899999980e+00, v17;
	v21 =	vcvt.f32.s32 v21;
	v20 =	vld [tilespmem:s3+$0xE0]  }
0x491: {  	v15 =	vadd.f32 $9.500000000e+00, v15  }
0x492: {  	v17 =	vadd.f32 $9.500000000e+00, v17;
	v18 =	vmul.f32 $1.899999980e+00, v18  }
0x493: {  	v15 =	vmax.f32 v15, $0.0e+00;
	v22 =	vld.idx.msk [tilespmem:v19+s20+$0x0], $0xffff  }
0x494: {  	v15 =	vmin.f32 v15, $1.900000000e+01;
	v17 =	vmax.f32 v17, $0.0e+00;
	v18 =	vadd.f32 $9.500000000e+00, v18;
	v19 =	vld.idx.msk [tilespmem:v19+s19+$0x0], $0xffff  }
0x495: {  	v23 =	vtrunc.f32 v15;
	v17 =	vmin.f32 v17, $1.900000000e+01;
	v20 =	vmul.f32 $1.899999980e+00, v20;
	v51 =	vld.idx.msk [tilespmem:v8+s20+$0x0], $0xffff  }
0x496: {  	v23 =	vcvt.f32.s32 v23;
	v18 =	vmax.f32 v18, $0.0e+00;
	v50 =	vtrunc.f32 v17;
	v53 =	vld.idx.msk [tilespmem:v21+s20+$0x0], $0xffff  }
0x497: {  	v18 =	vmin.f32 v18, $1.900000000e+01;
	v24 =	vcvt.f32.s32 v50;
	v8 =	vld.idx.msk [tilespmem:v8+s19+$0x0], $0xffff;
	v20 =	vadd.f32 $9.500000000e+00, v20  }
0x498: {  	v52 =	vtrunc.f32 v18  }
0x499: {  	v21 =	vld.idx.msk [tilespmem:v21+s19+$0x0], $0xffff;
	v26 =	vcvt.f32.s32 v52;
	v20 =	vmax.f32 v20, $0.0e+00;
	v13 =	vmul.f32 v13, v22  }
0x49a: {  	v20 =	vmin.f32 v20, $1.900000000e+01;
	v14 =	vmul.f32 v14, v51  }
0x49b: {  	v22 =	vtrunc.f32 v20;
	v13 =	vadd.f32 v13, v19  }
0x49c: {  	v54 =	vld.idx.msk [tilespmem:v23+s20+$0x0], $0xffff;
	v16 =	vmul.f32 v16, v53;
	v22 =	vcvt.f32.s32 v22;
	v8 =	vadd.f32 v14, v8  }
0x49d: {  	v19 =	vld.idx.msk [tilespmem:v24+s20+$0x0], $0xffff;
	[tilespmem:s0+$0xFFFFFF50] =	vst v13  }
0x49e: {  	v13 =	vadd.f32 v16, v21;
	[tilespmem:s0+$0xFFFFFFD0] =	vst v8;
	v8 =	vld [tilespmem:s3+$0xFFFFFF60]  }
0x49f: {  	v14 =	vld.idx.msk [tilespmem:v26+s20+$0x0], $0xffff  }
0x4a0: {  	[tilespmem:s0+$0x50] =	vst v13;
	v16 =	vld [tilespmem:s3+$0xFFFFFFE0]  }
0x4a1: {  	v13 =	vld [tilespmem:s3+$0x60]  }
0x4a2: {  	v21 =	vld.idx.msk [tilespmem:v22+s20+$0x0], $0xffff  }
0x4a3: {  	v23 =	vld.idx.msk [tilespmem:v23+s19+$0x0], $0xffff;
	v8 =	vmul.f32 $1.899999980e+00, v8  }
0x4a4: {  	v10 =	vmul.f32 $1.899999980e+00, v10;
	v15 =	vmul.f32 v15, v54;
	v22 =	vld.idx.msk [tilespmem:v22+s19+$0x0], $0xffff  }
0x4a5: {  	v17 =	vmul.f32 v17, v19;
	v16 =	vmul.f32 $1.899999980e+00, v16;
	v8 =	vadd.f32 $9.500000000e+00, v8  }
0x4a6: {  	v14 =	vmul.f32 v18, v14;
	v18 =	vld.idx.msk [tilespmem:v24+s19+$0x0], $0xffff;
	v13 =	vmul.f32 $1.899999980e+00, v13  }
0x4a7: {  	v19 =	vmul.f32 v20, v21;
	v16 =	vadd.f32 $9.500000000e+00, v16;
	v20 =	vld.idx.msk [tilespmem:v26+s19+$0x0], $0xffff;
	v8 =	vmax.f32 v8, $0.0e+00  }
0x4a8: {  	v15 =	vadd.f32 v15, v23;
	v13 =	vadd.f32 $9.500000000e+00, v13;
	v8 =	vmin.f32 v8, $1.900000000e+01  }
0x4a9: {  	v19 =	vadd.f32 v19, v22;
	v16 =	vmax.f32 v16, $0.0e+00;
	v21 =	vtrunc.f32 v8  }
0x4aa: {  	v13 =	vmax.f32 v13, $0.0e+00;
	v16 =	vmin.f32 v16, $1.900000000e+01;
	v21 =	vcvt.f32.s32 v21  }
0x4ab: {  	[tilespmem:s31+$0xFFFFFF60] =	vst v15;
	v15 =	vadd.f32 v17, v18;
	v13 =	vmin.f32 v13, $1.900000000e+01;
	v22 =	vtrunc.f32 v16  }
0x4ac: {  	v18 =	vtrunc.f32 v13;
	[tilespmem:s0+$0xE0] =	vst v19;
	v17 =	vcvt.f32.s32 v22;
	v14 =	vadd.f32 v14, v20  }
0x4ad: {  	[tilespmem:s31+$0xFFFFFFE0] =	vst v15;
	v18 =	vcvt.f32.s32 v18;
	v15 =	vld [tilespmem:s3+$0xF0]  }
0x4ae: {  	v9 =	vmul.f32 $1.899999980e+00, v9;
	v10 =	vadd.f32 $9.500000000e+00, v10;
	[tilespmem:s31+$0x60] =	vst v14;
	v14 =	vld [tilespmem:s1+$0xFFFFFFF0]  }
0x4af: {  	v11 =	vmul.f32 $1.899999980e+00, v11;
	v19 =	vld [tilespmem:s1+$0x70]  }
0x4b0: {  	v9 =	vadd.f32 $9.500000000e+00, v9;
	v10 =	vmax.f32 v10, $0.0e+00;
	v12 =	vmul.f32 $1.899999980e+00, v12;
	v23 =	vld.idx.msk [tilespmem:v21+s20+$0x0], $0xffff  }
0x4b1: {  	v10 =	vmin.f32 v10, $1.900000000e+01;
	v11 =	vadd.f32 $9.500000000e+00, v11;
	v21 =	vld.idx.msk [tilespmem:v21+s19+$0x0], $0xffff  }
0x4b2: {  	v9 =	vmax.f32 v9, $0.0e+00;
	v58 =	vtrunc.f32 v10;
	v12 =	vadd.f32 $9.500000000e+00, v12;
	v55 =	vld.idx.msk [tilespmem:v17+s20+$0x0], $0xffff  }
0x4b3: {  	v9 =	vmin.f32 v9, $1.900000000e+01;
	v11 =	vmax.f32 v11, $0.0e+00;
	v27 =	vcvt.f32.s32 v58;
	v56 =	vld.idx.msk [tilespmem:v18+s20+$0x0], $0xffff  }
0x4b4: {  	v57 =	vtrunc.f32 v9;
	v12 =	vmax.f32 v12, $0.0e+00;
	v11 =	vmin.f32 v11, $1.900000000e+01;
	v17 =	vld.idx.msk [tilespmem:v17+s19+$0x0], $0xffff  }
0x4b5: {  	v12 =	vmin.f32 v12, $1.900000000e+01;
	v59 =	vtrunc.f32 v11;
	v18 =	vld.idx.msk [tilespmem:v18+s19+$0x0], $0xffff;
	v8 =	vmul.f32 v8, v23  }
0x4b6: {  	v26 =	vcvt.f32.s32 v57;
	v22 =	vld [tilespmem:s1+$0xFFFFFF70];
	v20 =	vtrunc.f32 v12  }
0x4b7: {  	v14 =	vmul.f32 $1.899999980e+00, v14;
	v16 =	vmul.f32 v16, v55;
	v8 =	vadd.f32 v8, v21  }
0x4b8: {  	v6 =	vld.idx.msk [tilespmem:v6+s19+$0x0], $0xffff;
	v15 =	vmul.f32 $1.899999980e+00, v15;
	v13 =	vmul.f32 v13, v56  }
0x4b9: {  	v62 =	vld.idx.msk [tilespmem:v27+s20+$0x0], $0xffff;
	v19 =	vmul.f32 $1.899999980e+00, v19;
	v14 =	vadd.f32 $9.500000000e+00, v14;
	v16 =	vadd.f32 v16, v17;
	[tilespmem:s0+$0xFFFFFF60] =	vst v8  }
0x4ba: {  	v20 =	vcvt.f32.s32 v20;
	v15 =	vadd.f32 $9.500000000e+00, v15;
	v8 =	vadd.f32 v13, v18;
	v18 =	vld [tilespmem:s3+$0xFFFFFF70]  }
0x4bb: {  	v27 =	vld.idx.msk [tilespmem:v27+s19+$0x0], $0xffff;
	v19 =	vadd.f32 $9.500000000e+00, v19;
	v14 =	vmax.f32 v14, $0.0e+00;
	v21 =	vmul.f32 $1.899999980e+00, v22;
	[tilespmem:s0+$0xFFFFFFE0] =	vst v16  }
0x4bc: {  	v15 =	vmax.f32 v15, $0.0e+00;
	v23 =	vcvt.f32.s32 v59;
	v14 =	vmin.f32 v14, $1.900000000e+01;
	[tilespmem:s0+$0x60] =	vst v8;
	v8 =	vld [tilespmem:s3+$0xFFFFFFF0]  }
0x4bd: {  	v19 =	vmax.f32 v19, $0.0e+00;
	v61 =	vtrunc.f32 v14;
	v13 =	vadd.f32 $9.500000000e+00, v21;
	v21 =	vld [tilespmem:s3+$0x70]  }
0x4be: {  	v15 =	vmin.f32 v15, $1.900000000e+01;
	v22 =	vld.idx.msk [tilespmem:v26+s20+$0x0], $0xffff;
	v19 =	vmin.f32 v19, $1.900000000e+01;
	v25 =	vcvt.f32.s32 v61  }
0x4bf: {  	v26 =	vld.idx.msk [tilespmem:v26+s19+$0x0], $0xffff;
	v63 =	vtrunc.f32 v19;
	v13 =	vmax.f32 v13, $0.0e+00;
	v18 =	vmul.f32 $1.899999980e+00, v18  }
0x4c0: {  	v17 =	vld.idx.msk [tilespmem:v20+s20+$0x0], $0xffff;
	v16 =	vtrunc.f32 v15;
	v29 =	vcvt.f32.s32 v63;
	v13 =	vmin.f32 v13, $1.900000000e+01  }
0x4c1: {  	v20 =	vld.idx.msk [tilespmem:v20+s19+$0x0], $0xffff;
	v60 =	vtrunc.f32 v13;
	v8 =	vmul.f32 $1.899999980e+00, v8;
	v18 =	vadd.f32 $9.500000000e+00, v18  }
0x4c2: {  	v6 =	vadd.f32 v7, v6;
	v30 =	vld.idx.msk [tilespmem:v23+s20+$0x0], $0xffff;
	v24 =	vcvt.f32.s32 v60;
	v21 =	vmul.f32 $1.899999980e+00, v21  }
0x4c3: {  	v16 =	vcvt.f32.s32 v16;
	v23 =	vld.idx.msk [tilespmem:v23+s19+$0x0], $0xffff;
	v8 =	vadd.f32 $9.500000000e+00, v8;
	v18 =	vmax.f32 v18, $0.0e+00  }
0x4c4: {  	v10 =	vmul.f32 v10, v62;
	v35 =	vld.idx.msk [tilespmem:v25+s20+$0x0], $0xffff;
	v21 =	vadd.f32 $9.500000000e+00, v21;
	v18 =	vmin.f32 v18, $1.900000000e+01  }
0x4c5: {  	v12 =	vmul.f32 v12, v17;
	v17 =	vld.idx.msk [tilespmem:v25+s19+$0x0], $0xffff;
	v8 =	vmax.f32 v8, $0.0e+00;
	v32 =	vtrunc.f32 v18  }
0x4c6: {  	v37 =	vld.idx.msk [tilespmem:v29+s20+$0x0], $0xffff;
	v8 =	vmin.f32 v8, $1.900000000e+01;
	v21 =	vmax.f32 v21, $0.0e+00;
	v32 =	vcvt.f32.s32 v32  }
0x4c7: {  	v7 =	vmul.f32 v9, v22;
	v9 =	vld.idx.msk [tilespmem:v29+s19+$0x0], $0xffff;
	v21 =	vmin.f32 v21, $1.900000000e+01;
	v34 =	vtrunc.f32 v8  }
0x4c8: {  	v33 =	vld.idx.msk [tilespmem:v24+s20+$0x0], $0xffff;
	v36 =	vtrunc.f32 v21;
	v34 =	vcvt.f32.s32 v34  }
0x4c9: {  	v31 =	vld.idx.msk [tilespmem:v16+s20+$0x0], $0xffff;
	v36 =	vcvt.f32.s32 v36  }
0x4ca: {  	v10 =	vadd.f32 v10, v27;
	v16 =	vld.idx.msk [tilespmem:v16+s19+$0x0], $0xffff  }
0x4cb: {  	[tilespmem:s28+$0x70] =	vst v6;
	v7 =	vadd.f32 v7, v26;
	v6 =	vmul.f32 v11, v30;
	v24 =	vld.idx.msk [tilespmem:v24+s19+$0x0], $0xffff  }
0x4cc: {  	[tilespmem:s29+$0xFFFFFFF0] =	vst v10;
	v12 =	vadd.f32 v12, v20;
	v20 =	vld.idx.msk [tilespmem:v32+s20+$0x0], $0xffff  }
0x4cd: {  	[tilespmem:s29+$0xFFFFFF70] =	vst v7;
	v6 =	vadd.f32 v6, v23;
	v7 =	vmul.f32 v13, v33;
	v13 =	vld.idx.msk [tilespmem:v32+s19+$0x0], $0xffff  }
0x4ce: {  	[tilespmem:s31+$0xF0] =	vst v12;
	v12 =	vmul.f32 v15, v31;
	v11 =	vld.idx.msk [tilespmem:v34+s20+$0x0], $0xffff  }
0x4cf: {  	[tilespmem:s29+$0x70] =	vst v6;
	v15 =	vld.idx.msk [tilespmem:v36+s20+$0x0], $0xffff  }
0x4d0: {  	v6 =	vmul.f32 v19, v37;
	v10 =	vadd.f32 v12, v16;
	v12 =	vmul.f32 v14, v35;
	v14 =	vld.idx.msk [tilespmem:v34+s19+$0x0], $0xffff  }
0x4d1: {  	v7 =	vadd.f32 v7, v24;
	v16 =	vld.idx.msk [tilespmem:v36+s19+$0x0], $0xffff  }
0x4d2: {  	v6 =	vadd.f32 v6, v9;
	[tilespmem:s0+$0xF0] =	vst v10;
	v10 =	vadd.f32 v12, v17;
	v12 =	vmul.f32 v18, v20  }
0x4d3: {  	[tilespmem:s31+$0xFFFFFF70] =	vst v7;
	v7 =	vmul.f32 v8, v11  }
0x4d4: {  	[tilespmem:s31+$0x70] =	vst v6;
	v8 =	vmul.f32 v21, v15;
	v9 =	vadd.f32 v12, v13  }
0x4d5: {  	[tilespmem:s31+$0xFFFFFFF0] =	vst v10;
	v6 =	vadd.f32 v7, v14  }
0x4d6: {  	[tilespmem:s0+$0xFFFFFF70] =	vst v9;
	v7 =	vadd.f32 v8, v16  }
0x4d7: {  	[tilespmem:s0+$0xFFFFFFF0] =	vst v6  }
0x4d8: {  	s17 =	simm.s32 $0x12C00;
	[tilespmem:s0+$0x70] =	vst v7  }
0x4d9: {  	[hbm4b:s8+s13] =	stream.strided.scatter [tilespmem:s17], [sflag:$0x4], $0x6400, s14, s13, $0x38;
	[tilespmem:$0x19180] =	vst v63  }
0x4da: {  	s21 =	simm.s32 $0x6400  }
0x4db: {  	[tilespmem:s21], [sflag:$0x2] =	stream.strided.gather [hbm4b:s9+s13], $0x6400, s14, s13, $0x38;
	[tilespmem:$0x19180] =	vst v63  }
0x4dc: {  	_ =	swait.ge [sflag:s18], $0x6400  }
0x4dd: {  	[sflag:s18] =	ssyncset.done $0x0  }
0x4de: {  	[sflag:s18] =	ssyncadd.s32 $0xFFFF9C00  }
0x4df: {  	_ =	swait.ge [sflag:s24], $0x6400  }
0x4e0: {  	[sflag:s24] =	ssyncset.done $0x0  }
0x4e1: {  	s23 =	simm.s32 $0x100;
	[sflag:s24] =	ssyncadd.s32 $0xFFFF9C00  }
0x4e2: {  	v6 =	vld [tilespmem:s23+$0x80];
	_ =	sdelay $0x4  }
0x4e3: {  	v6 =	vmul.f32 $1.899999980e+00, v6;
	_ =	sdelay $0x1  }
0x4e4: {  	v6 =	vadd.f32 $9.500000000e+00, v6;
	_ =	sdelay $0x1  }
0x4e5: {  	v6 =	vmax.f32 v6, $0.0e+00  }
0x4e6: {  	v6 =	vmin.f32 v6, $1.900000000e+01  }
0x4e7: {  	v7 =	vtrunc.f32 v6  }
0x4e8: {  	v7 =	vcvt.f32.s32 v7;
	_ =	sdelay $0x5  }
0x4e9: {  	v8 =	vld.idx.msk [tilespmem:v7+s20+$0x0], $0xffff;
	_ =	sdelay $0x1  }
0x4ea: {  	v7 =	vld.idx.msk [tilespmem:v7+s19+$0x0], $0xffff;
	_ =	sdelay $0x2  }
0x4eb: {  	v9 =	vld [tilespmem:s23+$0xFFFFFF00];
	v6 =	vmul.f32 v6, v8  }
0x4ec: {  	v8 =	vld [tilespmem:s23+$0xFFFFFF80]  }
0x4ed: {  	v6 =	vadd.f32 v6, v7  }
0x4ee: {  	s28 =	simm.s32 $0xC900  }
0x4ef: {  	[tilespmem:s28+$0x80] =	vst v6  }
0x4f0: {  	v6 =	vld [tilespmem:s23+$0x90]  }
0x4f1: {  	v9 =	vmul.f32 $1.899999980e+00, v9;
	v8 =	vmul.f32 $1.899999980e+00, v8;
	_ =	sdelay $0x1  }
0x4f2: {  	v9 =	vadd.f32 $9.500000000e+00, v9;
	v7 =	vld [tilespmem:s23+$0x0];
	v8 =	vadd.f32 $9.500000000e+00, v8;
	_ =	sdelay $0x1  }
0x4f3: {  	v9 =	vmax.f32 v9, $0.0e+00;
	v8 =	vmax.f32 v8, $0.0e+00;
	v6 =	vmul.f32 $1.899999980e+00, v6  }
0x4f4: {  	v9 =	vmin.f32 v9, $1.900000000e+01;
	v8 =	vmin.f32 v8, $1.900000000e+01  }
0x4f5: {  	v11 =	vtrunc.f32 v9;
	v10 =	vtrunc.f32 v8;
	v6 =	vadd.f32 $9.500000000e+00, v6  }
0x4f6: {  	v7 =	vmul.f32 $1.899999980e+00, v7;
	v10 =	vcvt.f32.s32 v10  }
0x4f7: {  	v11 =	vcvt.f32.s32 v11;
	v6 =	vmax.f32 v6, $0.0e+00  }
0x4f8: {  	v7 =	vadd.f32 $9.500000000e+00, v7;
	v6 =	vmin.f32 v6, $1.900000000e+01  }
0x4f9: {  	v12 =	vtrunc.f32 v6  }
0x4fa: {  	v7 =	vmax.f32 v7, $0.0e+00;
	v12 =	vcvt.f32.s32 v12  }
0x4fb: {  	v7 =	vmin.f32 v7, $1.900000000e+01  }
0x4fc: {  	v13 =	vtrunc.f32 v7;
	v14 =	vld.idx.msk [tilespmem:v10+s20+$0x0], $0xffff  }
0x4fd: {  	v15 =	vld.idx.msk [tilespmem:v11+s20+$0x0], $0xffff;
	v13 =	vcvt.f32.s32 v13  }
0x4fe: {  	v10 =	vld.idx.msk [tilespmem:v10+s19+$0x0], $0xffff  }
0x4ff: {  	v11 =	vld.idx.msk [tilespmem:v11+s19+$0x0], $0xffff  }
0x500: {  	v16 =	vld.idx.msk [tilespmem:v12+s20+$0x0], $0xffff  }
0x501: {  	v8 =	vmul.f32 v8, v14  }
0x502: {  	v12 =	vld.idx.msk [tilespmem:v12+s19+$0x0], $0xffff  }
0x503: {  	v9 =	vmul.f32 v9, v15;
	v15 =	vld.idx.msk [tilespmem:v13+s20+$0x0], $0xffff;
	v8 =	vadd.f32 v8, v10;
	_ =	sdelay $0x1  }
0x504: {  	v9 =	vadd.f32 v9, v11;
	v11 =	vld.idx.msk [tilespmem:v13+s19+$0x0], $0xffff;
	[tilespmem:s28+$0xFFFFFF80] =	vst v8;
	v6 =	vmul.f32 v6, v16  }
0x505: {  	v8 =	vld [tilespmem:s23+$0xFFFFFF90]  }
0x506: {  	[tilespmem:s28+$0xFFFFFF00] =	vst v9;
	v6 =	vadd.f32 v6, v12  }
0x507: {  	v9 =	vld [tilespmem:s23+$0xFFFFFF10];
	v7 =	vmul.f32 v7, v15  }
0x508: {  	[tilespmem:s28+$0x90] =	vst v6  }
0x509: {  	v6 =	vadd.f32 v7, v11;
	v7 =	vld [tilespmem:s23+$0xA0]  }
0x50a: {  	v8 =	vmul.f32 $1.899999980e+00, v8  }
0x50b: {  	[tilespmem:s28+$0x0] =	vst v6  }
0x50c: {  	v6 =	vmul.f32 $1.899999980e+00, v9;
	v9 =	vld [tilespmem:s23+$0x10];
	v8 =	vadd.f32 $9.500000000e+00, v8;
	_ =	sdelay $0x1  }
0x50d: {  	v6 =	vadd.f32 $9.500000000e+00, v6;
	v8 =	vmax.f32 v8, $0.0e+00;
	v7 =	vmul.f32 $1.899999980e+00, v7  }
0x50e: {  	v8 =	vmin.f32 v8, $1.900000000e+01  }
0x50f: {  	v6 =	vmax.f32 v6, $0.0e+00;
	v11 =	vtrunc.f32 v8;
	v7 =	vadd.f32 $9.500000000e+00, v7  }
0x510: {  	v6 =	vmin.f32 v6, $1.900000000e+01;
	v9 =	vmul.f32 $1.899999980e+00, v9;
	v11 =	vcvt.f32.s32 v11  }
0x511: {  	v10 =	vtrunc.f32 v6;
	v7 =	vmax.f32 v7, $0.0e+00  }
0x512: {  	v10 =	vcvt.f32.s32 v10;
	v9 =	vadd.f32 $9.500000000e+00, v9;
	v7 =	vmin.f32 v7, $1.900000000e+01  }
0x513: {  	v12 =	vtrunc.f32 v7  }
0x514: {  	v9 =	vmax.f32 v9, $0.0e+00;
	v12 =	vcvt.f32.s32 v12  }
0x515: {  	v9 =	vmin.f32 v9, $1.900000000e+01  }
0x516: {  	v13 =	vtrunc.f32 v9;
	v15 =	vld.idx.msk [tilespmem:v11+s20+$0x0], $0xffff  }
0x517: {  	v11 =	vld.idx.msk [tilespmem:v11+s19+$0x0], $0xffff;
	v13 =	vcvt.f32.s32 v13  }
0x518: {  	v14 =	vld.idx.msk [tilespmem:v10+s20+$0x0], $0xffff  }
0x519: {  	v10 =	vld.idx.msk [tilespmem:v10+s19+$0x0], $0xffff  }
0x51a: {  	v16 =	vld.idx.msk [tilespmem:v12+s20+$0x0], $0xffff;
	_ =	sdelay $0x1  }
0x51b: {  	v12 =	vld.idx.msk [tilespmem:v12+s19+$0x0], $0xffff;
	v8 =	vmul.f32 v8, v15  }
0x51c: {  	v6 =	vmul.f32 v6, v14;
	v17 =	vld.idx.msk [tilespmem:v13+s20+$0x0], $0xffff  }
0x51d: {  	v8 =	vadd.f32 v8, v11  }
0x51e: {  	v13 =	vld.idx.msk [tilespmem:v13+s19+$0x0], $0xffff;
	v6 =	vadd.f32 v6, v10;
	v7 =	vmul.f32 v7, v16  }
0x51f: {  	[tilespmem:s28+$0xFFFFFF90] =	vst v8  }
0x520: {  	[tilespmem:s28+$0xFFFFFF10] =	vst v6;
	v8 =	vld [tilespmem:s23+$0xFFFFFFA0];
	v6 =	vadd.f32 v7, v12  }
0x521: {  	v7 =	vmul.f32 v9, v17  }
0x522: {  	v9 =	vld [tilespmem:s23+$0xFFFFFF20];
	[tilespmem:s28+$0xA0] =	vst v6  }
0x523: {  	v6 =	vadd.f32 v7, v13;
	v7 =	vld [tilespmem:s23+$0xB0];
	_ =	sdelay $0x1  }
0x524: {  	v8 =	vmul.f32 $1.899999980e+00, v8  }
0x525: {  	[tilespmem:s28+$0x10] =	vst v6  }
0x526: {  	v6 =	vld [tilespmem:s23+$0x20];
	v9 =	vmul.f32 $1.899999980e+00, v9;
	v8 =	vadd.f32 $9.500000000e+00, v8  }
0x527: {  	v7 =	vmul.f32 $1.899999980e+00, v7  }
0x528: {  	s30 =	simm.s32 $0x300;
	v9 =	vadd.f32 $9.500000000e+00, v9;
	v8 =	vmax.f32 v8, $0.0e+00  }
0x529: {  	v11 =	vld [tilespmem:s30+$0x80];
	v8 =	vmin.f32 v8, $1.900000000e+01;
	v7 =	vadd.f32 $9.500000000e+00, v7  }
0x52a: {  	v9 =	vmax.f32 v9, $0.0e+00;
	v12 =	vtrunc.f32 v8  }
0x52b: {  	v6 =	vmul.f32 $1.899999980e+00, v6;
	v9 =	vmin.f32 v9, $1.900000000e+01;
	v7 =	vmax.f32 v7, $0.0e+00  }
0x52c: {  	v12 =	vcvt.f32.s32 v12;
	v10 =	vtrunc.f32 v9;
	v7 =	vmin.f32 v7, $1.900000000e+01  }
0x52d: {  	v10 =	vcvt.f32.s32 v10;
	v13 =	vtrunc.f32 v7  }
0x52e: {  	v15 =	vld [tilespmem:s30+$0x0];
	v11 =	vmul.f32 $1.899999980e+00, v11;
	v13 =	vcvt.f32.s32 v13  }
0x52f: {  	v6 =	vadd.f32 $9.500000000e+00, v6  }
0x530: {  	v14 =	vld [tilespmem:s30+$0xFFFFFF80];
	v11 =	vadd.f32 $9.500000000e+00, v11  }
0x531: {  	v16 =	vld [tilespmem:s30+$0xFFFFFF00];
	v6 =	vmax.f32 v6, $0.0e+00  }
0x532: {  	v11 =	vmax.f32 v11, $0.0e+00;
	v6 =	vmin.f32 v6, $1.900000000e+01;
	v19 =	vld.idx.msk [tilespmem:v12+s20+$0x0], $0xffff  }
0x533: {  	v15 =	vmul.f32 $1.899999980e+00, v15;
	v11 =	vmin.f32 v11, $1.900000000e+01;
	v18 =	vtrunc.f32 v6;
	v17 =	vld.idx.msk [tilespmem:v10+s20+$0x0], $0xffff  }
0x534: {  	v21 =	vtrunc.f32 v11;
	v18 =	vcvt.f32.s32 v18;
	v20 =	vld.idx.msk [tilespmem:v13+s20+$0x0], $0xffff  }
0x535: {  	v14 =	vmul.f32 $1.899999980e+00, v14;
	v21 =	vcvt.f32.s32 v21;
	v10 =	vld.idx.msk [tilespmem:v10+s19+$0x0], $0xffff  }
0x536: {  	v16 =	vmul.f32 $1.899999980e+00, v16;
	v13 =	vld.idx.msk [tilespmem:v13+s19+$0x0], $0xffff  }
0x537: {  	v15 =	vadd.f32 $9.500000000e+00, v15;
	v14 =	vadd.f32 $9.500000000e+00, v14  }
0x538: {  	v16 =	vadd.f32 $9.500000000e+00, v16;
	v9 =	vmul.f32 v9, v17  }
0x539: {  	v15 =	vmax.f32 v15, $0.0e+00;
	v14 =	vmax.f32 v14, $0.0e+00;
	v12 =	vld.idx.msk [tilespmem:v12+s19+$0x0], $0xffff;
	v7 =	vmul.f32 v7, v20  }
0x53a: {  	v14 =	vmin.f32 v14, $1.900000000e+01;
	v16 =	vmax.f32 v16, $0.0e+00;
	v17 =	vld.idx.msk [tilespmem:v18+s20+$0x0], $0xffff;
	v9 =	vadd.f32 v9, v10  }
0x53b: {  	v8 =	vmul.f32 v8, v19;
	v19 =	vtrunc.f32 v14;
	v20 =	vld.idx.msk [tilespmem:v21+s20+$0x0], $0xffff;
	v7 =	vadd.f32 v7, v13  }
0x53c: {  	v15 =	vmin.f32 v15, $1.900000000e+01;
	v16 =	vmin.f32 v16, $1.900000000e+01;
	[tilespmem:s28+$0xFFFFFF20] =	vst v9;
	v13 =	vld.idx.msk [tilespmem:v18+s19+$0x0], $0xffff;
	v18 =	vcvt.f32.s32 v19  }
0x53d: {  	v10 =	vtrunc.f32 v15;
	v9 =	vld.idx.msk [tilespmem:v21+s19+$0x0], $0xffff;
	v19 =	vtrunc.f32 v16;
	[tilespmem:s28+$0xB0] =	vst v7  }
0x53e: {  	v19 =	vcvt.f32.s32 v19;
	v7 =	vadd.f32 v8, v12;
	v8 =	vcvt.f32.s32 v10;
	v10 =	vld [tilespmem:s23+$0xC0];
	_ =	sdelay $0x1  }
0x53f: {  	[tilespmem:s28+$0xFFFFFFA0] =	vst v7;
	v7 =	vld [tilespmem:s23+$0xFFFFFF30]  }
0x540: {  	v11 =	vmul.f32 v11, v20;
	v12 =	vld [tilespmem:s23+$0xFFFFFFB0]  }
0x541: {  	v21 =	vld.idx.msk [tilespmem:v18+s20+$0x0], $0xffff  }
0x542: {  	v6 =	vmul.f32 v6, v17;
	v9 =	vadd.f32 v11, v9;
	v17 =	vld.idx.msk [tilespmem:v18+s19+$0x0], $0xffff;
	v10 =	vmul.f32 $1.899999980e+00, v10  }
0x543: {  	s29 =	simm.s32 $0xCB00;
	v20 =	vld.idx.msk [tilespmem:v19+s20+$0x0], $0xffff  }
0x544: {  	v11 =	vld.idx.msk [tilespmem:v19+s19+$0x0], $0xffff;
	[tilespmem:s29+$0x80] =	vst v9;
	v7 =	vmul.f32 $1.899999980e+00, v7;
	v10 =	vadd.f32 $9.500000000e+00, v10  }
0x545: {  	v9 =	vld [tilespmem:s30+$0x90]  }
0x546: {  	v6 =	vadd.f32 v6, v13;
	v22 =	vld.idx.msk [tilespmem:v8+s20+$0x0], $0xffff;
	v7 =	vadd.f32 $9.500000000e+00, v7;
	v10 =	vmax.f32 v10, $0.0e+00  }
0x547: {  	v12 =	vmul.f32 $1.899999980e+00, v12;
	v14 =	vmul.f32 v14, v21;
	v10 =	vmin.f32 v10, $1.900000000e+01  }
0x548: {  	[tilespmem:s28+$0x20] =	vst v6;
	v6 =	vmax.f32 v7, $0.0e+00;
	v7 =	vld.idx.msk [tilespmem:v8+s19+$0x0], $0xffff;
	v8 =	vmul.f32 v16, v20;
	v13 =	vtrunc.f32 v10  }
0x549: {  	v16 =	vld [tilespmem:s23+$0x30];
	v14 =	vadd.f32 v14, v17;
	v6 =	vmin.f32 v6, $1.900000000e+01;
	v13 =	vcvt.f32.s32 v13  }
0x54a: {  	v9 =	vmul.f32 $1.899999980e+00, v9;
	v18 =	vtrunc.f32 v6;
	v8 =	vadd.f32 v8, v11  }
0x54b: {  	v12 =	vadd.f32 $9.500000000e+00, v12;
	v11 =	vmul.f32 v15, v22;
	[tilespmem:s29+$0xFFFFFF80] =	vst v14;
	v15 =	vcvt.f32.s32 v18  }
0x54c: {  	v14 =	vld [tilespmem:s30+$0xFFFFFF90];
	[tilespmem:s29+$0xFFFFFF00] =	vst v8  }
0x54d: {  	v12 =	vmax.f32 v12, $0.0e+00;
	v9 =	vadd.f32 $9.500000000e+00, v9;
	v7 =	vadd.f32 v11, v7;
	v8 =	vld [tilespmem:s30+$0xFFFFFF10]  }
0x54e: {  	v12 =	vmin.f32 v12, $1.900000000e+01;
	v11 =	vmul.f32 $1.899999980e+00, v16  }
0x54f: {  	v16 =	vtrunc.f32 v12;
	[tilespmem:s29+$0x0] =	vst v7;
	v7 =	vmax.f32 v9, $0.0e+00;
	v9 =	vld.idx.msk [tilespmem:v13+s20+$0x0], $0xffff  }
0x550: {  	v16 =	vcvt.f32.s32 v16;
	v11 =	vadd.f32 $9.500000000e+00, v11;
	v17 =	vld [tilespmem:s30+$0x10];
	v7 =	vmin.f32 v7, $1.900000000e+01  }
0x551: {  	v14 =	vmul.f32 $1.899999980e+00, v14;
	v18 =	vtrunc.f32 v7;
	v19 =	vld.idx.msk [tilespmem:v15+s20+$0x0], $0xffff  }
0x552: {  	v13 =	vld.idx.msk [tilespmem:v13+s19+$0x0], $0xffff;
	v11 =	vmax.f32 v11, $0.0e+00;
	v8 =	vmul.f32 $1.899999980e+00, v8;
	v18 =	vcvt.f32.s32 v18  }
0x553: {  	v15 =	vld.idx.msk [tilespmem:v15+s19+$0x0], $0xffff;
	v11 =	vmin.f32 v11, $1.900000000e+01;
	v14 =	vadd.f32 $9.500000000e+00, v14  }
0x554: {  	v20 =	vtrunc.f32 v11;
	v8 =	vadd.f32 $9.500000000e+00, v8  }
0x555: {  	v14 =	vmax.f32 v14, $0.0e+00;
	v9 =	vmul.f32 v10, v9;
	v17 =	vmul.f32 $1.899999980e+00, v17  }
0x556: {  	v10 =	vcvt.f32.s32 v20;
	v8 =	vmax.f32 v8, $0.0e+00;
	v6 =	vmul.f32 v6, v19  }
0x557: {  	v9 =	vadd.f32 v9, v13;
	v13 =	vld.idx.msk [tilespmem:v16+s20+$0x0], $0xffff;
	v8 =	vmin.f32 v8, $1.900000000e+01;
	v17 =	vadd.f32 $9.500000000e+00, v17  }
0x558: {  	v14 =	vmin.f32 v14, $1.900000000e+01;
	v19 =	vtrunc.f32 v8;
	v20 =	vld.idx.msk [tilespmem:v18+s20+$0x0], $0xffff;
	v6 =	vadd.f32 v6, v15  }
0x559: {  	[tilespmem:s28+$0xC0] =	vst v9;
	v9 =	vtrunc.f32 v14;
	v19 =	vcvt.f32.s32 v19;
	v15 =	vmax.f32 v17, $0.0e+00;
	v17 =	vld.idx.msk [tilespmem:v18+s19+$0x0], $0xffff  }
0x55a: {  	v21 =	vld [tilespmem:s23+$0xD0];
	v9 =	vcvt.f32.s32 v9  }
0x55b: {  	v16 =	vld.idx.msk [tilespmem:v16+s19+$0x0], $0xffff  }
0x55c: {  	v15 =	vmin.f32 v15, $1.900000000e+01;
	[tilespmem:s28+$0xFFFFFF30] =	vst v6;
	v18 =	vld.idx.msk [tilespmem:v10+s20+$0x0], $0xffff  }
0x55d: {  	v6 =	vtrunc.f32 v15;
	v22 =	vld [tilespmem:s23+$0xFFFFFF40];
	v7 =	vmul.f32 v7, v20  }
0x55e: {  	v10 =	vld.idx.msk [tilespmem:v10+s19+$0x0], $0xffff;
	v6 =	vcvt.f32.s32 v6  }
0x55f: {  	v20 =	vmul.f32 $1.899999980e+00, v21;
	v21 =	vld.idx.msk [tilespmem:v19+s20+$0x0], $0xffff;
	v7 =	vadd.f32 v7, v17  }
0x560: {  	v12 =	vmul.f32 v12, v13;
	v13 =	vld.idx.msk [tilespmem:v9+s20+$0x0], $0xffff  }
0x561: {  	v11 =	vmul.f32 v11, v18;
	v18 =	vld.idx.msk [tilespmem:v19+s19+$0x0], $0xffff;
	v17 =	vadd.f32 $9.500000000e+00, v20;
	[tilespmem:s29+$0x90] =	vst v7  }
0x562: {  	v7 =	vadd.f32 v12, v16;
	v16 =	vld [tilespmem:s30+$0xA0]  }
0x563: {  	v9 =	vld.idx.msk [tilespmem:v9+s19+$0x0], $0xffff;
	v17 =	vmax.f32 v17, $0.0e+00  }
0x564: {  	v12 =	vmul.f32 $1.899999980e+00, v22;
	v19 =	vld.idx.msk [tilespmem:v6+s20+$0x0], $0xffff;
	v17 =	vmin.f32 v17, $1.900000000e+01  }
0x565: {  	v6 =	vld.idx.msk [tilespmem:v6+s19+$0x0], $0xffff;
	[tilespmem:s28+$0xFFFFFFB0] =	vst v7;
	v7 =	vadd.f32 v11, v10;
	v8 =	vmul.f32 v8, v21;
	v11 =	vtrunc.f32 v17  }
0x566: {  	v10 =	vadd.f32 $9.500000000e+00, v12;
	v12 =	vld [tilespmem:s23+$0xFFFFFFC0];
	v13 =	vmul.f32 v14, v13;
	v11 =	vcvt.f32.s32 v11  }
0x567: {  	[tilespmem:s28+$0x30] =	vst v7;
	v8 =	vadd.f32 v8, v18;
	v14 =	vmul.f32 $1.899999980e+00, v16  }
0x568: {  	v7 =	vmax.f32 v10, $0.0e+00;
	v10 =	vld [tilespmem:s23+$0x40];
	v9 =	vadd.f32 v13, v9  }
0x569: {  	v7 =	vmin.f32 v7, $1.900000000e+01;
	v15 =	vmul.f32 v15, v19;
	[tilespmem:s29+$0xFFFFFF10] =	vst v8;
	v8 =	vadd.f32 $9.500000000e+00, v14  }
0x56a: {  	v13 =	vtrunc.f32 v7;
	v14 =	vld [tilespmem:s30+$0xFFFFFF20];
	[tilespmem:s29+$0xFFFFFF90] =	vst v9  }
0x56b: {  	v12 =	vmul.f32 $1.899999980e+00, v12;
	v6 =	vadd.f32 v15, v6;
	v15 =	vld [tilespmem:s30+$0xFFFFFFA0];
	v8 =	vmax.f32 v8, $0.0e+00  }
0x56c: {  	v13 =	vcvt.f32.s32 v13;
	v9 =	vld.idx.msk [tilespmem:v11+s20+$0x0], $0xffff;
	v8 =	vmin.f32 v8, $1.900000000e+01  }
0x56d: {  	v10 =	vmul.f32 $1.899999980e+00, v10;
	v12 =	vadd.f32 $9.500000000e+00, v12;
	[tilespmem:s29+$0x10] =	vst v6;
	v6 =	vtrunc.f32 v8  }
0x56e: {  	v11 =	vld.idx.msk [tilespmem:v11+s19+$0x0], $0xffff;
	v6 =	vcvt.f32.s32 v6  }
0x56f: {  	v16 =	vld [tilespmem:s30+$0x20];
	v10 =	vadd.f32 $9.500000000e+00, v10;
	v12 =	vmax.f32 v12, $0.0e+00  }
0x570: {  	v12 =	vmin.f32 v12, $1.900000000e+01;
	v14 =	vmul.f32 $1.899999980e+00, v14  }
0x571: {  	v10 =	vmax.f32 v10, $0.0e+00;
	v15 =	vmul.f32 $1.899999980e+00, v15;
	v9 =	vmul.f32 v17, v9  }
0x572: {  	v18 =	vld.idx.msk [tilespmem:v13+s20+$0x0], $0xffff;
	v10 =	vmin.f32 v10, $1.900000000e+01;
	v14 =	vadd.f32 $9.500000000e+00, v14;
	v17 =	vtrunc.f32 v12  }
0x573: {  	v13 =	vld.idx.msk [tilespmem:v13+s19+$0x0], $0xffff;
	v19 =	vtrunc.f32 v10;
	v9 =	vadd.f32 v9, v11;
	v11 =	vcvt.f32.s32 v17  }
0x574: {  	v16 =	vmul.f32 $1.899999980e+00, v16;
	v15 =	vadd.f32 $9.500000000e+00, v15;
	v17 =	vcvt.f32.s32 v19;
	v19 =	vld.idx.msk [tilespmem:v6+s20+$0x0], $0xffff  }
0x575: {  	v6 =	vld.idx.msk [tilespmem:v6+s19+$0x0], $0xffff;
	[tilespmem:s28+$0xD0] =	vst v9  }
0x576: {  	v15 =	vmax.f32 v15, $0.0e+00;
	v9 =	vmax.f32 v14, $0.0e+00;
	v14 =	vadd.f32 $9.500000000e+00, v16;
	v16 =	vld [tilespmem:s23+$0xE0]  }
0x577: {  	v7 =	vmul.f32 v7, v18;
	v15 =	vmin.f32 v15, $1.900000000e+01;
	v9 =	vmin.f32 v9, $1.900000000e+01  }
0x578: {  	v20 =	vtrunc.f32 v15;
	v18 =	vtrunc.f32 v9  }
0x579: {  	v18 =	vcvt.f32.s32 v18;
	v21 =	vld.idx.msk [tilespmem:v11+s20+$0x0], $0xffff;
	v8 =	vmul.f32 v8, v19  }
0x57a: {  	v7 =	vadd.f32 v7, v13;
	v20 =	vcvt.f32.s32 v20;
	v14 =	vmax.f32 v14, $0.0e+00;
	v19 =	vld.idx.msk [tilespmem:v17+s20+$0x0], $0xffff  }
0x57b: {  	v14 =	vmin.f32 v14, $1.900000000e+01;
	v11 =	vld.idx.msk [tilespmem:v11+s19+$0x0], $0xffff;
	v13 =	vmul.f32 $1.899999980e+00, v16;
	v6 =	vadd.f32 v8, v6  }
0x57c: {  	[tilespmem:s28+$0xFFFFFF40] =	vst v7;
	v22 =	vtrunc.f32 v14;
	v8 =	vld.idx.msk [tilespmem:v17+s19+$0x0], $0xffff  }
0x57d: {  	v16 =	vcvt.f32.s32 v22;
	v7 =	vadd.f32 $9.500000000e+00, v13;
	v13 =	vld [tilespmem:s23+$0xFFFFFF50];
	[tilespmem:s29+$0xA0] =	vst v6  }
0x57e: {  	v6 =	vld [tilespmem:s30+$0xB0]  }
0x57f: {  	v17 =	vld.idx.msk [tilespmem:v18+s20+$0x0], $0xffff;
	v12 =	vmul.f32 v12, v21  }
0x580: {  	v21 =	vld.idx.msk [tilespmem:v20+s20+$0x0], $0xffff;
	v7 =	vmax.f32 v7, $0.0e+00  }
0x581: {  	v7 =	vmin.f32 v7, $1.900000000e+01;
	v11 =	vadd.f32 v12, v11;
	v12 =	vld.idx.msk [tilespmem:v18+s19+$0x0], $0xffff  }
0x582: {  	v18 =	vld.idx.msk [tilespmem:v20+s19+$0x0], $0xffff;
	v22 =	vtrunc.f32 v7  }
0x583: {  	s1 =	simm.s32 $0x500;
	v23 =	vld.idx.msk [tilespmem:v16+s20+$0x0], $0xffff;
	v22 =	vcvt.f32.s32 v22  }
0x584: {  	v20 =	vld [tilespmem:s1+$0x80]  }
0x585: {  	[tilespmem:s28+$0xFFFFFFC0] =	vst v11;
	v11 =	vld.idx.msk [tilespmem:v16+s19+$0x0], $0xffff;
	v6 =	vmul.f32 $1.899999980e+00, v6  }
0x586: {  	v10 =	vmul.f32 v10, v19;
	v16 =	vld [tilespmem:s23+$0xFFFFFFD0]  }
0x587: {  	v13 =	vmul.f32 $1.899999980e+00, v13;
	v9 =	vmul.f32 v9, v17;
	v17 =	vld [tilespmem:s1+$0xFFFFFF80];
	v6 =	vadd.f32 $9.500000000e+00, v6  }
0x588: {  	v14 =	vmul.f32 v14, v23;
	v23 =	vld [tilespmem:s1+$0x0]  }
0x589: {  	v8 =	vadd.f32 v10, v8;
	v13 =	vadd.f32 $9.500000000e+00, v13;
	v6 =	vmax.f32 v6, $0.0e+00;
	v33 =	vld.idx.msk [tilespmem:v22+s20+$0x0], $0xffff  }
0x58a: {  	v15 =	vmul.f32 v15, v21;
	v9 =	vadd.f32 v9, v12;
	v6 =	vmin.f32 v6, $1.900000000e+01;
	v21 =	vld.idx.msk [tilespmem:v22+s19+$0x0], $0xffff  }
0x58b: {  	v20 =	vmul.f32 $1.899999980e+00, v20;
	v13 =	vmax.f32 v13, $0.0e+00;
	v22 =	vld [tilespmem:s1+$0xFFFFFF00];
	v19 =	vtrunc.f32 v6  }
0x58c: {  	v13 =	vmin.f32 v13, $1.900000000e+01;
	[tilespmem:s29+$0xFFFFFF20] =	vst v9;
	v9 =	vadd.f32 v15, v18;
	v19 =	vcvt.f32.s32 v19  }
0x58d: {  	v12 =	vtrunc.f32 v13;
	v15 =	vmul.f32 $1.899999980e+00, v17;
	v11 =	vadd.f32 v14, v11  }
0x58e: {  	v14 =	vld [tilespmem:s30+$0xFFFFFF30];
	v10 =	vcvt.f32.s32 v12;
	v12 =	vmul.f32 $1.899999980e+00, v16;
	v16 =	vadd.f32 $9.500000000e+00, v20  }
0x58f: {  	[tilespmem:s29+$0xFFFFFFA0] =	vst v9;
	v15 =	vadd.f32 $9.500000000e+00, v15;
	v9 =	vmul.f32 $1.899999980e+00, v23  }
0x590: {  	v16 =	vmax.f32 v16, $0.0e+00;
	v7 =	vmul.f32 v7, v33;
	v17 =	vmul.f32 $1.899999980e+00, v22  }
0x591: {  	[tilespmem:s28+$0x40] =	vst v8;
	v20 =	vld [tilespmem:s30+$0xFFFFFFB0];
	v16 =	vmin.f32 v16, $1.900000000e+01;
	v15 =	vmax.f32 v15, $0.0e+00;
	v8 =	vadd.f32 $9.500000000e+00, v9  }
0x592: {  	v7 =	vadd.f32 v7, v21;
	v21 =	vtrunc.f32 v16;
	v17 =	vadd.f32 $9.500000000e+00, v17;
	v18 =	vld.idx.msk [tilespmem:v19+s20+$0x0], $0xffff  }
0x593: {  	[tilespmem:s29+$0x20] =	vst v11;
	v15 =	vmin.f32 v15, $1.900000000e+01;
	v11 =	vmul.f32 $1.899999980e+00, v14;
	v9 =	vld.idx.msk [tilespmem:v19+s19+$0x0], $0xffff;
	v19 =	vcvt.f32.s32 v21  }
0x594: {  	v22 =	vld [tilespmem:s30+$0x30];
	v8 =	vmax.f32 v8, $0.0e+00;
	v14 =	vmax.f32 v17, $0.0e+00;
	v17 =	vtrunc.f32 v15  }
0x595: {  	v23 =	vld.idx.msk [tilespmem:v10+s20+$0x0], $0xffff;
	[tilespmem:s28+$0xE0] =	vst v7;
	v7 =	vmin.f32 v8, $1.900000000e+01;
	v14 =	vmin.f32 v14, $1.900000000e+01;
	v17 =	vcvt.f32.s32 v17  }
0x596: {  	v12 =	vadd.f32 $9.500000000e+00, v12;
	v10 =	vld.idx.msk [tilespmem:v10+s19+$0x0], $0xffff;
	v34 =	vtrunc.f32 v7;
	v8 =	vtrunc.f32 v14  }
0x597: {  	v21 =	vld [tilespmem:s23+$0x50];
	v8 =	vcvt.f32.s32 v8;
	v6 =	vmul.f32 v6, v18  }
0x598: {  	v12 =	vmax.f32 v12, $0.0e+00;
	v20 =	vmul.f32 $1.899999980e+00, v20;
	v24 =	vcvt.f32.s32 v34;
	v18 =	vld [tilespmem:s23+$0xF0]  }
0x599: {  	v11 =	vadd.f32 $9.500000000e+00, v11;
	v6 =	vadd.f32 v6, v9;
	v9 =	vmin.f32 v12, $1.900000000e+01;
	v12 =	vld.idx.msk [tilespmem:v19+s20+$0x0], $0xffff  }
0x59a: {  	v19 =	vld.idx.msk [tilespmem:v19+s19+$0x0], $0xffff  }
0x59b: {  	v20 =	vadd.f32 $9.500000000e+00, v20;
	v11 =	vmax.f32 v11, $0.0e+00;
	v35 =	vtrunc.f32 v9;
	v37 =	vld.idx.msk [tilespmem:v17+s20+$0x0], $0xffff;
	[tilespmem:s29+$0xB0] =	vst v6  }
0x59c: {  	v22 =	vmul.f32 $1.899999980e+00, v22;
	v11 =	vmin.f32 v11, $1.900000000e+01;
	v6 =	vcvt.f32.s32 v35;
	v36 =	vld [tilespmem:s30+$0xC0]  }
0x59d: {  	v20 =	vmax.f32 v20, $0.0e+00;
	v39 =	vtrunc.f32 v11;
	v38 =	vld.idx.msk [tilespmem:v8+s20+$0x0], $0xffff  }
0x59e: {  	v20 =	vmin.f32 v20, $1.900000000e+01;
	v22 =	vadd.f32 $9.500000000e+00, v22;
	v28 =	vcvt.f32.s32 v39;
	v41 =	vld.idx.msk [tilespmem:v24+s20+$0x0], $0xffff  }
0x59f: {  	v40 =	vtrunc.f32 v20;
	v8 =	vld.idx.msk [tilespmem:v8+s19+$0x0], $0xffff;
	v12 =	vmul.f32 v16, v12  }
0x5a0: {  	v21 =	vmul.f32 $1.899999980e+00, v21;
	v17 =	vld.idx.msk [tilespmem:v17+s19+$0x0], $0xffff;
	v16 =	vmax.f32 v22, $0.0e+00;
	v22 =	vcvt.f32.s32 v40  }
0x5a1: {  	v16 =	vmin.f32 v16, $1.900000000e+01;
	v12 =	vadd.f32 v12, v19;
	v19 =	vld.idx.msk [tilespmem:v24+s19+$0x0], $0xffff;
	v25 =	vmul.f32 $1.899999980e+00, v36  }
0x5a2: {  	s31 =	simm.s32 $0xCD00;
	v21 =	vadd.f32 $9.500000000e+00, v21;
	v43 =	vtrunc.f32 v16;
	v42 =	vld.idx.msk [tilespmem:v6+s20+$0x0], $0xffff;
	v14 =	vmul.f32 v14, v38  }
0x5a3: {  	v15 =	vmul.f32 v15, v37;
	v6 =	vld.idx.msk [tilespmem:v6+s19+$0x0], $0xffff;
	v44 =	vcvt.f32.s32 v43;
	[tilespmem:s31+$0x80] =	vst v12;
	v25 =	vadd.f32 $9.500000000e+00, v25  }
0x5a4: {  	v7 =	vmul.f32 v7, v41;
	v12 =	vld [tilespmem:s1+$0x90];
	v8 =	vadd.f32 v14, v8  }
0x5a5: {  	v15 =	vadd.f32 v15, v17;
	v17 =	vmax.f32 v21, $0.0e+00;
	v14 =	vld.idx.msk [tilespmem:v28+s20+$0x0], $0xffff;
	v25 =	vmax.f32 v25, $0.0e+00  }
0x5a6: {  	v21 =	vld.idx.msk [tilespmem:v22+s20+$0x0], $0xffff;
	[tilespmem:s31+$0xFFFFFF00] =	vst v8;
	v7 =	vadd.f32 v7, v19;
	v8 =	vmin.f32 v17, $1.900000000e+01;
	v25 =	vmin.f32 v25, $1.900000000e+01  }
0x5a7: {  	[tilespmem:s31+$0xFFFFFF80] =	vst v15;
	v19 =	vld [tilespmem:s1+$0xFFFFFF10];
	v15 =	vtrunc.f32 v8;
	v45 =	vtrunc.f32 v25  }
0x5a8: {  	v46 =	vld [tilespmem:s1+$0xFFFFFF90];
	[tilespmem:s31+$0x0] =	vst v7;
	v7 =	vmul.f32 v13, v23;
	v17 =	vcvt.f32.s32 v45  }
0x5a9: {  	v15 =	vcvt.f32.s32 v15;
	v23 =	vld.idx.msk [tilespmem:v44+s20+$0x0], $0xffff;
	v12 =	vmul.f32 $1.899999980e+00, v12  }
0x5aa: {  	v9 =	vmul.f32 v9, v42;
	v13 =	vld [tilespmem:s1+$0x10]  }
0x5ab: {  	v7 =	vadd.f32 v7, v10;
	v10 =	vadd.f32 $9.500000000e+00, v12;
	v12 =	vld.idx.msk [tilespmem:v28+s19+$0x0], $0xffff  }
0x5ac: {  	v6 =	vadd.f32 v9, v6;
	v9 =	vmul.f32 v11, v14;
	v11 =	vld.idx.msk [tilespmem:v22+s19+$0x0], $0xffff;
	v14 =	vmul.f32 $1.899999980e+00, v19  }
0x5ad: {  	v22 =	vld.idx.msk [tilespmem:v44+s19+$0x0], $0xffff;
	v19 =	vmul.f32 v20, v21;
	v21 =	vmul.f32 $1.899999980e+00, v46;
	v10 =	vmax.f32 v10, $0.0e+00  }
0x5ae: {  	v16 =	vmul.f32 v16, v23;
	v10 =	vmin.f32 v10, $1.900000000e+01;
	v14 =	vadd.f32 $9.500000000e+00, v14;
	v20 =	vld.idx.msk [tilespmem:v17+s20+$0x0], $0xffff  }
0x5af: {  	v13 =	vmul.f32 $1.899999980e+00, v13;
	v47 =	vld.idx.msk [tilespmem:v15+s20+$0x0], $0xffff;
	v23 =	vtrunc.f32 v10  }
0x5b0: {  	[tilespmem:s28+$0xFFFFFF50] =	vst v7;
	v17 =	vld.idx.msk [tilespmem:v17+s19+$0x0], $0xffff;
	v23 =	vcvt.f32.s32 v23;
	v14 =	vmax.f32 v14, $0.0e+00;
	v7 =	vadd.f32 v9, v12  }
0x5b1: {  	[tilespmem:s28+$0xFFFFFFD0] =	vst v6;
	v21 =	vadd.f32 $9.500000000e+00, v21;
	v6 =	vadd.f32 v19, v11;
	v11 =	vld [tilespmem:s23+$0xFFFFFF60];
	v12 =	vmin.f32 v14, $1.900000000e+01  }
0x5b2: {  	v18 =	vmul.f32 $1.899999980e+00, v18;
	v19 =	vld [tilespmem:s23+$0xFFFFFFE0];
	v13 =	vadd.f32 $9.500000000e+00, v13;
	[tilespmem:s29+$0xFFFFFF30] =	vst v7;
	v7 =	vtrunc.f32 v12  }
0x5b3: {  	v9 =	vld.idx.msk [tilespmem:v15+s19+$0x0], $0xffff;
	[tilespmem:s29+$0xFFFFFFB0] =	vst v6;
	v14 =	vmax.f32 v21, $0.0e+00;
	v6 =	vcvt.f32.s32 v7;
	v15 =	vmul.f32 v25, v20  }
0x5b4: {  	v18 =	vadd.f32 $9.500000000e+00, v18;
	v14 =	vmin.f32 v14, $1.900000000e+01;
	v21 =	vld [tilespmem:s30+$0xFFFFFF40]  }
0x5b5: {  	v13 =	vmax.f32 v13, $0.0e+00;
	v20 =	vtrunc.f32 v14;
	v7 =	vadd.f32 v15, v17;
	v17 =	vld [tilespmem:s30+$0xFFFFFFC0]  }
0x5b6: {  	v13 =	vmin.f32 v13, $1.900000000e+01;
	v20 =	vcvt.f32.s32 v20;
	v48 =	vld.idx.msk [tilespmem:v23+s20+$0x0], $0xffff  }
0x5b7: {  	v18 =	vmax.f32 v18, $0.0e+00;
	v16 =	vadd.f32 v16, v22;
	v15 =	vtrunc.f32 v13;
	v23 =	vld.idx.msk [tilespmem:v23+s19+$0x0], $0xffff;
	[tilespmem:s29+$0xC0] =	vst v7  }
0x5b8: {  	v11 =	vmul.f32 $1.899999980e+00, v11;
	v15 =	vcvt.f32.s32 v15;
	v7 =	vmin.f32 v18, $1.900000000e+01;
	v18 =	vld [tilespmem:s30+$0xD0]  }
0x5b9: {  	[tilespmem:s29+$0x30] =	vst v16;
	v8 =	vmul.f32 v8, v47;
	v22 =	vtrunc.f32 v7;
	v49 =	vld.idx.msk [tilespmem:v6+s20+$0x0], $0xffff  }
0x5ba: {  	v21 =	vmul.f32 $1.899999980e+00, v21;
	v16 =	vcvt.f32.s32 v22;
	v22 =	vld [tilespmem:s30+$0x40]  }
0x5bb: {  	v11 =	vadd.f32 $9.500000000e+00, v11;
	v6 =	vld.idx.msk [tilespmem:v6+s19+$0x0], $0xffff;
	v17 =	vmul.f32 $1.899999980e+00, v17;
	v10 =	vmul.f32 v10, v48  }
0x5bc: {  	v8 =	vadd.f32 v8, v9;
	v21 =	vadd.f32 $9.500000000e+00, v21;
	v50 =	vld.idx.msk [tilespmem:v20+s20+$0x0], $0xffff  }
0x5bd: {  	v19 =	vmul.f32 $1.899999980e+00, v19;
	v20 =	vld.idx.msk [tilespmem:v20+s19+$0x0], $0xffff;
	v17 =	vadd.f32 $9.500000000e+00, v17;
	v10 =	vadd.f32 v10, v23  }
0x5be: {  	v11 =	vmax.f32 v11, $0.0e+00;
	v9 =	vmax.f32 v21, $0.0e+00;
	v51 =	vld.idx.msk [tilespmem:v15+s20+$0x0], $0xffff;
	v18 =	vmul.f32 $1.899999980e+00, v18  }
0x5bf: {  	v15 =	vld.idx.msk [tilespmem:v15+s19+$0x0], $0xffff;
	v12 =	vmul.f32 v12, v49;
	v17 =	vmax.f32 v17, $0.0e+00;
	v21 =	vmul.f32 $1.899999980e+00, v22;
	[tilespmem:s31+$0x90] =	vst v10  }
0x5c0: {  	v22 =	vmin.f32 v9, $1.900000000e+01;
	v18 =	vadd.f32 $9.500000000e+00, v18;
	v10 =	vmin.f32 v17, $1.900000000e+01;
	v23 =	vld [tilespmem:s1+$0xA0]  }
0x5c1: {  	v17 =	vtrunc.f32 v22;
	v14 =	vmul.f32 v14, v50;
	v6 =	vadd.f32 v12, v6  }
0x5c2: {  	[tilespmem:s28+$0x50] =	vst v8;
	v8 =	vadd.f32 $9.500000000e+00, v21;
	v17 =	vcvt.f32.s32 v17;
	v9 =	vmax.f32 v18, $0.0e+00  }
0x5c3: {  	s3 =	simm.s32 $0x700;
	v21 =	vld [tilespmem:s23+$0x60];
	v18 =	vtrunc.f32 v10;
	v13 =	vmul.f32 v13, v51;
	v52 =	vmin.f32 v9, $1.900000000e+01  }
0x5c4: {  	v14 =	vadd.f32 v14, v20;
	v51 =	vld [tilespmem:s3+$0x0];
	v53 =	vmax.f32 v8, $0.0e+00;
	v9 =	vtrunc.f32 v52  }
0x5c5: {  	[tilespmem:s31+$0xFFFFFF10] =	vst v6;
	v8 =	vld.idx.msk [tilespmem:v16+s19+$0x0], $0xffff;
	v6 =	vadd.f32 v13, v15;
	v12 =	vcvt.f32.s32 v9;
	v13 =	vmul.f32 $1.899999980e+00, v23  }
0x5c6: {  	v11 =	vmin.f32 v11, $1.900000000e+01;
	v18 =	vcvt.f32.s32 v18;
	[tilespmem:s31+$0xFFFFFF90] =	vst v14;
	v9 =	vld.idx.msk [tilespmem:v16+s20+$0x0], $0xffff;
	v16 =	vmin.f32 v53, $1.900000000e+01  }
0x5c7: {  	v20 =	vld [tilespmem:s1+$0xFFFFFF20];
	v15 =	vadd.f32 $9.500000000e+00, v19;
	v19 =	vtrunc.f32 v16;
	[tilespmem:s31+$0x10] =	vst v6;
	v6 =	vadd.f32 $9.500000000e+00, v13  }
0x5c8: {  	v23 =	vtrunc.f32 v11;
	v14 =	vcvt.f32.s32 v19;
	v19 =	vld [tilespmem:s1+$0xFFFFFFA0]  }
0x5c9: {  	v13 =	vmax.f32 v15, $0.0e+00;
	v15 =	vmul.f32 $1.899999980e+00, v21;
	v21 =	vld [tilespmem:s1+$0x20];
	v6 =	vmax.f32 v6, $0.0e+00  }
0x5ca: {  	v23 =	vcvt.f32.s32 v23;
	v55 =	vld.idx.msk [tilespmem:v17+s20+$0x0], $0xffff;
	v6 =	vmin.f32 v6, $1.900000000e+01  }
0x5cb: {  	v54 =	vld.idx.msk [tilespmem:v12+s20+$0x0], $0xffff;
	v57 =	vtrunc.f32 v6  }
0x5cc: {  	v17 =	vld.idx.msk [tilespmem:v17+s19+$0x0], $0xffff;
	v28 =	vcvt.f32.s32 v57  }
0x5cd: {  	v12 =	vld.idx.msk [tilespmem:v12+s19+$0x0], $0xffff  }
0x5ce: {  	v13 =	vmin.f32 v13, $1.900000000e+01;
	v20 =	vmul.f32 $1.899999980e+00, v20;
	v15 =	vadd.f32 $9.500000000e+00, v15;
	v58 =	vld.idx.msk [tilespmem:v18+s20+$0x0], $0xffff  }
0x5cf: {  	v56 =	vtrunc.f32 v13;
	v18 =	vld.idx.msk [tilespmem:v18+s19+$0x0], $0xffff  }
0x5d0: {  	v20 =	vadd.f32 $9.500000000e+00, v20;
	v15 =	vmax.f32 v15, $0.0e+00;
	v63 =	vld.idx.msk [tilespmem:v23+s20+$0x0], $0xffff;
	v24 =	vmul.f32 v52, v54  }
0x5d1: {  	v61 =	vcvt.f32.s32 v56;
	v15 =	vmin.f32 v15, $1.900000000e+01;
	v19 =	vmul.f32 $1.899999980e+00, v19;
	v23 =	vld.idx.msk [tilespmem:v23+s19+$0x0], $0xffff  }
0x5d2: {  	v21 =	vmul.f32 $1.899999980e+00, v21;
	v20 =	vmax.f32 v20, $0.0e+00;
	v12 =	vadd.f32 v24, v12;
	v37 =	vld.idx.msk [tilespmem:v28+s20+$0x0], $0xffff  }
0x5d3: {  	v22 =	vmul.f32 v22, v55;
	v59 =	vld.idx.msk [tilespmem:v14+s20+$0x0], $0xffff;
	v60 =	vtrunc.f32 v15;
	v20 =	vmin.f32 v20, $1.900000000e+01  }
0x5d4: {  	v19 =	vadd.f32 $9.500000000e+00, v19;
	v62 =	vcvt.f32.s32 v60;
	v21 =	vadd.f32 $9.500000000e+00, v21;
	v28 =	vld.idx.msk [tilespmem:v28+s19+$0x0], $0xffff;
	[tilespmem:s29+$0xD0] =	vst v12  }
0x5d5: {  	v36 =	vtrunc.f32 v20;
	v17 =	vadd.f32 v22, v17;
	v10 =	vmul.f32 v10, v58;
	v38 =	vld [tilespmem:s30+$0xE0]  }
0x5d6: {  	v14 =	vld.idx.msk [tilespmem:v14+s19+$0x0], $0xffff;
	v26 =	vcvt.f32.s32 v36;
	v19 =	vmax.f32 v19, $0.0e+00;
	v21 =	vmax.f32 v21, $0.0e+00  }
0x5d7: {  	v40 =	vld.idx.msk [tilespmem:v61+s20+$0x0], $0xffff;
	v54 =	vmul.f32 $1.899999980e+00, v51;
	v21 =	vmin.f32 v21, $1.900000000e+01;
	v6 =	vmul.f32 v6, v37  }
0x5d8: {  	[tilespmem:s29+$0xFFFFFF40] =	vst v17;
	v47 =	vld.idx.msk [tilespmem:v61+s19+$0x0], $0xffff;
	v19 =	vmin.f32 v19, $1.900000000e+01;
	v11 =	vmul.f32 v11, v63;
	v39 =	vtrunc.f32 v21  }
0x5d9: {  	v41 =	vld [tilespmem:s30+$0xFFFFFF50];
	v22 =	vcvt.f32.s32 v39;
	v12 =	vtrunc.f32 v19;
	v6 =	vadd.f32 v6, v28  }
0x5da: {  	v11 =	vadd.f32 v11, v23;
	v23 =	vld [tilespmem:s3+$0x80];
	v12 =	vcvt.f32.s32 v12;
	v42 =	vmul.f32 $1.899999980e+00, v38  }
0x5db: {  	v27 =	vadd.f32 $9.500000000e+00, v54;
	v17 =	vld.idx.msk [tilespmem:v62+s20+$0x0], $0xffff;
	[tilespmem:s31+$0xA0] =	vst v6  }
0x5dc: {  	v10 =	vadd.f32 v10, v18;
	v45 =	vadd.f32 $9.500000000e+00, v42;
	v18 =	vld [tilespmem:s1+$0xB0]  }
0x5dd: {  	v16 =	vmul.f32 v16, v59;
	v27 =	vmax.f32 v27, $0.0e+00;
	v43 =	vld.idx.msk [tilespmem:v26+s20+$0x0], $0xffff  }
0x5de: {  	v26 =	vld.idx.msk [tilespmem:v26+s19+$0x0], $0xffff;
	v13 =	vmul.f32 v13, v40;
	v27 =	vmin.f32 v27, $1.900000000e+01;
	v6 =	vmax.f32 v45, $0.0e+00  }
0x5df: {  	v61 =	vtrunc.f32 v27;
	v46 =	vld.idx.msk [tilespmem:v22+s20+$0x0], $0xffff;
	v28 =	vmin.f32 v6, $1.900000000e+01;
	v6 =	vadd.f32 v16, v14  }
0x5e0: {  	[tilespmem:s29+$0xFFFFFFC0] =	vst v10;
	v44 =	vld.idx.msk [tilespmem:v12+s20+$0x0], $0xffff;
	v16 =	vmul.f32 $1.899999980e+00, v41;
	v14 =	vtrunc.f32 v28  }
0x5e1: {  	v14 =	vcvt.f32.s32 v14;
	[tilespmem:s29+$0x40] =	vst v6;
	v6 =	vld [tilespmem:s30+$0xFFFFFFD0];
	v18 =	vmul.f32 $1.899999980e+00, v18  }
0x5e2: {  	v23 =	vmul.f32 $1.899999980e+00, v23;
	v10 =	vld.idx.msk [tilespmem:v22+s19+$0x0], $0xffff;
	v15 =	vmul.f32 v15, v17  }
0x5e3: {  	v20 =	vmul.f32 v20, v43;
	v12 =	vld.idx.msk [tilespmem:v12+s19+$0x0], $0xffff;
	v16 =	vadd.f32 $9.500000000e+00, v16;
	v18 =	vadd.f32 $9.500000000e+00, v18  }
0x5e4: {  	v52 =	vld [tilespmem:s3+$0xFFFFFF00];
	v42 =	vcvt.f32.s32 v61;
	v21 =	vmul.f32 v21, v46  }
0x5e5: {  	v17 =	vld.idx.msk [tilespmem:v62+s19+$0x0], $0xffff;
	v19 =	vmul.f32 v19, v44;
	v16 =	vmax.f32 v16, $0.0e+00;
	v18 =	vmax.f32 v18, $0.0e+00  }
0x5e6: {  	v48 =	vmul.f32 $1.899999980e+00, v6;
	v6 =	vmin.f32 v16, $1.900000000e+01;
	v16 =	vadd.f32 v20, v26;
	v20 =	vld [tilespmem:s3+$0xFFFFFF80]  }
0x5e7: {  	[tilespmem:s28+$0xFFFFFF60] =	vst v11;
	v23 =	vadd.f32 $9.500000000e+00, v23;
	v10 =	vadd.f32 v21, v10;
	v18 =	vmin.f32 v18, $1.900000000e+01;
	v49 =	vld.idx.msk [tilespmem:v14+s20+$0x0], $0xffff  }
0x5e8: {  	v21 =	vld [tilespmem:s23+$0xFFFFFF70];
	v12 =	vadd.f32 v19, v12;
	v19 =	vtrunc.f32 v18;
	v25 =	vadd.f32 $9.500000000e+00, v48  }
0x5e9: {  	v14 =	vld.idx.msk [tilespmem:v14+s19+$0x0], $0xffff;
	[tilespmem:s31+$0xFFFFFF20] =	vst v16;
	v16 =	vcvt.f32.s32 v19  }
0x5ea: {  	v11 =	vadd.f32 v13, v47;
	v23 =	vmax.f32 v23, $0.0e+00;
	v22 =	vld [tilespmem:s30+$0x50];
	[tilespmem:s31+$0x20] =	vst v10;
	v19 =	vmax.f32 v25, $0.0e+00  }
0x5eb: {  	v10 =	vadd.f32 v15, v17;
	v38 =	vld.idx.msk [tilespmem:v42+s20+$0x0], $0xffff;
	[tilespmem:s31+$0xFFFFFFA0] =	vst v12;
	v13 =	vmin.f32 v19, $1.900000000e+01;
	v15 =	vmul.f32 $1.899999980e+00, v20  }
0x5ec: {  	v23 =	vmin.f32 v23, $1.900000000e+01;
	v17 =	vld [tilespmem:s1+$0xFFFFFFB0];
	v12 =	vtrunc.f32 v13;
	v53 =	vmul.f32 v28, v49  }
0x5ed: {  	v56 =	vtrunc.f32 v23;
	v19 =	vld [tilespmem:s1+$0xFFFFFF30];
	v12 =	vcvt.f32.s32 v12  }
0x5ee: {  	v25 =	vmul.f32 $1.899999980e+00, v52;
	v20 =	vld [tilespmem:s1+$0x30];
	v15 =	vadd.f32 $9.500000000e+00, v15;
	v14 =	vadd.f32 v53, v14  }
0x5ef: {  	v57 =	vcvt.f32.s32 v56;
	v55 =	vld.idx.msk [tilespmem:v16+s20+$0x0], $0xffff  }
0x5f0: {  	v50 =	vtrunc.f32 v6;
	v16 =	vld.idx.msk [tilespmem:v16+s19+$0x0], $0xffff;
	v15 =	vmax.f32 v15, $0.0e+00;
	[tilespmem:s29+$0xE0] =	vst v14;
	v14 =	vadd.f32 $9.500000000e+00, v25  }
0x5f1: {  	v26 =	vcvt.f32.s32 v50;
	v15 =	vmin.f32 v15, $1.900000000e+01;
	v58 =	vld [tilespmem:s30+$0xF0]  }
0x5f2: {  	v29 =	vld.idx.msk [tilespmem:v42+s19+$0x0], $0xffff;
	v17 =	vmul.f32 $1.899999980e+00, v17;
	v59 =	vtrunc.f32 v15;
	v14 =	vmax.f32 v14, $0.0e+00  }
0x5f3: {  	[tilespmem:s28+$0xFFFFFFE0] =	vst v11;
	v19 =	vmul.f32 $1.899999980e+00, v19;
	v30 =	vcvt.f32.s32 v59;
	v60 =	vld.idx.msk [tilespmem:v12+s20+$0x0], $0xffff;
	v14 =	vmin.f32 v14, $1.900000000e+01  }
0x5f4: {  	[tilespmem:s28+$0x60] =	vst v10;
	v17 =	vadd.f32 $9.500000000e+00, v17;
	v62 =	vld.idx.msk [tilespmem:v12+s19+$0x0], $0xffff;
	v12 =	vmul.f32 v18, v55;
	v11 =	vtrunc.f32 v14  }
0x5f5: {  	v63 =	vld [tilespmem:s23+$0x70];
	v20 =	vmul.f32 $1.899999980e+00, v20;
	v10 =	vadd.f32 $9.500000000e+00, v19;
	v11 =	vcvt.f32.s32 v11  }
0x5f6: {  	v12 =	vadd.f32 v12, v16;
	v16 =	vmul.f32 $1.899999980e+00, v22;
	v22 =	vld.idx.msk [tilespmem:v57+s20+$0x0], $0xffff;
	v19 =	vmul.f32 $1.899999980e+00, v58  }
0x5f7: {  	v24 =	vld.idx.msk [tilespmem:v26+s20+$0x0], $0xffff;
	v20 =	vadd.f32 $9.500000000e+00, v20;
	v10 =	vmax.f32 v10, $0.0e+00  }
0x5f8: {  	v17 =	vmax.f32 v17, $0.0e+00;
	v25 =	vld.idx.msk [tilespmem:v57+s19+$0x0], $0xffff;
	v43 =	vmin.f32 v10, $1.900000000e+01;
	[tilespmem:s31+$0xB0] =	vst v12;
	v19 =	vadd.f32 $9.500000000e+00, v19  }
0x5f9: {  	v17 =	vmin.f32 v17, $1.900000000e+01;
	v20 =	vmax.f32 v20, $0.0e+00;
	v10 =	vtrunc.f32 v43;
	v12 =	vld [tilespmem:s1+$0xC0]  }
0x5fa: {  	v20 =	vmin.f32 v20, $1.900000000e+01;
	v45 =	vcvt.f32.s32 v10;
	v44 =	vld.idx.msk [tilespmem:v30+s20+$0x0], $0xffff;
	v19 =	vmax.f32 v19, $0.0e+00  }
0x5fb: {  	v22 =	vmul.f32 v23, v22;
	v10 =	vmin.f32 v19, $1.900000000e+01;
	v19 =	vtrunc.f32 v17;
	v46 =	vld.idx.msk [tilespmem:v11+s20+$0x0], $0xffff  }
0x5fc: {  	v48 =	vld.idx.msk [tilespmem:v11+s19+$0x0], $0xffff;
	v11 =	vtrunc.f32 v20;
	v19 =	vcvt.f32.s32 v19  }
0x5fd: {  	v30 =	vld.idx.msk [tilespmem:v30+s19+$0x0], $0xffff;
	v47 =	vtrunc.f32 v10;
	v49 =	vcvt.f32.s32 v11  }
0x5fe: {  	v26 =	vld.idx.msk [tilespmem:v26+s19+$0x0], $0xffff;
	v16 =	vadd.f32 $9.500000000e+00, v16;
	v22 =	vadd.f32 v22, v25;
	v23 =	vcvt.f32.s32 v47  }
0x5ff: {  	s17 =	simm.s32 $0xCF00;
	v21 =	vmul.f32 $1.899999980e+00, v21;
	v18 =	vld [tilespmem:s23+$0xFFFFFFF0]  }
0x600: {  	v11 =	vmax.f32 v16, $0.0e+00;
	v12 =	vmul.f32 $1.899999980e+00, v12;
	v16 =	vld.idx.msk [tilespmem:v45+s20+$0x0], $0xffff;
	v15 =	vmul.f32 v15, v44;
	[tilespmem:s17+$0x80] =	vst v22  }
0x601: {  	v21 =	vadd.f32 $9.500000000e+00, v21;
	v22 =	vmin.f32 v11, $1.900000000e+01;
	v50 =	vld [tilespmem:s3+$0x90]  }
0x602: {  	v12 =	vadd.f32 $9.500000000e+00, v12;
	v15 =	vadd.f32 v15, v30;
	v14 =	vmul.f32 v14, v46;
	v51 =	vld.idx.msk [tilespmem:v19+s20+$0x0], $0xffff  }
0x603: {  	v27 =	vmul.f32 v27, v38;
	v39 =	vtrunc.f32 v22;
	v54 =	vld.idx.msk [tilespmem:v49+s20+$0x0], $0xffff  }
0x604: {  	v12 =	vmax.f32 v12, $0.0e+00;
	[tilespmem:s17+$0xFFFFFF80] =	vst v15;
	v15 =	vmax.f32 v21, $0.0e+00;
	v14 =	vadd.f32 v14, v48;
	v11 =	vld.idx.msk [tilespmem:v23+s20+$0x0], $0xffff  }
0x605: {  	v21 =	vmul.f32 v13, v60;
	v52 =	vmin.f32 v12, $1.900000000e+01;
	v12 =	vld.idx.msk [tilespmem:v23+s19+$0x0], $0xffff;
	v23 =	vcvt.f32.s32 v39  }
0x606: {  	v6 =	vmul.f32 v6, v24;
	v57 =	vld [tilespmem:s3+$0xFFFFFF90];
	v53 =	vtrunc.f32 v52;
	[tilespmem:s17+$0xFFFFFF00] =	vst v14;
	v14 =	vadd.f32 v27, v29  }
0x607: {  	v13 =	vmin.f32 v15, $1.900000000e+01;
	v15 =	vadd.f32 v21, v62;
	v21 =	vld.idx.msk [tilespmem:v45+s19+$0x0], $0xffff;
	v55 =	vcvt.f32.s32 v53  }
0x608: {  	v19 =	vld.idx.msk [tilespmem:v19+s19+$0x0], $0xffff;
	[tilespmem:s17+$0x0] =	vst v14;
	v14 =	vmul.f32 $1.899999980e+00, v50  }
0x609: {  	v6 =	vadd.f32 v6, v26;
	v18 =	vmul.f32 $1.899999980e+00, v18;
	v56 =	vld [tilespmem:s3+$0xFFFFFF10]  }
0x60a: {  	v58 =	vmul.f32 $1.899999980e+00, v63;
	v16 =	vmul.f32 v43, v16;
	v59 =	vld [tilespmem:s3+$0x10];
	v14 =	vadd.f32 $9.500000000e+00, v14  }
0x60b: {  	v18 =	vadd.f32 $9.500000000e+00, v18;
	v60 =	vtrunc.f32 v13;
	v30 =	vmul.f32 $1.899999980e+00, v57;
	v38 =	vld.idx.msk [tilespmem:v23+s20+$0x0], $0xffff  }
0x60c: {  	v17 =	vmul.f32 v17, v51;
	v16 =	vadd.f32 v16, v21;
	v21 =	vld.idx.msk [tilespmem:v23+s19+$0x0], $0xffff;
	v14 =	vmax.f32 v14, $0.0e+00  }
0x60d: {  	[tilespmem:s29+$0xFFFFFF50] =	vst v6;
	v63 =	vcvt.f32.s32 v60;
	v30 =	vadd.f32 $9.500000000e+00, v30;
	v61 =	vld.idx.msk [tilespmem:v55+s20+$0x0], $0xffff;
	v62 =	vmin.f32 v14, $1.900000000e+01  }
0x60e: {  	v17 =	vadd.f32 v17, v19;
	v19 =	vld [tilespmem:s30+$0xFFFFFF60];
	v24 =	vmul.f32 $1.899999980e+00, v56;
	v36 =	vtrunc.f32 v62  }
0x60f: {  	v7 =	vmul.f32 v7, v9;
	v26 =	vadd.f32 $9.500000000e+00, v58;
	v29 =	vld.idx.msk [tilespmem:v55+s19+$0x0], $0xffff;
	v31 =	vcvt.f32.s32 v36  }
0x610: {  	v18 =	vmax.f32 v18, $0.0e+00;
	[tilespmem:s29+$0xFFFFFFD0] =	vst v15;
	v14 =	vld.idx.msk [tilespmem:v49+s19+$0x0], $0xffff;
	v23 =	vmax.f32 v30, $0.0e+00;
	v24 =	vadd.f32 $9.500000000e+00, v24  }
0x611: {  	v39 =	vld [tilespmem:s30+$0xFFFFFFE0];
	v6 =	vmul.f32 v20, v54;
	[tilespmem:s31+$0xFFFFFF30] =	vst v16;
	v28 =	vmul.f32 $1.899999980e+00, v59;
	v23 =	vmin.f32 v23, $1.900000000e+01  }
0x612: {  	v42 =	vld [tilespmem:s1+$0xFFFFFF40];
	[tilespmem:s31+$0xFFFFFFB0] =	vst v17;
	v41 =	vtrunc.f32 v23;
	v20 =	vmax.f32 v24, $0.0e+00;
	v16 =	vmul.f32 v52, v61  }
0x613: {  	v43 =	vld [tilespmem:s1+$0xFFFFFFC0];
	v15 =	vadd.f32 $9.500000000e+00, v28;
	v28 =	vcvt.f32.s32 v41;
	v19 =	vmul.f32 $1.899999980e+00, v19  }
0x614: {  	v34 =	vld.idx.msk [tilespmem:v63+s20+$0x0], $0xffff;
	v22 =	vmul.f32 v22, v38;
	v20 =	vmin.f32 v20, $1.900000000e+01;
	v16 =	vadd.f32 v16, v29  }
0x615: {  	v15 =	vmax.f32 v15, $0.0e+00;
	v40 =	vtrunc.f32 v20;
	v6 =	vadd.f32 v6, v14;
	v45 =	vld.idx.msk [tilespmem:v31+s20+$0x0], $0xffff  }
0x616: {  	v14 =	vmax.f32 v26, $0.0e+00;
	v17 =	vmin.f32 v15, $1.900000000e+01;
	v27 =	vcvt.f32.s32 v40;
	v46 =	vld.idx.msk [tilespmem:v31+s19+$0x0], $0xffff;
	[tilespmem:s31+$0xC0] =	vst v16  }
0x617: {  	v30 =	vmul.f32 $1.899999980e+00, v42;
	v21 =	vadd.f32 v22, v21;
	v44 =	vtrunc.f32 v17;
	[tilespmem:s31+$0x30] =	vst v6;
	v6 =	vld [tilespmem:s1+$0xD0]  }
0x618: {  	v15 =	vmin.f32 v18, $1.900000000e+01;
	v32 =	vmul.f32 $1.899999980e+00, v43;
	v18 =	vcvt.f32.s32 v44;
	v48 =	vld [tilespmem:s1+$0x40]  }
0x619: {  	v24 =	vmul.f32 $1.899999980e+00, v39;
	v19 =	vadd.f32 $9.500000000e+00, v19;
	v14 =	vmin.f32 v14, $1.900000000e+01;
	[tilespmem:s29+$0x50] =	vst v21;
	v50 =	vld.idx.msk [tilespmem:v28+s20+$0x0], $0xffff  }
0x61a: {  	v22 =	vadd.f32 $9.500000000e+00, v30;
	v16 =	vtrunc.f32 v15;
	v53 =	vadd.f32 $9.500000000e+00, v32;
	v58 =	vld [tilespmem:s30+$0x60]  }
0x61b: {  	v19 =	vmax.f32 v19, $0.0e+00;
	v16 =	vcvt.f32.s32 v16;
	v28 =	vld.idx.msk [tilespmem:v28+s19+$0x0], $0xffff;
	v33 =	vmul.f32 v62, v45  }
0x61c: {  	v22 =	vmax.f32 v22, $0.0e+00;
	v29 =	vmax.f32 v53, $0.0e+00;
	v49 =	vld.idx.msk [tilespmem:v27+s20+$0x0], $0xffff;
	v52 =	vmul.f32 $1.899999980e+00, v6  }
0x61d: {  	v22 =	vmin.f32 v22, $1.900000000e+01;
	v21 =	vmin.f32 v29, $1.900000000e+01;
	v27 =	vld.idx.msk [tilespmem:v27+s19+$0x0], $0xffff;
	v26 =	vadd.f32 v33, v46  }
0x61e: {  	v57 =	vtrunc.f32 v21;
	v51 =	vld.idx.msk [tilespmem:v18+s20+$0x0], $0xffff;
	v23 =	vmul.f32 v23, v50;
	v54 =	vadd.f32 $9.500000000e+00, v52  }
0x61f: {  	v19 =	vmin.f32 v19, $1.900000000e+01;
	v55 =	vtrunc.f32 v22;
	v18 =	vld.idx.msk [tilespmem:v18+s19+$0x0], $0xffff;
	v46 =	vcvt.f32.s32 v57;
	[tilespmem:s17+$0x90] =	vst v26  }
0x620: {  	v31 =	vmul.f32 $1.899999980e+00, v48;
	v23 =	vadd.f32 v23, v28;
	v56 =	vld [tilespmem:s3+$0xA0];
	v32 =	vmax.f32 v54, $0.0e+00  }
0x621: {  	v25 =	vld.idx.msk [tilespmem:v63+s19+$0x0], $0xffff;
	v20 =	vmul.f32 v20, v49;
	v26 =	vcvt.f32.s32 v55;
	v32 =	vmin.f32 v32, $1.900000000e+01  }
0x622: {  	v31 =	vadd.f32 $9.500000000e+00, v31;
	v60 =	vld.idx.msk [tilespmem:v16+s20+$0x0], $0xffff;
	v49 =	vmul.f32 $1.899999980e+00, v58;
	v59 =	vtrunc.f32 v32  }
0x623: {  	v16 =	vld.idx.msk [tilespmem:v16+s19+$0x0], $0xffff;
	[tilespmem:s17+$0xFFFFFF90] =	vst v23;
	v17 =	vmul.f32 v17, v51;
	v20 =	vadd.f32 v20, v27;
	v61 =	vcvt.f32.s32 v59  }
0x624: {  	v47 =	vtrunc.f32 v14;
	v48 =	vtrunc.f32 v19;
	v23 =	vld [tilespmem:s3+$0xFFFFFFA0];
	v33 =	vadd.f32 $9.500000000e+00, v49  }
0x625: {  	v31 =	vmax.f32 v31, $0.0e+00;
	[tilespmem:s17+$0xFFFFFF10] =	vst v20;
	v17 =	vadd.f32 v17, v18;
	v41 =	vld.idx.msk [tilespmem:v46+s20+$0x0], $0xffff;
	v18 =	vmul.f32 $1.899999980e+00, v56  }
0x626: {  	v6 =	vcvt.f32.s32 v47;
	v63 =	vmin.f32 v31, $1.900000000e+01;
	v33 =	vmax.f32 v33, $0.0e+00;
	v47 =	vld [tilespmem:s3+$0xFFFFFF20]  }
0x627: {  	v20 =	vtrunc.f32 v63;
	v33 =	vmin.f32 v33, $1.900000000e+01;
	[tilespmem:s17+$0x10] =	vst v17;
	v52 =	vld.idx.msk [tilespmem:v26+s20+$0x0], $0xffff;
	v17 =	vadd.f32 $9.500000000e+00, v18  }
0x628: {  	v24 =	vadd.f32 $9.500000000e+00, v24;
	v20 =	vcvt.f32.s32 v20;
	v43 =	vtrunc.f32 v33;
	v26 =	vld.idx.msk [tilespmem:v26+s19+$0x0], $0xffff  }
0x629: {  	v23 =	vmul.f32 $1.899999980e+00, v23;
	v53 =	vcvt.f32.s32 v43;
	v17 =	vmax.f32 v17, $0.0e+00;
	v36 =	vld.idx.msk [tilespmem:v61+s20+$0x0], $0xffff  }
0x62a: {  	v50 =	vld [tilespmem:s3+$0x20];
	v18 =	vmax.f32 v24, $0.0e+00;
	v24 =	vcvt.f32.s32 v48;
	v17 =	vmin.f32 v17, $1.900000000e+01  }
0x62b: {  	v21 =	vmul.f32 v21, v41;
	v27 =	vld.idx.msk [tilespmem:v61+s19+$0x0], $0xffff;
	v40 =	vtrunc.f32 v17  }
0x62c: {  	v62 =	vld.idx.msk [tilespmem:v6+s20+$0x0], $0xffff;
	v18 =	vmin.f32 v18, $1.900000000e+01;
	v31 =	vmul.f32 $1.899999980e+00, v47;
	v40 =	vcvt.f32.s32 v40  }
0x62d: {  	v29 =	vld.idx.msk [tilespmem:v46+s19+$0x0], $0xffff;
	v23 =	vadd.f32 $9.500000000e+00, v23;
	v51 =	vtrunc.f32 v18;
	v22 =	vmul.f32 v22, v52  }
0x62e: {  	v38 =	vcvt.f32.s32 v51;
	v42 =	vld.idx.msk [tilespmem:v20+s20+$0x0], $0xffff;
	v31 =	vadd.f32 $9.500000000e+00, v31;
	v32 =	vmul.f32 v32, v36  }
0x62f: {  	v20 =	vld.idx.msk [tilespmem:v20+s19+$0x0], $0xffff;
	v23 =	vmax.f32 v23, $0.0e+00;
	v35 =	vmul.f32 $1.899999980e+00, v50;
	v22 =	vadd.f32 v22, v26  }
0x630: {  	v23 =	vmin.f32 v23, $1.900000000e+01;
	v31 =	vmax.f32 v31, $0.0e+00;
	v54 =	vld.idx.msk [tilespmem:v24+s20+$0x0], $0xffff;
	v27 =	vadd.f32 v32, v27  }
0x631: {  	v44 =	vtrunc.f32 v23;
	v35 =	vadd.f32 $9.500000000e+00, v35;
	v31 =	vmin.f32 v31, $1.900000000e+01;
	[tilespmem:s31+$0xFFFFFF40] =	vst v22;
	v22 =	vld.idx.msk [tilespmem:v53+s20+$0x0], $0xffff  }
0x632: {  	v8 =	vadd.f32 v7, v8;
	v44 =	vcvt.f32.s32 v44;
	v55 =	vtrunc.f32 v31;
	v56 =	vld.idx.msk [tilespmem:v40+s20+$0x0], $0xffff;
	[tilespmem:s31+$0xD0] =	vst v27  }
0x633: {  	v9 =	vmul.f32 v10, v11;
	v35 =	vmax.f32 v35, $0.0e+00;
	v39 =	vcvt.f32.s32 v55;
	v58 =	vld [tilespmem:s1+$0xE0]  }
0x634: {  	[tilespmem:s28+$0xF0] =	vst v8;
	v8 =	vadd.f32 v21, v29;
	v35 =	vmin.f32 v35, $1.900000000e+01;
	v40 =	vld.idx.msk [tilespmem:v40+s19+$0x0], $0xffff  }
0x635: {  	v9 =	vadd.f32 v9, v12;
	v10 =	vld [tilespmem:s1+$0xFFFFFF50];
	v57 =	vtrunc.f32 v35  }
0x636: {  	v7 =	vmul.f32 v13, v34;
	[tilespmem:s31+$0xFFFFFFC0] =	vst v8;
	v45 =	vld.idx.msk [tilespmem:v38+s20+$0x0], $0xffff;
	v27 =	vcvt.f32.s32 v57  }
0x637: {  	[tilespmem:s29+$0xF0] =	vst v9;
	v9 =	vmul.f32 v19, v54;
	v19 =	vld [tilespmem:s1+$0xFFFFFFD0];
	v11 =	vmul.f32 v17, v56  }
0x638: {  	v13 =	vmul.f32 v15, v60;
	v59 =	vld.idx.msk [tilespmem:v44+s20+$0x0], $0xffff;
	v15 =	vmul.f32 $1.899999980e+00, v58  }
0x639: {  	v25 =	vadd.f32 v7, v25;
	v12 =	vld.idx.msk [tilespmem:v39+s20+$0x0], $0xffff;
	v11 =	vadd.f32 v11, v40  }
0x63a: {  	v7 =	vmul.f32 v14, v62;
	v60 =	vmul.f32 v63, v42;
	v17 =	vld.idx.msk [tilespmem:v24+s19+$0x0], $0xffff;
	v14 =	vadd.f32 $9.500000000e+00, v15  }
0x63b: {  	v13 =	vadd.f32 v13, v16;
	v15 =	vld.idx.msk [tilespmem:v39+s19+$0x0], $0xffff;
	[tilespmem:s17+$0xA0] =	vst v11  }
0x63c: {  	v16 =	vadd.f32 v60, v20;
	v20 =	vmul.f32 $1.899999980e+00, v10;
	v21 =	vld [tilespmem:s3+$0xB0];
	v14 =	vmax.f32 v14, $0.0e+00  }
0x63d: {  	v61 =	vld.idx.msk [tilespmem:v27+s20+$0x0], $0xffff;
	v14 =	vmin.f32 v14, $1.900000000e+01  }
0x63e: {  	v62 =	vld.idx.msk [tilespmem:v44+s19+$0x0], $0xffff;
	[tilespmem:s31+$0x40] =	vst v16;
	v8 =	vadd.f32 $9.500000000e+00, v20;
	v16 =	vmul.f32 v31, v12;
	v12 =	vtrunc.f32 v14  }
0x63f: {  	v11 =	vmul.f32 v18, v45;
	v18 =	vld.idx.msk [tilespmem:v27+s19+$0x0], $0xffff;
	v9 =	vadd.f32 v9, v17;
	v17 =	vcvt.f32.s32 v12  }
0x640: {  	[tilespmem:s28+$0xFFFFFF70] =	vst v25;
	v10 =	vmul.f32 v33, v22;
	v22 =	vmul.f32 v23, v59;
	v8 =	vmax.f32 v8, $0.0e+00;
	v12 =	vld [tilespmem:s1+$0x50]  }
0x641: {  	[tilespmem:s28+$0xFFFFFFF0] =	vst v13;
	v8 =	vmin.f32 v8, $1.900000000e+01;
	v23 =	vadd.f32 v16, v15;
	v16 =	vld.idx.msk [tilespmem:v38+s19+$0x0], $0xffff;
	v63 =	vmul.f32 $1.899999980e+00, v21  }
0x642: {  	v20 =	vmul.f32 v35, v61;
	[tilespmem:s29+$0xFFFFFF60] =	vst v9;
	v9 =	vtrunc.f32 v8;
	v15 =	vld.idx.msk [tilespmem:v53+s19+$0x0], $0xffff  }
0x643: {  	s0 =	simm.s32 $0xCF00;
	s21 =	simm.s32 $0xC;
	s23 =	simm.s32 $0x900;
	v13 =	vcvt.f32.s32 v9;
	v9 =	vld [tilespmem:s30+$0xFFFFFF70];
	[tilespmem:s17+$0xFFFFFF20] =	vst v23;
	v21 =	vadd.f32 v22, v62;
	v22 =	vadd.f32 $9.500000000e+00, v63  }
.LBB2_6:
0x644: {  	v23 =	vld [tilespmem:s23+$0x80];
	v18 =	vadd.f32 v20, v18;
	v19 =	vmul.f32 $1.899999980e+00, v19  }
0x645: {  	s21 =	sadd.s32 $0x4, s21;
	[tilespmem:s17+$0xFFFFFFA0] =	vst v21;
	v20 =	vmax.f32 v22, $0.0e+00;
	v12 =	vmul.f32 $1.899999980e+00, v12;
	v21 =	vld.idx.msk [tilespmem:v17+s20+$0x0], $0xffff  }
0x646: {  	p0 =	slt.u32 s21, $0xC4;
	v22 =	vld [tilespmem:s23+$0xFFFFFF80];
	[tilespmem:s17+$0x20] =	vst v18;
	v18 =	vmin.f32 v20, $1.900000000e+01;
	v19 =	vadd.f32 $9.500000000e+00, v19  }
0x647: {  	v11 =	vadd.f32 v11, v16;
	v20 =	vtrunc.f32 v18;
	v12 =	vadd.f32 $9.500000000e+00, v12;
	v17 =	vld.idx.msk [tilespmem:v17+s19+$0x0], $0xffff  }
0x648: {  	v15 =	vadd.f32 v10, v15;
	v16 =	vld [tilespmem:s23+$0x0];
	v20 =	vcvt.f32.s32 v20;
	v19 =	vmax.f32 v19, $0.0e+00  }
0x649: {  	v24 =	vld [tilespmem:s23+$0xFFFFFF00];
	v23 =	vmul.f32 $1.899999980e+00, v23;
	v19 =	vmin.f32 v19, $1.900000000e+01;
	v10 =	vmax.f32 v12, $0.0e+00;
	[tilespmem:s29+$0xFFFFFFE0] =	vst v11  }
0x64a: {  	v9 =	vmul.f32 $1.899999980e+00, v9;
	v11 =	vld [tilespmem:s3+$0xFFFFFF30];
	v12 =	vtrunc.f32 v19;
	v10 =	vmin.f32 v10, $1.900000000e+01;
	[tilespmem:s29+$0x60] =	vst v15  }
0x64b: {  	v14 =	vmul.f32 v14, v21;
	v15 =	vmul.f32 $1.899999980e+00, v22;
	v22 =	vadd.f32 $9.500000000e+00, v23;
	v23 =	vld [tilespmem:s3+$0xFFFFFFB0]  }
0x64c: {  	v9 =	vadd.f32 $9.500000000e+00, v9;
	v12 =	vcvt.f32.s32 v12;
	v25 =	vtrunc.f32 v10;
	v21 =	vld [tilespmem:s3+$0x30]  }
0x64d: {  	v14 =	vadd.f32 v14, v17;
	v16 =	vmul.f32 $1.899999980e+00, v16;
	v22 =	vmax.f32 v22, $0.0e+00;
	v26 =	vld.idx.msk [tilespmem:v13+s20+$0x0], $0xffff  }
0x64e: {  	v15 =	vadd.f32 $9.500000000e+00, v15;
	v17 =	vmul.f32 $1.899999980e+00, v24;
	v22 =	vmin.f32 v22, $1.900000000e+01;
	v24 =	vld.idx.msk [tilespmem:v20+s20+$0x0], $0xffff  }
0x64f: {  	v16 =	vadd.f32 $9.500000000e+00, v16;
	v27 =	vtrunc.f32 v22;
	v11 =	vmul.f32 $1.899999980e+00, v11;
	v20 =	vld.idx.msk [tilespmem:v20+s19+$0x0], $0xffff;
	[tilespmem:s31+$0xE0] =	vst v14  }
0x650: {  	v15 =	vmax.f32 v15, $0.0e+00;
	v14 =	vadd.f32 $9.500000000e+00, v17;
	v17 =	vcvt.f32.s32 v27;
	v27 =	vld [tilespmem:s1+$0xF0]  }
0x651: {  	v15 =	vmin.f32 v15, $1.900000000e+01;
	v23 =	vmul.f32 $1.899999980e+00, v23;
	v16 =	vmax.f32 v16, $0.0e+00;
	v13 =	vld.idx.msk [tilespmem:v13+s19+$0x0], $0xffff  }
0x652: {  	v28 =	vtrunc.f32 v15;
	v14 =	vmax.f32 v14, $0.0e+00;
	v16 =	vmin.f32 v16, $1.900000000e+01;
	v29 =	vld.idx.msk [tilespmem:v12+s20+$0x0], $0xffff  }
0x653: {  	v28 =	vcvt.f32.s32 v28;
	v14 =	vmin.f32 v14, $1.900000000e+01;
	v30 =	vtrunc.f32 v16;
	v12 =	vld.idx.msk [tilespmem:v12+s19+$0x0], $0xffff  }
0x654: {  	v11 =	vadd.f32 $9.500000000e+00, v11;
	v18 =	vmul.f32 v18, v24;
	v31 =	vtrunc.f32 v14;
	v24 =	vld [tilespmem:s30+$0xFFFFFFF0]  }
0x655: {  	v23 =	vadd.f32 $9.500000000e+00, v23;
	v31 =	vcvt.f32.s32 v31;
	v27 =	vmul.f32 $1.899999980e+00, v27;
	v32 =	vld [tilespmem:s30+$0x70];
	s30 =	smov.u32 s1;
	s1 =	smov.u32 s3;
	s3 =	smov.u32 s23  }
0x656: {  	v21 =	vmul.f32 $1.899999980e+00, v21;
	v30 =	vcvt.f32.s32 v30;
	v18 =	vadd.f32 v18, v20;
	v33 =	vld.idx.msk [tilespmem:v17+s20+$0x0], $0xffff  }
0x657: {  	v11 =	vmax.f32 v11, $0.0e+00;
	v20 =	vmax.f32 v23, $0.0e+00;
	v23 =	vadd.f32 $9.500000000e+00, v27;
	v6 =	vld.idx.msk [tilespmem:v6+s19+$0x0], $0xffff  }
0x658: {  	v21 =	vadd.f32 $9.500000000e+00, v21;
	v11 =	vmin.f32 v11, $1.900000000e+01;
	v20 =	vmin.f32 v20, $1.900000000e+01;
	v17 =	vld.idx.msk [tilespmem:v17+s19+$0x0], $0xffff;
	[tilespmem:s17+$0xB0] =	vst v18  }
0x659: {  	v27 =	vtrunc.f32 v20;
	v18 =	vtrunc.f32 v11;
	v34 =	vld [tilespmem:s1+$0xC0];
	v23 =	vmax.f32 v23, $0.0e+00  }
0x65a: {  	v21 =	vmax.f32 v21, $0.0e+00;
	v18 =	vcvt.f32.s32 v18;
	v35 =	vld.idx.msk [tilespmem:v28+s20+$0x0], $0xffff;
	v23 =	vmin.f32 v23, $1.900000000e+01  }
0x65b: {  	v21 =	vmin.f32 v21, $1.900000000e+01;
	v27 =	vcvt.f32.s32 v27;
	v36 =	vld.idx.msk [tilespmem:v31+s20+$0x0], $0xffff;
	v37 =	vtrunc.f32 v23  }
0x65c: {  	v9 =	vmax.f32 v9, $0.0e+00;
	v22 =	vmul.f32 v22, v33;
	v38 =	vld.idx.msk [tilespmem:v30+s20+$0x0], $0xffff;
	v33 =	vcvt.f32.s32 v37  }
0x65d: {  	v25 =	vcvt.f32.s32 v25;
	v9 =	vmin.f32 v9, $1.900000000e+01;
	v37 =	vtrunc.f32 v21;
	v31 =	vld.idx.msk [tilespmem:v31+s19+$0x0], $0xffff  }
0x65e: {  	v17 =	vadd.f32 v22, v17;
	v22 =	vcvt.f32.s32 v37;
	v28 =	vld.idx.msk [tilespmem:v28+s19+$0x0], $0xffff;
	v34 =	vmul.f32 $1.899999980e+00, v34  }
0x65f: {  	v8 =	vmul.f32 v8, v26;
	v19 =	vmul.f32 v19, v29;
	s17 =	sadd.s32 $0x200, s17;
	v6 =	vadd.f32 v7, v6;
	v30 =	vld.idx.msk [tilespmem:v30+s19+$0x0], $0xffff  }
0x660: {  	v24 =	vmul.f32 $1.899999980e+00, v24;
	v7 =	vmul.f32 v15, v35;
	[tilespmem:s17+$0x80] =	vst v17;
	v15 =	vld.idx.msk [tilespmem:v18+s20+$0x0], $0xffff;
	v17 =	vadd.f32 $9.500000000e+00, v34  }
0x661: {  	v8 =	vadd.f32 v8, v13;
	v12 =	vadd.f32 v19, v12;
	v14 =	vmul.f32 v14, v36;
	v26 =	vld [tilespmem:s23+$0x90];
	[tilespmem:s28+$0x70] =	vst v6;
	s28 =	smov.u32 s29;
	s29 =	smov.u32 s31;
	s31 =	smov.u32 s0  }
0x662: {  	v6 =	vmul.f32 v16, v38;
	s0 =	smov.u32 s17;
	v13 =	vmax.f32 v17, $0.0e+00;
	v16 =	vld.idx.msk [tilespmem:v33+s20+$0x0], $0xffff;
	v17 =	vmul.f32 $1.899999980e+00, v32  }
0x663: {  	v14 =	vadd.f32 v14, v31;
	v19 =	vld.idx.msk [tilespmem:v27+s20+$0x0], $0xffff;
	v13 =	vmin.f32 v13, $1.900000000e+01;
	[tilespmem:s29+$0xFFFFFF50] =	vst v8;
	v8 =	vadd.f32 $9.500000000e+00, v24  }
0x664: {  	v7 =	vadd.f32 v7, v28;
	v24 =	vtrunc.f32 v13;
	[tilespmem:s29+$0xFFFFFFD0] =	vst v12;
	v12 =	vld.idx.msk [tilespmem:v33+s19+$0x0], $0xffff;
	v17 =	vadd.f32 $9.500000000e+00, v17  }
0x665: {  	v6 =	vadd.f32 v6, v30;
	[tilespmem:s17+$0xFFFFFF00] =	vst v14;
	v14 =	vld.idx.msk [tilespmem:v22+s20+$0x0], $0xffff;
	v24 =	vcvt.f32.s32 v24;
	v8 =	vmax.f32 v8, $0.0e+00  }
0x666: {  	v15 =	vmul.f32 v11, v15;
	v28 =	vld [tilespmem:s23+$0xFFFFFF10];
	[tilespmem:s17+$0xFFFFFF80] =	vst v7;
	v7 =	vmin.f32 v8, $1.900000000e+01;
	v8 =	vmax.f32 v17, $0.0e+00  }
0x667: {  	v11 =	vtrunc.f32 v9;
	v17 =	vld [tilespmem:s23+$0xFFFFFF90];
	[tilespmem:s17+$0x0] =	vst v6;
	v6 =	vmul.f32 $1.899999980e+00, v26;
	v8 =	vmin.f32 v8, $1.900000000e+01  }
0x668: {  	v16 =	vmul.f32 v23, v16;
	v23 =	vtrunc.f32 v7;
	v26 =	vld [tilespmem:s23+$0x10]  }
0x669: {  	v19 =	vmul.f32 v20, v19;
	v20 =	vtrunc.f32 v8;
	v6 =	vadd.f32 $9.500000000e+00, v6;
	v18 =	vld.idx.msk [tilespmem:v18+s19+$0x0], $0xffff  }
0x66a: {  	v12 =	vadd.f32 v16, v12;
	v16 =	vcvt.f32.s32 v11;
	v11 =	vcvt.f32.s32 v23;
	v27 =	vld.idx.msk [tilespmem:v27+s19+$0x0], $0xffff  }
0x66b: {  	v14 =	vmul.f32 v21, v14;
	v23 =	vmul.f32 $1.899999980e+00, v28;
	v6 =	vmax.f32 v6, $0.0e+00;
	v21 =	vld.idx.msk [tilespmem:v24+s20+$0x0], $0xffff  }
0x66c: {  	v17 =	vmul.f32 $1.899999980e+00, v17;
	v28 =	vmin.f32 v6, $1.900000000e+01;
	v22 =	vld.idx.msk [tilespmem:v22+s19+$0x0], $0xffff;
	[tilespmem:s29+$0xF0] =	vst v12;
	v6 =	vcvt.f32.s32 v20  }
0x66d: {  	v12 =	vadd.f32 $9.500000000e+00, v23;
	v20 =	vmul.f32 $1.899999980e+00, v26;
	v23 =	vtrunc.f32 v28;
	v24 =	vld.idx.msk [tilespmem:v24+s19+$0x0], $0xffff  }
0x66e: {  	v17 =	vadd.f32 $9.500000000e+00, v17;
	v23 =	vcvt.f32.s32 v23;
	v26 =	vld.idx.msk [tilespmem:v25+s20+$0x0], $0xffff  }
0x66f: {  	v15 =	vadd.f32 v15, v18;
	v12 =	vmax.f32 v12, $0.0e+00;
	v20 =	vadd.f32 $9.500000000e+00, v20;
	v18 =	vld.idx.msk [tilespmem:v25+s19+$0x0], $0xffff  }
0x670: {  	v19 =	vadd.f32 v19, v27;
	v12 =	vmin.f32 v12, $1.900000000e+01;
	v17 =	vmax.f32 v17, $0.0e+00;
	v25 =	vld [tilespmem:s30+$0xFFFFFF60]  }
0x671: {  	v13 =	vmul.f32 v13, v21;
	v17 =	vmin.f32 v17, $1.900000000e+01;
	v20 =	vmax.f32 v20, $0.0e+00;
	[tilespmem:s31+$0xFFFFFF30] =	vst v15;
	v15 =	vld [tilespmem:s30+$0xFFFFFFE0]  }
0x672: {  	v21 =	vtrunc.f32 v12;
	v27 =	vtrunc.f32 v17;
	v20 =	vmin.f32 v20, $1.900000000e+01;
	v29 =	vld [tilespmem:s1+$0xFFFFFF40];
	[tilespmem:s31+$0xFFFFFFB0] =	vst v19  }
0x673: {  	v19 =	vcvt.f32.s32 v21;
	v13 =	vadd.f32 v13, v24;
	v21 =	vtrunc.f32 v20;
	v30 =	vld [tilespmem:s1+$0xFFFFFFC0]  }
0x674: {  	v14 =	vadd.f32 v14, v22;
	v24 =	vcvt.f32.s32 v27;
	v21 =	vcvt.f32.s32 v21;
	v27 =	vld.idx.msk [tilespmem:v23+s20+$0x0], $0xffff  }
0x675: {  	v10 =	vmul.f32 v10, v26;
	v22 =	vld.idx.msk [tilespmem:v23+s19+$0x0], $0xffff;
	[tilespmem:s31+$0xC0] =	vst v13;
	v13 =	vmul.f32 $1.899999980e+00, v25  }
0x676: {  	[tilespmem:s31+$0x30] =	vst v14;
	v14 =	vld [tilespmem:s1+$0xD0];
	v15 =	vmul.f32 $1.899999980e+00, v15  }
0x677: {  	v10 =	vadd.f32 v10, v18;
	v23 =	vmul.f32 $1.899999980e+00, v29;
	v25 =	vld [tilespmem:s1+$0x40];
	v13 =	vadd.f32 $9.500000000e+00, v13  }
0x678: {  	v18 =	vmul.f32 $1.899999980e+00, v30;
	v15 =	vadd.f32 $9.500000000e+00, v15;
	v26 =	vld.idx.msk [tilespmem:v16+s20+$0x0], $0xffff  }
0x679: {  	v29 =	vld.idx.msk [tilespmem:v19+s20+$0x0], $0xffff;
	v23 =	vadd.f32 $9.500000000e+00, v23;
	v13 =	vmax.f32 v13, $0.0e+00;
	[tilespmem:s29+$0x50] =	vst v10  }
0x67a: {  	v27 =	vmul.f32 v28, v27;
	v30 =	vld.idx.msk [tilespmem:v24+s20+$0x0], $0xffff;
	v18 =	vadd.f32 $9.500000000e+00, v18;
	v15 =	vmax.f32 v15, $0.0e+00  }
0x67b: {  	v10 =	vmin.f32 v13, $1.900000000e+01;
	v28 =	vld.idx.msk [tilespmem:v21+s20+$0x0], $0xffff;
	v23 =	vmax.f32 v23, $0.0e+00;
	v14 =	vmul.f32 $1.899999980e+00, v14  }
0x67c: {  	v13 =	vld.idx.msk [tilespmem:v19+s19+$0x0], $0xffff;
	v19 =	vadd.f32 v27, v22;
	v18 =	vmax.f32 v18, $0.0e+00;
	v22 =	vmul.f32 $1.899999980e+00, v25  }
0x67d: {  	v23 =	vmin.f32 v23, $1.900000000e+01;
	v24 =	vld.idx.msk [tilespmem:v24+s19+$0x0], $0xffff;
	v18 =	vmin.f32 v18, $1.900000000e+01;
	v14 =	vadd.f32 $9.500000000e+00, v14  }
0x67e: {  	v21 =	vld.idx.msk [tilespmem:v21+s19+$0x0], $0xffff;
	[tilespmem:s17+$0x90] =	vst v19;
	v19 =	vtrunc.f32 v23;
	v25 =	vtrunc.f32 v18;
	v22 =	vadd.f32 $9.500000000e+00, v22  }
0x67f: {  	v12 =	vmul.f32 v12, v29;
	v27 =	vld [tilespmem:s23+$0xA0];
	v19 =	vcvt.f32.s32 v19;
	v14 =	vmax.f32 v14, $0.0e+00  }
0x680: {  	v17 =	vmul.f32 v17, v30;
	v22 =	vmax.f32 v22, $0.0e+00;
	v14 =	vmin.f32 v14, $1.900000000e+01;
	v29 =	vld [tilespmem:s30+$0x60]  }
0x681: {  	v20 =	vmul.f32 v20, v28;
	v22 =	vmin.f32 v22, $1.900000000e+01;
	v28 =	vtrunc.f32 v14;
	v30 =	vld.idx.msk [tilespmem:v11+s20+$0x0], $0xffff  }
0x682: {  	v12 =	vadd.f32 v12, v13;
	v13 =	vtrunc.f32 v22;
	v28 =	vcvt.f32.s32 v28;
	v31 =	vld.idx.msk [tilespmem:v6+s20+$0x0], $0xffff  }
0x683: {  	v17 =	vadd.f32 v17, v24;
	v24 =	vcvt.f32.s32 v25;
	v13 =	vcvt.f32.s32 v13;
	v16 =	vld.idx.msk [tilespmem:v16+s19+$0x0], $0xffff  }
0x684: {  	v15 =	vmin.f32 v15, $1.900000000e+01;
	[tilespmem:s17+$0xFFFFFF10] =	vst v12;
	v12 =	vadd.f32 v20, v21;
	v20 =	vmul.f32 $1.899999980e+00, v27;
	v11 =	vld.idx.msk [tilespmem:v11+s19+$0x0], $0xffff  }
0x685: {  	v21 =	vld [tilespmem:s23+$0xFFFFFF20];
	[tilespmem:s17+$0xFFFFFF90] =	vst v17;
	v17 =	vtrunc.f32 v10;
	v25 =	vmul.f32 $1.899999980e+00, v29  }
0x686: {  	v27 =	vld [tilespmem:s23+$0xFFFFFFA0];
	[tilespmem:s17+$0x10] =	vst v12;
	v12 =	vadd.f32 $9.500000000e+00, v20;
	v17 =	vcvt.f32.s32 v17;
	v20 =	vtrunc.f32 v15  }
0x687: {  	v9 =	vmul.f32 v9, v26;
	v29 =	vld [tilespmem:s23+$0x20];
	v32 =	vcvt.f32.s32 v20;
	v20 =	vadd.f32 $9.500000000e+00, v25  }
0x688: {  	v26 =	vmul.f32 v7, v30;
	v7 =	vmul.f32 v8, v31;
	v12 =	vmax.f32 v12, $0.0e+00;
	v25 =	vld.idx.msk [tilespmem:v28+s20+$0x0], $0xffff  }
0x689: {  	v9 =	vadd.f32 v9, v16;
	v8 =	vmin.f32 v12, $1.900000000e+01;
	v12 =	vld.idx.msk [tilespmem:v19+s20+$0x0], $0xffff;
	v20 =	vmax.f32 v20, $0.0e+00  }
0x68a: {  	v16 =	vmul.f32 $1.899999980e+00, v21;
	v21 =	vtrunc.f32 v8;
	v28 =	vld.idx.msk [tilespmem:v28+s19+$0x0], $0xffff;
	v20 =	vmin.f32 v20, $1.900000000e+01  }
0x68b: {  	v27 =	vmul.f32 $1.899999980e+00, v27;
	v21 =	vcvt.f32.s32 v21;
	v30 =	vld.idx.msk [tilespmem:v24+s20+$0x0], $0xffff;
	[tilespmem:s28+$0xFFFFFF70] =	vst v9;
	v9 =	vadd.f32 v26, v11  }
0x68c: {  	v11 =	vadd.f32 $9.500000000e+00, v16;
	v16 =	vmul.f32 $1.899999980e+00, v29;
	v26 =	vld.idx.msk [tilespmem:v13+s20+$0x0], $0xffff;
	v29 =	vtrunc.f32 v20  }
0x68d: {  	v27 =	vadd.f32 $9.500000000e+00, v27;
	v19 =	vld.idx.msk [tilespmem:v19+s19+$0x0], $0xffff;
	v29 =	vcvt.f32.s32 v29;
	[tilespmem:s28+$0xFFFFFFF0] =	vst v9  }
0x68e: {  	v14 =	vmul.f32 v14, v25;
	v9 =	vmax.f32 v11, $0.0e+00;
	v11 =	vadd.f32 $9.500000000e+00, v16;
	v16 =	vld.idx.msk [tilespmem:v24+s19+$0x0], $0xffff  }
0x68f: {  	v12 =	vmul.f32 v23, v12;
	v9 =	vmin.f32 v9, $1.900000000e+01;
	v24 =	vmax.f32 v27, $0.0e+00;
	v13 =	vld.idx.msk [tilespmem:v13+s19+$0x0], $0xffff  }
0x690: {  	v14 =	vadd.f32 v14, v28;
	v23 =	vmin.f32 v24, $1.900000000e+01;
	v11 =	vmax.f32 v11, $0.0e+00;
	v24 =	vld.idx.msk [tilespmem:v17+s20+$0x0], $0xffff  }
0x691: {  	v25 =	vtrunc.f32 v9;
	v27 =	vtrunc.f32 v23;
	v28 =	vmin.f32 v11, $1.900000000e+01;
	v11 =	vld.idx.msk [tilespmem:v21+s20+$0x0], $0xffff  }
0x692: {  	v25 =	vcvt.f32.s32 v25;
	v31 =	vtrunc.f32 v28;
	v21 =	vld.idx.msk [tilespmem:v21+s19+$0x0], $0xffff;
	[tilespmem:s31+$0xD0] =	vst v14  }
0x693: {  	v14 =	vcvt.f32.s32 v27;
	v12 =	vadd.f32 v12, v19;
	v27 =	vcvt.f32.s32 v31;
	v19 =	vld [tilespmem:s1+$0xE0]  }
0x694: {  	v18 =	vmul.f32 v18, v30;
	v22 =	vmul.f32 v22, v26;
	v26 =	vld.idx.msk [tilespmem:v32+s20+$0x0], $0xffff  }
0x695: {  	[tilespmem:s31+$0xFFFFFF40] =	vst v12;
	v12 =	vld.idx.msk [tilespmem:v29+s20+$0x0], $0xffff  }
0x696: {  	v16 =	vadd.f32 v18, v16;
	v13 =	vadd.f32 v22, v13;
	v18 =	vmul.f32 v10, v24;
	v30 =	vld [tilespmem:s1+$0xFFFFFF50]  }
0x697: {  	v8 =	vmul.f32 v8, v11;
	v17 =	vld.idx.msk [tilespmem:v17+s19+$0x0], $0xffff  }
0x698: {  	v22 =	vld.idx.msk [tilespmem:v25+s20+$0x0], $0xffff;
	[tilespmem:s31+$0xFFFFFFC0] =	vst v16;
	v10 =	vmul.f32 $1.899999980e+00, v19  }
0x699: {  	v8 =	vadd.f32 v8, v21;
	v16 =	vld.idx.msk [tilespmem:v14+s20+$0x0], $0xffff;
	[tilespmem:s31+$0x40] =	vst v13  }
0x69a: {  	v11 =	vmul.f32 v15, v26;
	v13 =	vld.idx.msk [tilespmem:v27+s20+$0x0], $0xffff;
	v19 =	vadd.f32 $9.500000000e+00, v10  }
0x69b: {  	v10 =	vmul.f32 v20, v12;
	v15 =	vld.idx.msk [tilespmem:v25+s19+$0x0], $0xffff;
	[tilespmem:s17+$0xA0] =	vst v8;
	v8 =	vmul.f32 $1.899999980e+00, v30  }
0x69c: {  	v21 =	vld [tilespmem:s23+$0xB0];
	v12 =	vmax.f32 v19, $0.0e+00  }
0x69d: {  	v24 =	vld.idx.msk [tilespmem:v14+s19+$0x0], $0xffff;
	v8 =	vadd.f32 $9.500000000e+00, v8;
	v14 =	vmin.f32 v12, $1.900000000e+01;
	v12 =	vadd.f32 v18, v17  }
0x69e: {  	v9 =	vmul.f32 v9, v22;
	v18 =	vld.idx.msk [tilespmem:v27+s19+$0x0], $0xffff;
	v17 =	vtrunc.f32 v14  }
.Ltmp2:
0x69f: {  	v22 =	vmul.f32 v23, v16;
	v8 =	vmax.f32 v8, $0.0e+00;
	v19 =	vld [tilespmem:s1+$0xFFFFFFD0];
	v17 =	vcvt.f32.s32 v17;
	[tilespmem:s29+$0xFFFFFF60] =	vst v12;
	(pc) =	sbr.rel @p0 .LBB2_6-.Ltmp2, $4  }
0x6a0: {  	v20 =	vmul.f32 v28, v13;
	v8 =	vmin.f32 v8, $1.900000000e+01;
	v12 =	vld [tilespmem:s1+$0x50]  }
0x6a1: {  	v9 =	vadd.f32 v9, v15;
	v23 =	vmul.f32 $1.899999980e+00, v21;
	v13 =	vtrunc.f32 v8;
	v16 =	vld.idx.msk [tilespmem:v32+s19+$0x0], $0xffff  }
0x6a2: {  	v13 =	vcvt.f32.s32 v13;
	v15 =	vld.idx.msk [tilespmem:v29+s19+$0x0], $0xffff  }
0x6a3: {  	s23 =	sadd.s32 $0x200, s23;
	v21 =	vadd.f32 v22, v24;
	[tilespmem:s17+$0xFFFFFF20] =	vst v9;
	v22 =	vadd.f32 $9.500000000e+00, v23;
	v9 =	vld [tilespmem:s30+$0xFFFFFF70]  }
0x6a4: {  	_ = 	snop  }
0x6a5: {  	v22 =	vmax.f32 v22, $0.0e+00  }
0x6a6: {  	v22 =	vmin.f32 v22, $1.900000000e+01  }
0x6a7: {  	v23 =	vtrunc.f32 v22  }
0x6a8: {  	v19 =	vmul.f32 $1.899999980e+00, v19;
	v23 =	vcvt.f32.s32 v23  }
0x6a9: {  	v24 =	vld.idx.msk [tilespmem:v17+s20+$0x0], $0xffff  }
0x6aa: {  	v18 =	vadd.f32 v20, v18;
	v20 =	vld [tilespmem:s3+$0xFFFFFF30];
	v19 =	vadd.f32 $9.500000000e+00, v19  }
0x6ab: {  	v17 =	vld.idx.msk [tilespmem:v17+s19+$0x0], $0xffff;
	[tilespmem:s17+$0xFFFFFFA0] =	vst v21  }
0x6ac: {  	[tilespmem:s17+$0x20] =	vst v18;
	v18 =	vld [tilespmem:s3+$0xFFFFFFB0];
	v19 =	vmax.f32 v19, $0.0e+00  }
0x6ad: {  	v21 =	vld [tilespmem:s3+$0x30];
	v19 =	vmin.f32 v19, $1.900000000e+01  }
0x6ae: {  	v14 =	vmul.f32 v14, v24;
	v26 =	vtrunc.f32 v19;
	v25 =	vld.idx.msk [tilespmem:v23+s20+$0x0], $0xffff  }
0x6af: {  	v20 =	vmul.f32 $1.899999980e+00, v20;
	v40 =	vcvt.f32.s32 v26  }
0x6b0: {  	v23 =	vld.idx.msk [tilespmem:v23+s19+$0x0], $0xffff  }
0x6b1: {  	v14 =	vadd.f32 v14, v17;
	v17 =	vmul.f32 $1.899999980e+00, v18;
	v18 =	vadd.f32 $9.500000000e+00, v20  }
0x6b2: {  	v16 =	vadd.f32 v11, v16;
	v10 =	vadd.f32 v10, v15;
	v20 =	vmul.f32 $1.899999980e+00, v21;
	v21 =	vld.idx.msk [tilespmem:v13+s20+$0x0], $0xffff  }
0x6b3: {  	v13 =	vld.idx.msk [tilespmem:v13+s19+$0x0], $0xffff;
	[tilespmem:s31+$0xE0] =	vst v14;
	v17 =	vadd.f32 $9.500000000e+00, v17;
	v15 =	vmax.f32 v18, $0.0e+00;
	v14 =	vmul.f32 v22, v25  }
0x6b4: {  	v11 =	vld [tilespmem:s1+$0xF0];
	v18 =	vadd.f32 $9.500000000e+00, v20;
	v15 =	vmin.f32 v15, $1.900000000e+01  }
0x6b5: {  	[tilespmem:s29+$0xFFFFFFE0] =	vst v16;
	v17 =	vmax.f32 v17, $0.0e+00;
	v20 =	vtrunc.f32 v15;
	v16 =	vld.idx.msk [tilespmem:v40+s20+$0x0], $0xffff;
	v14 =	vadd.f32 v14, v23  }
0x6b6: {  	[tilespmem:s29+$0x60] =	vst v10;
	v17 =	vmin.f32 v17, $1.900000000e+01;
	v18 =	vmax.f32 v18, $0.0e+00;
	v20 =	vcvt.f32.s32 v20;
	v22 =	vld.idx.msk [tilespmem:v40+s19+$0x0], $0xffff  }
0x6b7: {  	v18 =	vmin.f32 v18, $1.900000000e+01;
	v10 =	vld [tilespmem:s30+$0xFFFFFFF0];
	v23 =	vtrunc.f32 v17;
	[tilespmem:s17+$0xB0] =	vst v14  }
0x6b8: {  	v41 =	vtrunc.f32 v18;
	v23 =	vcvt.f32.s32 v23;
	v42 =	vld [tilespmem:s3+$0xC0]  }
0x6b9: {  	v14 =	vcvt.f32.s32 v41;
	_ =	sdelay $0x2  }
0x6ba: {  	v43 =	vld.idx.msk [tilespmem:v20+s20+$0x0], $0xffff  }
0x6bb: {  	v20 =	vld.idx.msk [tilespmem:v20+s19+$0x0], $0xffff;
	v24 =	vmul.f32 $1.899999980e+00, v42  }
0x6bc: {  	v44 =	vld.idx.msk [tilespmem:v23+s20+$0x0], $0xffff  }
0x6bd: {  	v27 =	vld.idx.msk [tilespmem:v14+s20+$0x0], $0xffff;
	v24 =	vadd.f32 $9.500000000e+00, v24  }
0x6be: {  	v23 =	vld.idx.msk [tilespmem:v23+s19+$0x0], $0xffff  }
0x6bf: {  	v15 =	vmul.f32 v15, v43;
	v14 =	vld.idx.msk [tilespmem:v14+s19+$0x0], $0xffff;
	v24 =	vmax.f32 v24, $0.0e+00  }
0x6c0: {  	v24 =	vmin.f32 v24, $1.900000000e+01  }
0x6c1: {  	v15 =	vadd.f32 v15, v20;
	v17 =	vmul.f32 v17, v44;
	v45 =	vtrunc.f32 v24  }
0x6c2: {  	v18 =	vmul.f32 v18, v27;
	v20 =	vcvt.f32.s32 v45  }
0x6c3: {  	[tilespmem:s0+$0xFFFFFF30] =	vst v15;
	v17 =	vadd.f32 v17, v23  }
0x6c4: {  	v15 =	vld [tilespmem:s3+$0xFFFFFF40];
	v14 =	vadd.f32 v18, v14  }
0x6c5: {  	[tilespmem:s0+$0xFFFFFFB0] =	vst v17  }
0x6c6: {  	v17 =	vld [tilespmem:s3+$0xFFFFFFC0];
	[tilespmem:s0+$0x30] =	vst v14  }
0x6c7: {  	v14 =	vld [tilespmem:s3+$0x40]  }
0x6c8: {  	v18 =	vld.idx.msk [tilespmem:v20+s20+$0x0], $0xffff  }
0x6c9: {  	v15 =	vmul.f32 $1.899999980e+00, v15  }
0x6ca: {  	v20 =	vld.idx.msk [tilespmem:v20+s19+$0x0], $0xffff  }
0x6cb: {  	v15 =	vadd.f32 $9.500000000e+00, v15;
	v17 =	vmul.f32 $1.899999980e+00, v17  }
0x6cc: {  	v14 =	vmul.f32 $1.899999980e+00, v14  }
0x6cd: {  	v15 =	vmax.f32 v15, $0.0e+00;
	v17 =	vadd.f32 $9.500000000e+00, v17;
	v18 =	vmul.f32 v24, v18  }
0x6ce: {  	v15 =	vmin.f32 v15, $1.900000000e+01;
	v14 =	vadd.f32 $9.500000000e+00, v14  }
0x6cf: {  	v17 =	vmax.f32 v17, $0.0e+00;
	v18 =	vadd.f32 v18, v20;
	v20 =	vtrunc.f32 v15  }
0x6d0: {  	v17 =	vmin.f32 v17, $1.900000000e+01;
	v14 =	vmax.f32 v14, $0.0e+00;
	v20 =	vcvt.f32.s32 v20  }
0x6d1: {  	v12 =	vmul.f32 $1.899999980e+00, v12;
	v23 =	vtrunc.f32 v17;
	v14 =	vmin.f32 v14, $1.900000000e+01;
	[tilespmem:s0+$0xC0] =	vst v18  }
0x6d2: {  	v46 =	vtrunc.f32 v14;
	v18 =	vcvt.f32.s32 v23;
	v23 =	vld [tilespmem:s3+$0xD0]  }
0x6d3: {  	v24 =	vcvt.f32.s32 v46  }
0x6d4: {  	v12 =	vadd.f32 $9.500000000e+00, v12;
	_ =	sdelay $0x1  }
0x6d5: {  	v12 =	vmax.f32 v12, $0.0e+00;
	v47 =	vld.idx.msk [tilespmem:v20+s20+$0x0], $0xffff  }
0x6d6: {  	v12 =	vmin.f32 v12, $1.900000000e+01;
	v20 =	vld.idx.msk [tilespmem:v20+s19+$0x0], $0xffff;
	v23 =	vmul.f32 $1.899999980e+00, v23  }
0x6d7: {  	v49 =	vtrunc.f32 v12;
	v48 =	vld.idx.msk [tilespmem:v18+s20+$0x0], $0xffff  }
0x6d8: {  	v27 =	vcvt.f32.s32 v49;
	v28 =	vld.idx.msk [tilespmem:v24+s20+$0x0], $0xffff;
	v23 =	vadd.f32 $9.500000000e+00, v23  }
0x6d9: {  	v18 =	vld.idx.msk [tilespmem:v18+s19+$0x0], $0xffff  }
0x6da: {  	v24 =	vld.idx.msk [tilespmem:v24+s19+$0x0], $0xffff;
	v23 =	vmax.f32 v23, $0.0e+00;
	v15 =	vmul.f32 v15, v47  }
0x6db: {  	v23 =	vmin.f32 v23, $1.900000000e+01  }
0x6dc: {  	v17 =	vmul.f32 v17, v48;
	v50 =	vtrunc.f32 v23;
	v15 =	vadd.f32 v15, v20  }
0x6dd: {  	v14 =	vmul.f32 v14, v28;
	v20 =	vcvt.f32.s32 v50  }
0x6de: {  	v51 =	vld.idx.msk [tilespmem:v27+s20+$0x0], $0xffff;
	[tilespmem:s0+$0xFFFFFF40] =	vst v15;
	v15 =	vadd.f32 v17, v18  }
0x6df: {  	v8 =	vmul.f32 v8, v21;
	v14 =	vadd.f32 v14, v24;
	v17 =	vld [tilespmem:s3+$0xFFFFFF50]  }
0x6e0: {  	v18 =	vld.idx.msk [tilespmem:v27+s19+$0x0], $0xffff;
	[tilespmem:s0+$0xFFFFFFC0] =	vst v15  }
0x6e1: {  	v8 =	vadd.f32 v8, v13;
	[tilespmem:s0+$0x40] =	vst v14;
	v13 =	vld [tilespmem:s3+$0xFFFFFFD0]  }
0x6e2: {  	v14 =	vmul.f32 v19, v16;
	v15 =	vld [tilespmem:s3+$0x50]  }
0x6e3: {  	[tilespmem:s31+$0xFFFFFF50] =	vst v8;
	v8 =	vld.idx.msk [tilespmem:v20+s20+$0x0], $0xffff  }
0x6e4: {  	v12 =	vmul.f32 v12, v51;
	v16 =	vld [tilespmem:s1+$0xFFFFFF60];
	v14 =	vadd.f32 v14, v22;
	v17 =	vmul.f32 $1.899999980e+00, v17  }
0x6e5: {  	v19 =	vld.idx.msk [tilespmem:v20+s19+$0x0], $0xffff  }
0x6e6: {  	[tilespmem:s31+$0xFFFFFFD0] =	vst v14;
	v12 =	vadd.f32 v12, v18;
	v14 =	vadd.f32 $9.500000000e+00, v17;
	v13 =	vmul.f32 $1.899999980e+00, v13  }
0x6e7: {  	v15 =	vmul.f32 $1.899999980e+00, v15  }
0x6e8: {  	[tilespmem:s31+$0x50] =	vst v12;
	v8 =	vmul.f32 v23, v8;
	v12 =	vmax.f32 v14, $0.0e+00;
	v13 =	vadd.f32 $9.500000000e+00, v13  }
0x6e9: {  	v17 =	vld [tilespmem:s1+$0xFFFFFFE0];
	v15 =	vadd.f32 $9.500000000e+00, v15;
	v14 =	vmul.f32 $1.899999980e+00, v16;
	v12 =	vmin.f32 v12, $1.900000000e+01  }
0x6ea: {  	v8 =	vadd.f32 v8, v19;
	v18 =	vtrunc.f32 v12;
	v13 =	vmax.f32 v13, $0.0e+00  }
0x6eb: {  	v16 =	vld [tilespmem:s1+$0x60];
	v15 =	vmax.f32 v15, $0.0e+00;
	v18 =	vcvt.f32.s32 v18;
	v13 =	vmin.f32 v13, $1.900000000e+01  }
0x6ec: {  	v15 =	vmin.f32 v15, $1.900000000e+01;
	[tilespmem:s0+$0xD0] =	vst v8;
	v8 =	vtrunc.f32 v13  }
0x6ed: {  	v20 =	vtrunc.f32 v15;
	v8 =	vcvt.f32.s32 v8  }
0x6ee: {  	v17 =	vmul.f32 $1.899999980e+00, v17;
	v20 =	vcvt.f32.s32 v20;
	v19 =	vld [tilespmem:s3+$0xE0]  }
0x6ef: {  	v14 =	vadd.f32 $9.500000000e+00, v14  }
0x6f0: {  	v17 =	vadd.f32 $9.500000000e+00, v17;
	v16 =	vmul.f32 $1.899999980e+00, v16  }
0x6f1: {  	v14 =	vmax.f32 v14, $0.0e+00;
	v21 =	vld.idx.msk [tilespmem:v18+s20+$0x0], $0xffff  }
0x6f2: {  	v14 =	vmin.f32 v14, $1.900000000e+01;
	v17 =	vmax.f32 v17, $0.0e+00;
	v16 =	vadd.f32 $9.500000000e+00, v16;
	v18 =	vld.idx.msk [tilespmem:v18+s19+$0x0], $0xffff  }
0x6f3: {  	v22 =	vtrunc.f32 v14;
	v17 =	vmin.f32 v17, $1.900000000e+01;
	v19 =	vmul.f32 $1.899999980e+00, v19;
	v52 =	vld.idx.msk [tilespmem:v8+s20+$0x0], $0xffff  }
0x6f4: {  	v22 =	vcvt.f32.s32 v22;
	v16 =	vmax.f32 v16, $0.0e+00;
	v23 =	vtrunc.f32 v17;
	v54 =	vld.idx.msk [tilespmem:v20+s20+$0x0], $0xffff  }
0x6f5: {  	v16 =	vmin.f32 v16, $1.900000000e+01;
	v23 =	vcvt.f32.s32 v23;
	v8 =	vld.idx.msk [tilespmem:v8+s19+$0x0], $0xffff;
	v19 =	vadd.f32 $9.500000000e+00, v19  }
0x6f6: {  	v53 =	vtrunc.f32 v16  }
0x6f7: {  	v20 =	vld.idx.msk [tilespmem:v20+s19+$0x0], $0xffff;
	v25 =	vcvt.f32.s32 v53;
	v19 =	vmax.f32 v19, $0.0e+00;
	v12 =	vmul.f32 v12, v21  }
0x6f8: {  	v19 =	vmin.f32 v19, $1.900000000e+01;
	v13 =	vmul.f32 v13, v52  }
0x6f9: {  	v21 =	vtrunc.f32 v19;
	v12 =	vadd.f32 v12, v18  }
0x6fa: {  	v55 =	vld.idx.msk [tilespmem:v22+s20+$0x0], $0xffff;
	v15 =	vmul.f32 v15, v54;
	v21 =	vcvt.f32.s32 v21;
	v8 =	vadd.f32 v13, v8  }
0x6fb: {  	v18 =	vld.idx.msk [tilespmem:v23+s20+$0x0], $0xffff;
	[tilespmem:s0+$0xFFFFFF50] =	vst v12  }
0x6fc: {  	v12 =	vadd.f32 v15, v20;
	[tilespmem:s0+$0xFFFFFFD0] =	vst v8;
	v8 =	vld [tilespmem:s3+$0xFFFFFF60]  }
0x6fd: {  	v13 =	vld.idx.msk [tilespmem:v25+s20+$0x0], $0xffff  }
0x6fe: {  	[tilespmem:s0+$0x50] =	vst v12;
	v15 =	vld [tilespmem:s3+$0xFFFFFFE0]  }
0x6ff: {  	v12 =	vld [tilespmem:s3+$0x60]  }
0x700: {  	v20 =	vld.idx.msk [tilespmem:v21+s20+$0x0], $0xffff  }
0x701: {  	v22 =	vld.idx.msk [tilespmem:v22+s19+$0x0], $0xffff;
	v8 =	vmul.f32 $1.899999980e+00, v8  }
0x702: {  	v10 =	vmul.f32 $1.899999980e+00, v10;
	v14 =	vmul.f32 v14, v55;
	v21 =	vld.idx.msk [tilespmem:v21+s19+$0x0], $0xffff  }
0x703: {  	v17 =	vmul.f32 v17, v18;
	v15 =	vmul.f32 $1.899999980e+00, v15;
	v8 =	vadd.f32 $9.500000000e+00, v8  }
0x704: {  	v13 =	vmul.f32 v16, v13;
	v16 =	vld.idx.msk [tilespmem:v23+s19+$0x0], $0xffff;
	v12 =	vmul.f32 $1.899999980e+00, v12  }
0x705: {  	v18 =	vmul.f32 v19, v20;
	v15 =	vadd.f32 $9.500000000e+00, v15;
	v19 =	vld.idx.msk [tilespmem:v25+s19+$0x0], $0xffff;
	v8 =	vmax.f32 v8, $0.0e+00  }
0x706: {  	v14 =	vadd.f32 v14, v22;
	v12 =	vadd.f32 $9.500000000e+00, v12;
	v8 =	vmin.f32 v8, $1.900000000e+01  }
0x707: {  	v18 =	vadd.f32 v18, v21;
	v15 =	vmax.f32 v15, $0.0e+00;
	v21 =	vtrunc.f32 v8  }
0x708: {  	v12 =	vmax.f32 v12, $0.0e+00;
	v15 =	vmin.f32 v15, $1.900000000e+01;
	v21 =	vcvt.f32.s32 v21  }
0x709: {  	[tilespmem:s31+$0xFFFFFF60] =	vst v14;
	v14 =	vadd.f32 v17, v16;
	v12 =	vmin.f32 v12, $1.900000000e+01;
	v22 =	vtrunc.f32 v15  }
0x70a: {  	v20 =	vld [tilespmem:s30+$0x70];
	v17 =	vtrunc.f32 v12;
	[tilespmem:s0+$0xE0] =	vst v18;
	v16 =	vcvt.f32.s32 v22;
	v13 =	vadd.f32 v13, v19  }
0x70b: {  	[tilespmem:s31+$0xFFFFFFE0] =	vst v14;
	v17 =	vcvt.f32.s32 v17;
	v14 =	vld [tilespmem:s3+$0xF0]  }
0x70c: {  	v9 =	vmul.f32 $1.899999980e+00, v9;
	v10 =	vadd.f32 $9.500000000e+00, v10;
	[tilespmem:s31+$0x60] =	vst v13;
	v13 =	vld [tilespmem:s1+$0xFFFFFFF0]  }
0x70d: {  	v11 =	vmul.f32 $1.899999980e+00, v11;
	v19 =	vld [tilespmem:s1+$0x70]  }
0x70e: {  	v9 =	vadd.f32 $9.500000000e+00, v9;
	v10 =	vmax.f32 v10, $0.0e+00;
	v23 =	vld.idx.msk [tilespmem:v21+s20+$0x0], $0xffff  }
0x70f: {  	v11 =	vadd.f32 $9.500000000e+00, v11;
	v10 =	vmin.f32 v10, $1.900000000e+01;
	v21 =	vld.idx.msk [tilespmem:v21+s19+$0x0], $0xffff  }
0x710: {  	v9 =	vmax.f32 v9, $0.0e+00;
	v59 =	vtrunc.f32 v10;
	v18 =	vmul.f32 $1.899999980e+00, v20;
	v56 =	vld.idx.msk [tilespmem:v16+s20+$0x0], $0xffff  }
0x711: {  	v9 =	vmin.f32 v9, $1.900000000e+01;
	v11 =	vmax.f32 v11, $0.0e+00;
	v27 =	vcvt.f32.s32 v59;
	v57 =	vld.idx.msk [tilespmem:v17+s20+$0x0], $0xffff  }
0x712: {  	v58 =	vtrunc.f32 v9;
	v11 =	vmin.f32 v11, $1.900000000e+01;
	v18 =	vadd.f32 $9.500000000e+00, v18;
	v16 =	vld.idx.msk [tilespmem:v16+s19+$0x0], $0xffff  }
0x713: {  	v20 =	vtrunc.f32 v11;
	v17 =	vld.idx.msk [tilespmem:v17+s19+$0x0], $0xffff;
	v8 =	vmul.f32 v8, v23  }
0x714: {  	v26 =	vcvt.f32.s32 v58;
	v22 =	vld [tilespmem:s1+$0xFFFFFF70];
	v20 =	vcvt.f32.s32 v20;
	v18 =	vmax.f32 v18, $0.0e+00  }
0x715: {  	v13 =	vmul.f32 $1.899999980e+00, v13;
	v15 =	vmul.f32 v15, v56;
	v8 =	vadd.f32 v8, v21  }
0x716: {  	v6 =	vld.idx.msk [tilespmem:v6+s19+$0x0], $0xffff;
	v18 =	vmin.f32 v18, $1.900000000e+01;
	v14 =	vmul.f32 $1.899999980e+00, v14;
	v12 =	vmul.f32 v12, v57  }
0x717: {  	v63 =	vld.idx.msk [tilespmem:v27+s20+$0x0], $0xffff;
	v19 =	vmul.f32 $1.899999980e+00, v19;
	v13 =	vadd.f32 $9.500000000e+00, v13;
	v15 =	vadd.f32 v15, v16;
	[tilespmem:s0+$0xFFFFFF60] =	vst v8  }
0x718: {  	v60 =	vtrunc.f32 v18;
	v14 =	vadd.f32 $9.500000000e+00, v14;
	v8 =	vadd.f32 v12, v17;
	v17 =	vld [tilespmem:s3+$0xFFFFFF70]  }
0x719: {  	v27 =	vld.idx.msk [tilespmem:v27+s19+$0x0], $0xffff;
	v19 =	vadd.f32 $9.500000000e+00, v19;
	v13 =	vmax.f32 v13, $0.0e+00;
	v21 =	vmul.f32 $1.899999980e+00, v22;
	[tilespmem:s0+$0xFFFFFFE0] =	vst v15  }
0x71a: {  	v14 =	vmax.f32 v14, $0.0e+00;
	v23 =	vcvt.f32.s32 v60;
	v13 =	vmin.f32 v13, $1.900000000e+01;
	[tilespmem:s0+$0x60] =	vst v8;
	v8 =	vld [tilespmem:s3+$0xFFFFFFF0]  }
0x71b: {  	v19 =	vmax.f32 v19, $0.0e+00;
	v62 =	vtrunc.f32 v13;
	v12 =	vadd.f32 $9.500000000e+00, v21;
	v21 =	vld [tilespmem:s3+$0x70]  }
0x71c: {  	v14 =	vmin.f32 v14, $1.900000000e+01;
	v22 =	vld.idx.msk [tilespmem:v26+s20+$0x0], $0xffff;
	v19 =	vmin.f32 v19, $1.900000000e+01;
	v25 =	vcvt.f32.s32 v62  }
0x71d: {  	v26 =	vld.idx.msk [tilespmem:v26+s19+$0x0], $0xffff;
	v29 =	vtrunc.f32 v19;
	v12 =	vmax.f32 v12, $0.0e+00;
	v17 =	vmul.f32 $1.899999980e+00, v17  }
0x71e: {  	v16 =	vld.idx.msk [tilespmem:v20+s20+$0x0], $0xffff;
	v15 =	vtrunc.f32 v14;
	v29 =	vcvt.f32.s32 v29;
	v12 =	vmin.f32 v12, $1.900000000e+01  }
0x71f: {  	v20 =	vld.idx.msk [tilespmem:v20+s19+$0x0], $0xffff;
	v61 =	vtrunc.f32 v12;
	v8 =	vmul.f32 $1.899999980e+00, v8;
	v17 =	vadd.f32 $9.500000000e+00, v17  }
0x720: {  	v6 =	vadd.f32 v7, v6;
	v30 =	vld.idx.msk [tilespmem:v23+s20+$0x0], $0xffff;
	v24 =	vcvt.f32.s32 v61;
	v21 =	vmul.f32 $1.899999980e+00, v21  }
0x721: {  	v15 =	vcvt.f32.s32 v15;
	v23 =	vld.idx.msk [tilespmem:v23+s19+$0x0], $0xffff;
	v8 =	vadd.f32 $9.500000000e+00, v8;
	v17 =	vmax.f32 v17, $0.0e+00  }
0x722: {  	v10 =	vmul.f32 v10, v63;
	v35 =	vld.idx.msk [tilespmem:v25+s20+$0x0], $0xffff;
	v21 =	vadd.f32 $9.500000000e+00, v21;
	v17 =	vmin.f32 v17, $1.900000000e+01  }
0x723: {  	v11 =	vmul.f32 v11, v16;
	v16 =	vld.idx.msk [tilespmem:v25+s19+$0x0], $0xffff;
	v8 =	vmax.f32 v8, $0.0e+00;
	v32 =	vtrunc.f32 v17  }
0x724: {  	v37 =	vld.idx.msk [tilespmem:v29+s20+$0x0], $0xffff;
	v8 =	vmin.f32 v8, $1.900000000e+01;
	v21 =	vmax.f32 v21, $0.0e+00;
	v32 =	vcvt.f32.s32 v32  }
0x725: {  	v7 =	vmul.f32 v9, v22;
	v9 =	vld.idx.msk [tilespmem:v29+s19+$0x0], $0xffff;
	v21 =	vmin.f32 v21, $1.900000000e+01;
	v34 =	vtrunc.f32 v8  }
0x726: {  	v33 =	vld.idx.msk [tilespmem:v24+s20+$0x0], $0xffff;
	v36 =	vtrunc.f32 v21;
	v34 =	vcvt.f32.s32 v34  }
0x727: {  	v31 =	vld.idx.msk [tilespmem:v15+s20+$0x0], $0xffff;
	v36 =	vcvt.f32.s32 v36  }
0x728: {  	v10 =	vadd.f32 v10, v27;
	v15 =	vld.idx.msk [tilespmem:v15+s19+$0x0], $0xffff  }
0x729: {  	[tilespmem:s28+$0x70] =	vst v6;
	v7 =	vadd.f32 v7, v26;
	v6 =	vmul.f32 v18, v30;
	v24 =	vld.idx.msk [tilespmem:v24+s19+$0x0], $0xffff  }
0x72a: {  	[tilespmem:s29+$0xFFFFFFF0] =	vst v10;
	v11 =	vadd.f32 v11, v20;
	v20 =	vld.idx.msk [tilespmem:v32+s20+$0x0], $0xffff  }
0x72b: {  	[tilespmem:s29+$0xFFFFFF70] =	vst v7;
	v6 =	vadd.f32 v6, v23;
	v7 =	vmul.f32 v12, v33;
	v12 =	vld.idx.msk [tilespmem:v32+s19+$0x0], $0xffff  }
0x72c: {  	[tilespmem:s31+$0xF0] =	vst v11;
	v11 =	vmul.f32 v14, v31;
	v18 =	vld.idx.msk [tilespmem:v34+s20+$0x0], $0xffff  }
0x72d: {  	[tilespmem:s29+$0x70] =	vst v6;
	v14 =	vld.idx.msk [tilespmem:v36+s20+$0x0], $0xffff  }
0x72e: {  	v6 =	vmul.f32 v19, v37;
	v10 =	vadd.f32 v11, v15;
	v11 =	vmul.f32 v13, v35;
	v13 =	vld.idx.msk [tilespmem:v34+s19+$0x0], $0xffff  }
0x72f: {  	v7 =	vadd.f32 v7, v24;
	v15 =	vld.idx.msk [tilespmem:v36+s19+$0x0], $0xffff  }
0x730: {  	v6 =	vadd.f32 v6, v9;
	[tilespmem:s0+$0xF0] =	vst v10;
	v10 =	vadd.f32 v11, v16;
	v11 =	vmul.f32 v17, v20  }
0x731: {  	[tilespmem:s31+$0xFFFFFF70] =	vst v7;
	v7 =	vmul.f32 v8, v18  }
0x732: {  	[tilespmem:s31+$0x70] =	vst v6;
	v8 =	vmul.f32 v21, v14;
	v9 =	vadd.f32 v11, v12  }
0x733: {  	[tilespmem:s31+$0xFFFFFFF0] =	vst v10;
	v6 =	vadd.f32 v7, v13  }
0x734: {  	[tilespmem:s0+$0xFFFFFF70] =	vst v9;
	v7 =	vadd.f32 v8, v15  }
0x735: {  	[tilespmem:s0+$0xFFFFFFF0] =	vst v6  }
0x736: {  	s21 =	simm.s32 $0xC800;
	[tilespmem:s0+$0x70] =	vst v7  }
0x737: {  	[hbm4b:s10+s13] =	stream.strided.scatter [tilespmem:s21], [sflag:$0x3], $0x6400, s14, s13, $0x38;
	[tilespmem:$0x19180] =	vst v63  }
0x738: {  	_ =	swait.ge [sflag:s22], $0x6400  }
0x739: {  	[sflag:s22] =	ssyncset.done $0x0  }
0x73a: {  	[sflag:s22] =	ssyncadd.s32 $0xFFFF9C00  }
0x73b: {  	_ =	swait.ge [sflag:s25], $0x6400  }
0x73c: {  	[sflag:s25] =	ssyncset.done $0x0  }
0x73d: {  	s23 =	simm.s32 $0x6500;
	[sflag:s25] =	ssyncadd.s32 $0xFFFF9C00  }
0x73e: {  	v6 =	vld [tilespmem:s23+$0x80];
	_ =	sdelay $0x4  }
0x73f: {  	v6 =	vmul.f32 $1.899999980e+00, v6;
	_ =	sdelay $0x1  }
0x740: {  	v6 =	vadd.f32 $9.500000000e+00, v6;
	_ =	sdelay $0x1  }
0x741: {  	v6 =	vmax.f32 v6, $0.0e+00  }
0x742: {  	v6 =	vmin.f32 v6, $1.900000000e+01  }
0x743: {  	v7 =	vtrunc.f32 v6  }
0x744: {  	v7 =	vcvt.f32.s32 v7;
	_ =	sdelay $0x5  }
0x745: {  	v8 =	vld.idx.msk [tilespmem:v7+s20+$0x0], $0xffff;
	_ =	sdelay $0x1  }
0x746: {  	v7 =	vld.idx.msk [tilespmem:v7+s19+$0x0], $0xffff;
	_ =	sdelay $0x2  }
0x747: {  	v9 =	vld [tilespmem:s23+$0xFFFFFF00];
	v6 =	vmul.f32 v6, v8  }
0x748: {  	v8 =	vld [tilespmem:s23+$0xFFFFFF80]  }
0x749: {  	v6 =	vadd.f32 v6, v7  }
0x74a: {  	s28 =	simm.s32 $0x12D00  }
0x74b: {  	[tilespmem:s28+$0x80] =	vst v6  }
0x74c: {  	v6 =	vld [tilespmem:s23+$0x90]  }
0x74d: {  	v9 =	vmul.f32 $1.899999980e+00, v9;
	v8 =	vmul.f32 $1.899999980e+00, v8;
	_ =	sdelay $0x1  }
0x74e: {  	v9 =	vadd.f32 $9.500000000e+00, v9;
	v7 =	vld [tilespmem:s23+$0x0];
	v8 =	vadd.f32 $9.500000000e+00, v8;
	_ =	sdelay $0x1  }
0x74f: {  	v9 =	vmax.f32 v9, $0.0e+00;
	v8 =	vmax.f32 v8, $0.0e+00;
	v6 =	vmul.f32 $1.899999980e+00, v6  }
0x750: {  	v9 =	vmin.f32 v9, $1.900000000e+01;
	v8 =	vmin.f32 v8, $1.900000000e+01  }
0x751: {  	v11 =	vtrunc.f32 v9;
	v10 =	vtrunc.f32 v8;
	v6 =	vadd.f32 $9.500000000e+00, v6  }
0x752: {  	v7 =	vmul.f32 $1.899999980e+00, v7;
	v10 =	vcvt.f32.s32 v10  }
0x753: {  	v11 =	vcvt.f32.s32 v11;
	v6 =	vmax.f32 v6, $0.0e+00  }
0x754: {  	v7 =	vadd.f32 $9.500000000e+00, v7;
	v6 =	vmin.f32 v6, $1.900000000e+01  }
0x755: {  	v12 =	vtrunc.f32 v6  }
0x756: {  	v7 =	vmax.f32 v7, $0.0e+00;
	v12 =	vcvt.f32.s32 v12  }
0x757: {  	v7 =	vmin.f32 v7, $1.900000000e+01  }
0x758: {  	v13 =	vtrunc.f32 v7;
	v14 =	vld.idx.msk [tilespmem:v10+s20+$0x0], $0xffff  }
0x759: {  	v15 =	vld.idx.msk [tilespmem:v11+s20+$0x0], $0xffff;
	v13 =	vcvt.f32.s32 v13  }
0x75a: {  	v10 =	vld.idx.msk [tilespmem:v10+s19+$0x0], $0xffff  }
0x75b: {  	v11 =	vld.idx.msk [tilespmem:v11+s19+$0x0], $0xffff  }
0x75c: {  	v16 =	vld.idx.msk [tilespmem:v12+s20+$0x0], $0xffff  }
0x75d: {  	v8 =	vmul.f32 v8, v14  }
0x75e: {  	v12 =	vld.idx.msk [tilespmem:v12+s19+$0x0], $0xffff  }
0x75f: {  	v9 =	vmul.f32 v9, v15;
	v15 =	vld.idx.msk [tilespmem:v13+s20+$0x0], $0xffff;
	v8 =	vadd.f32 v8, v10;
	_ =	sdelay $0x1  }
0x760: {  	v9 =	vadd.f32 v9, v11;
	v11 =	vld.idx.msk [tilespmem:v13+s19+$0x0], $0xffff;
	[tilespmem:s28+$0xFFFFFF80] =	vst v8;
	v6 =	vmul.f32 v6, v16  }
0x761: {  	v8 =	vld [tilespmem:s23+$0xFFFFFF90]  }
0x762: {  	[tilespmem:s28+$0xFFFFFF00] =	vst v9;
	v6 =	vadd.f32 v6, v12  }
0x763: {  	v9 =	vld [tilespmem:s23+$0xFFFFFF10];
	v7 =	vmul.f32 v7, v15  }
0x764: {  	[tilespmem:s28+$0x90] =	vst v6  }
0x765: {  	v6 =	vadd.f32 v7, v11;
	v7 =	vld [tilespmem:s23+$0xA0]  }
0x766: {  	v8 =	vmul.f32 $1.899999980e+00, v8  }
0x767: {  	[tilespmem:s28+$0x0] =	vst v6  }
0x768: {  	v6 =	vmul.f32 $1.899999980e+00, v9;
	v9 =	vld [tilespmem:s23+$0x10];
	v8 =	vadd.f32 $9.500000000e+00, v8;
	_ =	sdelay $0x1  }
0x769: {  	v6 =	vadd.f32 $9.500000000e+00, v6;
	v8 =	vmax.f32 v8, $0.0e+00;
	v7 =	vmul.f32 $1.899999980e+00, v7  }
0x76a: {  	v8 =	vmin.f32 v8, $1.900000000e+01  }
0x76b: {  	v6 =	vmax.f32 v6, $0.0e+00;
	v11 =	vtrunc.f32 v8;
	v7 =	vadd.f32 $9.500000000e+00, v7  }
0x76c: {  	v6 =	vmin.f32 v6, $1.900000000e+01;
	v9 =	vmul.f32 $1.899999980e+00, v9;
	v11 =	vcvt.f32.s32 v11  }
0x76d: {  	v10 =	vtrunc.f32 v6;
	v7 =	vmax.f32 v7, $0.0e+00  }
0x76e: {  	v10 =	vcvt.f32.s32 v10;
	v9 =	vadd.f32 $9.500000000e+00, v9;
	v7 =	vmin.f32 v7, $1.900000000e+01  }
0x76f: {  	v12 =	vtrunc.f32 v7  }
0x770: {  	v9 =	vmax.f32 v9, $0.0e+00;
	v12 =	vcvt.f32.s32 v12  }
0x771: {  	v9 =	vmin.f32 v9, $1.900000000e+01  }
0x772: {  	v13 =	vtrunc.f32 v9;
	v15 =	vld.idx.msk [tilespmem:v11+s20+$0x0], $0xffff  }
0x773: {  	v11 =	vld.idx.msk [tilespmem:v11+s19+$0x0], $0xffff;
	v13 =	vcvt.f32.s32 v13  }
0x774: {  	v14 =	vld.idx.msk [tilespmem:v10+s20+$0x0], $0xffff  }
0x775: {  	v10 =	vld.idx.msk [tilespmem:v10+s19+$0x0], $0xffff  }
0x776: {  	v16 =	vld.idx.msk [tilespmem:v12+s20+$0x0], $0xffff;
	_ =	sdelay $0x1  }
0x777: {  	v12 =	vld.idx.msk [tilespmem:v12+s19+$0x0], $0xffff;
	v8 =	vmul.f32 v8, v15  }
0x778: {  	v6 =	vmul.f32 v6, v14;
	v17 =	vld.idx.msk [tilespmem:v13+s20+$0x0], $0xffff  }
0x779: {  	v8 =	vadd.f32 v8, v11  }
0x77a: {  	v13 =	vld.idx.msk [tilespmem:v13+s19+$0x0], $0xffff;
	v6 =	vadd.f32 v6, v10;
	v7 =	vmul.f32 v7, v16  }
0x77b: {  	[tilespmem:s28+$0xFFFFFF90] =	vst v8  }
0x77c: {  	[tilespmem:s28+$0xFFFFFF10] =	vst v6;
	v8 =	vld [tilespmem:s23+$0xFFFFFFA0];
	v6 =	vadd.f32 v7, v12  }
0x77d: {  	v7 =	vmul.f32 v9, v17  }
0x77e: {  	v9 =	vld [tilespmem:s23+$0xFFFFFF20];
	[tilespmem:s28+$0xA0] =	vst v6  }
0x77f: {  	v6 =	vadd.f32 v7, v13;
	v7 =	vld [tilespmem:s23+$0xB0];
	_ =	sdelay $0x1  }
0x780: {  	v8 =	vmul.f32 $1.899999980e+00, v8  }
0x781: {  	[tilespmem:s28+$0x10] =	vst v6  }
0x782: {  	v6 =	vld [tilespmem:s23+$0x20];
	v9 =	vmul.f32 $1.899999980e+00, v9;
	v8 =	vadd.f32 $9.500000000e+00, v8  }
0x783: {  	v7 =	vmul.f32 $1.899999980e+00, v7  }
0x784: {  	s30 =	simm.s32 $0x6700;
	v9 =	vadd.f32 $9.500000000e+00, v9;
	v8 =	vmax.f32 v8, $0.0e+00  }
0x785: {  	v11 =	vld [tilespmem:s30+$0x80];
	v8 =	vmin.f32 v8, $1.900000000e+01;
	v7 =	vadd.f32 $9.500000000e+00, v7  }
0x786: {  	v9 =	vmax.f32 v9, $0.0e+00;
	v12 =	vtrunc.f32 v8  }
0x787: {  	v6 =	vmul.f32 $1.899999980e+00, v6;
	v9 =	vmin.f32 v9, $1.900000000e+01;
	v7 =	vmax.f32 v7, $0.0e+00  }
0x788: {  	v12 =	vcvt.f32.s32 v12;
	v10 =	vtrunc.f32 v9;
	v7 =	vmin.f32 v7, $1.900000000e+01  }
0x789: {  	v10 =	vcvt.f32.s32 v10;
	v13 =	vtrunc.f32 v7  }
0x78a: {  	v15 =	vld [tilespmem:s30+$0x0];
	v11 =	vmul.f32 $1.899999980e+00, v11;
	v13 =	vcvt.f32.s32 v13  }
0x78b: {  	v6 =	vadd.f32 $9.500000000e+00, v6  }
0x78c: {  	v14 =	vld [tilespmem:s30+$0xFFFFFF80];
	v11 =	vadd.f32 $9.500000000e+00, v11  }
0x78d: {  	v16 =	vld [tilespmem:s30+$0xFFFFFF00];
	v6 =	vmax.f32 v6, $0.0e+00  }
0x78e: {  	v11 =	vmax.f32 v11, $0.0e+00;
	v6 =	vmin.f32 v6, $1.900000000e+01;
	v19 =	vld.idx.msk [tilespmem:v12+s20+$0x0], $0xffff  }
0x78f: {  	v15 =	vmul.f32 $1.899999980e+00, v15;
	v11 =	vmin.f32 v11, $1.900000000e+01;
	v18 =	vtrunc.f32 v6;
	v17 =	vld.idx.msk [tilespmem:v10+s20+$0x0], $0xffff  }
0x790: {  	v21 =	vtrunc.f32 v11;
	v18 =	vcvt.f32.s32 v18;
	v20 =	vld.idx.msk [tilespmem:v13+s20+$0x0], $0xffff  }
0x791: {  	v14 =	vmul.f32 $1.899999980e+00, v14;
	v21 =	vcvt.f32.s32 v21;
	v10 =	vld.idx.msk [tilespmem:v10+s19+$0x0], $0xffff  }
0x792: {  	v16 =	vmul.f32 $1.899999980e+00, v16;
	v13 =	vld.idx.msk [tilespmem:v13+s19+$0x0], $0xffff  }
0x793: {  	v15 =	vadd.f32 $9.500000000e+00, v15;
	v14 =	vadd.f32 $9.500000000e+00, v14  }
0x794: {  	v16 =	vadd.f32 $9.500000000e+00, v16;
	v9 =	vmul.f32 v9, v17  }
0x795: {  	v15 =	vmax.f32 v15, $0.0e+00;
	v14 =	vmax.f32 v14, $0.0e+00;
	v12 =	vld.idx.msk [tilespmem:v12+s19+$0x0], $0xffff;
	v7 =	vmul.f32 v7, v20  }
0x796: {  	v14 =	vmin.f32 v14, $1.900000000e+01;
	v16 =	vmax.f32 v16, $0.0e+00;
	v17 =	vld.idx.msk [tilespmem:v18+s20+$0x0], $0xffff;
	v9 =	vadd.f32 v9, v10  }
0x797: {  	v8 =	vmul.f32 v8, v19;
	v19 =	vtrunc.f32 v14;
	v20 =	vld.idx.msk [tilespmem:v21+s20+$0x0], $0xffff;
	v7 =	vadd.f32 v7, v13  }
0x798: {  	v15 =	vmin.f32 v15, $1.900000000e+01;
	v16 =	vmin.f32 v16, $1.900000000e+01;
	[tilespmem:s28+$0xFFFFFF20] =	vst v9;
	v13 =	vld.idx.msk [tilespmem:v18+s19+$0x0], $0xffff;
	v18 =	vcvt.f32.s32 v19  }
0x799: {  	v10 =	vtrunc.f32 v15;
	v9 =	vld.idx.msk [tilespmem:v21+s19+$0x0], $0xffff;
	v19 =	vtrunc.f32 v16;
	[tilespmem:s28+$0xB0] =	vst v7  }
0x79a: {  	v19 =	vcvt.f32.s32 v19;
	v7 =	vadd.f32 v8, v12;
	v8 =	vcvt.f32.s32 v10;
	v10 =	vld [tilespmem:s23+$0xC0];
	_ =	sdelay $0x1  }
0x79b: {  	[tilespmem:s28+$0xFFFFFFA0] =	vst v7;
	v7 =	vld [tilespmem:s23+$0xFFFFFF30]  }
0x79c: {  	v11 =	vmul.f32 v11, v20;
	v12 =	vld [tilespmem:s23+$0xFFFFFFB0]  }
0x79d: {  	v21 =	vld.idx.msk [tilespmem:v18+s20+$0x0], $0xffff  }
0x79e: {  	v6 =	vmul.f32 v6, v17;
	v9 =	vadd.f32 v11, v9;
	v17 =	vld.idx.msk [tilespmem:v18+s19+$0x0], $0xffff;
	v10 =	vmul.f32 $1.899999980e+00, v10  }
0x79f: {  	s29 =	simm.s32 $0x12F00;
	v20 =	vld.idx.msk [tilespmem:v19+s20+$0x0], $0xffff  }
0x7a0: {  	v11 =	vld.idx.msk [tilespmem:v19+s19+$0x0], $0xffff;
	[tilespmem:s29+$0x80] =	vst v9;
	v7 =	vmul.f32 $1.899999980e+00, v7;
	v10 =	vadd.f32 $9.500000000e+00, v10  }
0x7a1: {  	v9 =	vld [tilespmem:s30+$0x90]  }
0x7a2: {  	v6 =	vadd.f32 v6, v13;
	v22 =	vld.idx.msk [tilespmem:v8+s20+$0x0], $0xffff;
	v7 =	vadd.f32 $9.500000000e+00, v7;
	v10 =	vmax.f32 v10, $0.0e+00  }
0x7a3: {  	v12 =	vmul.f32 $1.899999980e+00, v12;
	v14 =	vmul.f32 v14, v21;
	v10 =	vmin.f32 v10, $1.900000000e+01  }
0x7a4: {  	[tilespmem:s28+$0x20] =	vst v6;
	v6 =	vmax.f32 v7, $0.0e+00;
	v7 =	vld.idx.msk [tilespmem:v8+s19+$0x0], $0xffff;
	v8 =	vmul.f32 v16, v20;
	v13 =	vtrunc.f32 v10  }
0x7a5: {  	v16 =	vld [tilespmem:s23+$0x30];
	v14 =	vadd.f32 v14, v17;
	v6 =	vmin.f32 v6, $1.900000000e+01;
	v13 =	vcvt.f32.s32 v13  }
0x7a6: {  	v9 =	vmul.f32 $1.899999980e+00, v9;
	v18 =	vtrunc.f32 v6;
	v8 =	vadd.f32 v8, v11  }
0x7a7: {  	v12 =	vadd.f32 $9.500000000e+00, v12;
	v11 =	vmul.f32 v15, v22;
	[tilespmem:s29+$0xFFFFFF80] =	vst v14;
	v15 =	vcvt.f32.s32 v18  }
0x7a8: {  	v14 =	vld [tilespmem:s30+$0xFFFFFF90];
	[tilespmem:s29+$0xFFFFFF00] =	vst v8  }
0x7a9: {  	v12 =	vmax.f32 v12, $0.0e+00;
	v9 =	vadd.f32 $9.500000000e+00, v9;
	v7 =	vadd.f32 v11, v7;
	v8 =	vld [tilespmem:s30+$0xFFFFFF10]  }
0x7aa: {  	v12 =	vmin.f32 v12, $1.900000000e+01;
	v11 =	vmul.f32 $1.899999980e+00, v16  }
0x7ab: {  	v16 =	vtrunc.f32 v12;
	[tilespmem:s29+$0x0] =	vst v7;
	v7 =	vmax.f32 v9, $0.0e+00;
	v9 =	vld.idx.msk [tilespmem:v13+s20+$0x0], $0xffff  }
0x7ac: {  	v16 =	vcvt.f32.s32 v16;
	v11 =	vadd.f32 $9.500000000e+00, v11;
	v17 =	vld [tilespmem:s30+$0x10];
	v7 =	vmin.f32 v7, $1.900000000e+01  }
0x7ad: {  	v14 =	vmul.f32 $1.899999980e+00, v14;
	v18 =	vtrunc.f32 v7;
	v19 =	vld.idx.msk [tilespmem:v15+s20+$0x0], $0xffff  }
0x7ae: {  	v13 =	vld.idx.msk [tilespmem:v13+s19+$0x0], $0xffff;
	v11 =	vmax.f32 v11, $0.0e+00;
	v8 =	vmul.f32 $1.899999980e+00, v8;
	v18 =	vcvt.f32.s32 v18  }
0x7af: {  	v15 =	vld.idx.msk [tilespmem:v15+s19+$0x0], $0xffff;
	v11 =	vmin.f32 v11, $1.900000000e+01;
	v14 =	vadd.f32 $9.500000000e+00, v14  }
0x7b0: {  	v20 =	vtrunc.f32 v11;
	v8 =	vadd.f32 $9.500000000e+00, v8  }
0x7b1: {  	v14 =	vmax.f32 v14, $0.0e+00;
	v9 =	vmul.f32 v10, v9;
	v17 =	vmul.f32 $1.899999980e+00, v17  }
0x7b2: {  	v10 =	vcvt.f32.s32 v20;
	v8 =	vmax.f32 v8, $0.0e+00;
	v6 =	vmul.f32 v6, v19  }
0x7b3: {  	v9 =	vadd.f32 v9, v13;
	v13 =	vld.idx.msk [tilespmem:v16+s20+$0x0], $0xffff;
	v8 =	vmin.f32 v8, $1.900000000e+01;
	v17 =	vadd.f32 $9.500000000e+00, v17  }
0x7b4: {  	v14 =	vmin.f32 v14, $1.900000000e+01;
	v19 =	vtrunc.f32 v8;
	v20 =	vld.idx.msk [tilespmem:v18+s20+$0x0], $0xffff;
	v6 =	vadd.f32 v6, v15  }
0x7b5: {  	[tilespmem:s28+$0xC0] =	vst v9;
	v9 =	vtrunc.f32 v14;
	v19 =	vcvt.f32.s32 v19;
	v15 =	vmax.f32 v17, $0.0e+00;
	v17 =	vld.idx.msk [tilespmem:v18+s19+$0x0], $0xffff  }
0x7b6: {  	v21 =	vld [tilespmem:s23+$0xD0];
	v9 =	vcvt.f32.s32 v9  }
0x7b7: {  	v16 =	vld.idx.msk [tilespmem:v16+s19+$0x0], $0xffff  }
0x7b8: {  	v15 =	vmin.f32 v15, $1.900000000e+01;
	[tilespmem:s28+$0xFFFFFF30] =	vst v6;
	v18 =	vld.idx.msk [tilespmem:v10+s20+$0x0], $0xffff  }
0x7b9: {  	v6 =	vtrunc.f32 v15;
	v22 =	vld [tilespmem:s23+$0xFFFFFF40];
	v7 =	vmul.f32 v7, v20  }
0x7ba: {  	v10 =	vld.idx.msk [tilespmem:v10+s19+$0x0], $0xffff;
	v6 =	vcvt.f32.s32 v6  }
0x7bb: {  	v20 =	vmul.f32 $1.899999980e+00, v21;
	v21 =	vld.idx.msk [tilespmem:v19+s20+$0x0], $0xffff;
	v7 =	vadd.f32 v7, v17  }
0x7bc: {  	v12 =	vmul.f32 v12, v13;
	v13 =	vld.idx.msk [tilespmem:v9+s20+$0x0], $0xffff  }
0x7bd: {  	v11 =	vmul.f32 v11, v18;
	v18 =	vld.idx.msk [tilespmem:v19+s19+$0x0], $0xffff;
	v17 =	vadd.f32 $9.500000000e+00, v20;
	[tilespmem:s29+$0x90] =	vst v7  }
0x7be: {  	v7 =	vadd.f32 v12, v16;
	v16 =	vld [tilespmem:s30+$0xA0]  }
0x7bf: {  	v9 =	vld.idx.msk [tilespmem:v9+s19+$0x0], $0xffff;
	v17 =	vmax.f32 v17, $0.0e+00  }
0x7c0: {  	v12 =	vmul.f32 $1.899999980e+00, v22;
	v19 =	vld.idx.msk [tilespmem:v6+s20+$0x0], $0xffff;
	v17 =	vmin.f32 v17, $1.900000000e+01  }
0x7c1: {  	v6 =	vld.idx.msk [tilespmem:v6+s19+$0x0], $0xffff;
	[tilespmem:s28+$0xFFFFFFB0] =	vst v7;
	v7 =	vadd.f32 v11, v10;
	v8 =	vmul.f32 v8, v21;
	v11 =	vtrunc.f32 v17  }
0x7c2: {  	v10 =	vadd.f32 $9.500000000e+00, v12;
	v12 =	vld [tilespmem:s23+$0xFFFFFFC0];
	v13 =	vmul.f32 v14, v13;
	v11 =	vcvt.f32.s32 v11  }
0x7c3: {  	[tilespmem:s28+$0x30] =	vst v7;
	v8 =	vadd.f32 v8, v18;
	v14 =	vmul.f32 $1.899999980e+00, v16  }
0x7c4: {  	v7 =	vmax.f32 v10, $0.0e+00;
	v10 =	vld [tilespmem:s23+$0x40];
	v9 =	vadd.f32 v13, v9  }
0x7c5: {  	v7 =	vmin.f32 v7, $1.900000000e+01;
	v15 =	vmul.f32 v15, v19;
	[tilespmem:s29+$0xFFFFFF10] =	vst v8;
	v8 =	vadd.f32 $9.500000000e+00, v14  }
0x7c6: {  	v13 =	vtrunc.f32 v7;
	v14 =	vld [tilespmem:s30+$0xFFFFFF20];
	[tilespmem:s29+$0xFFFFFF90] =	vst v9  }
0x7c7: {  	v12 =	vmul.f32 $1.899999980e+00, v12;
	v6 =	vadd.f32 v15, v6;
	v15 =	vld [tilespmem:s30+$0xFFFFFFA0];
	v8 =	vmax.f32 v8, $0.0e+00  }
0x7c8: {  	v13 =	vcvt.f32.s32 v13;
	v9 =	vld.idx.msk [tilespmem:v11+s20+$0x0], $0xffff;
	v8 =	vmin.f32 v8, $1.900000000e+01  }
0x7c9: {  	v10 =	vmul.f32 $1.899999980e+00, v10;
	v12 =	vadd.f32 $9.500000000e+00, v12;
	[tilespmem:s29+$0x10] =	vst v6;
	v6 =	vtrunc.f32 v8  }
0x7ca: {  	v11 =	vld.idx.msk [tilespmem:v11+s19+$0x0], $0xffff;
	v6 =	vcvt.f32.s32 v6  }
0x7cb: {  	v16 =	vld [tilespmem:s30+$0x20];
	v10 =	vadd.f32 $9.500000000e+00, v10;
	v12 =	vmax.f32 v12, $0.0e+00  }
0x7cc: {  	v12 =	vmin.f32 v12, $1.900000000e+01;
	v14 =	vmul.f32 $1.899999980e+00, v14  }
0x7cd: {  	v10 =	vmax.f32 v10, $0.0e+00;
	v15 =	vmul.f32 $1.899999980e+00, v15;
	v9 =	vmul.f32 v17, v9  }
0x7ce: {  	v18 =	vld.idx.msk [tilespmem:v13+s20+$0x0], $0xffff;
	v10 =	vmin.f32 v10, $1.900000000e+01;
	v14 =	vadd.f32 $9.500000000e+00, v14;
	v17 =	vtrunc.f32 v12  }
0x7cf: {  	v13 =	vld.idx.msk [tilespmem:v13+s19+$0x0], $0xffff;
	v19 =	vtrunc.f32 v10;
	v9 =	vadd.f32 v9, v11;
	v11 =	vcvt.f32.s32 v17  }
0x7d0: {  	v16 =	vmul.f32 $1.899999980e+00, v16;
	v15 =	vadd.f32 $9.500000000e+00, v15;
	v17 =	vcvt.f32.s32 v19;
	v19 =	vld.idx.msk [tilespmem:v6+s20+$0x0], $0xffff  }
0x7d1: {  	v6 =	vld.idx.msk [tilespmem:v6+s19+$0x0], $0xffff;
	[tilespmem:s28+$0xD0] =	vst v9  }
0x7d2: {  	v15 =	vmax.f32 v15, $0.0e+00;
	v9 =	vmax.f32 v14, $0.0e+00;
	v14 =	vadd.f32 $9.500000000e+00, v16;
	v16 =	vld [tilespmem:s23+$0xE0]  }
0x7d3: {  	v7 =	vmul.f32 v7, v18;
	v15 =	vmin.f32 v15, $1.900000000e+01;
	v9 =	vmin.f32 v9, $1.900000000e+01  }
0x7d4: {  	v20 =	vtrunc.f32 v15;
	v18 =	vtrunc.f32 v9  }
0x7d5: {  	v18 =	vcvt.f32.s32 v18;
	v21 =	vld.idx.msk [tilespmem:v11+s20+$0x0], $0xffff;
	v8 =	vmul.f32 v8, v19  }
0x7d6: {  	v7 =	vadd.f32 v7, v13;
	v20 =	vcvt.f32.s32 v20;
	v14 =	vmax.f32 v14, $0.0e+00;
	v19 =	vld.idx.msk [tilespmem:v17+s20+$0x0], $0xffff  }
0x7d7: {  	v14 =	vmin.f32 v14, $1.900000000e+01;
	v11 =	vld.idx.msk [tilespmem:v11+s19+$0x0], $0xffff;
	v13 =	vmul.f32 $1.899999980e+00, v16;
	v6 =	vadd.f32 v8, v6  }
0x7d8: {  	[tilespmem:s28+$0xFFFFFF40] =	vst v7;
	v22 =	vtrunc.f32 v14;
	v8 =	vld.idx.msk [tilespmem:v17+s19+$0x0], $0xffff  }
0x7d9: {  	v16 =	vcvt.f32.s32 v22;
	v7 =	vadd.f32 $9.500000000e+00, v13;
	v13 =	vld [tilespmem:s23+$0xFFFFFF50];
	[tilespmem:s29+$0xA0] =	vst v6  }
0x7da: {  	v6 =	vld [tilespmem:s30+$0xB0]  }
0x7db: {  	v17 =	vld.idx.msk [tilespmem:v18+s20+$0x0], $0xffff;
	v12 =	vmul.f32 v12, v21  }
0x7dc: {  	v21 =	vld.idx.msk [tilespmem:v20+s20+$0x0], $0xffff;
	v7 =	vmax.f32 v7, $0.0e+00  }
0x7dd: {  	v7 =	vmin.f32 v7, $1.900000000e+01;
	v11 =	vadd.f32 v12, v11;
	v12 =	vld.idx.msk [tilespmem:v18+s19+$0x0], $0xffff  }
0x7de: {  	v18 =	vld.idx.msk [tilespmem:v20+s19+$0x0], $0xffff;
	v22 =	vtrunc.f32 v7  }
0x7df: {  	s1 =	simm.s32 $0x6900;
	v23 =	vld.idx.msk [tilespmem:v16+s20+$0x0], $0xffff;
	v22 =	vcvt.f32.s32 v22  }
0x7e0: {  	v20 =	vld [tilespmem:s1+$0x80]  }
0x7e1: {  	[tilespmem:s28+$0xFFFFFFC0] =	vst v11;
	v11 =	vld.idx.msk [tilespmem:v16+s19+$0x0], $0xffff;
	v6 =	vmul.f32 $1.899999980e+00, v6  }
0x7e2: {  	v10 =	vmul.f32 v10, v19;
	v16 =	vld [tilespmem:s23+$0xFFFFFFD0]  }
0x7e3: {  	v13 =	vmul.f32 $1.899999980e+00, v13;
	v9 =	vmul.f32 v9, v17;
	v17 =	vld [tilespmem:s1+$0xFFFFFF80];
	v6 =	vadd.f32 $9.500000000e+00, v6  }
0x7e4: {  	v14 =	vmul.f32 v14, v23;
	v23 =	vld [tilespmem:s1+$0x0]  }
0x7e5: {  	v8 =	vadd.f32 v10, v8;
	v13 =	vadd.f32 $9.500000000e+00, v13;
	v6 =	vmax.f32 v6, $0.0e+00;
	v33 =	vld.idx.msk [tilespmem:v22+s20+$0x0], $0xffff  }
0x7e6: {  	v15 =	vmul.f32 v15, v21;
	v9 =	vadd.f32 v9, v12;
	v6 =	vmin.f32 v6, $1.900000000e+01;
	v21 =	vld.idx.msk [tilespmem:v22+s19+$0x0], $0xffff  }
0x7e7: {  	v20 =	vmul.f32 $1.899999980e+00, v20;
	v13 =	vmax.f32 v13, $0.0e+00;
	v22 =	vld [tilespmem:s1+$0xFFFFFF00];
	v19 =	vtrunc.f32 v6  }
0x7e8: {  	v13 =	vmin.f32 v13, $1.900000000e+01;
	[tilespmem:s29+$0xFFFFFF20] =	vst v9;
	v9 =	vadd.f32 v15, v18;
	v19 =	vcvt.f32.s32 v19  }
0x7e9: {  	v12 =	vtrunc.f32 v13;
	v15 =	vmul.f32 $1.899999980e+00, v17;
	v11 =	vadd.f32 v14, v11  }
0x7ea: {  	v14 =	vld [tilespmem:s30+$0xFFFFFF30];
	v10 =	vcvt.f32.s32 v12;
	v12 =	vmul.f32 $1.899999980e+00, v16;
	v16 =	vadd.f32 $9.500000000e+00, v20  }
0x7eb: {  	[tilespmem:s29+$0xFFFFFFA0] =	vst v9;
	v15 =	vadd.f32 $9.500000000e+00, v15;
	v9 =	vmul.f32 $1.899999980e+00, v23  }
0x7ec: {  	v16 =	vmax.f32 v16, $0.0e+00;
	v7 =	vmul.f32 v7, v33;
	v17 =	vmul.f32 $1.899999980e+00, v22  }
0x7ed: {  	[tilespmem:s28+$0x40] =	vst v8;
	v20 =	vld [tilespmem:s30+$0xFFFFFFB0];
	v16 =	vmin.f32 v16, $1.900000000e+01;
	v15 =	vmax.f32 v15, $0.0e+00;
	v8 =	vadd.f32 $9.500000000e+00, v9  }
0x7ee: {  	v7 =	vadd.f32 v7, v21;
	v21 =	vtrunc.f32 v16;
	v17 =	vadd.f32 $9.500000000e+00, v17;
	v18 =	vld.idx.msk [tilespmem:v19+s20+$0x0], $0xffff  }
0x7ef: {  	[tilespmem:s29+$0x20] =	vst v11;
	v15 =	vmin.f32 v15, $1.900000000e+01;
	v11 =	vmul.f32 $1.899999980e+00, v14;
	v9 =	vld.idx.msk [tilespmem:v19+s19+$0x0], $0xffff;
	v19 =	vcvt.f32.s32 v21  }
0x7f0: {  	v22 =	vld [tilespmem:s30+$0x30];
	v8 =	vmax.f32 v8, $0.0e+00;
	v14 =	vmax.f32 v17, $0.0e+00;
	v17 =	vtrunc.f32 v15  }
0x7f1: {  	v23 =	vld.idx.msk [tilespmem:v10+s20+$0x0], $0xffff;
	[tilespmem:s28+$0xE0] =	vst v7;
	v7 =	vmin.f32 v8, $1.900000000e+01;
	v14 =	vmin.f32 v14, $1.900000000e+01;
	v17 =	vcvt.f32.s32 v17  }
0x7f2: {  	v12 =	vadd.f32 $9.500000000e+00, v12;
	v10 =	vld.idx.msk [tilespmem:v10+s19+$0x0], $0xffff;
	v34 =	vtrunc.f32 v7;
	v8 =	vtrunc.f32 v14  }
0x7f3: {  	v21 =	vld [tilespmem:s23+$0x50];
	v8 =	vcvt.f32.s32 v8;
	v6 =	vmul.f32 v6, v18  }
0x7f4: {  	v12 =	vmax.f32 v12, $0.0e+00;
	v20 =	vmul.f32 $1.899999980e+00, v20;
	v24 =	vcvt.f32.s32 v34;
	v18 =	vld [tilespmem:s23+$0xF0]  }
0x7f5: {  	v11 =	vadd.f32 $9.500000000e+00, v11;
	v6 =	vadd.f32 v6, v9;
	v9 =	vmin.f32 v12, $1.900000000e+01;
	v12 =	vld.idx.msk [tilespmem:v19+s20+$0x0], $0xffff  }
0x7f6: {  	v19 =	vld.idx.msk [tilespmem:v19+s19+$0x0], $0xffff  }
0x7f7: {  	v20 =	vadd.f32 $9.500000000e+00, v20;
	v11 =	vmax.f32 v11, $0.0e+00;
	v35 =	vtrunc.f32 v9;
	v37 =	vld.idx.msk [tilespmem:v17+s20+$0x0], $0xffff;
	[tilespmem:s29+$0xB0] =	vst v6  }
0x7f8: {  	v22 =	vmul.f32 $1.899999980e+00, v22;
	v11 =	vmin.f32 v11, $1.900000000e+01;
	v6 =	vcvt.f32.s32 v35;
	v36 =	vld [tilespmem:s30+$0xC0]  }
0x7f9: {  	v20 =	vmax.f32 v20, $0.0e+00;
	v39 =	vtrunc.f32 v11;
	v38 =	vld.idx.msk [tilespmem:v8+s20+$0x0], $0xffff  }
0x7fa: {  	v20 =	vmin.f32 v20, $1.900000000e+01;
	v22 =	vadd.f32 $9.500000000e+00, v22;
	v28 =	vcvt.f32.s32 v39;
	v41 =	vld.idx.msk [tilespmem:v24+s20+$0x0], $0xffff  }
0x7fb: {  	v40 =	vtrunc.f32 v20;
	v8 =	vld.idx.msk [tilespmem:v8+s19+$0x0], $0xffff;
	v12 =	vmul.f32 v16, v12  }
0x7fc: {  	v21 =	vmul.f32 $1.899999980e+00, v21;
	v17 =	vld.idx.msk [tilespmem:v17+s19+$0x0], $0xffff;
	v16 =	vmax.f32 v22, $0.0e+00;
	v22 =	vcvt.f32.s32 v40  }
0x7fd: {  	v16 =	vmin.f32 v16, $1.900000000e+01;
	v12 =	vadd.f32 v12, v19;
	v19 =	vld.idx.msk [tilespmem:v24+s19+$0x0], $0xffff;
	v25 =	vmul.f32 $1.899999980e+00, v36  }
0x7fe: {  	s31 =	simm.s32 $0x13100;
	v21 =	vadd.f32 $9.500000000e+00, v21;
	v43 =	vtrunc.f32 v16;
	v42 =	vld.idx.msk [tilespmem:v6+s20+$0x0], $0xffff;
	v14 =	vmul.f32 v14, v38  }
0x7ff: {  	v15 =	vmul.f32 v15, v37;
	v6 =	vld.idx.msk [tilespmem:v6+s19+$0x0], $0xffff;
	v44 =	vcvt.f32.s32 v43;
	[tilespmem:s31+$0x80] =	vst v12;
	v25 =	vadd.f32 $9.500000000e+00, v25  }
0x800: {  	v7 =	vmul.f32 v7, v41;
	v12 =	vld [tilespmem:s1+$0x90];
	v8 =	vadd.f32 v14, v8  }
0x801: {  	v15 =	vadd.f32 v15, v17;
	v17 =	vmax.f32 v21, $0.0e+00;
	v14 =	vld.idx.msk [tilespmem:v28+s20+$0x0], $0xffff;
	v25 =	vmax.f32 v25, $0.0e+00  }
0x802: {  	v21 =	vld.idx.msk [tilespmem:v22+s20+$0x0], $0xffff;
	[tilespmem:s31+$0xFFFFFF00] =	vst v8;
	v7 =	vadd.f32 v7, v19;
	v8 =	vmin.f32 v17, $1.900000000e+01;
	v25 =	vmin.f32 v25, $1.900000000e+01  }
0x803: {  	[tilespmem:s31+$0xFFFFFF80] =	vst v15;
	v19 =	vld [tilespmem:s1+$0xFFFFFF10];
	v15 =	vtrunc.f32 v8;
	v45 =	vtrunc.f32 v25  }
0x804: {  	v46 =	vld [tilespmem:s1+$0xFFFFFF90];
	[tilespmem:s31+$0x0] =	vst v7;
	v7 =	vmul.f32 v13, v23;
	v17 =	vcvt.f32.s32 v45  }
0x805: {  	v15 =	vcvt.f32.s32 v15;
	v23 =	vld.idx.msk [tilespmem:v44+s20+$0x0], $0xffff;
	v12 =	vmul.f32 $1.899999980e+00, v12  }
0x806: {  	v9 =	vmul.f32 v9, v42;
	v13 =	vld [tilespmem:s1+$0x10]  }
0x807: {  	v7 =	vadd.f32 v7, v10;
	v10 =	vadd.f32 $9.500000000e+00, v12;
	v12 =	vld.idx.msk [tilespmem:v28+s19+$0x0], $0xffff  }
0x808: {  	v6 =	vadd.f32 v9, v6;
	v9 =	vmul.f32 v11, v14;
	v11 =	vld.idx.msk [tilespmem:v22+s19+$0x0], $0xffff;
	v14 =	vmul.f32 $1.899999980e+00, v19  }
0x809: {  	v22 =	vld.idx.msk [tilespmem:v44+s19+$0x0], $0xffff;
	v19 =	vmul.f32 v20, v21;
	v21 =	vmul.f32 $1.899999980e+00, v46;
	v10 =	vmax.f32 v10, $0.0e+00  }
0x80a: {  	v16 =	vmul.f32 v16, v23;
	v10 =	vmin.f32 v10, $1.900000000e+01;
	v14 =	vadd.f32 $9.500000000e+00, v14;
	v20 =	vld.idx.msk [tilespmem:v17+s20+$0x0], $0xffff  }
0x80b: {  	v13 =	vmul.f32 $1.899999980e+00, v13;
	v47 =	vld.idx.msk [tilespmem:v15+s20+$0x0], $0xffff;
	v23 =	vtrunc.f32 v10  }
0x80c: {  	[tilespmem:s28+$0xFFFFFF50] =	vst v7;
	v17 =	vld.idx.msk [tilespmem:v17+s19+$0x0], $0xffff;
	v23 =	vcvt.f32.s32 v23;
	v14 =	vmax.f32 v14, $0.0e+00;
	v7 =	vadd.f32 v9, v12  }
0x80d: {  	[tilespmem:s28+$0xFFFFFFD0] =	vst v6;
	v21 =	vadd.f32 $9.500000000e+00, v21;
	v6 =	vadd.f32 v19, v11;
	v11 =	vld [tilespmem:s23+$0xFFFFFF60];
	v12 =	vmin.f32 v14, $1.900000000e+01  }
0x80e: {  	v18 =	vmul.f32 $1.899999980e+00, v18;
	v19 =	vld [tilespmem:s23+$0xFFFFFFE0];
	v13 =	vadd.f32 $9.500000000e+00, v13;
	[tilespmem:s29+$0xFFFFFF30] =	vst v7;
	v7 =	vtrunc.f32 v12  }
0x80f: {  	v9 =	vld.idx.msk [tilespmem:v15+s19+$0x0], $0xffff;
	[tilespmem:s29+$0xFFFFFFB0] =	vst v6;
	v14 =	vmax.f32 v21, $0.0e+00;
	v6 =	vcvt.f32.s32 v7;
	v15 =	vmul.f32 v25, v20  }
0x810: {  	v18 =	vadd.f32 $9.500000000e+00, v18;
	v14 =	vmin.f32 v14, $1.900000000e+01;
	v21 =	vld [tilespmem:s30+$0xFFFFFF40]  }
0x811: {  	v13 =	vmax.f32 v13, $0.0e+00;
	v20 =	vtrunc.f32 v14;
	v7 =	vadd.f32 v15, v17;
	v17 =	vld [tilespmem:s30+$0xFFFFFFC0]  }
0x812: {  	v13 =	vmin.f32 v13, $1.900000000e+01;
	v20 =	vcvt.f32.s32 v20;
	v48 =	vld.idx.msk [tilespmem:v23+s20+$0x0], $0xffff  }
0x813: {  	v18 =	vmax.f32 v18, $0.0e+00;
	v16 =	vadd.f32 v16, v22;
	v15 =	vtrunc.f32 v13;
	v23 =	vld.idx.msk [tilespmem:v23+s19+$0x0], $0xffff;
	[tilespmem:s29+$0xC0] =	vst v7  }
0x814: {  	v11 =	vmul.f32 $1.899999980e+00, v11;
	v15 =	vcvt.f32.s32 v15;
	v7 =	vmin.f32 v18, $1.900000000e+01;
	v18 =	vld [tilespmem:s30+$0xD0]  }
0x815: {  	v8 =	vmul.f32 v8, v47;
	v22 =	vtrunc.f32 v7;
	v49 =	vld.idx.msk [tilespmem:v6+s20+$0x0], $0xffff  }
0x816: {  	[tilespmem:s29+$0x30] =	vst v16;
	v21 =	vmul.f32 $1.899999980e+00, v21;
	v6 =	vld.idx.msk [tilespmem:v6+s19+$0x0], $0xffff;
	v16 =	vcvt.f32.s32 v22  }
0x817: {  	v22 =	vld [tilespmem:s30+$0x40];
	v17 =	vmul.f32 $1.899999980e+00, v17;
	v10 =	vmul.f32 v10, v48  }
0x818: {  	v19 =	vmul.f32 $1.899999980e+00, v19;
	v11 =	vadd.f32 $9.500000000e+00, v11;
	v21 =	vadd.f32 $9.500000000e+00, v21;
	v50 =	vld.idx.msk [tilespmem:v20+s20+$0x0], $0xffff  }
0x819: {  	v20 =	vld.idx.msk [tilespmem:v20+s19+$0x0], $0xffff;
	v17 =	vadd.f32 $9.500000000e+00, v17;
	v10 =	vadd.f32 v10, v23;
	v18 =	vmul.f32 $1.899999980e+00, v18  }
0x81a: {  	v8 =	vadd.f32 v8, v9;
	v11 =	vmax.f32 v11, $0.0e+00;
	v9 =	vmax.f32 v21, $0.0e+00;
	v51 =	vld.idx.msk [tilespmem:v15+s20+$0x0], $0xffff  }
0x81b: {  	v15 =	vld.idx.msk [tilespmem:v15+s19+$0x0], $0xffff;
	v12 =	vmul.f32 v12, v49;
	v17 =	vmax.f32 v17, $0.0e+00;
	[tilespmem:s31+$0x90] =	vst v10;
	v18 =	vadd.f32 $9.500000000e+00, v18  }
0x81c: {  	v21 =	vmul.f32 $1.899999980e+00, v22;
	v22 =	vmin.f32 v9, $1.900000000e+01;
	v10 =	vmin.f32 v17, $1.900000000e+01;
	v23 =	vld [tilespmem:s1+$0xA0]  }
0x81d: {  	v17 =	vtrunc.f32 v22;
	v14 =	vmul.f32 v14, v50;
	v9 =	vmax.f32 v18, $0.0e+00  }
0x81e: {  	[tilespmem:s28+$0x50] =	vst v8;
	v6 =	vadd.f32 v12, v6;
	v17 =	vcvt.f32.s32 v17;
	v52 =	vmin.f32 v9, $1.900000000e+01  }
0x81f: {  	s3 =	simm.s32 $0x6B00;
	v8 =	vadd.f32 $9.500000000e+00, v21;
	v21 =	vld [tilespmem:s23+$0x60];
	v13 =	vmul.f32 v13, v51;
	v9 =	vtrunc.f32 v52  }
0x820: {  	v18 =	vtrunc.f32 v10;
	v14 =	vadd.f32 v14, v20;
	v51 =	vld [tilespmem:s3+$0x0];
	v12 =	vcvt.f32.s32 v9  }
0x821: {  	[tilespmem:s31+$0xFFFFFF10] =	vst v6;
	v53 =	vmax.f32 v8, $0.0e+00;
	v8 =	vld.idx.msk [tilespmem:v16+s19+$0x0], $0xffff;
	v6 =	vadd.f32 v13, v15;
	v13 =	vmul.f32 $1.899999980e+00, v23  }
0x822: {  	v11 =	vmin.f32 v11, $1.900000000e+01;
	v18 =	vcvt.f32.s32 v18;
	[tilespmem:s31+$0xFFFFFF90] =	vst v14;
	v9 =	vld.idx.msk [tilespmem:v16+s20+$0x0], $0xffff;
	v16 =	vmin.f32 v53, $1.900000000e+01  }
0x823: {  	v20 =	vld [tilespmem:s1+$0xFFFFFF20];
	v15 =	vadd.f32 $9.500000000e+00, v19;
	v19 =	vtrunc.f32 v16;
	[tilespmem:s31+$0x10] =	vst v6;
	v6 =	vadd.f32 $9.500000000e+00, v13  }
0x824: {  	v23 =	vtrunc.f32 v11;
	v14 =	vcvt.f32.s32 v19;
	v19 =	vld [tilespmem:s1+$0xFFFFFFA0]  }
0x825: {  	v13 =	vmax.f32 v15, $0.0e+00;
	v15 =	vmul.f32 $1.899999980e+00, v21;
	v21 =	vld [tilespmem:s1+$0x20];
	v6 =	vmax.f32 v6, $0.0e+00  }
0x826: {  	v23 =	vcvt.f32.s32 v23;
	v6 =	vmin.f32 v6, $1.900000000e+01;
	v54 =	vld.idx.msk [tilespmem:v12+s20+$0x0], $0xffff  }
0x827: {  	v55 =	vld.idx.msk [tilespmem:v17+s20+$0x0], $0xffff;
	v57 =	vtrunc.f32 v6  }
0x828: {  	v12 =	vld.idx.msk [tilespmem:v12+s19+$0x0], $0xffff;
	v28 =	vcvt.f32.s32 v57  }
0x829: {  	v17 =	vld.idx.msk [tilespmem:v17+s19+$0x0], $0xffff;
	v15 =	vadd.f32 $9.500000000e+00, v15  }
0x82a: {  	v13 =	vmin.f32 v13, $1.900000000e+01;
	v20 =	vmul.f32 $1.899999980e+00, v20;
	v58 =	vld.idx.msk [tilespmem:v18+s20+$0x0], $0xffff  }
0x82b: {  	v56 =	vtrunc.f32 v13;
	v18 =	vld.idx.msk [tilespmem:v18+s19+$0x0], $0xffff;
	v15 =	vmax.f32 v15, $0.0e+00;
	v24 =	vmul.f32 v52, v54  }
0x82c: {  	v20 =	vadd.f32 $9.500000000e+00, v20;
	v61 =	vcvt.f32.s32 v56;
	v15 =	vmin.f32 v15, $1.900000000e+01;
	v63 =	vld.idx.msk [tilespmem:v23+s20+$0x0], $0xffff  }
0x82d: {  	v19 =	vmul.f32 $1.899999980e+00, v19;
	v21 =	vmul.f32 $1.899999980e+00, v21;
	v23 =	vld.idx.msk [tilespmem:v23+s19+$0x0], $0xffff;
	v12 =	vadd.f32 v24, v12  }
0x82e: {  	v20 =	vmax.f32 v20, $0.0e+00;
	v22 =	vmul.f32 v22, v55;
	v60 =	vtrunc.f32 v15;
	v37 =	vld.idx.msk [tilespmem:v28+s20+$0x0], $0xffff  }
0x82f: {  	v20 =	vmin.f32 v20, $1.900000000e+01;
	v19 =	vadd.f32 $9.500000000e+00, v19;
	v21 =	vadd.f32 $9.500000000e+00, v21;
	v28 =	vld.idx.msk [tilespmem:v28+s19+$0x0], $0xffff;
	[tilespmem:s29+$0xD0] =	vst v12  }
0x830: {  	v62 =	vcvt.f32.s32 v60;
	v36 =	vtrunc.f32 v20;
	v17 =	vadd.f32 v22, v17;
	v38 =	vld [tilespmem:s30+$0xE0]  }
0x831: {  	v59 =	vld.idx.msk [tilespmem:v14+s20+$0x0], $0xffff;
	v26 =	vcvt.f32.s32 v36;
	v19 =	vmax.f32 v19, $0.0e+00;
	v21 =	vmax.f32 v21, $0.0e+00  }
0x832: {  	v14 =	vld.idx.msk [tilespmem:v14+s19+$0x0], $0xffff;
	v54 =	vmul.f32 $1.899999980e+00, v51;
	v21 =	vmin.f32 v21, $1.900000000e+01;
	v11 =	vmul.f32 v11, v63  }
0x833: {  	v40 =	vld.idx.msk [tilespmem:v61+s20+$0x0], $0xffff;
	v19 =	vmin.f32 v19, $1.900000000e+01;
	v39 =	vtrunc.f32 v21;
	v6 =	vmul.f32 v6, v37  }
0x834: {  	[tilespmem:s29+$0xFFFFFF40] =	vst v17;
	v47 =	vld.idx.msk [tilespmem:v61+s19+$0x0], $0xffff;
	v22 =	vcvt.f32.s32 v39;
	v12 =	vtrunc.f32 v19  }
0x835: {  	v41 =	vld [tilespmem:s30+$0xFFFFFF50];
	v12 =	vcvt.f32.s32 v12;
	v6 =	vadd.f32 v6, v28;
	v42 =	vmul.f32 $1.899999980e+00, v38  }
0x836: {  	v10 =	vmul.f32 v10, v58;
	v11 =	vadd.f32 v11, v23;
	v23 =	vld [tilespmem:s3+$0x80]  }
0x837: {  	v27 =	vadd.f32 $9.500000000e+00, v54;
	v17 =	vld.idx.msk [tilespmem:v62+s20+$0x0], $0xffff;
	[tilespmem:s31+$0xA0] =	vst v6;
	v45 =	vadd.f32 $9.500000000e+00, v42  }
0x838: {  	v10 =	vadd.f32 v10, v18;
	v16 =	vmul.f32 v16, v59;
	v18 =	vld [tilespmem:s1+$0xB0]  }
0x839: {  	v27 =	vmax.f32 v27, $0.0e+00;
	v43 =	vld.idx.msk [tilespmem:v26+s20+$0x0], $0xffff;
	v6 =	vmax.f32 v45, $0.0e+00  }
0x83a: {  	v27 =	vmin.f32 v27, $1.900000000e+01;
	v46 =	vld.idx.msk [tilespmem:v22+s20+$0x0], $0xffff;
	v28 =	vmin.f32 v6, $1.900000000e+01;
	v6 =	vadd.f32 v16, v14  }
0x83b: {  	[tilespmem:s29+$0xFFFFFFC0] =	vst v10;
	v13 =	vmul.f32 v13, v40;
	v61 =	vtrunc.f32 v27;
	v44 =	vld.idx.msk [tilespmem:v12+s20+$0x0], $0xffff  }
0x83c: {  	v16 =	vmul.f32 $1.899999980e+00, v41;
	v14 =	vtrunc.f32 v28;
	[tilespmem:s29+$0x40] =	vst v6;
	v6 =	vld [tilespmem:s30+$0xFFFFFFD0]  }
0x83d: {  	v26 =	vld.idx.msk [tilespmem:v26+s19+$0x0], $0xffff;
	v14 =	vcvt.f32.s32 v14;
	v18 =	vmul.f32 $1.899999980e+00, v18  }
0x83e: {  	v15 =	vmul.f32 v15, v17;
	v20 =	vmul.f32 v20, v43;
	v12 =	vld.idx.msk [tilespmem:v12+s19+$0x0], $0xffff  }
0x83f: {  	v10 =	vld.idx.msk [tilespmem:v22+s19+$0x0], $0xffff;
	v42 =	vcvt.f32.s32 v61;
	v16 =	vadd.f32 $9.500000000e+00, v16;
	v18 =	vadd.f32 $9.500000000e+00, v18  }
0x840: {  	v52 =	vld [tilespmem:s3+$0xFFFFFF00];
	v21 =	vmul.f32 v21, v46;
	v19 =	vmul.f32 v19, v44  }
0x841: {  	v17 =	vld.idx.msk [tilespmem:v62+s19+$0x0], $0xffff;
	v16 =	vmax.f32 v16, $0.0e+00;
	v18 =	vmax.f32 v18, $0.0e+00;
	v48 =	vmul.f32 $1.899999980e+00, v6  }
0x842: {  	v6 =	vmin.f32 v16, $1.900000000e+01;
	v16 =	vadd.f32 v20, v26;
	v20 =	vld [tilespmem:s3+$0xFFFFFF80];
	v18 =	vmin.f32 v18, $1.900000000e+01  }
0x843: {  	[tilespmem:s28+$0xFFFFFF60] =	vst v11;
	v12 =	vadd.f32 v19, v12;
	v49 =	vld.idx.msk [tilespmem:v14+s20+$0x0], $0xffff;
	v19 =	vtrunc.f32 v18;
	v25 =	vadd.f32 $9.500000000e+00, v48  }
0x844: {  	v23 =	vmul.f32 $1.899999980e+00, v23;
	v10 =	vadd.f32 v21, v10;
	v21 =	vld [tilespmem:s23+$0xFFFFFF70];
	[tilespmem:s31+$0xFFFFFF20] =	vst v16;
	v16 =	vcvt.f32.s32 v19  }
0x845: {  	v14 =	vld.idx.msk [tilespmem:v14+s19+$0x0], $0xffff;
	v19 =	vmax.f32 v25, $0.0e+00  }
0x846: {  	v11 =	vadd.f32 v13, v47;
	v23 =	vadd.f32 $9.500000000e+00, v23;
	v22 =	vld [tilespmem:s30+$0x50];
	[tilespmem:s31+$0x20] =	vst v10;
	v13 =	vmin.f32 v19, $1.900000000e+01  }
0x847: {  	v10 =	vadd.f32 v15, v17;
	v38 =	vld.idx.msk [tilespmem:v42+s20+$0x0], $0xffff;
	[tilespmem:s31+$0xFFFFFFA0] =	vst v12;
	v15 =	vmul.f32 $1.899999980e+00, v20;
	v12 =	vtrunc.f32 v13  }
0x848: {  	v23 =	vmax.f32 v23, $0.0e+00;
	v17 =	vld [tilespmem:s1+$0xFFFFFFB0];
	v53 =	vmul.f32 v28, v49;
	v12 =	vcvt.f32.s32 v12  }
0x849: {  	v23 =	vmin.f32 v23, $1.900000000e+01;
	v19 =	vld [tilespmem:s1+$0xFFFFFF30]  }
0x84a: {  	v25 =	vmul.f32 $1.899999980e+00, v52;
	v15 =	vadd.f32 $9.500000000e+00, v15;
	v14 =	vadd.f32 v53, v14;
	v55 =	vld.idx.msk [tilespmem:v16+s20+$0x0], $0xffff  }
0x84b: {  	v56 =	vtrunc.f32 v23;
	v20 =	vld [tilespmem:s1+$0x30]  }
0x84c: {  	v57 =	vcvt.f32.s32 v56;
	v16 =	vld.idx.msk [tilespmem:v16+s19+$0x0], $0xffff;
	v15 =	vmax.f32 v15, $0.0e+00;
	[tilespmem:s29+$0xE0] =	vst v14;
	v14 =	vadd.f32 $9.500000000e+00, v25  }
0x84d: {  	v50 =	vtrunc.f32 v6;
	v17 =	vmul.f32 $1.899999980e+00, v17;
	v15 =	vmin.f32 v15, $1.900000000e+01;
	v58 =	vld [tilespmem:s30+$0xF0]  }
0x84e: {  	v19 =	vmul.f32 $1.899999980e+00, v19;
	v59 =	vtrunc.f32 v15;
	v14 =	vmax.f32 v14, $0.0e+00;
	v60 =	vld.idx.msk [tilespmem:v12+s20+$0x0], $0xffff  }
0x84f: {  	[tilespmem:s28+$0xFFFFFFE0] =	vst v11;
	v30 =	vcvt.f32.s32 v59;
	v14 =	vmin.f32 v14, $1.900000000e+01;
	v62 =	vld.idx.msk [tilespmem:v12+s19+$0x0], $0xffff;
	v12 =	vmul.f32 v18, v55  }
0x850: {  	v29 =	vld.idx.msk [tilespmem:v42+s19+$0x0], $0xffff;
	[tilespmem:s28+$0x60] =	vst v10;
	v20 =	vmul.f32 $1.899999980e+00, v20;
	v11 =	vtrunc.f32 v14  }
0x851: {  	v63 =	vld [tilespmem:s23+$0x70];
	v10 =	vadd.f32 $9.500000000e+00, v19;
	v11 =	vcvt.f32.s32 v11;
	v12 =	vadd.f32 v12, v16  }
0x852: {  	v17 =	vadd.f32 $9.500000000e+00, v17;
	v16 =	vmul.f32 $1.899999980e+00, v22;
	v22 =	vld.idx.msk [tilespmem:v57+s20+$0x0], $0xffff;
	v19 =	vmul.f32 $1.899999980e+00, v58  }
0x853: {  	v26 =	vcvt.f32.s32 v50;
	v25 =	vld.idx.msk [tilespmem:v57+s19+$0x0], $0xffff;
	v20 =	vadd.f32 $9.500000000e+00, v20;
	v10 =	vmax.f32 v10, $0.0e+00;
	[tilespmem:s31+$0xB0] =	vst v12  }
0x854: {  	v17 =	vmax.f32 v17, $0.0e+00;
	v43 =	vmin.f32 v10, $1.900000000e+01;
	v19 =	vadd.f32 $9.500000000e+00, v19;
	v12 =	vld [tilespmem:s1+$0xC0]  }
0x855: {  	v17 =	vmin.f32 v17, $1.900000000e+01;
	v20 =	vmax.f32 v20, $0.0e+00;
	v10 =	vtrunc.f32 v43;
	v44 =	vld.idx.msk [tilespmem:v30+s20+$0x0], $0xffff  }
0x856: {  	v20 =	vmin.f32 v20, $1.900000000e+01;
	v45 =	vcvt.f32.s32 v10;
	v30 =	vld.idx.msk [tilespmem:v30+s19+$0x0], $0xffff;
	v19 =	vmax.f32 v19, $0.0e+00  }
0x857: {  	v22 =	vmul.f32 v23, v22;
	v10 =	vmin.f32 v19, $1.900000000e+01;
	v19 =	vtrunc.f32 v17;
	v46 =	vld.idx.msk [tilespmem:v11+s20+$0x0], $0xffff  }
0x858: {  	v48 =	vld.idx.msk [tilespmem:v11+s19+$0x0], $0xffff;
	v11 =	vtrunc.f32 v20;
	v19 =	vcvt.f32.s32 v19  }
0x859: {  	v24 =	vld.idx.msk [tilespmem:v26+s20+$0x0], $0xffff;
	v49 =	vcvt.f32.s32 v11  }
0x85a: {  	v26 =	vld.idx.msk [tilespmem:v26+s19+$0x0], $0xffff;
	v16 =	vadd.f32 $9.500000000e+00, v16;
	v47 =	vtrunc.f32 v10;
	v22 =	vadd.f32 v22, v25  }
0x85b: {  	s17 =	simm.s32 $0x13300;
	v18 =	vld [tilespmem:s23+$0xFFFFFFF0];
	v23 =	vcvt.f32.s32 v47;
	v15 =	vmul.f32 v15, v44  }
0x85c: {  	v21 =	vmul.f32 $1.899999980e+00, v21;
	v11 =	vmax.f32 v16, $0.0e+00;
	v12 =	vmul.f32 $1.899999980e+00, v12;
	v16 =	vld.idx.msk [tilespmem:v45+s20+$0x0], $0xffff;
	[tilespmem:s17+$0x80] =	vst v22  }
0x85d: {  	v50 =	vld [tilespmem:s3+$0x90];
	v15 =	vadd.f32 v15, v30  }
0x85e: {  	v21 =	vadd.f32 $9.500000000e+00, v21;
	v12 =	vadd.f32 $9.500000000e+00, v12;
	v51 =	vld.idx.msk [tilespmem:v19+s20+$0x0], $0xffff  }
0x85f: {  	v27 =	vmul.f32 v27, v38;
	v22 =	vmin.f32 v11, $1.900000000e+01;
	v14 =	vmul.f32 v14, v46;
	[tilespmem:s17+$0xFFFFFF80] =	vst v15;
	v54 =	vld.idx.msk [tilespmem:v49+s20+$0x0], $0xffff  }
0x860: {  	v12 =	vmax.f32 v12, $0.0e+00;
	v15 =	vmax.f32 v21, $0.0e+00;
	v21 =	vmul.f32 v13, v60;
	v57 =	vld [tilespmem:s3+$0xFFFFFF90]  }
0x861: {  	v39 =	vtrunc.f32 v22;
	v14 =	vadd.f32 v14, v48;
	v52 =	vmin.f32 v12, $1.900000000e+01;
	v11 =	vld.idx.msk [tilespmem:v23+s20+$0x0], $0xffff  }
0x862: {  	v13 =	vmin.f32 v15, $1.900000000e+01;
	v12 =	vld.idx.msk [tilespmem:v23+s19+$0x0], $0xffff;
	v23 =	vcvt.f32.s32 v39;
	v15 =	vadd.f32 v21, v62  }
0x863: {  	v19 =	vld.idx.msk [tilespmem:v19+s19+$0x0], $0xffff;
	v53 =	vtrunc.f32 v52;
	[tilespmem:s17+$0xFFFFFF00] =	vst v14;
	v14 =	vadd.f32 v27, v29  }
0x864: {  	v6 =	vmul.f32 v6, v24;
	v21 =	vld.idx.msk [tilespmem:v45+s19+$0x0], $0xffff;
	v55 =	vcvt.f32.s32 v53;
	[tilespmem:s29+$0xFFFFFFD0] =	vst v15  }
0x865: {  	v56 =	vld [tilespmem:s3+$0xFFFFFF10];
	[tilespmem:s17+$0x0] =	vst v14;
	v14 =	vmul.f32 $1.899999980e+00, v50  }
0x866: {  	v6 =	vadd.f32 v6, v26;
	v58 =	vmul.f32 $1.899999980e+00, v63;
	v18 =	vmul.f32 $1.899999980e+00, v18;
	v40 =	vld [tilespmem:s30+$0xFFFFFFE0]  }
0x867: {  	v59 =	vld [tilespmem:s3+$0x10];
	v17 =	vmul.f32 v17, v51;
	v30 =	vmul.f32 $1.899999980e+00, v57;
	v14 =	vadd.f32 $9.500000000e+00, v14  }
0x868: {  	[tilespmem:s29+$0xFFFFFF50] =	vst v6;
	v26 =	vadd.f32 $9.500000000e+00, v58;
	v16 =	vmul.f32 v43, v16;
	v60 =	vtrunc.f32 v13;
	v39 =	vld.idx.msk [tilespmem:v23+s20+$0x0], $0xffff  }
0x869: {  	v30 =	vadd.f32 $9.500000000e+00, v30;
	v17 =	vadd.f32 v17, v19;
	v19 =	vld [tilespmem:s30+$0xFFFFFF60];
	v14 =	vmax.f32 v14, $0.0e+00  }
0x86a: {  	v63 =	vcvt.f32.s32 v60;
	v16 =	vadd.f32 v16, v21;
	v61 =	vld.idx.msk [tilespmem:v55+s20+$0x0], $0xffff;
	v62 =	vmin.f32 v14, $1.900000000e+01  }
0x86b: {  	v21 =	vld.idx.msk [tilespmem:v23+s19+$0x0], $0xffff;
	v24 =	vmul.f32 $1.899999980e+00, v56;
	v23 =	vmax.f32 v30, $0.0e+00;
	v38 =	vtrunc.f32 v62  }
0x86c: {  	v29 =	vld.idx.msk [tilespmem:v55+s19+$0x0], $0xffff;
	v28 =	vmul.f32 $1.899999980e+00, v59;
	v23 =	vmin.f32 v23, $1.900000000e+01;
	v31 =	vcvt.f32.s32 v38  }
0x86d: {  	v18 =	vadd.f32 $9.500000000e+00, v18;
	v6 =	vmul.f32 v20, v54;
	[tilespmem:s31+$0xFFFFFF30] =	vst v16;
	v14 =	vld.idx.msk [tilespmem:v49+s19+$0x0], $0xffff;
	v42 =	vtrunc.f32 v23  }
0x86e: {  	v43 =	vld [tilespmem:s1+$0xFFFFFF40];
	v24 =	vadd.f32 $9.500000000e+00, v24;
	v15 =	vadd.f32 $9.500000000e+00, v28;
	v28 =	vcvt.f32.s32 v42  }
0x86f: {  	v18 =	vmax.f32 v18, $0.0e+00;
	[tilespmem:s31+$0xFFFFFFB0] =	vst v17;
	v19 =	vmul.f32 $1.899999980e+00, v19;
	v16 =	vmul.f32 v52, v61  }
0x870: {  	v44 =	vld [tilespmem:s1+$0xFFFFFFC0];
	v20 =	vmax.f32 v24, $0.0e+00;
	v22 =	vmul.f32 v22, v39;
	v24 =	vmul.f32 $1.899999980e+00, v40  }
0x871: {  	v34 =	vld.idx.msk [tilespmem:v63+s20+$0x0], $0xffff;
	v20 =	vmin.f32 v20, $1.900000000e+01;
	v15 =	vmax.f32 v15, $0.0e+00;
	v16 =	vadd.f32 v16, v29  }
0x872: {  	v41 =	vtrunc.f32 v20;
	v6 =	vadd.f32 v6, v14;
	v14 =	vmax.f32 v26, $0.0e+00;
	v46 =	vld.idx.msk [tilespmem:v31+s20+$0x0], $0xffff  }
0x873: {  	v30 =	vmul.f32 $1.899999980e+00, v43;
	v17 =	vmin.f32 v15, $1.900000000e+01;
	v27 =	vcvt.f32.s32 v41;
	v47 =	vld.idx.msk [tilespmem:v31+s19+$0x0], $0xffff;
	[tilespmem:s31+$0xC0] =	vst v16  }
0x874: {  	v21 =	vadd.f32 v22, v21;
	v15 =	vmin.f32 v18, $1.900000000e+01;
	v45 =	vtrunc.f32 v17;
	[tilespmem:s31+$0x30] =	vst v6;
	v6 =	vld [tilespmem:s1+$0xD0]  }
0x875: {  	v14 =	vmin.f32 v14, $1.900000000e+01;
	v32 =	vmul.f32 $1.899999980e+00, v44;
	v18 =	vcvt.f32.s32 v45;
	v49 =	vld [tilespmem:s1+$0x40]  }
0x876: {  	v19 =	vadd.f32 $9.500000000e+00, v19;
	v24 =	vadd.f32 $9.500000000e+00, v24;
	v48 =	vtrunc.f32 v14;
	[tilespmem:s29+$0x50] =	vst v21;
	v51 =	vld.idx.msk [tilespmem:v28+s20+$0x0], $0xffff  }
0x877: {  	v22 =	vadd.f32 $9.500000000e+00, v30;
	v16 =	vtrunc.f32 v15;
	v54 =	vadd.f32 $9.500000000e+00, v32;
	v59 =	vld [tilespmem:s30+$0x60]  }
0x878: {  	v19 =	vmax.f32 v19, $0.0e+00;
	v16 =	vcvt.f32.s32 v16;
	v28 =	vld.idx.msk [tilespmem:v28+s19+$0x0], $0xffff;
	v33 =	vmul.f32 v62, v46  }
0x879: {  	v22 =	vmax.f32 v22, $0.0e+00;
	v29 =	vmax.f32 v54, $0.0e+00;
	v50 =	vld.idx.msk [tilespmem:v27+s20+$0x0], $0xffff;
	v53 =	vmul.f32 $1.899999980e+00, v6  }
0x87a: {  	v22 =	vmin.f32 v22, $1.900000000e+01;
	v21 =	vmin.f32 v29, $1.900000000e+01;
	v27 =	vld.idx.msk [tilespmem:v27+s19+$0x0], $0xffff;
	v26 =	vadd.f32 v33, v47  }
0x87b: {  	v56 =	vtrunc.f32 v22;
	v52 =	vld.idx.msk [tilespmem:v18+s20+$0x0], $0xffff;
	v23 =	vmul.f32 v23, v51;
	v55 =	vadd.f32 $9.500000000e+00, v53  }
0x87c: {  	v19 =	vmin.f32 v19, $1.900000000e+01;
	v58 =	vtrunc.f32 v21;
	v6 =	vcvt.f32.s32 v48;
	v18 =	vld.idx.msk [tilespmem:v18+s19+$0x0], $0xffff;
	[tilespmem:s17+$0x90] =	vst v26  }
0x87d: {  	v31 =	vmul.f32 $1.899999980e+00, v49;
	v23 =	vadd.f32 v23, v28;
	v57 =	vld [tilespmem:s3+$0xA0];
	v32 =	vmax.f32 v55, $0.0e+00  }
0x87e: {  	v25 =	vld.idx.msk [tilespmem:v63+s19+$0x0], $0xffff;
	v20 =	vmul.f32 v20, v50;
	v26 =	vcvt.f32.s32 v56;
	v32 =	vmin.f32 v32, $1.900000000e+01  }
0x87f: {  	v31 =	vadd.f32 $9.500000000e+00, v31;
	v61 =	vld.idx.msk [tilespmem:v16+s20+$0x0], $0xffff;
	v50 =	vmul.f32 $1.899999980e+00, v59;
	[tilespmem:s17+$0xFFFFFF90] =	vst v23;
	v60 =	vtrunc.f32 v32  }
0x880: {  	v17 =	vmul.f32 v17, v52;
	v20 =	vadd.f32 v20, v27;
	v23 =	vld [tilespmem:s3+$0xFFFFFFA0];
	v62 =	vcvt.f32.s32 v60  }
0x881: {  	v49 =	vtrunc.f32 v19;
	v16 =	vld.idx.msk [tilespmem:v16+s19+$0x0], $0xffff;
	v31 =	vmax.f32 v31, $0.0e+00;
	v33 =	vadd.f32 $9.500000000e+00, v50  }
0x882: {  	v63 =	vmin.f32 v31, $1.900000000e+01;
	v30 =	vld.idx.msk [tilespmem:v6+s20+$0x0], $0xffff;
	[tilespmem:s17+$0xFFFFFF10] =	vst v20;
	v17 =	vadd.f32 v17, v18;
	v18 =	vmul.f32 $1.899999980e+00, v57  }
0x883: {  	v47 =	vcvt.f32.s32 v58;
	v20 =	vtrunc.f32 v63;
	v33 =	vmax.f32 v33, $0.0e+00;
	v48 =	vld [tilespmem:s3+$0xFFFFFF20]  }
0x884: {  	v20 =	vcvt.f32.s32 v20;
	v33 =	vmin.f32 v33, $1.900000000e+01;
	[tilespmem:s17+$0x10] =	vst v17;
	v53 =	vld.idx.msk [tilespmem:v26+s20+$0x0], $0xffff;
	v17 =	vadd.f32 $9.500000000e+00, v18  }
0x885: {  	v43 =	vtrunc.f32 v33;
	v26 =	vld.idx.msk [tilespmem:v26+s19+$0x0], $0xffff;
	v23 =	vmul.f32 $1.899999980e+00, v23  }
0x886: {  	v54 =	vcvt.f32.s32 v43;
	v18 =	vmax.f32 v24, $0.0e+00;
	v17 =	vmax.f32 v17, $0.0e+00;
	v36 =	vld.idx.msk [tilespmem:v62+s20+$0x0], $0xffff  }
0x887: {  	v51 =	vld [tilespmem:s3+$0x20];
	v24 =	vcvt.f32.s32 v49;
	v18 =	vmin.f32 v18, $1.900000000e+01;
	v17 =	vmin.f32 v17, $1.900000000e+01  }
0x888: {  	v52 =	vtrunc.f32 v18;
	v27 =	vld.idx.msk [tilespmem:v62+s19+$0x0], $0xffff;
	v40 =	vtrunc.f32 v17  }
0x889: {  	v41 =	vld.idx.msk [tilespmem:v47+s20+$0x0], $0xffff;
	v23 =	vadd.f32 $9.500000000e+00, v23;
	v31 =	vmul.f32 $1.899999980e+00, v48;
	v40 =	vcvt.f32.s32 v40  }
0x88a: {  	v29 =	vld.idx.msk [tilespmem:v47+s19+$0x0], $0xffff;
	v38 =	vcvt.f32.s32 v52;
	v22 =	vmul.f32 v22, v53  }
0x88b: {  	v42 =	vld.idx.msk [tilespmem:v20+s20+$0x0], $0xffff;
	v23 =	vmax.f32 v23, $0.0e+00;
	v31 =	vadd.f32 $9.500000000e+00, v31;
	v32 =	vmul.f32 v32, v36  }
0x88c: {  	v20 =	vld.idx.msk [tilespmem:v20+s19+$0x0], $0xffff;
	v35 =	vmul.f32 $1.899999980e+00, v51;
	v23 =	vmin.f32 v23, $1.900000000e+01;
	v22 =	vadd.f32 v22, v26  }
0x88d: {  	v44 =	vtrunc.f32 v23;
	v31 =	vmax.f32 v31, $0.0e+00;
	v55 =	vld.idx.msk [tilespmem:v24+s20+$0x0], $0xffff;
	v27 =	vadd.f32 v32, v27  }
0x88e: {  	v44 =	vcvt.f32.s32 v44;
	v31 =	vmin.f32 v31, $1.900000000e+01;
	[tilespmem:s31+$0xFFFFFF40] =	vst v22;
	v22 =	vld.idx.msk [tilespmem:v54+s20+$0x0], $0xffff  }
0x88f: {  	v35 =	vadd.f32 $9.500000000e+00, v35;
	v56 =	vtrunc.f32 v31;
	v57 =	vld.idx.msk [tilespmem:v40+s20+$0x0], $0xffff;
	[tilespmem:s31+$0xD0] =	vst v27  }
0x890: {  	v7 =	vmul.f32 v7, v9;
	v39 =	vcvt.f32.s32 v56;
	v59 =	vld [tilespmem:s1+$0xE0]  }
0x891: {  	v9 =	vmul.f32 v10, v11;
	v35 =	vmax.f32 v35, $0.0e+00;
	v40 =	vld.idx.msk [tilespmem:v40+s19+$0x0], $0xffff  }
0x892: {  	v8 =	vadd.f32 v7, v8;
	v7 =	vmul.f32 v13, v34;
	v10 =	vld [tilespmem:s1+$0xFFFFFF50];
	v35 =	vmin.f32 v35, $1.900000000e+01  }
0x893: {  	v9 =	vadd.f32 v9, v12;
	v12 =	vmul.f32 v15, v61;
	v45 =	vld.idx.msk [tilespmem:v38+s20+$0x0], $0xffff;
	v58 =	vtrunc.f32 v35  }
0x894: {  	v27 =	vcvt.f32.s32 v58;
	v60 =	vld.idx.msk [tilespmem:v44+s20+$0x0], $0xffff;
	v11 =	vmul.f32 v17, v57  }
0x895: {  	v61 =	vmul.f32 v63, v42;
	v63 =	vld.idx.msk [tilespmem:v44+s19+$0x0], $0xffff;
	v15 =	vmul.f32 $1.899999980e+00, v59  }
0x896: {  	v25 =	vadd.f32 v7, v25;
	v7 =	vmul.f32 v14, v30;
	v13 =	vld.idx.msk [tilespmem:v39+s20+$0x0], $0xffff;
	v11 =	vadd.f32 v11, v40  }
0x897: {  	v14 =	vadd.f32 v12, v16;
	v21 =	vmul.f32 v21, v41;
	v16 =	vld.idx.msk [tilespmem:v39+s19+$0x0], $0xffff;
	v12 =	vadd.f32 $9.500000000e+00, v15  }
0x898: {  	v10 =	vmul.f32 $1.899999980e+00, v10;
	v17 =	vld.idx.msk [tilespmem:v24+s19+$0x0], $0xffff;
	v15 =	vadd.f32 v61, v20;
	[tilespmem:s17+$0xA0] =	vst v11  }
0x899: {  	[tilespmem:s28+$0xF0] =	vst v8;
	v11 =	vadd.f32 v21, v29;
	v20 =	vld [tilespmem:s3+$0xB0];
	v12 =	vmax.f32 v12, $0.0e+00  }
0x89a: {  	v8 =	vmul.f32 v18, v45;
	v10 =	vadd.f32 $9.500000000e+00, v10;
	v62 =	vld.idx.msk [tilespmem:v27+s20+$0x0], $0xffff;
	[tilespmem:s31+$0x40] =	vst v15;
	v12 =	vmin.f32 v12, $1.900000000e+01  }
0x89b: {  	v21 =	vmul.f32 v19, v55;
	v19 =	vld.idx.msk [tilespmem:v27+s19+$0x0], $0xffff;
	[tilespmem:s31+$0xFFFFFFC0] =	vst v11;
	v15 =	vtrunc.f32 v12  }
0x89c: {  	[tilespmem:s29+$0xF0] =	vst v9;
	v10 =	vmax.f32 v10, $0.0e+00;
	v13 =	vmul.f32 v31, v13;
	v18 =	vld [tilespmem:s1+$0xFFFFFFD0];
	v15 =	vcvt.f32.s32 v15  }
0x89d: {  	[tilespmem:s28+$0xFFFFFF70] =	vst v25;
	v9 =	vmul.f32 v33, v22;
	v10 =	vmin.f32 v10, $1.900000000e+01;
	v11 =	vadd.f32 v21, v17;
	v17 =	vld [tilespmem:s1+$0x50]  }
0x89e: {  	[tilespmem:s28+$0xFFFFFFF0] =	vst v14;
	v14 =	vld.idx.msk [tilespmem:v38+s19+$0x0], $0xffff;
	v21 =	vmul.f32 v23, v60;
	v22 =	vadd.f32 v13, v16;
	v23 =	vmul.f32 $1.899999980e+00, v20  }
0x89f: {  	v13 =	vld.idx.msk [tilespmem:v54+s19+$0x0], $0xffff;
	[tilespmem:s29+$0xFFFFFF60] =	vst v11;
	v11 =	vtrunc.f32 v10;
	v20 =	vmul.f32 v35, v62  }
0x8a0: {  	s0 =	simm.s32 $0x13300;
	s21 =	simm.s32 $0xC;
	s23 =	simm.s32 $0x6D00;
	[tilespmem:s17+$0xFFFFFF20] =	vst v22;
	v21 =	vadd.f32 v21, v63;
	v16 =	vcvt.f32.s32 v11;
	v11 =	vld [tilespmem:s30+$0xFFFFFF70];
	v22 =	vadd.f32 $9.500000000e+00, v23  }
.LBB2_8:
0x8a1: {  	v23 =	vld [tilespmem:s23+$0x80];
	v19 =	vadd.f32 v20, v19;
	v18 =	vmul.f32 $1.899999980e+00, v18  }
0x8a2: {  	s21 =	sadd.s32 $0x4, s21;
	[tilespmem:s17+$0xFFFFFFA0] =	vst v21;
	v20 =	vmax.f32 v22, $0.0e+00;
	v17 =	vmul.f32 $1.899999980e+00, v17;
	v21 =	vld.idx.msk [tilespmem:v15+s20+$0x0], $0xffff  }
0x8a3: {  	p0 =	slt.u32 s21, $0xC4;
	v22 =	vld [tilespmem:s23+$0xFFFFFF80];
	[tilespmem:s17+$0x20] =	vst v19;
	v19 =	vmin.f32 v20, $1.900000000e+01;
	v18 =	vadd.f32 $9.500000000e+00, v18  }
0x8a4: {  	v8 =	vadd.f32 v8, v14;
	v20 =	vtrunc.f32 v19;
	v17 =	vadd.f32 $9.500000000e+00, v17;
	v15 =	vld.idx.msk [tilespmem:v15+s19+$0x0], $0xffff  }
0x8a5: {  	v9 =	vadd.f32 v9, v13;
	v14 =	vld [tilespmem:s23+$0x0];
	v20 =	vcvt.f32.s32 v20;
	v18 =	vmax.f32 v18, $0.0e+00  }
0x8a6: {  	v13 =	vld [tilespmem:s23+$0xFFFFFF00];
	v23 =	vmul.f32 $1.899999980e+00, v23;
	v18 =	vmin.f32 v18, $1.900000000e+01;
	v17 =	vmax.f32 v17, $0.0e+00;
	[tilespmem:s29+$0xFFFFFFE0] =	vst v8  }
0x8a7: {  	v11 =	vmul.f32 $1.899999980e+00, v11;
	v24 =	vld [tilespmem:s3+$0xFFFFFF30];
	v25 =	vtrunc.f32 v18;
	v8 =	vmin.f32 v17, $1.900000000e+01;
	[tilespmem:s29+$0x60] =	vst v9  }
0x8a8: {  	v12 =	vmul.f32 v12, v21;
	v9 =	vmul.f32 $1.899999980e+00, v22;
	v17 =	vadd.f32 $9.500000000e+00, v23;
	v22 =	vld [tilespmem:s3+$0xFFFFFFB0]  }
0x8a9: {  	v11 =	vadd.f32 $9.500000000e+00, v11;
	v23 =	vcvt.f32.s32 v25;
	v25 =	vtrunc.f32 v8;
	v21 =	vld [tilespmem:s3+$0x30]  }
0x8aa: {  	v12 =	vadd.f32 v12, v15;
	v14 =	vmul.f32 $1.899999980e+00, v14;
	v17 =	vmax.f32 v17, $0.0e+00;
	v26 =	vld.idx.msk [tilespmem:v16+s20+$0x0], $0xffff  }
0x8ab: {  	v9 =	vadd.f32 $9.500000000e+00, v9;
	v13 =	vmul.f32 $1.899999980e+00, v13;
	v15 =	vmin.f32 v17, $1.900000000e+01;
	v17 =	vld.idx.msk [tilespmem:v20+s20+$0x0], $0xffff  }
0x8ac: {  	v14 =	vadd.f32 $9.500000000e+00, v14;
	v27 =	vtrunc.f32 v15;
	v24 =	vmul.f32 $1.899999980e+00, v24;
	v20 =	vld.idx.msk [tilespmem:v20+s19+$0x0], $0xffff;
	[tilespmem:s31+$0xE0] =	vst v12  }
0x8ad: {  	v9 =	vmax.f32 v9, $0.0e+00;
	v12 =	vadd.f32 $9.500000000e+00, v13;
	v13 =	vcvt.f32.s32 v27;
	v27 =	vld [tilespmem:s1+$0xF0]  }
0x8ae: {  	v28 =	vmin.f32 v9, $1.900000000e+01;
	v9 =	vmax.f32 v14, $0.0e+00;
	v14 =	vmul.f32 $1.899999980e+00, v22;
	v16 =	vld.idx.msk [tilespmem:v16+s19+$0x0], $0xffff  }
0x8af: {  	v22 =	vtrunc.f32 v28;
	v12 =	vmax.f32 v12, $0.0e+00;
	v29 =	vmin.f32 v9, $1.900000000e+01;
	v30 =	vld.idx.msk [tilespmem:v23+s20+$0x0], $0xffff  }
0x8b0: {  	v22 =	vcvt.f32.s32 v22;
	v12 =	vmin.f32 v12, $1.900000000e+01;
	v9 =	vtrunc.f32 v29;
	v23 =	vld.idx.msk [tilespmem:v23+s19+$0x0], $0xffff  }
0x8b1: {  	v24 =	vadd.f32 $9.500000000e+00, v24;
	v17 =	vmul.f32 v19, v17;
	v31 =	vtrunc.f32 v12;
	v19 =	vld [tilespmem:s30+$0xFFFFFFF0]  }
0x8b2: {  	v14 =	vadd.f32 $9.500000000e+00, v14;
	v31 =	vcvt.f32.s32 v31;
	v27 =	vmul.f32 $1.899999980e+00, v27;
	v32 =	vld [tilespmem:s30+$0x70];
	s30 =	smov.u32 s1;
	s1 =	smov.u32 s3;
	s3 =	smov.u32 s23  }
0x8b3: {  	v21 =	vmul.f32 $1.899999980e+00, v21;
	v33 =	vcvt.f32.s32 v9;
	v17 =	vadd.f32 v17, v20;
	v9 =	vld.idx.msk [tilespmem:v13+s20+$0x0], $0xffff  }
0x8b4: {  	v20 =	vmax.f32 v24, $0.0e+00;
	v14 =	vmax.f32 v14, $0.0e+00;
	v24 =	vadd.f32 $9.500000000e+00, v27;
	v6 =	vld.idx.msk [tilespmem:v6+s19+$0x0], $0xffff  }
0x8b5: {  	v21 =	vadd.f32 $9.500000000e+00, v21;
	v20 =	vmin.f32 v20, $1.900000000e+01;
	v14 =	vmin.f32 v14, $1.900000000e+01;
	v13 =	vld.idx.msk [tilespmem:v13+s19+$0x0], $0xffff;
	[tilespmem:s17+$0xB0] =	vst v17  }
0x8b6: {  	v27 =	vtrunc.f32 v14;
	v17 =	vtrunc.f32 v20;
	v34 =	vld [tilespmem:s1+$0xC0];
	v24 =	vmax.f32 v24, $0.0e+00  }
0x8b7: {  	v21 =	vmax.f32 v21, $0.0e+00;
	v17 =	vcvt.f32.s32 v17;
	v35 =	vld.idx.msk [tilespmem:v22+s20+$0x0], $0xffff;
	v24 =	vmin.f32 v24, $1.900000000e+01  }
0x8b8: {  	v21 =	vmin.f32 v21, $1.900000000e+01;
	v27 =	vcvt.f32.s32 v27;
	v36 =	vld.idx.msk [tilespmem:v31+s20+$0x0], $0xffff;
	v37 =	vtrunc.f32 v24  }
0x8b9: {  	v15 =	vmul.f32 v15, v9;
	v9 =	vmax.f32 v11, $0.0e+00;
	v38 =	vld.idx.msk [tilespmem:v33+s20+$0x0], $0xffff;
	v37 =	vcvt.f32.s32 v37  }
0x8ba: {  	v25 =	vcvt.f32.s32 v25;
	v9 =	vmin.f32 v9, $1.900000000e+01;
	v11 =	vld.idx.msk [tilespmem:v31+s19+$0x0], $0xffff;
	v31 =	vtrunc.f32 v21  }
0x8bb: {  	v13 =	vadd.f32 v15, v13;
	v22 =	vld.idx.msk [tilespmem:v22+s19+$0x0], $0xffff;
	v15 =	vcvt.f32.s32 v31;
	v31 =	vmul.f32 $1.899999980e+00, v34  }
0x8bc: {  	v10 =	vmul.f32 v10, v26;
	v18 =	vmul.f32 v18, v30;
	s17 =	sadd.s32 $0x200, s17;
	v6 =	vadd.f32 v7, v6;
	v33 =	vld.idx.msk [tilespmem:v33+s19+$0x0], $0xffff  }
0x8bd: {  	v19 =	vmul.f32 $1.899999980e+00, v19;
	v7 =	vmul.f32 v28, v35;
	[tilespmem:s17+$0x80] =	vst v13;
	v13 =	vld.idx.msk [tilespmem:v17+s20+$0x0], $0xffff;
	v26 =	vadd.f32 $9.500000000e+00, v31  }
0x8be: {  	v10 =	vadd.f32 v10, v16;
	v16 =	vadd.f32 v18, v23;
	v12 =	vmul.f32 v12, v36;
	v28 =	vld [tilespmem:s23+$0x90];
	[tilespmem:s28+$0x70] =	vst v6;
	s28 =	smov.u32 s29;
	s29 =	smov.u32 s31;
	s31 =	smov.u32 s0  }
0x8bf: {  	v6 =	vmul.f32 v29, v38;
	s0 =	smov.u32 s17;
	v18 =	vmax.f32 v26, $0.0e+00;
	v23 =	vld.idx.msk [tilespmem:v37+s20+$0x0], $0xffff;
	v26 =	vmul.f32 $1.899999980e+00, v32  }
0x8c0: {  	v11 =	vadd.f32 v12, v11;
	v12 =	vld.idx.msk [tilespmem:v27+s20+$0x0], $0xffff;
	v18 =	vmin.f32 v18, $1.900000000e+01;
	[tilespmem:s29+$0xFFFFFF50] =	vst v10;
	v10 =	vadd.f32 $9.500000000e+00, v19  }
0x8c1: {  	v7 =	vadd.f32 v7, v22;
	v19 =	vtrunc.f32 v18;
	[tilespmem:s29+$0xFFFFFFD0] =	vst v16;
	v16 =	vld.idx.msk [tilespmem:v37+s19+$0x0], $0xffff;
	v22 =	vadd.f32 $9.500000000e+00, v26  }
0x8c2: {  	v6 =	vadd.f32 v6, v33;
	[tilespmem:s17+$0xFFFFFF00] =	vst v11;
	v26 =	vld.idx.msk [tilespmem:v15+s20+$0x0], $0xffff;
	v19 =	vcvt.f32.s32 v19;
	v10 =	vmax.f32 v10, $0.0e+00  }
0x8c3: {  	v13 =	vmul.f32 v20, v13;
	v29 =	vld [tilespmem:s23+$0xFFFFFF10];
	[tilespmem:s17+$0xFFFFFF80] =	vst v7;
	v7 =	vmin.f32 v10, $1.900000000e+01;
	v10 =	vmax.f32 v22, $0.0e+00  }
0x8c4: {  	v11 =	vtrunc.f32 v9;
	v20 =	vld [tilespmem:s23+$0xFFFFFF90];
	[tilespmem:s17+$0x0] =	vst v6;
	v6 =	vmul.f32 $1.899999980e+00, v28;
	v10 =	vmin.f32 v10, $1.900000000e+01  }
0x8c5: {  	v23 =	vmul.f32 v24, v23;
	v24 =	vtrunc.f32 v7;
	v22 =	vld [tilespmem:s23+$0x10]  }
0x8c6: {  	v12 =	vmul.f32 v14, v12;
	v14 =	vtrunc.f32 v10;
	v6 =	vadd.f32 $9.500000000e+00, v6;
	v17 =	vld.idx.msk [tilespmem:v17+s19+$0x0], $0xffff  }
0x8c7: {  	v16 =	vadd.f32 v23, v16;
	v23 =	vcvt.f32.s32 v11;
	v11 =	vcvt.f32.s32 v24;
	v27 =	vld.idx.msk [tilespmem:v27+s19+$0x0], $0xffff  }
0x8c8: {  	v21 =	vmul.f32 v21, v26;
	v24 =	vmul.f32 $1.899999980e+00, v29;
	v6 =	vmax.f32 v6, $0.0e+00;
	v26 =	vld.idx.msk [tilespmem:v19+s20+$0x0], $0xffff  }
0x8c9: {  	v20 =	vmul.f32 $1.899999980e+00, v20;
	v28 =	vmin.f32 v6, $1.900000000e+01;
	v15 =	vld.idx.msk [tilespmem:v15+s19+$0x0], $0xffff;
	[tilespmem:s29+$0xF0] =	vst v16;
	v6 =	vcvt.f32.s32 v14  }
0x8ca: {  	v14 =	vadd.f32 $9.500000000e+00, v24;
	v16 =	vmul.f32 $1.899999980e+00, v22;
	v22 =	vtrunc.f32 v28;
	v19 =	vld.idx.msk [tilespmem:v19+s19+$0x0], $0xffff  }
0x8cb: {  	v20 =	vadd.f32 $9.500000000e+00, v20;
	v22 =	vcvt.f32.s32 v22;
	v24 =	vld.idx.msk [tilespmem:v25+s20+$0x0], $0xffff  }
0x8cc: {  	v13 =	vadd.f32 v13, v17;
	v14 =	vmax.f32 v14, $0.0e+00;
	v16 =	vadd.f32 $9.500000000e+00, v16;
	v17 =	vld.idx.msk [tilespmem:v25+s19+$0x0], $0xffff  }
0x8cd: {  	v12 =	vadd.f32 v12, v27;
	v14 =	vmin.f32 v14, $1.900000000e+01;
	v20 =	vmax.f32 v20, $0.0e+00;
	v25 =	vld [tilespmem:s30+$0xFFFFFF60]  }
0x8ce: {  	v20 =	vmin.f32 v20, $1.900000000e+01;
	v16 =	vmax.f32 v16, $0.0e+00;
	[tilespmem:s31+$0xFFFFFF30] =	vst v13;
	v13 =	vmul.f32 v18, v26;
	v18 =	vld [tilespmem:s30+$0xFFFFFFE0]  }
0x8cf: {  	v26 =	vtrunc.f32 v14;
	v27 =	vtrunc.f32 v20;
	v16 =	vmin.f32 v16, $1.900000000e+01;
	v29 =	vld [tilespmem:s1+$0xFFFFFF40];
	[tilespmem:s31+$0xFFFFFFB0] =	vst v12  }
0x8d0: {  	v12 =	vcvt.f32.s32 v26;
	v26 =	vtrunc.f32 v16;
	v30 =	vld [tilespmem:s1+$0xFFFFFFC0];
	v13 =	vadd.f32 v13, v19  }
0x8d1: {  	v15 =	vadd.f32 v21, v15;
	v19 =	vcvt.f32.s32 v27;
	v26 =	vcvt.f32.s32 v26;
	v27 =	vld.idx.msk [tilespmem:v22+s20+$0x0], $0xffff  }
0x8d2: {  	v8 =	vmul.f32 v8, v24;
	v21 =	vld.idx.msk [tilespmem:v22+s19+$0x0], $0xffff;
	[tilespmem:s31+$0xC0] =	vst v13;
	v13 =	vmul.f32 $1.899999980e+00, v25  }
0x8d3: {  	[tilespmem:s31+$0x30] =	vst v15;
	v15 =	vld [tilespmem:s1+$0xD0];
	v18 =	vmul.f32 $1.899999980e+00, v18  }
0x8d4: {  	v8 =	vadd.f32 v8, v17;
	v22 =	vmul.f32 $1.899999980e+00, v29;
	v24 =	vld [tilespmem:s1+$0x40];
	v13 =	vadd.f32 $9.500000000e+00, v13  }
0x8d5: {  	v17 =	vmul.f32 $1.899999980e+00, v30;
	v18 =	vadd.f32 $9.500000000e+00, v18;
	v25 =	vld.idx.msk [tilespmem:v23+s20+$0x0], $0xffff  }
0x8d6: {  	v29 =	vld.idx.msk [tilespmem:v12+s20+$0x0], $0xffff;
	v22 =	vadd.f32 $9.500000000e+00, v22;
	v13 =	vmax.f32 v13, $0.0e+00;
	[tilespmem:s29+$0x50] =	vst v8  }
0x8d7: {  	v27 =	vmul.f32 v28, v27;
	v30 =	vld.idx.msk [tilespmem:v19+s20+$0x0], $0xffff;
	v17 =	vadd.f32 $9.500000000e+00, v17;
	v18 =	vmax.f32 v18, $0.0e+00  }
0x8d8: {  	v8 =	vmin.f32 v13, $1.900000000e+01;
	v28 =	vld.idx.msk [tilespmem:v26+s20+$0x0], $0xffff;
	v22 =	vmax.f32 v22, $0.0e+00;
	v15 =	vmul.f32 $1.899999980e+00, v15  }
0x8d9: {  	v13 =	vadd.f32 v27, v21;
	v12 =	vld.idx.msk [tilespmem:v12+s19+$0x0], $0xffff;
	v17 =	vmax.f32 v17, $0.0e+00;
	v21 =	vmul.f32 $1.899999980e+00, v24  }
0x8da: {  	v22 =	vmin.f32 v22, $1.900000000e+01;
	v19 =	vld.idx.msk [tilespmem:v19+s19+$0x0], $0xffff;
	v17 =	vmin.f32 v17, $1.900000000e+01;
	v15 =	vadd.f32 $9.500000000e+00, v15  }
0x8db: {  	v24 =	vld.idx.msk [tilespmem:v26+s19+$0x0], $0xffff;
	[tilespmem:s17+$0x90] =	vst v13;
	v13 =	vtrunc.f32 v22;
	v26 =	vtrunc.f32 v17;
	v21 =	vadd.f32 $9.500000000e+00, v21  }
0x8dc: {  	v14 =	vmul.f32 v14, v29;
	v27 =	vld [tilespmem:s23+$0xA0];
	v13 =	vcvt.f32.s32 v13;
	v15 =	vmax.f32 v15, $0.0e+00  }
0x8dd: {  	v20 =	vmul.f32 v20, v30;
	v21 =	vmax.f32 v21, $0.0e+00;
	v15 =	vmin.f32 v15, $1.900000000e+01;
	v29 =	vld [tilespmem:s30+$0x60]  }
0x8de: {  	v16 =	vmul.f32 v16, v28;
	v21 =	vmin.f32 v21, $1.900000000e+01;
	v28 =	vtrunc.f32 v15;
	v30 =	vld.idx.msk [tilespmem:v11+s20+$0x0], $0xffff  }
0x8df: {  	v12 =	vadd.f32 v14, v12;
	v14 =	vtrunc.f32 v21;
	v28 =	vcvt.f32.s32 v28;
	v31 =	vld.idx.msk [tilespmem:v6+s20+$0x0], $0xffff  }
0x8e0: {  	v19 =	vadd.f32 v20, v19;
	v20 =	vcvt.f32.s32 v26;
	v14 =	vcvt.f32.s32 v14;
	v23 =	vld.idx.msk [tilespmem:v23+s19+$0x0], $0xffff  }
0x8e1: {  	v18 =	vmin.f32 v18, $1.900000000e+01;
	[tilespmem:s17+$0xFFFFFF10] =	vst v12;
	v12 =	vadd.f32 v16, v24;
	v16 =	vmul.f32 $1.899999980e+00, v27;
	v11 =	vld.idx.msk [tilespmem:v11+s19+$0x0], $0xffff  }
0x8e2: {  	v24 =	vld [tilespmem:s23+$0xFFFFFF20];
	[tilespmem:s17+$0xFFFFFF90] =	vst v19;
	v19 =	vtrunc.f32 v8;
	v26 =	vmul.f32 $1.899999980e+00, v29  }
0x8e3: {  	v27 =	vld [tilespmem:s23+$0xFFFFFFA0];
	[tilespmem:s17+$0x10] =	vst v12;
	v12 =	vadd.f32 $9.500000000e+00, v16;
	v16 =	vcvt.f32.s32 v19;
	v19 =	vtrunc.f32 v18  }
0x8e4: {  	v9 =	vmul.f32 v9, v25;
	v29 =	vld [tilespmem:s23+$0x20];
	v32 =	vcvt.f32.s32 v19;
	v19 =	vadd.f32 $9.500000000e+00, v26  }
0x8e5: {  	v26 =	vmul.f32 v7, v30;
	v7 =	vmul.f32 v10, v31;
	v12 =	vmax.f32 v12, $0.0e+00;
	v25 =	vld.idx.msk [tilespmem:v28+s20+$0x0], $0xffff  }
0x8e6: {  	v9 =	vadd.f32 v9, v23;
	v10 =	vmin.f32 v12, $1.900000000e+01;
	v12 =	vld.idx.msk [tilespmem:v13+s20+$0x0], $0xffff;
	v19 =	vmax.f32 v19, $0.0e+00  }
0x8e7: {  	v23 =	vmul.f32 $1.899999980e+00, v24;
	v24 =	vtrunc.f32 v10;
	v28 =	vld.idx.msk [tilespmem:v28+s19+$0x0], $0xffff;
	v19 =	vmin.f32 v19, $1.900000000e+01  }
0x8e8: {  	v27 =	vmul.f32 $1.899999980e+00, v27;
	v24 =	vcvt.f32.s32 v24;
	v30 =	vld.idx.msk [tilespmem:v20+s20+$0x0], $0xffff;
	[tilespmem:s28+$0xFFFFFF70] =	vst v9;
	v9 =	vadd.f32 v26, v11  }
0x8e9: {  	v11 =	vadd.f32 $9.500000000e+00, v23;
	v23 =	vmul.f32 $1.899999980e+00, v29;
	v26 =	vld.idx.msk [tilespmem:v14+s20+$0x0], $0xffff;
	v29 =	vtrunc.f32 v19  }
0x8ea: {  	v27 =	vadd.f32 $9.500000000e+00, v27;
	v13 =	vld.idx.msk [tilespmem:v13+s19+$0x0], $0xffff;
	v29 =	vcvt.f32.s32 v29;
	[tilespmem:s28+$0xFFFFFFF0] =	vst v9  }
0x8eb: {  	v15 =	vmul.f32 v15, v25;
	v9 =	vmax.f32 v11, $0.0e+00;
	v11 =	vadd.f32 $9.500000000e+00, v23;
	v20 =	vld.idx.msk [tilespmem:v20+s19+$0x0], $0xffff  }
0x8ec: {  	v12 =	vmul.f32 v22, v12;
	v23 =	vmin.f32 v9, $1.900000000e+01;
	v9 =	vmax.f32 v27, $0.0e+00;
	v14 =	vld.idx.msk [tilespmem:v14+s19+$0x0], $0xffff  }
0x8ed: {  	v22 =	vmin.f32 v9, $1.900000000e+01;
	v9 =	vmax.f32 v11, $0.0e+00;
	v11 =	vadd.f32 v15, v28;
	v15 =	vld.idx.msk [tilespmem:v16+s20+$0x0], $0xffff  }
0x8ee: {  	v25 =	vtrunc.f32 v23;
	v27 =	vtrunc.f32 v22;
	v28 =	vmin.f32 v9, $1.900000000e+01;
	v9 =	vld.idx.msk [tilespmem:v24+s20+$0x0], $0xffff  }
0x8ef: {  	v25 =	vcvt.f32.s32 v25;
	v31 =	vtrunc.f32 v28;
	v24 =	vld.idx.msk [tilespmem:v24+s19+$0x0], $0xffff;
	[tilespmem:s31+$0xD0] =	vst v11  }
0x8f0: {  	v11 =	vcvt.f32.s32 v27;
	v12 =	vadd.f32 v12, v13;
	v27 =	vcvt.f32.s32 v31;
	v13 =	vld [tilespmem:s1+$0xE0]  }
0x8f1: {  	v17 =	vmul.f32 v17, v30;
	v21 =	vmul.f32 v21, v26;
	v26 =	vld.idx.msk [tilespmem:v32+s20+$0x0], $0xffff  }
0x8f2: {  	[tilespmem:s31+$0xFFFFFF40] =	vst v12;
	v12 =	vld.idx.msk [tilespmem:v29+s20+$0x0], $0xffff  }
0x8f3: {  	v17 =	vadd.f32 v17, v20;
	v14 =	vadd.f32 v21, v14;
	v15 =	vmul.f32 v8, v15;
	v30 =	vld [tilespmem:s1+$0xFFFFFF50]  }
0x8f4: {  	v8 =	vmul.f32 v10, v9;
	v10 =	vld.idx.msk [tilespmem:v16+s19+$0x0], $0xffff  }
0x8f5: {  	v16 =	vld.idx.msk [tilespmem:v25+s20+$0x0], $0xffff;
	[tilespmem:s31+$0xFFFFFFC0] =	vst v17;
	v9 =	vmul.f32 $1.899999980e+00, v13  }
0x8f6: {  	v17 =	vadd.f32 v8, v24;
	v13 =	vld.idx.msk [tilespmem:v11+s20+$0x0], $0xffff;
	[tilespmem:s31+$0x40] =	vst v14  }
0x8f7: {  	v8 =	vmul.f32 v18, v26;
	v14 =	vld.idx.msk [tilespmem:v27+s20+$0x0], $0xffff;
	v20 =	vadd.f32 $9.500000000e+00, v9  }
0x8f8: {  	v9 =	vmul.f32 v19, v12;
	v21 =	vld.idx.msk [tilespmem:v25+s19+$0x0], $0xffff;
	[tilespmem:s17+$0xA0] =	vst v17;
	v17 =	vmul.f32 $1.899999980e+00, v30  }
0x8f9: {  	v24 =	vld [tilespmem:s23+$0xB0];
	v12 =	vmax.f32 v20, $0.0e+00  }
0x8fa: {  	v10 =	vadd.f32 v15, v10;
	v11 =	vld.idx.msk [tilespmem:v11+s19+$0x0], $0xffff;
	v17 =	vadd.f32 $9.500000000e+00, v17;
	v12 =	vmin.f32 v12, $1.900000000e+01  }
0x8fb: {  	v16 =	vmul.f32 v23, v16;
	v19 =	vld.idx.msk [tilespmem:v27+s19+$0x0], $0xffff;
	v15 =	vtrunc.f32 v12  }
.Ltmp3:
0x8fc: {  	v22 =	vmul.f32 v22, v13;
	v13 =	vmax.f32 v17, $0.0e+00;
	v18 =	vld [tilespmem:s1+$0xFFFFFFD0];
	v15 =	vcvt.f32.s32 v15;
	[tilespmem:s29+$0xFFFFFF60] =	vst v10;
	(pc) =	sbr.rel @p0 .LBB2_8-.Ltmp3, $4  }
0x8fd: {  	v20 =	vmul.f32 v28, v14;
	v10 =	vmin.f32 v13, $1.900000000e+01;
	v17 =	vld [tilespmem:s1+$0x50]  }
0x8fe: {  	v21 =	vadd.f32 v16, v21;
	v23 =	vmul.f32 $1.899999980e+00, v24;
	v13 =	vtrunc.f32 v10;
	v14 =	vld.idx.msk [tilespmem:v32+s19+$0x0], $0xffff  }
0x8ff: {  	v16 =	vcvt.f32.s32 v13;
	v13 =	vld.idx.msk [tilespmem:v29+s19+$0x0], $0xffff  }
0x900: {  	s23 =	sadd.s32 $0x200, s23;
	[tilespmem:s17+$0xFFFFFF20] =	vst v21;
	v21 =	vadd.f32 v22, v11;
	v22 =	vadd.f32 $9.500000000e+00, v23;
	v11 =	vld [tilespmem:s30+$0xFFFFFF70]  }
0x901: {  	v19 =	vadd.f32 v20, v19  }
0x902: {  	v22 =	vmax.f32 v22, $0.0e+00;
	[tilespmem:s17+$0xFFFFFFA0] =	vst v21  }
0x903: {  	v22 =	vmin.f32 v22, $1.900000000e+01;
	[tilespmem:s17+$0x20] =	vst v19;
	v40 =	vld [tilespmem:s3+$0xFFFFFFB0]  }
0x904: {  	v23 =	vtrunc.f32 v22;
	v41 =	vld [tilespmem:s3+$0x30]  }
0x905: {  	v23 =	vcvt.f32.s32 v23;
	_ =	sdelay $0x1  }
0x906: {  	v39 =	vld [tilespmem:s3+$0xFFFFFF30];
	_ =	sdelay $0x1  }
0x907: {  	v19 =	vmul.f32 $1.899999980e+00, v40;
	v21 =	vmul.f32 $1.899999980e+00, v41;
	_ =	sdelay $0x1  }
0x908: {  	v19 =	vadd.f32 $9.500000000e+00, v19;
	v24 =	vld.idx.msk [tilespmem:v23+s20+$0x0], $0xffff;
	v21 =	vadd.f32 $9.500000000e+00, v21  }
0x909: {  	v20 =	vmul.f32 $1.899999980e+00, v39  }
0x90a: {  	v23 =	vld.idx.msk [tilespmem:v23+s19+$0x0], $0xffff;
	v19 =	vmax.f32 v19, $0.0e+00;
	v21 =	vmax.f32 v21, $0.0e+00  }
0x90b: {  	v20 =	vadd.f32 $9.500000000e+00, v20;
	v19 =	vmin.f32 v19, $1.900000000e+01;
	v21 =	vmin.f32 v21, $1.900000000e+01  }
0x90c: {  	v43 =	vtrunc.f32 v19;
	v25 =	vtrunc.f32 v21  }
0x90d: {  	v20 =	vmax.f32 v20, $0.0e+00;
	v22 =	vmul.f32 v22, v24;
	v24 =	vcvt.f32.s32 v43  }
0x90e: {  	v20 =	vmin.f32 v20, $1.900000000e+01;
	v44 =	vcvt.f32.s32 v25  }
0x90f: {  	v42 =	vtrunc.f32 v20;
	v22 =	vadd.f32 v22, v23  }
0x910: {  	v23 =	vcvt.f32.s32 v42  }
0x911: {  	[tilespmem:s17+$0xB0] =	vst v22  }
0x912: {  	v45 =	vld [tilespmem:s3+$0xC0]  }
0x913: {  	v27 =	vld.idx.msk [tilespmem:v24+s20+$0x0], $0xffff  }
0x914: {  	v28 =	vld.idx.msk [tilespmem:v44+s20+$0x0], $0xffff  }
0x915: {  	v22 =	vld.idx.msk [tilespmem:v44+s19+$0x0], $0xffff  }
0x916: {  	v26 =	vld.idx.msk [tilespmem:v23+s20+$0x0], $0xffff  }
0x917: {  	v24 =	vld.idx.msk [tilespmem:v24+s19+$0x0], $0xffff  }
0x918: {  	v23 =	vld.idx.msk [tilespmem:v23+s19+$0x0], $0xffff;
	v25 =	vmul.f32 $1.899999980e+00, v45  }
0x919: {  	v21 =	vmul.f32 v21, v28  }
0x91a: {  	v19 =	vmul.f32 v19, v27;
	v25 =	vadd.f32 $9.500000000e+00, v25  }
0x91b: {  	v20 =	vmul.f32 v20, v26;
	v48 =	vadd.f32 v21, v22  }
0x91c: {  	v19 =	vadd.f32 v19, v24;
	v25 =	vmax.f32 v25, $0.0e+00  }
0x91d: {  	v25 =	vmin.f32 v25, $1.900000000e+01;
	v20 =	vadd.f32 v20, v23;
	[tilespmem:s0+$0x30] =	vst v48  }
0x91e: {  	[tilespmem:s0+$0xFFFFFFB0] =	vst v19;
	v46 =	vtrunc.f32 v25;
	v19 =	vld [tilespmem:s3+$0x40]  }
0x91f: {  	v49 =	vld [tilespmem:s3+$0xFFFFFFC0];
	v47 =	vcvt.f32.s32 v46;
	[tilespmem:s0+$0xFFFFFF30] =	vst v20  }
0x920: {  	v20 =	vld [tilespmem:s3+$0xFFFFFF40];
	_ =	sdelay $0x2  }
0x921: {  	v19 =	vmul.f32 $1.899999980e+00, v19;
	_ =	sdelay $0x1  }
0x922: {  	v21 =	vmul.f32 $1.899999980e+00, v49;
	v50 =	vld.idx.msk [tilespmem:v47+s20+$0x0], $0xffff;
	v20 =	vmul.f32 $1.899999980e+00, v20;
	v19 =	vadd.f32 $9.500000000e+00, v19;
	_ =	sdelay $0x1  }
0x923: {  	v23 =	vld.idx.msk [tilespmem:v47+s19+$0x0], $0xffff;
	v21 =	vadd.f32 $9.500000000e+00, v21;
	v20 =	vadd.f32 $9.500000000e+00, v20;
	v19 =	vmax.f32 v19, $0.0e+00  }
0x924: {  	v19 =	vmin.f32 v19, $1.900000000e+01  }
0x925: {  	v21 =	vmax.f32 v21, $0.0e+00;
	v20 =	vmax.f32 v20, $0.0e+00;
	v55 =	vtrunc.f32 v19  }
0x926: {  	v22 =	vmul.f32 v25, v50;
	v20 =	vmin.f32 v20, $1.900000000e+01;
	v25 =	vcvt.f32.s32 v55  }
0x927: {  	v21 =	vmin.f32 v21, $1.900000000e+01;
	v51 =	vtrunc.f32 v20  }
0x928: {  	v52 =	vtrunc.f32 v21;
	v22 =	vadd.f32 v22, v23;
	v23 =	vcvt.f32.s32 v51  }
0x929: {  	v53 =	vcvt.f32.s32 v52  }
0x92a: {  	v17 =	vmul.f32 $1.899999980e+00, v17;
	[tilespmem:s0+$0xC0] =	vst v22  }
0x92b: {  	v54 =	vld [tilespmem:s3+$0xD0]  }
0x92c: {  	v17 =	vadd.f32 $9.500000000e+00, v17;
	v31 =	vld.idx.msk [tilespmem:v25+s20+$0x0], $0xffff  }
0x92d: {  	v18 =	vmul.f32 $1.899999980e+00, v18;
	v25 =	vld.idx.msk [tilespmem:v25+s19+$0x0], $0xffff  }
0x92e: {  	v17 =	vmax.f32 v17, $0.0e+00;
	v58 =	vld.idx.msk [tilespmem:v23+s20+$0x0], $0xffff  }
0x92f: {  	v18 =	vadd.f32 $9.500000000e+00, v18;
	v17 =	vmin.f32 v17, $1.900000000e+01;
	v29 =	vld.idx.msk [tilespmem:v53+s20+$0x0], $0xffff  }
0x930: {  	v30 =	vtrunc.f32 v17;
	v23 =	vld.idx.msk [tilespmem:v23+s19+$0x0], $0xffff;
	v24 =	vmul.f32 $1.899999980e+00, v54  }
0x931: {  	v18 =	vmax.f32 v18, $0.0e+00;
	v30 =	vcvt.f32.s32 v30;
	v19 =	vmul.f32 v19, v31  }
0x932: {  	v18 =	vmin.f32 v18, $1.900000000e+01;
	v22 =	vld.idx.msk [tilespmem:v53+s19+$0x0], $0xffff;
	v24 =	vadd.f32 $9.500000000e+00, v24  }
0x933: {  	v57 =	vtrunc.f32 v18;
	v20 =	vmul.f32 v20, v58;
	v19 =	vadd.f32 v19, v25  }
0x934: {  	v56 =	vld.idx.msk [tilespmem:v16+s20+$0x0], $0xffff;
	v27 =	vcvt.f32.s32 v57;
	v24 =	vmax.f32 v24, $0.0e+00  }
0x935: {  	v59 =	vld.idx.msk [tilespmem:v16+s19+$0x0], $0xffff;
	v21 =	vmul.f32 v21, v29;
	v24 =	vmin.f32 v24, $1.900000000e+01;
	v20 =	vadd.f32 v20, v23;
	[tilespmem:s0+$0x40] =	vst v19  }
0x936: {  	v32 =	vtrunc.f32 v24;
	v19 =	vld [tilespmem:s3+$0x50]  }
0x937: {  	v63 =	vld.idx.msk [tilespmem:v30+s20+$0x0], $0xffff;
	v62 =	vcvt.f32.s32 v32;
	[tilespmem:s0+$0xFFFFFF40] =	vst v20;
	v32 =	vadd.f32 v21, v22  }
0x938: {  	v33 =	vld [tilespmem:s3+$0xFFFFFF50]  }
0x939: {  	v34 =	vld.idx.msk [tilespmem:v30+s19+$0x0], $0xffff;
	[tilespmem:s0+$0xFFFFFFC0] =	vst v32  }
0x93a: {  	v35 =	vld [tilespmem:s3+$0xFFFFFFD0]  }
0x93b: {  	v60 =	vld.idx.msk [tilespmem:v27+s20+$0x0], $0xffff;
	v19 =	vmul.f32 $1.899999980e+00, v19  }
0x93c: {  	v10 =	vmul.f32 v10, v56  }
0x93d: {  	v36 =	vld.idx.msk [tilespmem:v62+s20+$0x0], $0xffff;
	v21 =	vmul.f32 $1.899999980e+00, v33;
	v19 =	vadd.f32 $9.500000000e+00, v19  }
0x93e: {  	v10 =	vadd.f32 v10, v59;
	v17 =	vmul.f32 v17, v63;
	v61 =	vld.idx.msk [tilespmem:v27+s19+$0x0], $0xffff  }
0x93f: {  	v38 =	vld.idx.msk [tilespmem:v62+s19+$0x0], $0xffff;
	v39 =	vadd.f32 $9.500000000e+00, v21;
	v16 =	vmul.f32 $1.899999980e+00, v35;
	v19 =	vmax.f32 v19, $0.0e+00  }
0x940: {  	v17 =	vadd.f32 v17, v34;
	v18 =	vmul.f32 v18, v60;
	v19 =	vmin.f32 v19, $1.900000000e+01  }
0x941: {  	[tilespmem:s31+$0xFFFFFF50] =	vst v10;
	v41 =	vmax.f32 v39, $0.0e+00;
	v16 =	vadd.f32 $9.500000000e+00, v16;
	v48 =	vtrunc.f32 v19  }
0x942: {  	v37 =	vld [tilespmem:s1+$0xFFFFFF60];
	[tilespmem:s31+$0x50] =	vst v17;
	v10 =	vmul.f32 v24, v36;
	v17 =	vmin.f32 v41, $1.900000000e+01;
	v25 =	vcvt.f32.s32 v48  }
0x943: {  	v43 =	vld [tilespmem:s1+$0x60];
	v18 =	vadd.f32 v18, v61;
	v44 =	vtrunc.f32 v17;
	v16 =	vmax.f32 v16, $0.0e+00  }
0x944: {  	v45 =	vld.idx.msk [tilespmem:v15+s20+$0x0], $0xffff;
	v10 =	vadd.f32 v10, v38;
	v22 =	vcvt.f32.s32 v44;
	v16 =	vmin.f32 v16, $1.900000000e+01  }
0x945: {  	v49 =	vld.idx.msk [tilespmem:v15+s19+$0x0], $0xffff;
	[tilespmem:s31+$0xFFFFFFD0] =	vst v18;
	v46 =	vtrunc.f32 v16  }
0x946: {  	v40 =	vld [tilespmem:s1+$0xFFFFFFE0];
	[tilespmem:s0+$0xD0] =	vst v10;
	v10 =	vcvt.f32.s32 v46  }
0x947: {  	v42 =	vmul.f32 $1.899999980e+00, v37;
	v47 =	vld [tilespmem:s3+$0xE0]  }
0x948: {  	v55 =	vld.idx.msk [tilespmem:v25+s20+$0x0], $0xffff  }
0x949: {  	v18 =	vadd.f32 $9.500000000e+00, v42;
	v25 =	vld.idx.msk [tilespmem:v25+s19+$0x0], $0xffff  }
0x94a: {  	v20 =	vmul.f32 $1.899999980e+00, v43;
	v50 =	vld.idx.msk [tilespmem:v22+s20+$0x0], $0xffff  }
0x94b: {  	v12 =	vmul.f32 v12, v45;
	v18 =	vmax.f32 v18, $0.0e+00;
	v21 =	vmul.f32 $1.899999980e+00, v40;
	v22 =	vld.idx.msk [tilespmem:v22+s19+$0x0], $0xffff  }
0x94c: {  	v18 =	vmin.f32 v18, $1.900000000e+01;
	v20 =	vadd.f32 $9.500000000e+00, v20;
	v53 =	vld.idx.msk [tilespmem:v10+s20+$0x0], $0xffff  }
0x94d: {  	v12 =	vadd.f32 v12, v49;
	v51 =	vtrunc.f32 v18;
	v21 =	vadd.f32 $9.500000000e+00, v21  }
0x94e: {  	v26 =	vcvt.f32.s32 v51;
	v20 =	vmax.f32 v20, $0.0e+00;
	v10 =	vld.idx.msk [tilespmem:v10+s19+$0x0], $0xffff;
	v19 =	vmul.f32 v19, v55  }
0x94f: {  	v20 =	vmin.f32 v20, $1.900000000e+01;
	v21 =	vmax.f32 v21, $0.0e+00;
	v17 =	vmul.f32 v17, v50  }
0x950: {  	v21 =	vmin.f32 v21, $1.900000000e+01;
	v24 =	vmul.f32 $1.899999980e+00, v47;
	v62 =	vadd.f32 v19, v25  }
0x951: {  	[tilespmem:s31+$0xE0] =	vst v12;
	v52 =	vtrunc.f32 v21;
	v16 =	vmul.f32 v16, v53;
	v17 =	vadd.f32 v17, v22  }
0x952: {  	v54 =	vtrunc.f32 v20;
	v27 =	vcvt.f32.s32 v52;
	v24 =	vadd.f32 $9.500000000e+00, v24;
	[tilespmem:s0+$0x50] =	vst v62  }
0x953: {  	v56 =	vcvt.f32.s32 v54;
	v10 =	vadd.f32 v16, v10;
	[tilespmem:s0+$0xFFFFFF50] =	vst v17;
	v17 =	vld [tilespmem:s3+$0x60]  }
0x954: {  	v58 =	vld [tilespmem:s1+$0xF0];
	v24 =	vmax.f32 v24, $0.0e+00  }
0x955: {  	v57 =	vmin.f32 v24, $1.900000000e+01;
	v63 =	vld [tilespmem:s3+$0xFFFFFF60];
	[tilespmem:s0+$0xFFFFFFD0] =	vst v10  }
0x956: {  	v24 =	vtrunc.f32 v57;
	v29 =	vld [tilespmem:s3+$0xFFFFFFE0]  }
0x957: {  	v59 =	vld.idx.msk [tilespmem:v26+s20+$0x0], $0xffff;
	v24 =	vcvt.f32.s32 v24  }
0x958: {  	v60 =	vld.idx.msk [tilespmem:v27+s20+$0x0], $0xffff;
	v17 =	vmul.f32 $1.899999980e+00, v17  }
0x959: {  	v61 =	vld.idx.msk [tilespmem:v56+s20+$0x0], $0xffff  }
0x95a: {  	v8 =	vadd.f32 v8, v14;
	v10 =	vmul.f32 $1.899999980e+00, v63;
	v39 =	vadd.f32 $9.500000000e+00, v17  }
0x95b: {  	v9 =	vadd.f32 v9, v13;
	v31 =	vmul.f32 $1.899999980e+00, v58;
	v36 =	vld.idx.msk [tilespmem:v27+s19+$0x0], $0xffff;
	v34 =	vmul.f32 $1.899999980e+00, v29  }
0x95c: {  	v33 =	vmul.f32 v18, v59;
	v38 =	vld.idx.msk [tilespmem:v56+s19+$0x0], $0xffff;
	v10 =	vadd.f32 $9.500000000e+00, v10;
	v15 =	vmax.f32 v39, $0.0e+00  }
0x95d: {  	v35 =	vmul.f32 v21, v60;
	v30 =	vld.idx.msk [tilespmem:v24+s20+$0x0], $0xffff;
	v18 =	vadd.f32 $9.500000000e+00, v34;
	v15 =	vmin.f32 v15, $1.900000000e+01  }
0x95e: {  	v16 =	vmul.f32 v20, v61;
	v10 =	vmax.f32 v10, $0.0e+00;
	v47 =	vtrunc.f32 v15  }
0x95f: {  	[tilespmem:s29+$0xFFFFFFE0] =	vst v8;
	v32 =	vld.idx.msk [tilespmem:v24+s19+$0x0], $0xffff;
	v10 =	vmin.f32 v10, $1.900000000e+01;
	v41 =	vmax.f32 v18, $0.0e+00;
	v49 =	vcvt.f32.s32 v47  }
0x960: {  	[tilespmem:s29+$0x60] =	vst v9;
	v40 =	vld [tilespmem:s30+$0xFFFFFFF0];
	v45 =	vadd.f32 v35, v36;
	v43 =	vtrunc.f32 v10;
	v17 =	vmin.f32 v41, $1.900000000e+01  }
0x961: {  	v42 =	vld [tilespmem:s30+$0x70];
	v13 =	vadd.f32 v16, v38;
	v21 =	vcvt.f32.s32 v43;
	v44 =	vtrunc.f32 v17  }
0x962: {  	v26 =	vld.idx.msk [tilespmem:v26+s19+$0x0], $0xffff;
	[tilespmem:s31+$0xFFFFFFE0] =	vst v45;
	v12 =	vmul.f32 v57, v30;
	v46 =	vcvt.f32.s32 v44  }
0x963: {  	v52 =	vld [tilespmem:s1+$0xFFFFFFF0];
	[tilespmem:s31+$0x60] =	vst v13  }
0x964: {  	v14 =	vadd.f32 $9.500000000e+00, v31;
	v53 =	vld [tilespmem:s1+$0x70];
	v12 =	vadd.f32 v12, v32  }
0x965: {  	v9 =	vmul.f32 $1.899999980e+00, v40;
	v57 =	vld.idx.msk [tilespmem:v49+s20+$0x0], $0xffff  }
0x966: {  	v11 =	vmul.f32 $1.899999980e+00, v11;
	v14 =	vmax.f32 v14, $0.0e+00;
	[tilespmem:s0+$0xE0] =	vst v12;
	v12 =	vld.idx.msk [tilespmem:v49+s19+$0x0], $0xffff  }
0x967: {  	v14 =	vmin.f32 v14, $1.900000000e+01;
	v9 =	vadd.f32 $9.500000000e+00, v9;
	v55 =	vld.idx.msk [tilespmem:v21+s20+$0x0], $0xffff  }
0x968: {  	v11 =	vadd.f32 $9.500000000e+00, v11;
	v51 =	vmul.f32 $1.899999980e+00, v42;
	v54 =	vtrunc.f32 v14;
	v56 =	vld.idx.msk [tilespmem:v46+s20+$0x0], $0xffff  }
0x969: {  	v37 =	vadd.f32 v33, v26;
	v9 =	vmax.f32 v9, $0.0e+00;
	v20 =	vcvt.f32.s32 v54;
	v21 =	vld.idx.msk [tilespmem:v21+s19+$0x0], $0xffff  }
0x96a: {  	v11 =	vmax.f32 v11, $0.0e+00;
	v9 =	vmin.f32 v9, $1.900000000e+01;
	v16 =	vadd.f32 $9.500000000e+00, v51;
	v19 =	vld.idx.msk [tilespmem:v46+s19+$0x0], $0xffff  }
0x96b: {  	v11 =	vmin.f32 v11, $1.900000000e+01;
	[tilespmem:s31+$0xFFFFFF60] =	vst v37;
	v59 =	vtrunc.f32 v9;
	v15 =	vmul.f32 v15, v57  }
0x96c: {  	v48 =	vld [tilespmem:s1+$0xFFFFFF70];
	v27 =	vcvt.f32.s32 v59;
	v16 =	vmax.f32 v16, $0.0e+00;
	v10 =	vmul.f32 v10, v55  }
0x96d: {  	v18 =	vmul.f32 $1.899999980e+00, v53;
	v50 =	vld [tilespmem:s3+$0xF0];
	v38 =	vadd.f32 v15, v12;
	v17 =	vmul.f32 v17, v56  }
0x96e: {  	v6 =	vld.idx.msk [tilespmem:v6+s19+$0x0], $0xffff;
	v16 =	vmin.f32 v16, $1.900000000e+01;
	v13 =	vmul.f32 $1.899999980e+00, v52;
	v10 =	vadd.f32 v10, v21  }
0x96f: {  	v60 =	vtrunc.f32 v16;
	v63 =	vld.idx.msk [tilespmem:v20+s20+$0x0], $0xffff;
	v18 =	vadd.f32 $9.500000000e+00, v18;
	[tilespmem:s0+$0x60] =	vst v38;
	v17 =	vadd.f32 v17, v19  }
0x970: {  	v58 =	vtrunc.f32 v11;
	v61 =	vcvt.f32.s32 v60;
	v13 =	vadd.f32 $9.500000000e+00, v13;
	[tilespmem:s0+$0xFFFFFF60] =	vst v10;
	v43 =	vld [tilespmem:s3+$0x70]  }
0x971: {  	v26 =	vcvt.f32.s32 v58;
	v62 =	vmul.f32 $1.899999980e+00, v48;
	v18 =	vmax.f32 v18, $0.0e+00;
	v40 =	vld [tilespmem:s3+$0xFFFFFF70];
	[tilespmem:s0+$0xFFFFFFE0] =	vst v17  }
0x972: {  	v13 =	vmax.f32 v13, $0.0e+00;
	v18 =	vmin.f32 v18, $1.900000000e+01;
	v8 =	vmul.f32 $1.899999980e+00, v50;
	v42 =	vld [tilespmem:s3+$0xFFFFFFF0]  }
0x973: {  	v20 =	vld.idx.msk [tilespmem:v20+s19+$0x0], $0xffff;
	v39 =	vadd.f32 $9.500000000e+00, v62;
	v13 =	vmin.f32 v13, $1.900000000e+01;
	v48 =	vtrunc.f32 v18  }
0x974: {  	v47 =	vld.idx.msk [tilespmem:v27+s20+$0x0], $0xffff;
	v29 =	vcvt.f32.s32 v48;
	v46 =	vtrunc.f32 v13;
	v8 =	vadd.f32 $9.500000000e+00, v8  }
0x975: {  	v27 =	vld.idx.msk [tilespmem:v27+s19+$0x0], $0xffff;
	v25 =	vcvt.f32.s32 v46;
	v12 =	vmax.f32 v39, $0.0e+00;
	v21 =	vmul.f32 $1.899999980e+00, v43  }
0x976: {  	v23 =	vld.idx.msk [tilespmem:v61+s19+$0x0], $0xffff;
	v8 =	vmax.f32 v8, $0.0e+00;
	v12 =	vmin.f32 v12, $1.900000000e+01;
	v15 =	vmul.f32 $1.899999980e+00, v40  }
0x977: {  	v44 =	vld.idx.msk [tilespmem:v26+s20+$0x0], $0xffff;
	v45 =	vtrunc.f32 v12;
	v21 =	vadd.f32 $9.500000000e+00, v21;
	v10 =	vmul.f32 $1.899999980e+00, v42  }
0x978: {  	v26 =	vld.idx.msk [tilespmem:v26+s19+$0x0], $0xffff;
	v8 =	vmin.f32 v8, $1.900000000e+01;
	v24 =	vcvt.f32.s32 v45;
	v15 =	vadd.f32 $9.500000000e+00, v15  }
0x979: {  	v49 =	vld.idx.msk [tilespmem:v61+s20+$0x0], $0xffff;
	v41 =	vtrunc.f32 v8;
	v21 =	vmax.f32 v21, $0.0e+00;
	v10 =	vadd.f32 $9.500000000e+00, v10  }
0x97a: {  	v37 =	vld.idx.msk [tilespmem:v29+s20+$0x0], $0xffff;
	v17 =	vcvt.f32.s32 v41;
	v15 =	vmax.f32 v15, $0.0e+00;
	v21 =	vmin.f32 v21, $1.900000000e+01  }
0x97b: {  	v53 =	vld.idx.msk [tilespmem:v29+s19+$0x0], $0xffff;
	v15 =	vmin.f32 v15, $1.900000000e+01;
	v36 =	vtrunc.f32 v21;
	v10 =	vmax.f32 v10, $0.0e+00  }
0x97c: {  	v35 =	vld.idx.msk [tilespmem:v25+s20+$0x0], $0xffff;
	v51 =	vtrunc.f32 v15;
	v36 =	vcvt.f32.s32 v36;
	v10 =	vmin.f32 v10, $1.900000000e+01  }
0x97d: {  	v52 =	vld.idx.msk [tilespmem:v25+s19+$0x0], $0xffff;
	v32 =	vcvt.f32.s32 v51;
	v34 =	vtrunc.f32 v10  }
0x97e: {  	v6 =	vadd.f32 v7, v6;
	v33 =	vld.idx.msk [tilespmem:v24+s20+$0x0], $0xffff;
	v34 =	vcvt.f32.s32 v34  }
0x97f: {  	v24 =	vld.idx.msk [tilespmem:v24+s19+$0x0], $0xffff  }
0x980: {  	[tilespmem:s28+$0x70] =	vst v6;
	v6 =	vmul.f32 v16, v49;
	v50 =	vld.idx.msk [tilespmem:v17+s20+$0x0], $0xffff  }
0x981: {  	v7 =	vmul.f32 v11, v44;
	v17 =	vld.idx.msk [tilespmem:v17+s19+$0x0], $0xffff  }
0x982: {  	v14 =	vmul.f32 v14, v63;
	v6 =	vadd.f32 v6, v23;
	v56 =	vld.idx.msk [tilespmem:v36+s20+$0x0], $0xffff  }
0x983: {  	v9 =	vmul.f32 v9, v47;
	v7 =	vadd.f32 v7, v26;
	v54 =	vld.idx.msk [tilespmem:v32+s20+$0x0], $0xffff  }
0x984: {  	v14 =	vadd.f32 v14, v20;
	[tilespmem:s29+$0x70] =	vst v6;
	v6 =	vmul.f32 v18, v37;
	v55 =	vld.idx.msk [tilespmem:v34+s20+$0x0], $0xffff  }
0x985: {  	v9 =	vadd.f32 v9, v27;
	[tilespmem:s29+$0xFFFFFF70] =	vst v7;
	v7 =	vmul.f32 v12, v33;
	v57 =	vld.idx.msk [tilespmem:v32+s19+$0x0], $0xffff  }
0x986: {  	[tilespmem:s31+$0xF0] =	vst v14;
	v6 =	vadd.f32 v6, v53;
	v58 =	vmul.f32 v13, v35;
	v59 =	vld.idx.msk [tilespmem:v34+s19+$0x0], $0xffff  }
0x987: {  	[tilespmem:s29+$0xFFFFFFF0] =	vst v9;
	v8 =	vmul.f32 v8, v50;
	v7 =	vadd.f32 v7, v24;
	v60 =	vld.idx.msk [tilespmem:v36+s19+$0x0], $0xffff  }
0x988: {  	[tilespmem:s31+$0x70] =	vst v6;
	v61 =	vadd.f32 v58, v52;
	v62 =	vmul.f32 v15, v54  }
0x989: {  	v8 =	vadd.f32 v8, v17;
	[tilespmem:s31+$0xFFFFFF70] =	vst v7;
	v7 =	vmul.f32 v10, v55  }
0x98a: {  	[tilespmem:s31+$0xFFFFFFF0] =	vst v61;
	v63 =	vmul.f32 v21, v56;
	v9 =	vadd.f32 v62, v57  }
0x98b: {  	[tilespmem:s0+$0xF0] =	vst v8;
	v6 =	vadd.f32 v7, v59  }
0x98c: {  	[tilespmem:s0+$0xFFFFFF70] =	vst v9;
	v7 =	vadd.f32 v63, v60  }
0x98d: {  	[tilespmem:s0+$0xFFFFFFF0] =	vst v6  }
0x98e: {  	s26 =	sadd.s32 $0x1, s26;
	s31 =	simm.s32 $0x12C00;
	[tilespmem:s0+$0x70] =	vst v7  }
0x98f: {  	[hbm4b:s11+s13] =	stream.strided.scatter [tilespmem:s31], [sflag:$0x4], $0x6400, s14, s13, $0x38;
	[tilespmem:$0x19180] =	vst v63  }
0x990: {  	p0 =	sne.s32 s26, s12;
	_ =	swait.ge [sflag:s24], $0x6400  }
.Ltmp4:
0x991: {  	[sflag:s24] =	ssyncset.done $0x0;
	(pc) =	sbr.rel @p0 .LBB2_1-.Ltmp4, $4  }
0x992: {  	[sflag:s24] =	ssyncadd.s32 $0xFFFF9C00  }
0x993: {  	_ =	swait.ge [sflag:s25], $0x6400  }
0x994: {  	[sflag:s25] =	ssyncset.done $0x0  }
0x995: {  	[sflag:s25] =	ssyncadd.s32 $0xFFFF9C00  }
0x996: {  	_ =	sfence.sel $0x180000  }
0x997: {  	[bflag:$0x0] =	sbarrier.arrive $0xFFFF  }
0x998: {  	_ =	strace $0x90000047  }
0x999: {  	s0 =	stileid.u32;
	[bflag:$0x2] =	sbarrier.arrive $0xFFFF  }
0x99a: {  	p0 =	sne.s32 s0, $0x0;
	s0 =	rddreg [dreg:$0x3]  }
0x99b: {  	s0 =	sadd.s32 @!p0 $0x100000, s0  }
0x99c: {  	[sflag:s0] =	ssyncadd.tile.s32 @!p0 $0x1;
	_ =	shalt  }
.Lfunc_end2:
_tile_overlayer_lowered:
.L_overlay_start_2:
0x99d: {  	(tag) =	ssettag $0x2  }
0x99e: {  	s0 =	rddreg [dreg:$0x0];
	s2 =	stileid.u32  }
0x99f: {  	s1 =	rddreg [dreg:$0x1];
	p0 =	sne.s32 s2, $0x0  }
0x9a0: {  	s3 =	rddreg [dreg:$0x2];
	[bflag:$0x3] =	sbarrier.arrive $0xFFFF;
	s2 =	simm.s32 @!p0 $0x1C05  }
0x9a1: {  	[timem:s3], [sflag:s2] =	dma.local @!p0 [hbm:s0], s1  }
0x9a2: {  	s0 =	simm.s32 @!p0 $0x5  }
0x9a3: {  	_ =	swait.ge @!p0 [sflag:s0], s1  }
0x9a4: {  	s1 =	ssub.s32 @!p0 $0x0, s1;
	[sflag:s0] =	ssyncset.done @!p0 $0x0  }
0x9a5: {  	[sflag:s0] =	ssyncadd.s32 @!p0 s1  }
0x9a6: {  	[bflag:$0x3] =	sbarrier.arrive $0xFFFF  }
0x9a7: {  	_ =	shalt  }

</sc_bundles>
